<compile_context>
chip_gen: v7x
topology: tpu7x:2x2x1
jax: 0.10.2.dev20260603
libtpu: 0.0.44.dev20260713+nightly
codegen_flags: <defaults>
</compile_context>

<pallas_src>
import jax
import jax.numpy as jnp
from jax import lax
from jax.experimental import pallas as pl
from jax.experimental.pallas import tpu as pltpu
from jax.experimental.pallas import tpu_sc as plsc

VOCAB = 100000
EMBED = 128
B, T = 16, 2048
ROWS = B * T
NW = 32
TW = T // NW
CB = 2
CROWS = CB * TW
NCH = B // CB
NB = 6
LOOKAHEAD = 4


def _body(idx_hbm, tok_hbm, pos_hbm, out_hbm,
          idx_v, pos_v,
          r0, r1, r2, r3, r4, r5,
          g0, g1, g2, g3, g4, g5,
          s0, s1, s2, s3, s4, s5, psem, isem):
    rows = [r0, r1, r2, r3, r4, r5]
    gsem = [g0, g1, g2, g3, g4, g5]
    ssem = [s0, s1, s2, s3, s4, s5]
    wid = lax.axis_index("s") * 2 + lax.axis_index("c")
    t0 = wid * TW

    c_pos = pltpu.async_copy(pos_hbm.at[pl.ds(t0, TW)], pos_v, psem)
    c_idx = [
        pltpu.async_copy(
            idx_hbm.at[b, pl.ds(t0, TW)],
            idx_v.at[b // CB, pl.ds((b % CB) * TW, TW)], isem)
        for b in range(B)
    ]

    g = {}
    s = {}

    def start_gather(j):
        buf = j % NB
        c_idx[CB * j].wait()
        c_idx[CB * j + 1].wait()
        g[j] = pltpu.async_copy(tok_hbm.at[idx_v.at[j]], rows[buf], gsem[buf])

    for j in range(LOOKAHEAD):
        start_gather(j)

    for j in range(NCH):
        buf = j % NB
        nj = j + LOOKAHEAD
        if nj < NCH:
            pj = nj - NB
            if pj >= 0:
                s[pj][0].wait()
                s[pj][1].wait()
            start_gather(nj)
        g[j].wait()
        if j == 0:
            c_pos.wait()

        def row_body(r, _, buf=buf):
            for c in range(EMBED // 16):
                sl = pl.ds(c * 16, 16)
                v = pos_v[r, sl]
                for k in range(CB):
                    plsc.addupdate(rows[buf].at[k * TW + r, sl], v)
            return 0

        lax.fori_loop(0, TW, row_body, 0, unroll=2)

        s[j] = tuple(
            pltpu.async_copy(
                rows[buf].at[pl.ds(k * TW, TW)],
                out_hbm.at[pl.ds((j * CB + k) * T + t0, TW)],
                ssem[buf])
            for k in range(CB))

    for j in range(NCH - NB, NCH):
        if j >= 0:
            s[j][0].wait()
            s[j][1].wait()


def kernel(idx, tok_table, pos_table):
    mesh = plsc.VectorSubcoreMesh(core_axis_name="c", subcore_axis_name="s")
    out = pl.kernel(
        _body,
        mesh=mesh,
        out_type=jax.ShapeDtypeStruct((ROWS, EMBED), jnp.float32),
        scratch_types=[
            pltpu.VMEM((NCH, CROWS), jnp.int32),
            pltpu.VMEM((TW, EMBED), jnp.float32),
        ] + [pltpu.VMEM((CROWS, EMBED), jnp.float32)] * NB
          + [pltpu.SemaphoreType.DMA] * (2 * NB + 2),
    )(idx.astype(jnp.int32), tok_table, pos_table)
    return out.reshape(B, T, EMBED)

# --- scband reference (transcript-rebuilt; emitter-appended) ---
"""Pipeline reference for scband-transformer-embedding-65721589563973 (READ-ONLY COPY).

The authoritative reference and input builder live on the scoring server;
editing this copy changes nothing except your own understanding.
"""

import jax, jax.numpy as jnp
import numpy as np

VOCAB = 100000
EMBED = 128
BLOCK = 2048
B, T = 16, 2048

def setup_inputs(seed: int = 0) -> dict:
    key = jax.random.key(seed)
    k_idx, k_tok, k_pos = jax.random.split(key, 3)
    idx = jax.random.randint(k_idx, (B, T), 0, VOCAB, dtype=jnp.int64 if jax.config.jax_enable_x64 else jnp.int32)
    tok_table = jax.random.normal(k_tok, (VOCAB, EMBED), dtype=jnp.float32) * 0.02
    pos_table = jax.random.normal(k_pos, (BLOCK, EMBED), dtype=jnp.float32) * 0.02
    return {"idx": idx, "tok_table": tok_table, "pos_table": pos_table}

def reference(idx, tok_table, pos_table):
    Bc, Tc = idx.shape
    tok_emb = jnp.take(tok_table, idx, axis=0)          # [B, T, E] gather
    pos_emb = jnp.take(pos_table, jnp.arange(Tc), axis=0)  # [T, E]
    x = tok_emb + pos_emb[None, :, :]
    return x

if __name__ == "__main__":
    import jax
    _d = setup_inputs()
    print(jax.jit(kernel)(*tuple(_d.values())))

</pallas_src>

<mosaic_0001>
#map = affine_map<(d0, d1) -> (0, 0)>
module attributes {stable_mosaic.version = 14 : i64} {
  func.func @_body(%arg0: i32, %arg1: i32, %arg2: memref<16x2048xi32, #tpu.memory_space<hbm>>, %arg3: memref<100000x128xf32, #tpu.memory_space<hbm>>, %arg4: memref<2048x128xf32, #tpu.memory_space<hbm>>, %arg5: memref<32768x128xf32, #tpu.memory_space<hbm>>, %arg6: memref<8x128xi32, #tpu.memory_space<vmem>>, %arg7: memref<64x128xf32, #tpu.memory_space<vmem>>, %arg8: memref<128x128xf32, #tpu.memory_space<vmem>>, %arg9: memref<128x128xf32, #tpu.memory_space<vmem>>, %arg10: memref<128x128xf32, #tpu.memory_space<vmem>>, %arg11: memref<128x128xf32, #tpu.memory_space<vmem>>, %arg12: memref<128x128xf32, #tpu.memory_space<vmem>>, %arg13: memref<128x128xf32, #tpu.memory_space<vmem>>, %arg14: memref<!tpu.dma_semaphore, #tpu.memory_space<semaphore_mem>>, %arg15: memref<!tpu.dma_semaphore, #tpu.memory_space<semaphore_mem>>, %arg16: memref<!tpu.dma_semaphore, #tpu.memory_space<semaphore_mem>>, %arg17: memref<!tpu.dma_semaphore, #tpu.memory_space<semaphore_mem>>, %arg18: memref<!tpu.dma_semaphore, #tpu.memory_space<semaphore_mem>>, %arg19: memref<!tpu.dma_semaphore, #tpu.memory_space<semaphore_mem>>, %arg20: memref<!tpu.dma_semaphore, #tpu.memory_space<semaphore_mem>>, %arg21: memref<!tpu.dma_semaphore, #tpu.memory_space<semaphore_mem>>, %arg22: memref<!tpu.dma_semaphore, #tpu.memory_space<semaphore_mem>>, %arg23: memref<!tpu.dma_semaphore, #tpu.memory_space<semaphore_mem>>, %arg24: memref<!tpu.dma_semaphore, #tpu.memory_space<semaphore_mem>>, %arg25: memref<!tpu.dma_semaphore, #tpu.memory_space<semaphore_mem>>, %arg26: memref<!tpu.dma_semaphore, #tpu.memory_space<semaphore_mem>>, %arg27: memref<!tpu.dma_semaphore, #tpu.memory_space<semaphore_mem>>) attributes {dimension_semantics = [#tpu.dimension_semantics<core_parallel>, #tpu.dimension_semantics<subcore_parallel>], iteration_bounds = array<i64: 2, 16>, scalar_prefetch = 0 : i64, scratch_operands = 22 : i64, tpu.core_type = #tpu.core_type<sc_vector_subcore>, window_params = [{transform_indices = #map}, {transform_indices = #map}, {transform_indices = #map}, {transform_indices = #map}]} {
    %mul3A = arith.constant 2 : i32
    %mul3A_0 = arith.muli %arg1, %mul3A : i32
    %add3A = arith.addi %mul3A_0, %arg0 : i32
    %mul3A_1 = arith.constant 64 : i32
    %mul3A_2 = arith.muli %add3A, %mul3A_1 : i32
    %dma_start3A = arith.constant 0 : i32
    %dma_start3A_3 = tpu.memref_slice %arg4[%mul3A_2, %dma_start3A] : memref<2048x128xf32, #tpu.memory_space<hbm>> -> memref<64x128xf32, #tpu.memory_space<hbm>>
    %dma_start3A_4 = arith.constant 0 : i32
    %dma_start3A_5 = tpu.memref_slice %arg4[%mul3A_2, %dma_start3A_4] : memref<2048x128xf32, #tpu.memory_space<hbm>> -> memref<64x128xf32, #tpu.memory_space<hbm>>
    tpu.enqueue_dma source(%dma_start3A_5 : memref<64x128xf32, #tpu.memory_space<hbm>>) target(%arg7 : memref<64x128xf32, #tpu.memory_space<vmem>>) target_semaphore(%arg26 : memref<!tpu.dma_semaphore, #tpu.memory_space<semaphore_mem>>)
    %dma_start3A_6 = arith.constant 0 : i32
    %dma_start3A_7 = arith.constant 0 : i32
    %dma_start3A_8 = arith.constant 0 : i32
    %dma_start3A_9 = tpu.memref_slice %arg6[%dma_start3A_7, %dma_start3A_8] : memref<8x128xi32, #tpu.memory_space<vmem>> -> memref<1x64xi32, #tpu.memory_space<vmem>>
    %dma_start3A_10 = tpu.memref_squeeze %dma_start3A_9 : memref<1x64xi32, #tpu.memory_space<vmem>> -> memref<64xi32, #tpu.memory_space<vmem>>
    %dma_start3A_11 = tpu.memref_slice %arg2[%dma_start3A_6, %mul3A_2] : memref<16x2048xi32, #tpu.memory_space<hbm>> -> memref<1x64xi32, #tpu.memory_space<hbm>>
    %dma_start3A_12 = tpu.memref_squeeze %dma_start3A_11 : memref<1x64xi32, #tpu.memory_space<hbm>> -> memref<64xi32, #tpu.memory_space<hbm>>
    %dma_start3A_13 = arith.constant 0 : i32
    %dma_start3A_14 = tpu.memref_slice %arg6[%dma_start3A_7, %dma_start3A_13] : memref<8x128xi32, #tpu.memory_space<vmem>> -> memref<1x64xi32, #tpu.memory_space<vmem>>
    %dma_start3A_15 = tpu.memref_squeeze %dma_start3A_14 : memref<1x64xi32, #tpu.memory_space<vmem>> -> memref<64xi32, #tpu.memory_space<vmem>>
    %dma_start3A_16 = tpu.memref_slice %arg2[%dma_start3A_6, %mul3A_2] : memref<16x2048xi32, #tpu.memory_space<hbm>> -> memref<1x64xi32, #tpu.memory_space<hbm>>
    %dma_start3A_17 = tpu.memref_squeeze %dma_start3A_16 : memref<1x64xi32, #tpu.memory_space<hbm>> -> memref<64xi32, #tpu.memory_space<hbm>>
    tpu.enqueue_dma source(%dma_start3A_17 : memref<64xi32, #tpu.memory_space<hbm>>) target(%dma_start3A_15 : memref<64xi32, #tpu.memory_space<vmem>>) target_semaphore(%arg27 : memref<!tpu.dma_semaphore, #tpu.memory_space<semaphore_mem>>)
    %dma_start3A_18 = arith.constant 1 : i32
    %dma_start3A_19 = arith.constant 0 : i32
    %dma_start3A_20 = arith.constant 64 : i32
    %dma_start3A_21 = tpu.memref_slice %arg6[%dma_start3A_19, %dma_start3A_20] : memref<8x128xi32, #tpu.memory_space<vmem>> -> memref<1x64xi32, #tpu.memory_space<vmem>>
    %dma_start3A_22 = tpu.memref_squeeze %dma_start3A_21 : memref<1x64xi32, #tpu.memory_space<vmem>> -> memref<64xi32, #tpu.memory_space<vmem>>
    %dma_start3A_23 = tpu.memref_slice %arg2[%dma_start3A_18, %mul3A_2] : memref<16x2048xi32, #tpu.memory_space<hbm>> -> memref<1x64xi32, #tpu.memory_space<hbm>>
    %dma_start3A_24 = tpu.memref_squeeze %dma_start3A_23 : memref<1x64xi32, #tpu.memory_space<hbm>> -> memref<64xi32, #tpu.memory_space<hbm>>
    %dma_start3A_25 = arith.constant 64 : i32
    %dma_start3A_26 = tpu.memref_slice %arg6[%dma_start3A_19, %dma_start3A_25] : memref<8x128xi32, #tpu.memory_space<vmem>> -> memref<1x64xi32, #tpu.memory_space<vmem>>
    %dma_start3A_27 = tpu.memref_squeeze %dma_start3A_26 : memref<1x64xi32, #tpu.memory_space<vmem>> -> memref<64xi32, #tpu.memory_space<vmem>>
    %dma_start3A_28 = tpu.memref_slice %arg2[%dma_start3A_18, %mul3A_2] : memref<16x2048xi32, #tpu.memory_space<hbm>> -> memref<1x64xi32, #tpu.memory_space<hbm>>
    %dma_start3A_29 = tpu.memref_squeeze %dma_start3A_28 : memref<1x64xi32, #tpu.memory_space<hbm>> -> memref<64xi32, #tpu.memory_space<hbm>>
    tpu.enqueue_dma source(%dma_start3A_29 : memref<64xi32, #tpu.memory_space<hbm>>) target(%dma_start3A_27 : memref<64xi32, #tpu.memory_space<vmem>>) target_semaphore(%arg27 : memref<!tpu.dma_semaphore, #tpu.memory_space<semaphore_mem>>)
    %dma_start3A_30 = arith.constant 2 : i32
    %dma_start3A_31 = arith.constant 1 : i32
    %dma_start3A_32 = arith.constant 0 : i32
    %dma_start3A_33 = tpu.memref_slice %arg6[%dma_start3A_31, %dma_start3A_32] : memref<8x128xi32, #tpu.memory_space<vmem>> -> memref<1x64xi32, #tpu.memory_space<vmem>>
    %dma_start3A_34 = tpu.memref_squeeze %dma_start3A_33 : memref<1x64xi32, #tpu.memory_space<vmem>> -> memref<64xi32, #tpu.memory_space<vmem>>
    %dma_start3A_35 = tpu.memref_slice %arg2[%dma_start3A_30, %mul3A_2] : memref<16x2048xi32, #tpu.memory_space<hbm>> -> memref<1x64xi32, #tpu.memory_space<hbm>>
    %dma_start3A_36 = tpu.memref_squeeze %dma_start3A_35 : memref<1x64xi32, #tpu.memory_space<hbm>> -> memref<64xi32, #tpu.memory_space<hbm>>
    %dma_start3A_37 = arith.constant 0 : i32
    %dma_start3A_38 = tpu.memref_slice %arg6[%dma_start3A_31, %dma_start3A_37] : memref<8x128xi32, #tpu.memory_space<vmem>> -> memref<1x64xi32, #tpu.memory_space<vmem>>
    %dma_start3A_39 = tpu.memref_squeeze %dma_start3A_38 : memref<1x64xi32, #tpu.memory_space<vmem>> -> memref<64xi32, #tpu.memory_space<vmem>>
    %dma_start3A_40 = tpu.memref_slice %arg2[%dma_start3A_30, %mul3A_2] : memref<16x2048xi32, #tpu.memory_space<hbm>> -> memref<1x64xi32, #tpu.memory_space<hbm>>
    %dma_start3A_41 = tpu.memref_squeeze %dma_start3A_40 : memref<1x64xi32, #tpu.memory_space<hbm>> -> memref<64xi32, #tpu.memory_space<hbm>>
    tpu.enqueue_dma source(%dma_start3A_41 : memref<64xi32, #tpu.memory_space<hbm>>) target(%dma_start3A_39 : memref<64xi32, #tpu.memory_space<vmem>>) target_semaphore(%arg27 : memref<!tpu.dma_semaphore, #tpu.memory_space<semaphore_mem>>)
    %dma_start3A_42 = arith.constant 3 : i32
    %dma_start3A_43 = arith.constant 1 : i32
    %dma_start3A_44 = arith.constant 64 : i32
    %dma_start3A_45 = tpu.memref_slice %arg6[%dma_start3A_43, %dma_start3A_44] : memref<8x128xi32, #tpu.memory_space<vmem>> -> memref<1x64xi32, #tpu.memory_space<vmem>>
    %dma_start3A_46 = tpu.memref_squeeze %dma_start3A_45 : memref<1x64xi32, #tpu.memory_space<vmem>> -> memref<64xi32, #tpu.memory_space<vmem>>
    %dma_start3A_47 = tpu.memref_slice %arg2[%dma_start3A_42, %mul3A_2] : memref<16x2048xi32, #tpu.memory_space<hbm>> -> memref<1x64xi32, #tpu.memory_space<hbm>>
    %dma_start3A_48 = tpu.memref_squeeze %dma_start3A_47 : memref<1x64xi32, #tpu.memory_space<hbm>> -> memref<64xi32, #tpu.memory_space<hbm>>
    %dma_start3A_49 = arith.constant 64 : i32
    %dma_start3A_50 = tpu.memref_slice %arg6[%dma_start3A_43, %dma_start3A_49] : memref<8x128xi32, #tpu.memory_space<vmem>> -> memref<1x64xi32, #tpu.memory_space<vmem>>
    %dma_start3A_51 = tpu.memref_squeeze %dma_start3A_50 : memref<1x64xi32, #tpu.memory_space<vmem>> -> memref<64xi32, #tpu.memory_space<vmem>>
    %dma_start3A_52 = tpu.memref_slice %arg2[%dma_start3A_42, %mul3A_2] : memref<16x2048xi32, #tpu.memory_space<hbm>> -> memref<1x64xi32, #tpu.memory_space<hbm>>
    %dma_start3A_53 = tpu.memref_squeeze %dma_start3A_52 : memref<1x64xi32, #tpu.memory_space<hbm>> -> memref<64xi32, #tpu.memory_space<hbm>>
    tpu.enqueue_dma source(%dma_start3A_53 : memref<64xi32, #tpu.memory_space<hbm>>) target(%dma_start3A_51 : memref<64xi32, #tpu.memory_space<vmem>>) target_semaphore(%arg27 : memref<!tpu.dma_semaphore, #tpu.memory_space<semaphore_mem>>)
    %dma_start3A_54 = arith.constant 4 : i32
    %dma_start3A_55 = arith.constant 2 : i32
    %dma_start3A_56 = arith.constant 0 : i32
    %dma_start3A_57 = tpu.memref_slice %arg6[%dma_start3A_55, %dma_start3A_56] : memref<8x128xi32, #tpu.memory_space<vmem>> -> memref<1x64xi32, #tpu.memory_space<vmem>>
    %dma_start3A_58 = tpu.memref_squeeze %dma_start3A_57 : memref<1x64xi32, #tpu.memory_space<vmem>> -> memref<64xi32, #tpu.memory_space<vmem>>
    %dma_start3A_59 = tpu.memref_slice %arg2[%dma_start3A_54, %mul3A_2] : memref<16x2048xi32, #tpu.memory_space<hbm>> -> memref<1x64xi32, #tpu.memory_space<hbm>>
    %dma_start3A_60 = tpu.memref_squeeze %dma_start3A_59 : memref<1x64xi32, #tpu.memory_space<hbm>> -> memref<64xi32, #tpu.memory_space<hbm>>
    %dma_start3A_61 = arith.constant 0 : i32
    %dma_start3A_62 = tpu.memref_slice %arg6[%dma_start3A_55, %dma_start3A_61] : memref<8x128xi32, #tpu.memory_space<vmem>> -> memref<1x64xi32, #tpu.memory_space<vmem>>
    %dma_start3A_63 = tpu.memref_squeeze %dma_start3A_62 : memref<1x64xi32, #tpu.memory_space<vmem>> -> memref<64xi32, #tpu.memory_space<vmem>>
    %dma_start3A_64 = tpu.memref_slice %arg2[%dma_start3A_54, %mul3A_2] : memref<16x2048xi32, #tpu.memory_space<hbm>> -> memref<1x64xi32, #tpu.memory_space<hbm>>
    %dma_start3A_65 = tpu.memref_squeeze %dma_start3A_64 : memref<1x64xi32, #tpu.memory_space<hbm>> -> memref<64xi32, #tpu.memory_space<hbm>>
    tpu.enqueue_dma source(%dma_start3A_65 : memref<64xi32, #tpu.memory_space<hbm>>) target(%dma_start3A_63 : memref<64xi32, #tpu.memory_space<vmem>>) target_semaphore(%arg27 : memref<!tpu.dma_semaphore, #tpu.memory_space<semaphore_mem>>)
    %dma_start3A_66 = arith.constant 5 : i32
    %dma_start3A_67 = arith.constant 2 : i32
    %dma_start3A_68 = arith.constant 64 : i32
    %dma_start3A_69 = tpu.memref_slice %arg6[%dma_start3A_67, %dma_start3A_68] : memref<8x128xi32, #tpu.memory_space<vmem>> -> memref<1x64xi32, #tpu.memory_space<vmem>>
    %dma_start3A_70 = tpu.memref_squeeze %dma_start3A_69 : memref<1x64xi32, #tpu.memory_space<vmem>> -> memref<64xi32, #tpu.memory_space<vmem>>
    %dma_start3A_71 = tpu.memref_slice %arg2[%dma_start3A_66, %mul3A_2] : memref<16x2048xi32, #tpu.memory_space<hbm>> -> memref<1x64xi32, #tpu.memory_space<hbm>>
    %dma_start3A_72 = tpu.memref_squeeze %dma_start3A_71 : memref<1x64xi32, #tpu.memory_space<hbm>> -> memref<64xi32, #tpu.memory_space<hbm>>
    %dma_start3A_73 = arith.constant 64 : i32
    %dma_start3A_74 = tpu.memref_slice %arg6[%dma_start3A_67, %dma_start3A_73] : memref<8x128xi32, #tpu.memory_space<vmem>> -> memref<1x64xi32, #tpu.memory_space<vmem>>
    %dma_start3A_75 = tpu.memref_squeeze %dma_start3A_74 : memref<1x64xi32, #tpu.memory_space<vmem>> -> memref<64xi32, #tpu.memory_space<vmem>>
    %dma_start3A_76 = tpu.memref_slice %arg2[%dma_start3A_66, %mul3A_2] : memref<16x2048xi32, #tpu.memory_space<hbm>> -> memref<1x64xi32, #tpu.memory_space<hbm>>
    %dma_start3A_77 = tpu.memref_squeeze %dma_start3A_76 : memref<1x64xi32, #tpu.memory_space<hbm>> -> memref<64xi32, #tpu.memory_space<hbm>>
    tpu.enqueue_dma source(%dma_start3A_77 : memref<64xi32, #tpu.memory_space<hbm>>) target(%dma_start3A_75 : memref<64xi32, #tpu.memory_space<vmem>>) target_semaphore(%arg27 : memref<!tpu.dma_semaphore, #tpu.memory_space<semaphore_mem>>)
    %dma_start3A_78 = arith.constant 6 : i32
    %dma_start3A_79 = arith.constant 3 : i32
    %dma_start3A_80 = arith.constant 0 : i32
    %dma_start3A_81 = tpu.memref_slice %arg6[%dma_start3A_79, %dma_start3A_80] : memref<8x128xi32, #tpu.memory_space<vmem>> -> memref<1x64xi32, #tpu.memory_space<vmem>>
    %dma_start3A_82 = tpu.memref_squeeze %dma_start3A_81 : memref<1x64xi32, #tpu.memory_space<vmem>> -> memref<64xi32, #tpu.memory_space<vmem>>
    %dma_start3A_83 = tpu.memref_slice %arg2[%dma_start3A_78, %mul3A_2] : memref<16x2048xi32, #tpu.memory_space<hbm>> -> memref<1x64xi32, #tpu.memory_space<hbm>>
    %dma_start3A_84 = tpu.memref_squeeze %dma_start3A_83 : memref<1x64xi32, #tpu.memory_space<hbm>> -> memref<64xi32, #tpu.memory_space<hbm>>
    %dma_start3A_85 = arith.constant 0 : i32
    %dma_start3A_86 = tpu.memref_slice %arg6[%dma_start3A_79, %dma_start3A_85] : memref<8x128xi32, #tpu.memory_space<vmem>> -> memref<1x64xi32, #tpu.memory_space<vmem>>
    %dma_start3A_87 = tpu.memref_squeeze %dma_start3A_86 : memref<1x64xi32, #tpu.memory_space<vmem>> -> memref<64xi32, #tpu.memory_space<vmem>>
    %dma_start3A_88 = tpu.memref_slice %arg2[%dma_start3A_78, %mul3A_2] : memref<16x2048xi32, #tpu.memory_space<hbm>> -> memref<1x64xi32, #tpu.memory_space<hbm>>
    %dma_start3A_89 = tpu.memref_squeeze %dma_start3A_88 : memref<1x64xi32, #tpu.memory_space<hbm>> -> memref<64xi32, #tpu.memory_space<hbm>>
    tpu.enqueue_dma source(%dma_start3A_89 : memref<64xi32, #tpu.memory_space<hbm>>) target(%dma_start3A_87 : memref<64xi32, #tpu.memory_space<vmem>>) target_semaphore(%arg27 : memref<!tpu.dma_semaphore, #tpu.memory_space<semaphore_mem>>)
    %dma_start3A_90 = arith.constant 7 : i32
    %dma_start3A_91 = arith.constant 3 : i32
    %dma_start3A_92 = arith.constant 64 : i32
    %dma_start3A_93 = tpu.memref_slice %arg6[%dma_start3A_91, %dma_start3A_92] : memref<8x128xi32, #tpu.memory_space<vmem>> -> memref<1x64xi32, #tpu.memory_space<vmem>>
    %dma_start3A_94 = tpu.memref_squeeze %dma_start3A_93 : memref<1x64xi32, #tpu.memory_space<vmem>> -> memref<64xi32, #tpu.memory_space<vmem>>
    %dma_start3A_95 = tpu.memref_slice %arg2[%dma_start3A_90, %mul3A_2] : memref<16x2048xi32, #tpu.memory_space<hbm>> -> memref<1x64xi32, #tpu.memory_space<hbm>>
    %dma_start3A_96 = tpu.memref_squeeze %dma_start3A_95 : memref<1x64xi32, #tpu.memory_space<hbm>> -> memref<64xi32, #tpu.memory_space<hbm>>
    %dma_start3A_97 = arith.constant 64 : i32
    %dma_start3A_98 = tpu.memref_slice %arg6[%dma_start3A_91, %dma_start3A_97] : memref<8x128xi32, #tpu.memory_space<vmem>> -> memref<1x64xi32, #tpu.memory_space<vmem>>
    %dma_start3A_99 = tpu.memref_squeeze %dma_start3A_98 : memref<1x64xi32, #tpu.memory_space<vmem>> -> memref<64xi32, #tpu.memory_space<vmem>>
    %dma_start3A_100 = tpu.memref_slice %arg2[%dma_start3A_90, %mul3A_2] : memref<16x2048xi32, #tpu.memory_space<hbm>> -> memref<1x64xi32, #tpu.memory_space<hbm>>
    %dma_start3A_101 = tpu.memref_squeeze %dma_start3A_100 : memref<1x64xi32, #tpu.memory_space<hbm>> -> memref<64xi32, #tpu.memory_space<hbm>>
    tpu.enqueue_dma source(%dma_start3A_101 : memref<64xi32, #tpu.memory_space<hbm>>) target(%dma_start3A_99 : memref<64xi32, #tpu.memory_space<vmem>>) target_semaphore(%arg27 : memref<!tpu.dma_semaphore, #tpu.memory_space<semaphore_mem>>)
    %dma_start3A_102 = arith.constant 8 : i32
    %dma_start3A_103 = arith.constant 4 : i32
    %dma_start3A_104 = arith.constant 0 : i32
    %dma_start3A_105 = tpu.memref_slice %arg6[%dma_start3A_103, %dma_start3A_104] : memref<8x128xi32, #tpu.memory_space<vmem>> -> memref<1x64xi32, #tpu.memory_space<vmem>>
    %dma_start3A_106 = tpu.memref_squeeze %dma_start3A_105 : memref<1x64xi32, #tpu.memory_space<vmem>> -> memref<64xi32, #tpu.memory_space<vmem>>
    %dma_start3A_107 = tpu.memref_slice %arg2[%dma_start3A_102, %mul3A_2] : memref<16x2048xi32, #tpu.memory_space<hbm>> -> memref<1x64xi32, #tpu.memory_space<hbm>>
    %dma_start3A_108 = tpu.memref_squeeze %dma_start3A_107 : memref<1x64xi32, #tpu.memory_space<hbm>> -> memref<64xi32, #tpu.memory_space<hbm>>
    %dma_start3A_109 = arith.constant 0 : i32
    %dma_start3A_110 = tpu.memref_slice %arg6[%dma_start3A_103, %dma_start3A_109] : memref<8x128xi32, #tpu.memory_space<vmem>> -> memref<1x64xi32, #tpu.memory_space<vmem>>
    %dma_start3A_111 = tpu.memref_squeeze %dma_start3A_110 : memref<1x64xi32, #tpu.memory_space<vmem>> -> memref<64xi32, #tpu.memory_space<vmem>>
    %dma_start3A_112 = tpu.memref_slice %arg2[%dma_start3A_102, %mul3A_2] : memref<16x2048xi32, #tpu.memory_space<hbm>> -> memref<1x64xi32, #tpu.memory_space<hbm>>
    %dma_start3A_113 = tpu.memref_squeeze %dma_start3A_112 : memref<1x64xi32, #tpu.memory_space<hbm>> -> memref<64xi32, #tpu.memory_space<hbm>>
    tpu.enqueue_dma source(%dma_start3A_113 : memref<64xi32, #tpu.memory_space<hbm>>) target(%dma_start3A_111 : memref<64xi32, #tpu.memory_space<vmem>>) target_semaphore(%arg27 : memref<!tpu.dma_semaphore, #tpu.memory_space<semaphore_mem>>)
    %dma_start3A_114 = arith.constant 9 : i32
    %dma_start3A_115 = arith.constant 4 : i32
    %dma_start3A_116 = arith.constant 64 : i32
    %dma_start3A_117 = tpu.memref_slice %arg6[%dma_start3A_115, %dma_start3A_116] : memref<8x128xi32, #tpu.memory_space<vmem>> -> memref<1x64xi32, #tpu.memory_space<vmem>>
    %dma_start3A_118 = tpu.memref_squeeze %dma_start3A_117 : memref<1x64xi32, #tpu.memory_space<vmem>> -> memref<64xi32, #tpu.memory_space<vmem>>
    %dma_start3A_119 = tpu.memref_slice %arg2[%dma_start3A_114, %mul3A_2] : memref<16x2048xi32, #tpu.memory_space<hbm>> -> memref<1x64xi32, #tpu.memory_space<hbm>>
    %dma_start3A_120 = tpu.memref_squeeze %dma_start3A_119 : memref<1x64xi32, #tpu.memory_space<hbm>> -> memref<64xi32, #tpu.memory_space<hbm>>
    %dma_start3A_121 = arith.constant 64 : i32
    %dma_start3A_122 = tpu.memref_slice %arg6[%dma_start3A_115, %dma_start3A_121] : memref<8x128xi32, #tpu.memory_space<vmem>> -> memref<1x64xi32, #tpu.memory_space<vmem>>
    %dma_start3A_123 = tpu.memref_squeeze %dma_start3A_122 : memref<1x64xi32, #tpu.memory_space<vmem>> -> memref<64xi32, #tpu.memory_space<vmem>>
    %dma_start3A_124 = tpu.memref_slice %arg2[%dma_start3A_114, %mul3A_2] : memref<16x2048xi32, #tpu.memory_space<hbm>> -> memref<1x64xi32, #tpu.memory_space<hbm>>
    %dma_start3A_125 = tpu.memref_squeeze %dma_start3A_124 : memref<1x64xi32, #tpu.memory_space<hbm>> -> memref<64xi32, #tpu.memory_space<hbm>>
    tpu.enqueue_dma source(%dma_start3A_125 : memref<64xi32, #tpu.memory_space<hbm>>) target(%dma_start3A_123 : memref<64xi32, #tpu.memory_space<vmem>>) target_semaphore(%arg27 : memref<!tpu.dma_semaphore, #tpu.memory_space<semaphore_mem>>)
    %dma_start3A_126 = arith.constant 10 : i32
    %dma_start3A_127 = arith.constant 5 : i32
    %dma_start3A_128 = arith.constant 0 : i32
    %dma_start3A_129 = tpu.memref_slice %arg6[%dma_start3A_127, %dma_start3A_128] : memref<8x128xi32, #tpu.memory_space<vmem>> -> memref<1x64xi32, #tpu.memory_space<vmem>>
    %dma_start3A_130 = tpu.memref_squeeze %dma_start3A_129 : memref<1x64xi32, #tpu.memory_space<vmem>> -> memref<64xi32, #tpu.memory_space<vmem>>
    %dma_start3A_131 = tpu.memref_slice %arg2[%dma_start3A_126, %mul3A_2] : memref<16x2048xi32, #tpu.memory_space<hbm>> -> memref<1x64xi32, #tpu.memory_space<hbm>>
    %dma_start3A_132 = tpu.memref_squeeze %dma_start3A_131 : memref<1x64xi32, #tpu.memory_space<hbm>> -> memref<64xi32, #tpu.memory_space<hbm>>
    %dma_start3A_133 = arith.constant 0 : i32
    %dma_start3A_134 = tpu.memref_slice %arg6[%dma_start3A_127, %dma_start3A_133] : memref<8x128xi32, #tpu.memory_space<vmem>> -> memref<1x64xi32, #tpu.memory_space<vmem>>
    %dma_start3A_135 = tpu.memref_squeeze %dma_start3A_134 : memref<1x64xi32, #tpu.memory_space<vmem>> -> memref<64xi32, #tpu.memory_space<vmem>>
    %dma_start3A_136 = tpu.memref_slice %arg2[%dma_start3A_126, %mul3A_2] : memref<16x2048xi32, #tpu.memory_space<hbm>> -> memref<1x64xi32, #tpu.memory_space<hbm>>
    %dma_start3A_137 = tpu.memref_squeeze %dma_start3A_136 : memref<1x64xi32, #tpu.memory_space<hbm>> -> memref<64xi32, #tpu.memory_space<hbm>>
    tpu.enqueue_dma source(%dma_start3A_137 : memref<64xi32, #tpu.memory_space<hbm>>) target(%dma_start3A_135 : memref<64xi32, #tpu.memory_space<vmem>>) target_semaphore(%arg27 : memref<!tpu.dma_semaphore, #tpu.memory_space<semaphore_mem>>)
    %dma_start3A_138 = arith.constant 11 : i32
    %dma_start3A_139 = arith.constant 5 : i32
    %dma_start3A_140 = arith.constant 64 : i32
    %dma_start3A_141 = tpu.memref_slice %arg6[%dma_start3A_139, %dma_start3A_140] : memref<8x128xi32, #tpu.memory_space<vmem>> -> memref<1x64xi32, #tpu.memory_space<vmem>>
    %dma_start3A_142 = tpu.memref_squeeze %dma_start3A_141 : memref<1x64xi32, #tpu.memory_space<vmem>> -> memref<64xi32, #tpu.memory_space<vmem>>
    %dma_start3A_143 = tpu.memref_slice %arg2[%dma_start3A_138, %mul3A_2] : memref<16x2048xi32, #tpu.memory_space<hbm>> -> memref<1x64xi32, #tpu.memory_space<hbm>>
    %dma_start3A_144 = tpu.memref_squeeze %dma_start3A_143 : memref<1x64xi32, #tpu.memory_space<hbm>> -> memref<64xi32, #tpu.memory_space<hbm>>
    %dma_start3A_145 = arith.constant 64 : i32
    %dma_start3A_146 = tpu.memref_slice %arg6[%dma_start3A_139, %dma_start3A_145] : memref<8x128xi32, #tpu.memory_space<vmem>> -> memref<1x64xi32, #tpu.memory_space<vmem>>
    %dma_start3A_147 = tpu.memref_squeeze %dma_start3A_146 : memref<1x64xi32, #tpu.memory_space<vmem>> -> memref<64xi32, #tpu.memory_space<vmem>>
    %dma_start3A_148 = tpu.memref_slice %arg2[%dma_start3A_138, %mul3A_2] : memref<16x2048xi32, #tpu.memory_space<hbm>> -> memref<1x64xi32, #tpu.memory_space<hbm>>
    %dma_start3A_149 = tpu.memref_squeeze %dma_start3A_148 : memref<1x64xi32, #tpu.memory_space<hbm>> -> memref<64xi32, #tpu.memory_space<hbm>>
    tpu.enqueue_dma source(%dma_start3A_149 : memref<64xi32, #tpu.memory_space<hbm>>) target(%dma_start3A_147 : memref<64xi32, #tpu.memory_space<vmem>>) target_semaphore(%arg27 : memref<!tpu.dma_semaphore, #tpu.memory_space<semaphore_mem>>)
    %dma_start3A_150 = arith.constant 12 : i32
    %dma_start3A_151 = arith.constant 6 : i32
    %dma_start3A_152 = arith.constant 0 : i32
    %dma_start3A_153 = tpu.memref_slice %arg6[%dma_start3A_151, %dma_start3A_152] : memref<8x128xi32, #tpu.memory_space<vmem>> -> memref<1x64xi32, #tpu.memory_space<vmem>>
    %dma_start3A_154 = tpu.memref_squeeze %dma_start3A_153 : memref<1x64xi32, #tpu.memory_space<vmem>> -> memref<64xi32, #tpu.memory_space<vmem>>
    %dma_start3A_155 = tpu.memref_slice %arg2[%dma_start3A_150, %mul3A_2] : memref<16x2048xi32, #tpu.memory_space<hbm>> -> memref<1x64xi32, #tpu.memory_space<hbm>>
    %dma_start3A_156 = tpu.memref_squeeze %dma_start3A_155 : memref<1x64xi32, #tpu.memory_space<hbm>> -> memref<64xi32, #tpu.memory_space<hbm>>
    %dma_start3A_157 = arith.constant 0 : i32
    %dma_start3A_158 = tpu.memref_slice %arg6[%dma_start3A_151, %dma_start3A_157] : memref<8x128xi32, #tpu.memory_space<vmem>> -> memref<1x64xi32, #tpu.memory_space<vmem>>
    %dma_start3A_159 = tpu.memref_squeeze %dma_start3A_158 : memref<1x64xi32, #tpu.memory_space<vmem>> -> memref<64xi32, #tpu.memory_space<vmem>>
    %dma_start3A_160 = tpu.memref_slice %arg2[%dma_start3A_150, %mul3A_2] : memref<16x2048xi32, #tpu.memory_space<hbm>> -> memref<1x64xi32, #tpu.memory_space<hbm>>
    %dma_start3A_161 = tpu.memref_squeeze %dma_start3A_160 : memref<1x64xi32, #tpu.memory_space<hbm>> -> memref<64xi32, #tpu.memory_space<hbm>>
    tpu.enqueue_dma source(%dma_start3A_161 : memref<64xi32, #tpu.memory_space<hbm>>) target(%dma_start3A_159 : memref<64xi32, #tpu.memory_space<vmem>>) target_semaphore(%arg27 : memref<!tpu.dma_semaphore, #tpu.memory_space<semaphore_mem>>)
    %dma_start3A_162 = arith.constant 13 : i32
    %dma_start3A_163 = arith.constant 6 : i32
    %dma_start3A_164 = arith.constant 64 : i32
    %dma_start3A_165 = tpu.memref_slice %arg6[%dma_start3A_163, %dma_start3A_164] : memref<8x128xi32, #tpu.memory_space<vmem>> -> memref<1x64xi32, #tpu.memory_space<vmem>>
    %dma_start3A_166 = tpu.memref_squeeze %dma_start3A_165 : memref<1x64xi32, #tpu.memory_space<vmem>> -> memref<64xi32, #tpu.memory_space<vmem>>
    %dma_start3A_167 = tpu.memref_slice %arg2[%dma_start3A_162, %mul3A_2] : memref<16x2048xi32, #tpu.memory_space<hbm>> -> memref<1x64xi32, #tpu.memory_space<hbm>>
    %dma_start3A_168 = tpu.memref_squeeze %dma_start3A_167 : memref<1x64xi32, #tpu.memory_space<hbm>> -> memref<64xi32, #tpu.memory_space<hbm>>
    %dma_start3A_169 = arith.constant 64 : i32
    %dma_start3A_170 = tpu.memref_slice %arg6[%dma_start3A_163, %dma_start3A_169] : memref<8x128xi32, #tpu.memory_space<vmem>> -> memref<1x64xi32, #tpu.memory_space<vmem>>
    %dma_start3A_171 = tpu.memref_squeeze %dma_start3A_170 : memref<1x64xi32, #tpu.memory_space<vmem>> -> memref<64xi32, #tpu.memory_space<vmem>>
    %dma_start3A_172 = tpu.memref_slice %arg2[%dma_start3A_162, %mul3A_2] : memref<16x2048xi32, #tpu.memory_space<hbm>> -> memref<1x64xi32, #tpu.memory_space<hbm>>
    %dma_start3A_173 = tpu.memref_squeeze %dma_start3A_172 : memref<1x64xi32, #tpu.memory_space<hbm>> -> memref<64xi32, #tpu.memory_space<hbm>>
    tpu.enqueue_dma source(%dma_start3A_173 : memref<64xi32, #tpu.memory_space<hbm>>) target(%dma_start3A_171 : memref<64xi32, #tpu.memory_space<vmem>>) target_semaphore(%arg27 : memref<!tpu.dma_semaphore, #tpu.memory_space<semaphore_mem>>)
    %dma_start3A_174 = arith.constant 14 : i32
    %dma_start3A_175 = arith.constant 7 : i32
    %dma_start3A_176 = arith.constant 0 : i32
    %dma_start3A_177 = tpu.memref_slice %arg6[%dma_start3A_175, %dma_start3A_176] : memref<8x128xi32, #tpu.memory_space<vmem>> -> memref<1x64xi32, #tpu.memory_space<vmem>>
    %dma_start3A_178 = tpu.memref_squeeze %dma_start3A_177 : memref<1x64xi32, #tpu.memory_space<vmem>> -> memref<64xi32, #tpu.memory_space<vmem>>
    %dma_start3A_179 = tpu.memref_slice %arg2[%dma_start3A_174, %mul3A_2] : memref<16x2048xi32, #tpu.memory_space<hbm>> -> memref<1x64xi32, #tpu.memory_space<hbm>>
    %dma_start3A_180 = tpu.memref_squeeze %dma_start3A_179 : memref<1x64xi32, #tpu.memory_space<hbm>> -> memref<64xi32, #tpu.memory_space<hbm>>
    %dma_start3A_181 = arith.constant 0 : i32
    %dma_start3A_182 = tpu.memref_slice %arg6[%dma_start3A_175, %dma_start3A_181] : memref<8x128xi32, #tpu.memory_space<vmem>> -> memref<1x64xi32, #tpu.memory_space<vmem>>
    %dma_start3A_183 = tpu.memref_squeeze %dma_start3A_182 : memref<1x64xi32, #tpu.memory_space<vmem>> -> memref<64xi32, #tpu.memory_space<vmem>>
    %dma_start3A_184 = tpu.memref_slice %arg2[%dma_start3A_174, %mul3A_2] : memref<16x2048xi32, #tpu.memory_space<hbm>> -> memref<1x64xi32, #tpu.memory_space<hbm>>
    %dma_start3A_185 = tpu.memref_squeeze %dma_start3A_184 : memref<1x64xi32, #tpu.memory_space<hbm>> -> memref<64xi32, #tpu.memory_space<hbm>>
    tpu.enqueue_dma source(%dma_start3A_185 : memref<64xi32, #tpu.memory_space<hbm>>) target(%dma_start3A_183 : memref<64xi32, #tpu.memory_space<vmem>>) target_semaphore(%arg27 : memref<!tpu.dma_semaphore, #tpu.memory_space<semaphore_mem>>)
    %dma_start3A_186 = arith.constant 15 : i32
    %dma_start3A_187 = arith.constant 7 : i32
    %dma_start3A_188 = arith.constant 64 : i32
    %dma_start3A_189 = tpu.memref_slice %arg6[%dma_start3A_187, %dma_start3A_188] : memref<8x128xi32, #tpu.memory_space<vmem>> -> memref<1x64xi32, #tpu.memory_space<vmem>>
    %dma_start3A_190 = tpu.memref_squeeze %dma_start3A_189 : memref<1x64xi32, #tpu.memory_space<vmem>> -> memref<64xi32, #tpu.memory_space<vmem>>
    %dma_start3A_191 = tpu.memref_slice %arg2[%dma_start3A_186, %mul3A_2] : memref<16x2048xi32, #tpu.memory_space<hbm>> -> memref<1x64xi32, #tpu.memory_space<hbm>>
    %dma_start3A_192 = tpu.memref_squeeze %dma_start3A_191 : memref<1x64xi32, #tpu.memory_space<hbm>> -> memref<64xi32, #tpu.memory_space<hbm>>
    %dma_start3A_193 = arith.constant 64 : i32
    %dma_start3A_194 = tpu.memref_slice %arg6[%dma_start3A_187, %dma_start3A_193] : memref<8x128xi32, #tpu.memory_space<vmem>> -> memref<1x64xi32, #tpu.memory_space<vmem>>
    %dma_start3A_195 = tpu.memref_squeeze %dma_start3A_194 : memref<1x64xi32, #tpu.memory_space<vmem>> -> memref<64xi32, #tpu.memory_space<vmem>>
    %dma_start3A_196 = tpu.memref_slice %arg2[%dma_start3A_186, %mul3A_2] : memref<16x2048xi32, #tpu.memory_space<hbm>> -> memref<1x64xi32, #tpu.memory_space<hbm>>
    %dma_start3A_197 = tpu.memref_squeeze %dma_start3A_196 : memref<1x64xi32, #tpu.memory_space<hbm>> -> memref<64xi32, #tpu.memory_space<hbm>>
    tpu.enqueue_dma source(%dma_start3A_197 : memref<64xi32, #tpu.memory_space<hbm>>) target(%dma_start3A_195 : memref<64xi32, #tpu.memory_space<vmem>>) target_semaphore(%arg27 : memref<!tpu.dma_semaphore, #tpu.memory_space<semaphore_mem>>)
    %dma_wait3A = arith.constant 0 : i32
    %dma_wait3A_198 = arith.constant 0 : i32
    %dma_wait3A_199 = arith.constant 0 : i32
    %dma_wait3A_200 = tpu.memref_slice %arg6[%dma_wait3A_198, %dma_wait3A_199] : memref<8x128xi32, #tpu.memory_space<vmem>> -> memref<1x64xi32, #tpu.memory_space<vmem>>
    %dma_wait3A_201 = tpu.memref_squeeze %dma_wait3A_200 : memref<1x64xi32, #tpu.memory_space<vmem>> -> memref<64xi32, #tpu.memory_space<vmem>>
    %dma_wait3A_202 = tpu.memref_slice %arg2[%dma_wait3A, %mul3A_2] : memref<16x2048xi32, #tpu.memory_space<hbm>> -> memref<1x64xi32, #tpu.memory_space<hbm>>
    %dma_wait3A_203 = tpu.memref_squeeze %dma_wait3A_202 : memref<1x64xi32, #tpu.memory_space<hbm>> -> memref<64xi32, #tpu.memory_space<hbm>>
    %dma_wait3A_204 = arith.constant 0 : i32
    %dma_wait3A_205 = tpu.memref_slice %arg6[%dma_wait3A_198, %dma_wait3A_204] : memref<8x128xi32, #tpu.memory_space<vmem>> -> memref<1x64xi32, #tpu.memory_space<vmem>>
    %dma_wait3A_206 = tpu.memref_squeeze %dma_wait3A_205 : memref<1x64xi32, #tpu.memory_space<vmem>> -> memref<64xi32, #tpu.memory_space<vmem>>
    %dma_wait3A_207 = tpu.memref_slice %arg2[%dma_wait3A, %mul3A_2] : memref<16x2048xi32, #tpu.memory_space<hbm>> -> memref<1x64xi32, #tpu.memory_space<hbm>>
    %dma_wait3A_208 = tpu.memref_squeeze %dma_wait3A_207 : memref<1x64xi32, #tpu.memory_space<hbm>> -> memref<64xi32, #tpu.memory_space<hbm>>
    tpu.wait_dma2 semaphore(%arg27 : memref<!tpu.dma_semaphore, #tpu.memory_space<semaphore_mem>>) src(%dma_wait3A_208 : memref<64xi32, #tpu.memory_space<hbm>>) dst(%dma_wait3A_206 : memref<64xi32, #tpu.memory_space<vmem>>)
    %dma_wait3A_209 = arith.constant 1 : i32
    %dma_wait3A_210 = arith.constant 0 : i32
    %dma_wait3A_211 = arith.constant 64 : i32
    %dma_wait3A_212 = tpu.memref_slice %arg6[%dma_wait3A_210, %dma_wait3A_211] : memref<8x128xi32, #tpu.memory_space<vmem>> -> memref<1x64xi32, #tpu.memory_space<vmem>>
    %dma_wait3A_213 = tpu.memref_squeeze %dma_wait3A_212 : memref<1x64xi32, #tpu.memory_space<vmem>> -> memref<64xi32, #tpu.memory_space<vmem>>
    %dma_wait3A_214 = tpu.memref_slice %arg2[%dma_wait3A_209, %mul3A_2] : memref<16x2048xi32, #tpu.memory_space<hbm>> -> memref<1x64xi32, #tpu.memory_space<hbm>>
    %dma_wait3A_215 = tpu.memref_squeeze %dma_wait3A_214 : memref<1x64xi32, #tpu.memory_space<hbm>> -> memref<64xi32, #tpu.memory_space<hbm>>
    %dma_wait3A_216 = arith.constant 64 : i32
    %dma_wait3A_217 = tpu.memref_slice %arg6[%dma_wait3A_210, %dma_wait3A_216] : memref<8x128xi32, #tpu.memory_space<vmem>> -> memref<1x64xi32, #tpu.memory_space<vmem>>
    %dma_wait3A_218 = tpu.memref_squeeze %dma_wait3A_217 : memref<1x64xi32, #tpu.memory_space<vmem>> -> memref<64xi32, #tpu.memory_space<vmem>>
    %dma_wait3A_219 = tpu.memref_slice %arg2[%dma_wait3A_209, %mul3A_2] : memref<16x2048xi32, #tpu.memory_space<hbm>> -> memref<1x64xi32, #tpu.memory_space<hbm>>
    %dma_wait3A_220 = tpu.memref_squeeze %dma_wait3A_219 : memref<1x64xi32, #tpu.memory_space<hbm>> -> memref<64xi32, #tpu.memory_space<hbm>>
    tpu.wait_dma2 semaphore(%arg27 : memref<!tpu.dma_semaphore, #tpu.memory_space<semaphore_mem>>) src(%dma_wait3A_220 : memref<64xi32, #tpu.memory_space<hbm>>) dst(%dma_wait3A_218 : memref<64xi32, #tpu.memory_space<vmem>>)
    %dma_start3A_221 = arith.constant 0 : i32
    %dma_start3A_222 = arith.constant 0 : i32
    %dma_start3A_223 = tpu.memref_slice %arg6[%dma_start3A_221, %dma_start3A_222] : memref<8x128xi32, #tpu.memory_space<vmem>> -> memref<1x128xi32, #tpu.memory_space<vmem>>
    %dma_start3A_224 = tpu.memref_squeeze %dma_start3A_223 : memref<1x128xi32, #tpu.memory_space<vmem>> -> memref<128xi32, #tpu.memory_space<vmem>>
    %dma_start3A_225 = arith.constant 0 : i32
    %dma_start3A_226 = arith.constant 0 : i32
    %dma_start3A_227 = tpu.memref_slice %arg3[%dma_start3A_225, %dma_start3A_226] : memref<100000x128xf32, #tpu.memory_space<hbm>> -> memref<100000x128xf32, #tpu.memory_space<hbm>>
    tpu.enqueue_indirect_dma source(%dma_start3A_227 : memref<100000x128xf32, #tpu.memory_space<hbm>>) target(%arg8 : memref<128x128xf32, #tpu.memory_space<vmem>>) offsets(%dma_start3A_224 : memref<128xi32, #tpu.memory_space<vmem>>) semaphore(%arg14 : memref<!tpu.dma_semaphore, #tpu.memory_space<semaphore_mem>>)
    %dma_wait3A_228 = arith.constant 2 : i32
    %dma_wait3A_229 = arith.constant 1 : i32
    %dma_wait3A_230 = arith.constant 0 : i32
    %dma_wait3A_231 = tpu.memref_slice %arg6[%dma_wait3A_229, %dma_wait3A_230] : memref<8x128xi32, #tpu.memory_space<vmem>> -> memref<1x64xi32, #tpu.memory_space<vmem>>
    %dma_wait3A_232 = tpu.memref_squeeze %dma_wait3A_231 : memref<1x64xi32, #tpu.memory_space<vmem>> -> memref<64xi32, #tpu.memory_space<vmem>>
    %dma_wait3A_233 = tpu.memref_slice %arg2[%dma_wait3A_228, %mul3A_2] : memref<16x2048xi32, #tpu.memory_space<hbm>> -> memref<1x64xi32, #tpu.memory_space<hbm>>
    %dma_wait3A_234 = tpu.memref_squeeze %dma_wait3A_233 : memref<1x64xi32, #tpu.memory_space<hbm>> -> memref<64xi32, #tpu.memory_space<hbm>>
    %dma_wait3A_235 = arith.constant 0 : i32
    %dma_wait3A_236 = tpu.memref_slice %arg6[%dma_wait3A_229, %dma_wait3A_235] : memref<8x128xi32, #tpu.memory_space<vmem>> -> memref<1x64xi32, #tpu.memory_space<vmem>>
    %dma_wait3A_237 = tpu.memref_squeeze %dma_wait3A_236 : memref<1x64xi32, #tpu.memory_space<vmem>> -> memref<64xi32, #tpu.memory_space<vmem>>
    %dma_wait3A_238 = tpu.memref_slice %arg2[%dma_wait3A_228, %mul3A_2] : memref<16x2048xi32, #tpu.memory_space<hbm>> -> memref<1x64xi32, #tpu.memory_space<hbm>>
    %dma_wait3A_239 = tpu.memref_squeeze %dma_wait3A_238 : memref<1x64xi32, #tpu.memory_space<hbm>> -> memref<64xi32, #tpu.memory_space<hbm>>
    tpu.wait_dma2 semaphore(%arg27 : memref<!tpu.dma_semaphore, #tpu.memory_space<semaphore_mem>>) src(%dma_wait3A_239 : memref<64xi32, #tpu.memory_space<hbm>>) dst(%dma_wait3A_237 : memref<64xi32, #tpu.memory_space<vmem>>)
    %dma_wait3A_240 = arith.constant 3 : i32
    %dma_wait3A_241 = arith.constant 1 : i32
    %dma_wait3A_242 = arith.constant 64 : i32
    %dma_wait3A_243 = tpu.memref_slice %arg6[%dma_wait3A_241, %dma_wait3A_242] : memref<8x128xi32, #tpu.memory_space<vmem>> -> memref<1x64xi32, #tpu.memory_space<vmem>>
    %dma_wait3A_244 = tpu.memref_squeeze %dma_wait3A_243 : memref<1x64xi32, #tpu.memory_space<vmem>> -> memref<64xi32, #tpu.memory_space<vmem>>
    %dma_wait3A_245 = tpu.memref_slice %arg2[%dma_wait3A_240, %mul3A_2] : memref<16x2048xi32, #tpu.memory_space<hbm>> -> memref<1x64xi32, #tpu.memory_space<hbm>>
    %dma_wait3A_246 = tpu.memref_squeeze %dma_wait3A_245 : memref<1x64xi32, #tpu.memory_space<hbm>> -> memref<64xi32, #tpu.memory_space<hbm>>
    %dma_wait3A_247 = arith.constant 64 : i32
    %dma_wait3A_248 = tpu.memref_slice %arg6[%dma_wait3A_241, %dma_wait3A_247] : memref<8x128xi32, #tpu.memory_space<vmem>> -> memref<1x64xi32, #tpu.memory_space<vmem>>
    %dma_wait3A_249 = tpu.memref_squeeze %dma_wait3A_248 : memref<1x64xi32, #tpu.memory_space<vmem>> -> memref<64xi32, #tpu.memory_space<vmem>>
    %dma_wait3A_250 = tpu.memref_slice %arg2[%dma_wait3A_240, %mul3A_2] : memref<16x2048xi32, #tpu.memory_space<hbm>> -> memref<1x64xi32, #tpu.memory_space<hbm>>
    %dma_wait3A_251 = tpu.memref_squeeze %dma_wait3A_250 : memref<1x64xi32, #tpu.memory_space<hbm>> -> memref<64xi32, #tpu.memory_space<hbm>>
    tpu.wait_dma2 semaphore(%arg27 : memref<!tpu.dma_semaphore, #tpu.memory_space<semaphore_mem>>) src(%dma_wait3A_251 : memref<64xi32, #tpu.memory_space<hbm>>) dst(%dma_wait3A_249 : memref<64xi32, #tpu.memory_space<vmem>>)
    %dma_start3A_252 = arith.constant 1 : i32
    %dma_start3A_253 = arith.constant 0 : i32
    %dma_start3A_254 = tpu.memref_slice %arg6[%dma_start3A_252, %dma_start3A_253] : memref<8x128xi32, #tpu.memory_space<vmem>> -> memref<1x128xi32, #tpu.memory_space<vmem>>
    %dma_start3A_255 = tpu.memref_squeeze %dma_start3A_254 : memref<1x128xi32, #tpu.memory_space<vmem>> -> memref<128xi32, #tpu.memory_space<vmem>>
    %dma_start3A_256 = arith.constant 0 : i32
    %dma_start3A_257 = arith.constant 0 : i32
    %dma_start3A_258 = tpu.memref_slice %arg3[%dma_start3A_256, %dma_start3A_257] : memref<100000x128xf32, #tpu.memory_space<hbm>> -> memref<100000x128xf32, #tpu.memory_space<hbm>>
    tpu.enqueue_indirect_dma source(%dma_start3A_258 : memref<100000x128xf32, #tpu.memory_space<hbm>>) target(%arg9 : memref<128x128xf32, #tpu.memory_space<vmem>>) offsets(%dma_start3A_255 : memref<128xi32, #tpu.memory_space<vmem>>) semaphore(%arg15 : memref<!tpu.dma_semaphore, #tpu.memory_space<semaphore_mem>>)
    %dma_wait3A_259 = arith.constant 4 : i32
    %dma_wait3A_260 = arith.constant 2 : i32
    %dma_wait3A_261 = arith.constant 0 : i32
    %dma_wait3A_262 = tpu.memref_slice %arg6[%dma_wait3A_260, %dma_wait3A_261] : memref<8x128xi32, #tpu.memory_space<vmem>> -> memref<1x64xi32, #tpu.memory_space<vmem>>
    %dma_wait3A_263 = tpu.memref_squeeze %dma_wait3A_262 : memref<1x64xi32, #tpu.memory_space<vmem>> -> memref<64xi32, #tpu.memory_space<vmem>>
    %dma_wait3A_264 = tpu.memref_slice %arg2[%dma_wait3A_259, %mul3A_2] : memref<16x2048xi32, #tpu.memory_space<hbm>> -> memref<1x64xi32, #tpu.memory_space<hbm>>
    %dma_wait3A_265 = tpu.memref_squeeze %dma_wait3A_264 : memref<1x64xi32, #tpu.memory_space<hbm>> -> memref<64xi32, #tpu.memory_space<hbm>>
    %dma_wait3A_266 = arith.constant 0 : i32
    %dma_wait3A_267 = tpu.memref_slice %arg6[%dma_wait3A_260, %dma_wait3A_266] : memref<8x128xi32, #tpu.memory_space<vmem>> -> memref<1x64xi32, #tpu.memory_space<vmem>>
    %dma_wait3A_268 = tpu.memref_squeeze %dma_wait3A_267 : memref<1x64xi32, #tpu.memory_space<vmem>> -> memref<64xi32, #tpu.memory_space<vmem>>
    %dma_wait3A_269 = tpu.memref_slice %arg2[%dma_wait3A_259, %mul3A_2] : memref<16x2048xi32, #tpu.memory_space<hbm>> -> memref<1x64xi32, #tpu.memory_space<hbm>>
    %dma_wait3A_270 = tpu.memref_squeeze %dma_wait3A_269 : memref<1x64xi32, #tpu.memory_space<hbm>> -> memref<64xi32, #tpu.memory_space<hbm>>
    tpu.wait_dma2 semaphore(%arg27 : memref<!tpu.dma_semaphore, #tpu.memory_space<semaphore_mem>>) src(%dma_wait3A_270 : memref<64xi32, #tpu.memory_space<hbm>>) dst(%dma_wait3A_268 : memref<64xi32, #tpu.memory_space<vmem>>)
    %dma_wait3A_271 = arith.constant 5 : i32
    %dma_wait3A_272 = arith.constant 2 : i32
    %dma_wait3A_273 = arith.constant 64 : i32
    %dma_wait3A_274 = tpu.memref_slice %arg6[%dma_wait3A_272, %dma_wait3A_273] : memref<8x128xi32, #tpu.memory_space<vmem>> -> memref<1x64xi32, #tpu.memory_space<vmem>>
    %dma_wait3A_275 = tpu.memref_squeeze %dma_wait3A_274 : memref<1x64xi32, #tpu.memory_space<vmem>> -> memref<64xi32, #tpu.memory_space<vmem>>
    %dma_wait3A_276 = tpu.memref_slice %arg2[%dma_wait3A_271, %mul3A_2] : memref<16x2048xi32, #tpu.memory_space<hbm>> -> memref<1x64xi32, #tpu.memory_space<hbm>>
    %dma_wait3A_277 = tpu.memref_squeeze %dma_wait3A_276 : memref<1x64xi32, #tpu.memory_space<hbm>> -> memref<64xi32, #tpu.memory_space<hbm>>
    %dma_wait3A_278 = arith.constant 64 : i32
    %dma_wait3A_279 = tpu.memref_slice %arg6[%dma_wait3A_272, %dma_wait3A_278] : memref<8x128xi32, #tpu.memory_space<vmem>> -> memref<1x64xi32, #tpu.memory_space<vmem>>
    %dma_wait3A_280 = tpu.memref_squeeze %dma_wait3A_279 : memref<1x64xi32, #tpu.memory_space<vmem>> -> memref<64xi32, #tpu.memory_space<vmem>>
    %dma_wait3A_281 = tpu.memref_slice %arg2[%dma_wait3A_271, %mul3A_2] : memref<16x2048xi32, #tpu.memory_space<hbm>> -> memref<1x64xi32, #tpu.memory_space<hbm>>
    %dma_wait3A_282 = tpu.memref_squeeze %dma_wait3A_281 : memref<1x64xi32, #tpu.memory_space<hbm>> -> memref<64xi32, #tpu.memory_space<hbm>>
    tpu.wait_dma2 semaphore(%arg27 : memref<!tpu.dma_semaphore, #tpu.memory_space<semaphore_mem>>) src(%dma_wait3A_282 : memref<64xi32, #tpu.memory_space<hbm>>) dst(%dma_wait3A_280 : memref<64xi32, #tpu.memory_space<vmem>>)
    %dma_start3A_283 = arith.constant 2 : i32
    %dma_start3A_284 = arith.constant 0 : i32
    %dma_start3A_285 = tpu.memref_slice %arg6[%dma_start3A_283, %dma_start3A_284] : memref<8x128xi32, #tpu.memory_space<vmem>> -> memref<1x128xi32, #tpu.memory_space<vmem>>
    %dma_start3A_286 = tpu.memref_squeeze %dma_start3A_285 : memref<1x128xi32, #tpu.memory_space<vmem>> -> memref<128xi32, #tpu.memory_space<vmem>>
    %dma_start3A_287 = arith.constant 0 : i32
    %dma_start3A_288 = arith.constant 0 : i32
    %dma_start3A_289 = tpu.memref_slice %arg3[%dma_start3A_287, %dma_start3A_288] : memref<100000x128xf32, #tpu.memory_space<hbm>> -> memref<100000x128xf32, #tpu.memory_space<hbm>>
    tpu.enqueue_indirect_dma source(%dma_start3A_289 : memref<100000x128xf32, #tpu.memory_space<hbm>>) target(%arg10 : memref<128x128xf32, #tpu.memory_space<vmem>>) offsets(%dma_start3A_286 : memref<128xi32, #tpu.memory_space<vmem>>) semaphore(%arg16 : memref<!tpu.dma_semaphore, #tpu.memory_space<semaphore_mem>>)
    %dma_wait3A_290 = arith.constant 6 : i32
    %dma_wait3A_291 = arith.constant 3 : i32
    %dma_wait3A_292 = arith.constant 0 : i32
    %dma_wait3A_293 = tpu.memref_slice %arg6[%dma_wait3A_291, %dma_wait3A_292] : memref<8x128xi32, #tpu.memory_space<vmem>> -> memref<1x64xi32, #tpu.memory_space<vmem>>
    %dma_wait3A_294 = tpu.memref_squeeze %dma_wait3A_293 : memref<1x64xi32, #tpu.memory_space<vmem>> -> memref<64xi32, #tpu.memory_space<vmem>>
    %dma_wait3A_295 = tpu.memref_slice %arg2[%dma_wait3A_290, %mul3A_2] : memref<16x2048xi32, #tpu.memory_space<hbm>> -> memref<1x64xi32, #tpu.memory_space<hbm>>
    %dma_wait3A_296 = tpu.memref_squeeze %dma_wait3A_295 : memref<1x64xi32, #tpu.memory_space<hbm>> -> memref<64xi32, #tpu.memory_space<hbm>>
    %dma_wait3A_297 = arith.constant 0 : i32
    %dma_wait3A_298 = tpu.memref_slice %arg6[%dma_wait3A_291, %dma_wait3A_297] : memref<8x128xi32, #tpu.memory_space<vmem>> -> memref<1x64xi32, #tpu.memory_space<vmem>>
    %dma_wait3A_299 = tpu.memref_squeeze %dma_wait3A_298 : memref<1x64xi32, #tpu.memory_space<vmem>> -> memref<64xi32, #tpu.memory_space<vmem>>
    %dma_wait3A_300 = tpu.memref_slice %arg2[%dma_wait3A_290, %mul3A_2] : memref<16x2048xi32, #tpu.memory_space<hbm>> -> memref<1x64xi32, #tpu.memory_space<hbm>>
    %dma_wait3A_301 = tpu.memref_squeeze %dma_wait3A_300 : memref<1x64xi32, #tpu.memory_space<hbm>> -> memref<64xi32, #tpu.memory_space<hbm>>
    tpu.wait_dma2 semaphore(%arg27 : memref<!tpu.dma_semaphore, #tpu.memory_space<semaphore_mem>>) src(%dma_wait3A_301 : memref<64xi32, #tpu.memory_space<hbm>>) dst(%dma_wait3A_299 : memref<64xi32, #tpu.memory_space<vmem>>)
    %dma_wait3A_302 = arith.constant 7 : i32
    %dma_wait3A_303 = arith.constant 3 : i32
    %dma_wait3A_304 = arith.constant 64 : i32
    %dma_wait3A_305 = tpu.memref_slice %arg6[%dma_wait3A_303, %dma_wait3A_304] : memref<8x128xi32, #tpu.memory_space<vmem>> -> memref<1x64xi32, #tpu.memory_space<vmem>>
    %dma_wait3A_306 = tpu.memref_squeeze %dma_wait3A_305 : memref<1x64xi32, #tpu.memory_space<vmem>> -> memref<64xi32, #tpu.memory_space<vmem>>
    %dma_wait3A_307 = tpu.memref_slice %arg2[%dma_wait3A_302, %mul3A_2] : memref<16x2048xi32, #tpu.memory_space<hbm>> -> memref<1x64xi32, #tpu.memory_space<hbm>>
    %dma_wait3A_308 = tpu.memref_squeeze %dma_wait3A_307 : memref<1x64xi32, #tpu.memory_space<hbm>> -> memref<64xi32, #tpu.memory_space<hbm>>
    %dma_wait3A_309 = arith.constant 64 : i32
    %dma_wait3A_310 = tpu.memref_slice %arg6[%dma_wait3A_303, %dma_wait3A_309] : memref<8x128xi32, #tpu.memory_space<vmem>> -> memref<1x64xi32, #tpu.memory_space<vmem>>
    %dma_wait3A_311 = tpu.memref_squeeze %dma_wait3A_310 : memref<1x64xi32, #tpu.memory_space<vmem>> -> memref<64xi32, #tpu.memory_space<vmem>>
    %dma_wait3A_312 = tpu.memref_slice %arg2[%dma_wait3A_302, %mul3A_2] : memref<16x2048xi32, #tpu.memory_space<hbm>> -> memref<1x64xi32, #tpu.memory_space<hbm>>
    %dma_wait3A_313 = tpu.memref_squeeze %dma_wait3A_312 : memref<1x64xi32, #tpu.memory_space<hbm>> -> memref<64xi32, #tpu.memory_space<hbm>>
    tpu.wait_dma2 semaphore(%arg27 : memref<!tpu.dma_semaphore, #tpu.memory_space<semaphore_mem>>) src(%dma_wait3A_313 : memref<64xi32, #tpu.memory_space<hbm>>) dst(%dma_wait3A_311 : memref<64xi32, #tpu.memory_space<vmem>>)
    %dma_start3A_314 = arith.constant 3 : i32
    %dma_start3A_315 = arith.constant 0 : i32
    %dma_start3A_316 = tpu.memref_slice %arg6[%dma_start3A_314, %dma_start3A_315] : memref<8x128xi32, #tpu.memory_space<vmem>> -> memref<1x128xi32, #tpu.memory_space<vmem>>
    %dma_start3A_317 = tpu.memref_squeeze %dma_start3A_316 : memref<1x128xi32, #tpu.memory_space<vmem>> -> memref<128xi32, #tpu.memory_space<vmem>>
    %dma_start3A_318 = arith.constant 0 : i32
    %dma_start3A_319 = arith.constant 0 : i32
    %dma_start3A_320 = tpu.memref_slice %arg3[%dma_start3A_318, %dma_start3A_319] : memref<100000x128xf32, #tpu.memory_space<hbm>> -> memref<100000x128xf32, #tpu.memory_space<hbm>>
    tpu.enqueue_indirect_dma source(%dma_start3A_320 : memref<100000x128xf32, #tpu.memory_space<hbm>>) target(%arg11 : memref<128x128xf32, #tpu.memory_space<vmem>>) offsets(%dma_start3A_317 : memref<128xi32, #tpu.memory_space<vmem>>) semaphore(%arg17 : memref<!tpu.dma_semaphore, #tpu.memory_space<semaphore_mem>>)
    %dma_wait3A_321 = arith.constant 8 : i32
    %dma_wait3A_322 = arith.constant 4 : i32
    %dma_wait3A_323 = arith.constant 0 : i32
    %dma_wait3A_324 = tpu.memref_slice %arg6[%dma_wait3A_322, %dma_wait3A_323] : memref<8x128xi32, #tpu.memory_space<vmem>> -> memref<1x64xi32, #tpu.memory_space<vmem>>
    %dma_wait3A_325 = tpu.memref_squeeze %dma_wait3A_324 : memref<1x64xi32, #tpu.memory_space<vmem>> -> memref<64xi32, #tpu.memory_space<vmem>>
    %dma_wait3A_326 = tpu.memref_slice %arg2[%dma_wait3A_321, %mul3A_2] : memref<16x2048xi32, #tpu.memory_space<hbm>> -> memref<1x64xi32, #tpu.memory_space<hbm>>
    %dma_wait3A_327 = tpu.memref_squeeze %dma_wait3A_326 : memref<1x64xi32, #tpu.memory_space<hbm>> -> memref<64xi32, #tpu.memory_space<hbm>>
    %dma_wait3A_328 = arith.constant 0 : i32
    %dma_wait3A_329 = tpu.memref_slice %arg6[%dma_wait3A_322, %dma_wait3A_328] : memref<8x128xi32, #tpu.memory_space<vmem>> -> memref<1x64xi32, #tpu.memory_space<vmem>>
    %dma_wait3A_330 = tpu.memref_squeeze %dma_wait3A_329 : memref<1x64xi32, #tpu.memory_space<vmem>> -> memref<64xi32, #tpu.memory_space<vmem>>
    %dma_wait3A_331 = tpu.memref_slice %arg2[%dma_wait3A_321, %mul3A_2] : memref<16x2048xi32, #tpu.memory_space<hbm>> -> memref<1x64xi32, #tpu.memory_space<hbm>>
    %dma_wait3A_332 = tpu.memref_squeeze %dma_wait3A_331 : memref<1x64xi32, #tpu.memory_space<hbm>> -> memref<64xi32, #tpu.memory_space<hbm>>
    tpu.wait_dma2 semaphore(%arg27 : memref<!tpu.dma_semaphore, #tpu.memory_space<semaphore_mem>>) src(%dma_wait3A_332 : memref<64xi32, #tpu.memory_space<hbm>>) dst(%dma_wait3A_330 : memref<64xi32, #tpu.memory_space<vmem>>)
    %dma_wait3A_333 = arith.constant 9 : i32
    %dma_wait3A_334 = arith.constant 4 : i32
    %dma_wait3A_335 = arith.constant 64 : i32
    %dma_wait3A_336 = tpu.memref_slice %arg6[%dma_wait3A_334, %dma_wait3A_335] : memref<8x128xi32, #tpu.memory_space<vmem>> -> memref<1x64xi32, #tpu.memory_space<vmem>>
    %dma_wait3A_337 = tpu.memref_squeeze %dma_wait3A_336 : memref<1x64xi32, #tpu.memory_space<vmem>> -> memref<64xi32, #tpu.memory_space<vmem>>
    %dma_wait3A_338 = tpu.memref_slice %arg2[%dma_wait3A_333, %mul3A_2] : memref<16x2048xi32, #tpu.memory_space<hbm>> -> memref<1x64xi32, #tpu.memory_space<hbm>>
    %dma_wait3A_339 = tpu.memref_squeeze %dma_wait3A_338 : memref<1x64xi32, #tpu.memory_space<hbm>> -> memref<64xi32, #tpu.memory_space<hbm>>
    %dma_wait3A_340 = arith.constant 64 : i32
    %dma_wait3A_341 = tpu.memref_slice %arg6[%dma_wait3A_334, %dma_wait3A_340] : memref<8x128xi32, #tpu.memory_space<vmem>> -> memref<1x64xi32, #tpu.memory_space<vmem>>
    %dma_wait3A_342 = tpu.memref_squeeze %dma_wait3A_341 : memref<1x64xi32, #tpu.memory_space<vmem>> -> memref<64xi32, #tpu.memory_space<vmem>>
    %dma_wait3A_343 = tpu.memref_slice %arg2[%dma_wait3A_333, %mul3A_2] : memref<16x2048xi32, #tpu.memory_space<hbm>> -> memref<1x64xi32, #tpu.memory_space<hbm>>
    %dma_wait3A_344 = tpu.memref_squeeze %dma_wait3A_343 : memref<1x64xi32, #tpu.memory_space<hbm>> -> memref<64xi32, #tpu.memory_space<hbm>>
    tpu.wait_dma2 semaphore(%arg27 : memref<!tpu.dma_semaphore, #tpu.memory_space<semaphore_mem>>) src(%dma_wait3A_344 : memref<64xi32, #tpu.memory_space<hbm>>) dst(%dma_wait3A_342 : memref<64xi32, #tpu.memory_space<vmem>>)
    %dma_start3A_345 = arith.constant 4 : i32
    %dma_start3A_346 = arith.constant 0 : i32
    %dma_start3A_347 = tpu.memref_slice %arg6[%dma_start3A_345, %dma_start3A_346] : memref<8x128xi32, #tpu.memory_space<vmem>> -> memref<1x128xi32, #tpu.memory_space<vmem>>
    %dma_start3A_348 = tpu.memref_squeeze %dma_start3A_347 : memref<1x128xi32, #tpu.memory_space<vmem>> -> memref<128xi32, #tpu.memory_space<vmem>>
    %dma_start3A_349 = arith.constant 0 : i32
    %dma_start3A_350 = arith.constant 0 : i32
    %dma_start3A_351 = tpu.memref_slice %arg3[%dma_start3A_349, %dma_start3A_350] : memref<100000x128xf32, #tpu.memory_space<hbm>> -> memref<100000x128xf32, #tpu.memory_space<hbm>>
    tpu.enqueue_indirect_dma source(%dma_start3A_351 : memref<100000x128xf32, #tpu.memory_space<hbm>>) target(%arg12 : memref<128x128xf32, #tpu.memory_space<vmem>>) offsets(%dma_start3A_348 : memref<128xi32, #tpu.memory_space<vmem>>) semaphore(%arg18 : memref<!tpu.dma_semaphore, #tpu.memory_space<semaphore_mem>>)
    %dma_wait3A_352 = arith.constant 0 : i32
    %dma_wait3A_353 = arith.constant 0 : i32
    %dma_wait3A_354 = tpu.memref_slice %arg6[%dma_wait3A_352, %dma_wait3A_353] : memref<8x128xi32, #tpu.memory_space<vmem>> -> memref<1x128xi32, #tpu.memory_space<vmem>>
    %dma_wait3A_355 = tpu.memref_squeeze %dma_wait3A_354 : memref<1x128xi32, #tpu.memory_space<vmem>> -> memref<128xi32, #tpu.memory_space<vmem>>
    %dma_wait3A_356 = arith.constant 0 : i32
    %dma_wait3A_357 = arith.constant 0 : i32
    %dma_wait3A_358 = tpu.memref_slice %arg3[%dma_wait3A_356, %dma_wait3A_357] : memref<100000x128xf32, #tpu.memory_space<hbm>> -> memref<100000x128xf32, #tpu.memory_space<hbm>>
    tpu.wait_indirect_dma semaphore(%arg14 : memref<!tpu.dma_semaphore, #tpu.memory_space<semaphore_mem>>) src(%dma_wait3A_358 : memref<100000x128xf32, #tpu.memory_space<hbm>>) dst(%arg8 : memref<128x128xf32, #tpu.memory_space<vmem>>)
    %dma_wait3A_359 = arith.constant 0 : i32
    %dma_wait3A_360 = tpu.memref_slice %arg4[%mul3A_2, %dma_wait3A_359] : memref<2048x128xf32, #tpu.memory_space<hbm>> -> memref<64x128xf32, #tpu.memory_space<hbm>>
    %dma_wait3A_361 = arith.constant 0 : i32
    %dma_wait3A_362 = tpu.memref_slice %arg4[%mul3A_2, %dma_wait3A_361] : memref<2048x128xf32, #tpu.memory_space<hbm>> -> memref<64x128xf32, #tpu.memory_space<hbm>>
    tpu.wait_dma2 semaphore(%arg26 : memref<!tpu.dma_semaphore, #tpu.memory_space<semaphore_mem>>) src(%dma_wait3A_362 : memref<64x128xf32, #tpu.memory_space<hbm>>) dst(%arg7 : memref<64x128xf32, #tpu.memory_space<vmem>>)
    %scan3A = arith.constant 0 : i32
    %scan3A_363 = arith.constant 0 : i32
    %scan3A_364 = arith.constant 64 : i32
    %scan3A_365 = arith.addi %scan3A_363, %scan3A_364 : i32
    %scan3A_366 = arith.constant 2 : i32
    %scan3A_367 = scf.for %scan3A_912 = %scan3A_363 to %scan3A_365 step %scan3A_366 iter_args(%scan3A_913 = %scan3A) -> (i32)  : i32 {
      %get3A = arith.index_cast %scan3A_912 : i32 to index
      %get3A_914 = arith.constant 0 : index
      %get3A_915 = tpu.vector_load %arg7[%get3A, %get3A_914] {strides = array<i32>} : memref<64x128xf32, #tpu.memory_space<vmem>>, vector<1x16xf32>,
      %get3A_916 = vector.shape_cast %get3A_915 : vector<1x16xf32> to vector<16xf32>
      %add3A_917 = arith.constant 0 : i32
      %add3A_918 = arith.addi %add3A_917, %scan3A_912 : i32
      %swap3A = arith.index_cast %add3A_918 : i32 to index
      %swap3A_919 = arith.constant 0 : index
      %swap3A_920 = tpu.vector_load %arg8[%swap3A, %swap3A_919] {strides = array<i32>} : memref<128x128xf32, #tpu.memory_space<vmem>>, vector<1x16xf32>,
      %swap3A_921 = vector.shape_cast %swap3A_920 : vector<1x16xf32> to vector<16xf32>
      %swap3A_922 = vector.shape_cast %get3A_916 : vector<16xf32> to vector<1x16xf32>
      tpu.vector_store %arg8[%swap3A, %swap3A_919], %swap3A_922 {add = true, strides = array<i32>} : memref<128x128xf32, #tpu.memory_space<vmem>>, vector<1x16xf32>,
      %add3A_923 = arith.constant 64 : i32
      %add3A_924 = arith.addi %add3A_923, %scan3A_912 : i32
      %swap3A_925 = arith.index_cast %add3A_924 : i32 to index
      %swap3A_926 = arith.constant 0 : index
      %swap3A_927 = tpu.vector_load %arg8[%swap3A_925, %swap3A_926] {strides = array<i32>} : memref<128x128xf32, #tpu.memory_space<vmem>>, vector<1x16xf32>,
      %swap3A_928 = vector.shape_cast %swap3A_927 : vector<1x16xf32> to vector<16xf32>
      %swap3A_929 = vector.shape_cast %get3A_916 : vector<16xf32> to vector<1x16xf32>
      tpu.vector_store %arg8[%swap3A_925, %swap3A_926], %swap3A_929 {add = true, strides = array<i32>} : memref<128x128xf32, #tpu.memory_space<vmem>>, vector<1x16xf32>,
      %get3A_930 = arith.index_cast %scan3A_912 : i32 to index
      %get3A_931 = arith.constant 16 : index
      %get3A_932 = tpu.vector_load %arg7[%get3A_930, %get3A_931] {strides = array<i32>} : memref<64x128xf32, #tpu.memory_space<vmem>>, vector<1x16xf32>,
      %get3A_933 = vector.shape_cast %get3A_932 : vector<1x16xf32> to vector<16xf32>
      %add3A_934 = arith.constant 0 : i32
      %add3A_935 = arith.addi %add3A_934, %scan3A_912 : i32
      %swap3A_936 = arith.index_cast %add3A_935 : i32 to index
      %swap3A_937 = arith.constant 16 : index
      %swap3A_938 = tpu.vector_load %arg8[%swap3A_936, %swap3A_937] {strides = array<i32>} : memref<128x128xf32, #tpu.memory_space<vmem>>, vector<1x16xf32>,
      %swap3A_939 = vector.shape_cast %swap3A_938 : vector<1x16xf32> to vector<16xf32>
      %swap3A_940 = vector.shape_cast %get3A_933 : vector<16xf32> to vector<1x16xf32>
      tpu.vector_store %arg8[%swap3A_936, %swap3A_937], %swap3A_940 {add = true, strides = array<i32>} : memref<128x128xf32, #tpu.memory_space<vmem>>, vector<1x16xf32>,
      %add3A_941 = arith.constant 64 : i32
      %add3A_942 = arith.addi %add3A_941, %scan3A_912 : i32
      %swap3A_943 = arith.index_cast %add3A_942 : i32 to index
      %swap3A_944 = arith.constant 16 : index
      %swap3A_945 = tpu.vector_load %arg8[%swap3A_943, %swap3A_944] {strides = array<i32>} : memref<128x128xf32, #tpu.memory_space<vmem>>, vector<1x16xf32>,
      %swap3A_946 = vector.shape_cast %swap3A_945 : vector<1x16xf32> to vector<16xf32>
      %swap3A_947 = vector.shape_cast %get3A_933 : vector<16xf32> to vector<1x16xf32>
      tpu.vector_store %arg8[%swap3A_943, %swap3A_944], %swap3A_947 {add = true, strides = array<i32>} : memref<128x128xf32, #tpu.memory_space<vmem>>, vector<1x16xf32>,
      %get3A_948 = arith.index_cast %scan3A_912 : i32 to index
      %get3A_949 = arith.constant 32 : index
      %get3A_950 = tpu.vector_load %arg7[%get3A_948, %get3A_949] {strides = array<i32>} : memref<64x128xf32, #tpu.memory_space<vmem>>, vector<1x16xf32>,
      %get3A_951 = vector.shape_cast %get3A_950 : vector<1x16xf32> to vector<16xf32>
      %add3A_952 = arith.constant 0 : i32
      %add3A_953 = arith.addi %add3A_952, %scan3A_912 : i32
      %swap3A_954 = arith.index_cast %add3A_953 : i32 to index
      %swap3A_955 = arith.constant 32 : index
      %swap3A_956 = tpu.vector_load %arg8[%swap3A_954, %swap3A_955] {strides = array<i32>} : memref<128x128xf32, #tpu.memory_space<vmem>>, vector<1x16xf32>,
      %swap3A_957 = vector.shape_cast %swap3A_956 : vector<1x16xf32> to vector<16xf32>
      %swap3A_958 = vector.shape_cast %get3A_951 : vector<16xf32> to vector<1x16xf32>
      tpu.vector_store %arg8[%swap3A_954, %swap3A_955], %swap3A_958 {add = true, strides = array<i32>} : memref<128x128xf32, #tpu.memory_space<vmem>>, vector<1x16xf32>,
      %add3A_959 = arith.constant 64 : i32
      %add3A_960 = arith.addi %add3A_959, %scan3A_912 : i32
      %swap3A_961 = arith.index_cast %add3A_960 : i32 to index
      %swap3A_962 = arith.constant 32 : index
      %swap3A_963 = tpu.vector_load %arg8[%swap3A_961, %swap3A_962] {strides = array<i32>} : memref<128x128xf32, #tpu.memory_space<vmem>>, vector<1x16xf32>,
      %swap3A_964 = vector.shape_cast %swap3A_963 : vector<1x16xf32> to vector<16xf32>
      %swap3A_965 = vector.shape_cast %get3A_951 : vector<16xf32> to vector<1x16xf32>
      tpu.vector_store %arg8[%swap3A_961, %swap3A_962], %swap3A_965 {add = true, strides = array<i32>} : memref<128x128xf32, #tpu.memory_space<vmem>>, vector<1x16xf32>,
      %get3A_966 = arith.index_cast %scan3A_912 : i32 to index
      %get3A_967 = arith.constant 48 : index
      %get3A_968 = tpu.vector_load %arg7[%get3A_966, %get3A_967] {strides = array<i32>} : memref<64x128xf32, #tpu.memory_space<vmem>>, vector<1x16xf32>,
      %get3A_969 = vector.shape_cast %get3A_968 : vector<1x16xf32> to vector<16xf32>
      %add3A_970 = arith.constant 0 : i32
      %add3A_971 = arith.addi %add3A_970, %scan3A_912 : i32
      %swap3A_972 = arith.index_cast %add3A_971 : i32 to index
      %swap3A_973 = arith.constant 48 : index
      %swap3A_974 = tpu.vector_load %arg8[%swap3A_972, %swap3A_973] {strides = array<i32>} : memref<128x128xf32, #tpu.memory_space<vmem>>, vector<1x16xf32>,
      %swap3A_975 = vector.shape_cast %swap3A_974 : vector<1x16xf32> to vector<16xf32>
      %swap3A_976 = vector.shape_cast %get3A_969 : vector<16xf32> to vector<1x16xf32>
      tpu.vector_store %arg8[%swap3A_972, %swap3A_973], %swap3A_976 {add = true, strides = array<i32>} : memref<128x128xf32, #tpu.memory_space<vmem>>, vector<1x16xf32>,
      %add3A_977 = arith.constant 64 : i32
      %add3A_978 = arith.addi %add3A_977, %scan3A_912 : i32
      %swap3A_979 = arith.index_cast %add3A_978 : i32 to index
      %swap3A_980 = arith.constant 48 : index
      %swap3A_981 = tpu.vector_load %arg8[%swap3A_979, %swap3A_980] {strides = array<i32>} : memref<128x128xf32, #tpu.memory_space<vmem>>, vector<1x16xf32>,
      %swap3A_982 = vector.shape_cast %swap3A_981 : vector<1x16xf32> to vector<16xf32>
      %swap3A_983 = vector.shape_cast %get3A_969 : vector<16xf32> to vector<1x16xf32>
      tpu.vector_store %arg8[%swap3A_979, %swap3A_980], %swap3A_983 {add = true, strides = array<i32>} : memref<128x128xf32, #tpu.memory_space<vmem>>, vector<1x16xf32>,
      %get3A_984 = arith.index_cast %scan3A_912 : i32 to index
      %get3A_985 = arith.constant 64 : index
      %get3A_986 = tpu.vector_load %arg7[%get3A_984, %get3A_985] {strides = array<i32>} : memref<64x128xf32, #tpu.memory_space<vmem>>, vector<1x16xf32>,
      %get3A_987 = vector.shape_cast %get3A_986 : vector<1x16xf32> to vector<16xf32>
      %add3A_988 = arith.constant 0 : i32
      %add3A_989 = arith.addi %add3A_988, %scan3A_912 : i32
      %swap3A_990 = arith.index_cast %add3A_989 : i32 to index
      %swap3A_991 = arith.constant 64 : index
      %swap3A_992 = tpu.vector_load %arg8[%swap3A_990, %swap3A_991] {strides = array<i32>} : memref<128x128xf32, #tpu.memory_space<vmem>>, vector<1x16xf32>,
      %swap3A_993 = vector.shape_cast %swap3A_992 : vector<1x16xf32> to vector<16xf32>
      %swap3A_994 = vector.shape_cast %get3A_987 : vector<16xf32> to vector<1x16xf32>
      tpu.vector_store %arg8[%swap3A_990, %swap3A_991], %swap3A_994 {add = true, strides = array<i32>} : memref<128x128xf32, #tpu.memory_space<vmem>>, vector<1x16xf32>,
      %add3A_995 = arith.constant 64 : i32
      %add3A_996 = arith.addi %add3A_995, %scan3A_912 : i32
      %swap3A_997 = arith.index_cast %add3A_996 : i32 to index
      %swap3A_998 = arith.constant 64 : index
      %swap3A_999 = tpu.vector_load %arg8[%swap3A_997, %swap3A_998] {strides = array<i32>} : memref<128x128xf32, #tpu.memory_space<vmem>>, vector<1x16xf32>,
      %swap3A_1000 = vector.shape_cast %swap3A_999 : vector<1x16xf32> to vector<16xf32>
      %swap3A_1001 = vector.shape_cast %get3A_987 : vector<16xf32> to vector<1x16xf32>
      tpu.vector_store %arg8[%swap3A_997, %swap3A_998], %swap3A_1001 {add = true, strides = array<i32>} : memref<128x128xf32, #tpu.memory_space<vmem>>, vector<1x16xf32>,
      %get3A_1002 = arith.index_cast %scan3A_912 : i32 to index
      %get3A_1003 = arith.constant 80 : index
      %get3A_1004 = tpu.vector_load %arg7[%get3A_1002, %get3A_1003] {strides = array<i32>} : memref<64x128xf32, #tpu.memory_space<vmem>>, vector<1x16xf32>,
      %get3A_1005 = vector.shape_cast %get3A_1004 : vector<1x16xf32> to vector<16xf32>
      %add3A_1006 = arith.constant 0 : i32
      %add3A_1007 = arith.addi %add3A_1006, %scan3A_912 : i32
      %swap3A_1008 = arith.index_cast %add3A_1007 : i32 to index
      %swap3A_1009 = arith.constant 80 : index
      %swap3A_1010 = tpu.vector_load %arg8[%swap3A_1008, %swap3A_1009] {strides = array<i32>} : memref<128x128xf32, #tpu.memory_space<vmem>>, vector<1x16xf32>,
      %swap3A_1011 = vector.shape_cast %swap3A_1010 : vector<1x16xf32> to vector<16xf32>
      %swap3A_1012 = vector.shape_cast %get3A_1005 : vector<16xf32> to vector<1x16xf32>
      tpu.vector_store %arg8[%swap3A_1008, %swap3A_1009], %swap3A_1012 {add = true, strides = array<i32>} : memref<128x128xf32, #tpu.memory_space<vmem>>, vector<1x16xf32>,
      %add3A_1013 = arith.constant 64 : i32
      %add3A_1014 = arith.addi %add3A_1013, %scan3A_912 : i32
      %swap3A_1015 = arith.index_cast %add3A_1014 : i32 to index
      %swap3A_1016 = arith.constant 80 : index
      %swap3A_1017 = tpu.vector_load %arg8[%swap3A_1015, %swap3A_1016] {strides = array<i32>} : memref<128x128xf32, #tpu.memory_space<vmem>>, vector<1x16xf32>,
      %swap3A_1018 = vector.shape_cast %swap3A_1017 : vector<1x16xf32> to vector<16xf32>
      %swap3A_1019 = vector.shape_cast %get3A_1005 : vector<16xf32> to vector<1x16xf32>
      tpu.vector_store %arg8[%swap3A_1015, %swap3A_1016], %swap3A_1019 {add = true, strides = array<i32>} : memref<128x128xf32, #tpu.memory_space<vmem>>, vector<1x16xf32>,
      %get3A_1020 = arith.index_cast %scan3A_912 : i32 to index
      %get3A_1021 = arith.constant 96 : index
      %get3A_1022 = tpu.vector_load %arg7[%get3A_1020, %get3A_1021] {strides = array<i32>} : memref<64x128xf32, #tpu.memory_space<vmem>>, vector<1x16xf32>,
      %get3A_1023 = vector.shape_cast %get3A_1022 : vector<1x16xf32> to vector<16xf32>
      %add3A_1024 = arith.constant 0 : i32
      %add3A_1025 = arith.addi %add3A_1024, %scan3A_912 : i32
      %swap3A_1026 = arith.index_cast %add3A_1025 : i32 to index
      %swap3A_1027 = arith.constant 96 : index
      %swap3A_1028 = tpu.vector_load %arg8[%swap3A_1026, %swap3A_1027] {strides = array<i32>} : memref<128x128xf32, #tpu.memory_space<vmem>>, vector<1x16xf32>,
      %swap3A_1029 = vector.shape_cast %swap3A_1028 : vector<1x16xf32> to vector<16xf32>
      %swap3A_1030 = vector.shape_cast %get3A_1023 : vector<16xf32> to vector<1x16xf32>
      tpu.vector_store %arg8[%swap3A_1026, %swap3A_1027], %swap3A_1030 {add = true, strides = array<i32>} : memref<128x128xf32, #tpu.memory_space<vmem>>, vector<1x16xf32>,
      %add3A_1031 = arith.constant 64 : i32
      %add3A_1032 = arith.addi %add3A_1031, %scan3A_912 : i32
      %swap3A_1033 = arith.index_cast %add3A_1032 : i32 to index
      %swap3A_1034 = arith.constant 96 : index
      %swap3A_1035 = tpu.vector_load %arg8[%swap3A_1033, %swap3A_1034] {strides = array<i32>} : memref<128x128xf32, #tpu.memory_space<vmem>>, vector<1x16xf32>,
      %swap3A_1036 = vector.shape_cast %swap3A_1035 : vector<1x16xf32> to vector<16xf32>
      %swap3A_1037 = vector.shape_cast %get3A_1023 : vector<16xf32> to vector<1x16xf32>
      tpu.vector_store %arg8[%swap3A_1033, %swap3A_1034], %swap3A_1037 {add = true, strides = array<i32>} : memref<128x128xf32, #tpu.memory_space<vmem>>, vector<1x16xf32>,
      %get3A_1038 = arith.index_cast %scan3A_912 : i32 to index
      %get3A_1039 = arith.constant 112 : index
      %get3A_1040 = tpu.vector_load %arg7[%get3A_1038, %get3A_1039] {strides = array<i32>} : memref<64x128xf32, #tpu.memory_space<vmem>>, vector<1x16xf32>,
      %get3A_1041 = vector.shape_cast %get3A_1040 : vector<1x16xf32> to vector<16xf32>
      %add3A_1042 = arith.constant 0 : i32
      %add3A_1043 = arith.addi %add3A_1042, %scan3A_912 : i32
      %swap3A_1044 = arith.index_cast %add3A_1043 : i32 to index
      %swap3A_1045 = arith.constant 112 : index
      %swap3A_1046 = tpu.vector_load %arg8[%swap3A_1044, %swap3A_1045] {strides = array<i32>} : memref<128x128xf32, #tpu.memory_space<vmem>>, vector<1x16xf32>,
      %swap3A_1047 = vector.shape_cast %swap3A_1046 : vector<1x16xf32> to vector<16xf32>
      %swap3A_1048 = vector.shape_cast %get3A_1041 : vector<16xf32> to vector<1x16xf32>
      tpu.vector_store %arg8[%swap3A_1044, %swap3A_1045], %swap3A_1048 {add = true, strides = array<i32>} : memref<128x128xf32, #tpu.memory_space<vmem>>, vector<1x16xf32>,
      %add3A_1049 = arith.constant 64 : i32
      %add3A_1050 = arith.addi %add3A_1049, %scan3A_912 : i32
      %swap3A_1051 = arith.index_cast %add3A_1050 : i32 to index
      %swap3A_1052 = arith.constant 112 : index
      %swap3A_1053 = tpu.vector_load %arg8[%swap3A_1051, %swap3A_1052] {strides = array<i32>} : memref<128x128xf32, #tpu.memory_space<vmem>>, vector<1x16xf32>,
      %swap3A_1054 = vector.shape_cast %swap3A_1053 : vector<1x16xf32> to vector<16xf32>
      %swap3A_1055 = vector.shape_cast %get3A_1041 : vector<16xf32> to vector<1x16xf32>
      tpu.vector_store %arg8[%swap3A_1051, %swap3A_1052], %swap3A_1055 {add = true, strides = array<i32>} : memref<128x128xf32, #tpu.memory_space<vmem>>, vector<1x16xf32>,
      %scan3A_1056 = arith.constant 0 : i32
      %scan3A_1057 = arith.constant 1 : i32
      %scan3A_1058 = arith.addi %scan3A_912, %scan3A_1057 : i32
      %get3A_1059 = arith.index_cast %scan3A_1058 : i32 to index
      %get3A_1060 = arith.constant 0 : index
      %get3A_1061 = tpu.vector_load %arg7[%get3A_1059, %get3A_1060] {strides = array<i32>} : memref<64x128xf32, #tpu.memory_space<vmem>>, vector<1x16xf32>,
      %get3A_1062 = vector.shape_cast %get3A_1061 : vector<1x16xf32> to vector<16xf32>
      %add3A_1063 = arith.constant 0 : i32
      %add3A_1064 = arith.addi %add3A_1063, %scan3A_1058 : i32
      %swap3A_1065 = arith.index_cast %add3A_1064 : i32 to index
      %swap3A_1066 = arith.constant 0 : index
      %swap3A_1067 = tpu.vector_load %arg8[%swap3A_1065, %swap3A_1066] {strides = array<i32>} : memref<128x128xf32, #tpu.memory_space<vmem>>, vector<1x16xf32>,
      %swap3A_1068 = vector.shape_cast %swap3A_1067 : vector<1x16xf32> to vector<16xf32>
      %swap3A_1069 = vector.shape_cast %get3A_1062 : vector<16xf32> to vector<1x16xf32>
      tpu.vector_store %arg8[%swap3A_1065, %swap3A_1066], %swap3A_1069 {add = true, strides = array<i32>} : memref<128x128xf32, #tpu.memory_space<vmem>>, vector<1x16xf32>,
      %add3A_1070 = arith.constant 64 : i32
      %add3A_1071 = arith.addi %add3A_1070, %scan3A_1058 : i32
      %swap3A_1072 = arith.index_cast %add3A_1071 : i32 to index
      %swap3A_1073 = arith.constant 0 : index
      %swap3A_1074 = tpu.vector_load %arg8[%swap3A_1072, %swap3A_1073] {strides = array<i32>} : memref<128x128xf32, #tpu.memory_space<vmem>>, vector<1x16xf32>,
      %swap3A_1075 = vector.shape_cast %swap3A_1074 : vector<1x16xf32> to vector<16xf32>
      %swap3A_1076 = vector.shape_cast %get3A_1062 : vector<16xf32> to vector<1x16xf32>
      tpu.vector_store %arg8[%swap3A_1072, %swap3A_1073], %swap3A_1076 {add = true, strides = array<i32>} : memref<128x128xf32, #tpu.memory_space<vmem>>, vector<1x16xf32>,
      %get3A_1077 = arith.index_cast %scan3A_1058 : i32 to index
      %get3A_1078 = arith.constant 16 : index
      %get3A_1079 = tpu.vector_load %arg7[%get3A_1077, %get3A_1078] {strides = array<i32>} : memref<64x128xf32, #tpu.memory_space<vmem>>, vector<1x16xf32>,
      %get3A_1080 = vector.shape_cast %get3A_1079 : vector<1x16xf32> to vector<16xf32>
      %add3A_1081 = arith.constant 0 : i32
      %add3A_1082 = arith.addi %add3A_1081, %scan3A_1058 : i32
      %swap3A_1083 = arith.index_cast %add3A_1082 : i32 to index
      %swap3A_1084 = arith.constant 16 : index
      %swap3A_1085 = tpu.vector_load %arg8[%swap3A_1083, %swap3A_1084] {strides = array<i32>} : memref<128x128xf32, #tpu.memory_space<vmem>>, vector<1x16xf32>,
      %swap3A_1086 = vector.shape_cast %swap3A_1085 : vector<1x16xf32> to vector<16xf32>
      %swap3A_1087 = vector.shape_cast %get3A_1080 : vector<16xf32> to vector<1x16xf32>
      tpu.vector_store %arg8[%swap3A_1083, %swap3A_1084], %swap3A_1087 {add = true, strides = array<i32>} : memref<128x128xf32, #tpu.memory_space<vmem>>, vector<1x16xf32>,
      %add3A_1088 = arith.constant 64 : i32
      %add3A_1089 = arith.addi %add3A_1088, %scan3A_1058 : i32
      %swap3A_1090 = arith.index_cast %add3A_1089 : i32 to index
      %swap3A_1091 = arith.constant 16 : index
      %swap3A_1092 = tpu.vector_load %arg8[%swap3A_1090, %swap3A_1091] {strides = array<i32>} : memref<128x128xf32, #tpu.memory_space<vmem>>, vector<1x16xf32>,
      %swap3A_1093 = vector.shape_cast %swap3A_1092 : vector<1x16xf32> to vector<16xf32>
      %swap3A_1094 = vector.shape_cast %get3A_1080 : vector<16xf32> to vector<1x16xf32>
      tpu.vector_store %arg8[%swap3A_1090, %swap3A_1091], %swap3A_1094 {add = true, strides = array<i32>} : memref<128x128xf32, #tpu.memory_space<vmem>>, vector<1x16xf32>,
      %get3A_1095 = arith.index_cast %scan3A_1058 : i32 to index
      %get3A_1096 = arith.constant 32 : index
      %get3A_1097 = tpu.vector_load %arg7[%get3A_1095, %get3A_1096] {strides = array<i32>} : memref<64x128xf32, #tpu.memory_space<vmem>>, vector<1x16xf32>,
      %get3A_1098 = vector.shape_cast %get3A_1097 : vector<1x16xf32> to vector<16xf32>
      %add3A_1099 = arith.constant 0 : i32
      %add3A_1100 = arith.addi %add3A_1099, %scan3A_1058 : i32
      %swap3A_1101 = arith.index_cast %add3A_1100 : i32 to index
      %swap3A_1102 = arith.constant 32 : index
      %swap3A_1103 = tpu.vector_load %arg8[%swap3A_1101, %swap3A_1102] {strides = array<i32>} : memref<128x128xf32, #tpu.memory_space<vmem>>, vector<1x16xf32>,
      %swap3A_1104 = vector.shape_cast %swap3A_1103 : vector<1x16xf32> to vector<16xf32>
      %swap3A_1105 = vector.shape_cast %get3A_1098 : vector<16xf32> to vector<1x16xf32>
      tpu.vector_store %arg8[%swap3A_1101, %swap3A_1102], %swap3A_1105 {add = true, strides = array<i32>} : memref<128x128xf32, #tpu.memory_space<vmem>>, vector<1x16xf32>,
      %add3A_1106 = arith.constant 64 : i32
      %add3A_1107 = arith.addi %add3A_1106, %scan3A_1058 : i32
      %swap3A_1108 = arith.index_cast %add3A_1107 : i32 to index
      %swap3A_1109 = arith.constant 32 : index
      %swap3A_1110 = tpu.vector_load %arg8[%swap3A_1108, %swap3A_1109] {strides = array<i32>} : memref<128x128xf32, #tpu.memory_space<vmem>>, vector<1x16xf32>,
      %swap3A_1111 = vector.shape_cast %swap3A_1110 : vector<1x16xf32> to vector<16xf32>
      %swap3A_1112 = vector.shape_cast %get3A_1098 : vector<16xf32> to vector<1x16xf32>
      tpu.vector_store %arg8[%swap3A_1108, %swap3A_1109], %swap3A_1112 {add = true, strides = array<i32>} : memref<128x128xf32, #tpu.memory_space<vmem>>, vector<1x16xf32>,
      %get3A_1113 = arith.index_cast %scan3A_1058 : i32 to index
      %get3A_1114 = arith.constant 48 : index
      %get3A_1115 = tpu.vector_load %arg7[%get3A_1113, %get3A_1114] {strides = array<i32>} : memref<64x128xf32, #tpu.memory_space<vmem>>, vector<1x16xf32>,
      %get3A_1116 = vector.shape_cast %get3A_1115 : vector<1x16xf32> to vector<16xf32>
      %add3A_1117 = arith.constant 0 : i32
      %add3A_1118 = arith.addi %add3A_1117, %scan3A_1058 : i32
      %swap3A_1119 = arith.index_cast %add3A_1118 : i32 to index
      %swap3A_1120 = arith.constant 48 : index
      %swap3A_1121 = tpu.vector_load %arg8[%swap3A_1119, %swap3A_1120] {strides = array<i32>} : memref<128x128xf32, #tpu.memory_space<vmem>>, vector<1x16xf32>,
      %swap3A_1122 = vector.shape_cast %swap3A_1121 : vector<1x16xf32> to vector<16xf32>
      %swap3A_1123 = vector.shape_cast %get3A_1116 : vector<16xf32> to vector<1x16xf32>
      tpu.vector_store %arg8[%swap3A_1119, %swap3A_1120], %swap3A_1123 {add = true, strides = array<i32>} : memref<128x128xf32, #tpu.memory_space<vmem>>, vector<1x16xf32>,
      %add3A_1124 = arith.constant 64 : i32
      %add3A_1125 = arith.addi %add3A_1124, %scan3A_1058 : i32
      %swap3A_1126 = arith.index_cast %add3A_1125 : i32 to index
      %swap3A_1127 = arith.constant 48 : index
      %swap3A_1128 = tpu.vector_load %arg8[%swap3A_1126, %swap3A_1127] {strides = array<i32>} : memref<128x128xf32, #tpu.memory_space<vmem>>, vector<1x16xf32>,
      %swap3A_1129 = vector.shape_cast %swap3A_1128 : vector<1x16xf32> to vector<16xf32>
      %swap3A_1130 = vector.shape_cast %get3A_1116 : vector<16xf32> to vector<1x16xf32>
      tpu.vector_store %arg8[%swap3A_1126, %swap3A_1127], %swap3A_1130 {add = true, strides = array<i32>} : memref<128x128xf32, #tpu.memory_space<vmem>>, vector<1x16xf32>,
      %get3A_1131 = arith.index_cast %scan3A_1058 : i32 to index
      %get3A_1132 = arith.constant 64 : index
      %get3A_1133 = tpu.vector_load %arg7[%get3A_1131, %get3A_1132] {strides = array<i32>} : memref<64x128xf32, #tpu.memory_space<vmem>>, vector<1x16xf32>,
      %get3A_1134 = vector.shape_cast %get3A_1133 : vector<1x16xf32> to vector<16xf32>
      %add3A_1135 = arith.constant 0 : i32
      %add3A_1136 = arith.addi %add3A_1135, %scan3A_1058 : i32
      %swap3A_1137 = arith.index_cast %add3A_1136 : i32 to index
      %swap3A_1138 = arith.constant 64 : index
      %swap3A_1139 = tpu.vector_load %arg8[%swap3A_1137, %swap3A_1138] {strides = array<i32>} : memref<128x128xf32, #tpu.memory_space<vmem>>, vector<1x16xf32>,
      %swap3A_1140 = vector.shape_cast %swap3A_1139 : vector<1x16xf32> to vector<16xf32>
      %swap3A_1141 = vector.shape_cast %get3A_1134 : vector<16xf32> to vector<1x16xf32>
      tpu.vector_store %arg8[%swap3A_1137, %swap3A_1138], %swap3A_1141 {add = true, strides = array<i32>} : memref<128x128xf32, #tpu.memory_space<vmem>>, vector<1x16xf32>,
      %add3A_1142 = arith.constant 64 : i32
      %add3A_1143 = arith.addi %add3A_1142, %scan3A_1058 : i32
      %swap3A_1144 = arith.index_cast %add3A_1143 : i32 to index
      %swap3A_1145 = arith.constant 64 : index
      %swap3A_1146 = tpu.vector_load %arg8[%swap3A_1144, %swap3A_1145] {strides = array<i32>} : memref<128x128xf32, #tpu.memory_space<vmem>>, vector<1x16xf32>,
      %swap3A_1147 = vector.shape_cast %swap3A_1146 : vector<1x16xf32> to vector<16xf32>
      %swap3A_1148 = vector.shape_cast %get3A_1134 : vector<16xf32> to vector<1x16xf32>
      tpu.vector_store %arg8[%swap3A_1144, %swap3A_1145], %swap3A_1148 {add = true, strides = array<i32>} : memref<128x128xf32, #tpu.memory_space<vmem>>, vector<1x16xf32>,
      %get3A_1149 = arith.index_cast %scan3A_1058 : i32 to index
      %get3A_1150 = arith.constant 80 : index
      %get3A_1151 = tpu.vector_load %arg7[%get3A_1149, %get3A_1150] {strides = array<i32>} : memref<64x128xf32, #tpu.memory_space<vmem>>, vector<1x16xf32>,
      %get3A_1152 = vector.shape_cast %get3A_1151 : vector<1x16xf32> to vector<16xf32>
      %add3A_1153 = arith.constant 0 : i32
      %add3A_1154 = arith.addi %add3A_1153, %scan3A_1058 : i32
      %swap3A_1155 = arith.index_cast %add3A_1154 : i32 to index
      %swap3A_1156 = arith.constant 80 : index
      %swap3A_1157 = tpu.vector_load %arg8[%swap3A_1155, %swap3A_1156] {strides = array<i32>} : memref<128x128xf32, #tpu.memory_space<vmem>>, vector<1x16xf32>,
      %swap3A_1158 = vector.shape_cast %swap3A_1157 : vector<1x16xf32> to vector<16xf32>
      %swap3A_1159 = vector.shape_cast %get3A_1152 : vector<16xf32> to vector<1x16xf32>
      tpu.vector_store %arg8[%swap3A_1155, %swap3A_1156], %swap3A_1159 {add = true, strides = array<i32>} : memref<128x128xf32, #tpu.memory_space<vmem>>, vector<1x16xf32>,
      %add3A_1160 = arith.constant 64 : i32
      %add3A_1161 = arith.addi %add3A_1160, %scan3A_1058 : i32
      %swap3A_1162 = arith.index_cast %add3A_1161 : i32 to index
      %swap3A_1163 = arith.constant 80 : index
      %swap3A_1164 = tpu.vector_load %arg8[%swap3A_1162, %swap3A_1163] {strides = array<i32>} : memref<128x128xf32, #tpu.memory_space<vmem>>, vector<1x16xf32>,
      %swap3A_1165 = vector.shape_cast %swap3A_1164 : vector<1x16xf32> to vector<16xf32>
      %swap3A_1166 = vector.shape_cast %get3A_1152 : vector<16xf32> to vector<1x16xf32>
      tpu.vector_store %arg8[%swap3A_1162, %swap3A_1163], %swap3A_1166 {add = true, strides = array<i32>} : memref<128x128xf32, #tpu.memory_space<vmem>>, vector<1x16xf32>,
      %get3A_1167 = arith.index_cast %scan3A_1058 : i32 to index
      %get3A_1168 = arith.constant 96 : index
      %get3A_1169 = tpu.vector_load %arg7[%get3A_1167, %get3A_1168] {strides = array<i32>} : memref<64x128xf32, #tpu.memory_space<vmem>>, vector<1x16xf32>,
      %get3A_1170 = vector.shape_cast %get3A_1169 : vector<1x16xf32> to vector<16xf32>
      %add3A_1171 = arith.constant 0 : i32
      %add3A_1172 = arith.addi %add3A_1171, %scan3A_1058 : i32
      %swap3A_1173 = arith.index_cast %add3A_1172 : i32 to index
      %swap3A_1174 = arith.constant 96 : index
      %swap3A_1175 = tpu.vector_load %arg8[%swap3A_1173, %swap3A_1174] {strides = array<i32>} : memref<128x128xf32, #tpu.memory_space<vmem>>, vector<1x16xf32>,
      %swap3A_1176 = vector.shape_cast %swap3A_1175 : vector<1x16xf32> to vector<16xf32>
      %swap3A_1177 = vector.shape_cast %get3A_1170 : vector<16xf32> to vector<1x16xf32>
      tpu.vector_store %arg8[%swap3A_1173, %swap3A_1174], %swap3A_1177 {add = true, strides = array<i32>} : memref<128x128xf32, #tpu.memory_space<vmem>>, vector<1x16xf32>,
      %add3A_1178 = arith.constant 64 : i32
      %add3A_1179 = arith.addi %add3A_1178, %scan3A_1058 : i32
      %swap3A_1180 = arith.index_cast %add3A_1179 : i32 to index
      %swap3A_1181 = arith.constant 96 : index
      %swap3A_1182 = tpu.vector_load %arg8[%swap3A_1180, %swap3A_1181] {strides = array<i32>} : memref<128x128xf32, #tpu.memory_space<vmem>>, vector<1x16xf32>,
      %swap3A_1183 = vector.shape_cast %swap3A_1182 : vector<1x16xf32> to vector<16xf32>
      %swap3A_1184 = vector.shape_cast %get3A_1170 : vector<16xf32> to vector<1x16xf32>
      tpu.vector_store %arg8[%swap3A_1180, %swap3A_1181], %swap3A_1184 {add = true, strides = array<i32>} : memref<128x128xf32, #tpu.memory_space<vmem>>, vector<1x16xf32>,
      %get3A_1185 = arith.index_cast %scan3A_1058 : i32 to index
      %get3A_1186 = arith.constant 112 : index
      %get3A_1187 = tpu.vector_load %arg7[%get3A_1185, %get3A_1186] {strides = array<i32>} : memref<64x128xf32, #tpu.memory_space<vmem>>, vector<1x16xf32>,
      %get3A_1188 = vector.shape_cast %get3A_1187 : vector<1x16xf32> to vector<16xf32>
      %add3A_1189 = arith.constant 0 : i32
      %add3A_1190 = arith.addi %add3A_1189, %scan3A_1058 : i32
      %swap3A_1191 = arith.index_cast %add3A_1190 : i32 to index
      %swap3A_1192 = arith.constant 112 : index
      %swap3A_1193 = tpu.vector_load %arg8[%swap3A_1191, %swap3A_1192] {strides = array<i32>} : memref<128x128xf32, #tpu.memory_space<vmem>>, vector<1x16xf32>,
      %swap3A_1194 = vector.shape_cast %swap3A_1193 : vector<1x16xf32> to vector<16xf32>
      %swap3A_1195 = vector.shape_cast %get3A_1188 : vector<16xf32> to vector<1x16xf32>
      tpu.vector_store %arg8[%swap3A_1191, %swap3A_1192], %swap3A_1195 {add = true, strides = array<i32>} : memref<128x128xf32, #tpu.memory_space<vmem>>, vector<1x16xf32>,
      %add3A_1196 = arith.constant 64 : i32
      %add3A_1197 = arith.addi %add3A_1196, %scan3A_1058 : i32
      %swap3A_1198 = arith.index_cast %add3A_1197 : i32 to index
      %swap3A_1199 = arith.constant 112 : index
      %swap3A_1200 = tpu.vector_load %arg8[%swap3A_1198, %swap3A_1199] {strides = array<i32>} : memref<128x128xf32, #tpu.memory_space<vmem>>, vector<1x16xf32>,
      %swap3A_1201 = vector.shape_cast %swap3A_1200 : vector<1x16xf32> to vector<16xf32>
      %swap3A_1202 = vector.shape_cast %get3A_1188 : vector<16xf32> to vector<1x16xf32>
      tpu.vector_store %arg8[%swap3A_1198, %swap3A_1199], %swap3A_1202 {add = true, strides = array<i32>} : memref<128x128xf32, #tpu.memory_space<vmem>>, vector<1x16xf32>,
      %scan3A_1203 = arith.constant 0 : i32
      scf.yield %scan3A_1203 : i32
    }
    %scan3A_368 = arith.constant 64 : i32
    %add3A_369 = arith.constant 0 : i32
    %add3A_370 = arith.addi %add3A_369, %mul3A_2 : i32
    %dma_start3A_371 = arith.constant 0 : i32
    %dma_start3A_372 = arith.constant 0 : i32
    %dma_start3A_373 = tpu.memref_slice %arg8[%dma_start3A_371, %dma_start3A_372] : memref<128x128xf32, #tpu.memory_space<vmem>> -> memref<64x128xf32, #tpu.memory_space<vmem>>
    %dma_start3A_374 = arith.constant 0 : i32
    %dma_start3A_375 = tpu.memref_slice %arg5[%add3A_370, %dma_start3A_374] : memref<32768x128xf32, #tpu.memory_space<hbm>> -> memref<64x128xf32, #tpu.memory_space<hbm>>
    %dma_start3A_376 = arith.constant 0 : i32
    %dma_start3A_377 = tpu.memref_slice %arg5[%add3A_370, %dma_start3A_376] : memref<32768x128xf32, #tpu.memory_space<hbm>> -> memref<64x128xf32, #tpu.memory_space<hbm>>
    %dma_start3A_378 = arith.constant 0 : i32
    %dma_start3A_379 = arith.constant 0 : i32
    %dma_start3A_380 = tpu.memref_slice %arg8[%dma_start3A_378, %dma_start3A_379] : memref<128x128xf32, #tpu.memory_space<vmem>> -> memref<64x128xf32, #tpu.memory_space<vmem>>
    tpu.enqueue_dma source(%dma_start3A_380 : memref<64x128xf32, #tpu.memory_space<vmem>>) target(%dma_start3A_377 : memref<64x128xf32, #tpu.memory_space<hbm>>) target_semaphore(%arg20 : memref<!tpu.dma_semaphore, #tpu.memory_space<semaphore_mem>>)
    %add3A_381 = arith.constant 2048 : i32
    %add3A_382 = arith.addi %add3A_381, %mul3A_2 : i32
    %dma_start3A_383 = arith.constant 64 : i32
    %dma_start3A_384 = arith.constant 0 : i32
    %dma_start3A_385 = tpu.memref_slice %arg8[%dma_start3A_383, %dma_start3A_384] : memref<128x128xf32, #tpu.memory_space<vmem>> -> memref<64x128xf32, #tpu.memory_space<vmem>>
    %dma_start3A_386 = arith.constant 0 : i32
    %dma_start3A_387 = tpu.memref_slice %arg5[%add3A_382, %dma_start3A_386] : memref<32768x128xf32, #tpu.memory_space<hbm>> -> memref<64x128xf32, #tpu.memory_space<hbm>>
    %dma_start3A_388 = arith.constant 0 : i32
    %dma_start3A_389 = tpu.memref_slice %arg5[%add3A_382, %dma_start3A_388] : memref<32768x128xf32, #tpu.memory_space<hbm>> -> memref<64x128xf32, #tpu.memory_space<hbm>>
    %dma_start3A_390 = arith.constant 64 : i32
    %dma_start3A_391 = arith.constant 0 : i32
    %dma_start3A_392 = tpu.memref_slice %arg8[%dma_start3A_390, %dma_start3A_391] : memref<128x128xf32, #tpu.memory_space<vmem>> -> memref<64x128xf32, #tpu.memory_space<vmem>>
    tpu.enqueue_dma source(%dma_start3A_392 : memref<64x128xf32, #tpu.memory_space<vmem>>) target(%dma_start3A_389 : memref<64x128xf32, #tpu.memory_space<hbm>>) target_semaphore(%arg20 : memref<!tpu.dma_semaphore, #tpu.memory_space<semaphore_mem>>)
    %dma_wait3A_393 = arith.constant 10 : i32
    %dma_wait3A_394 = arith.constant 5 : i32
    %dma_wait3A_395 = arith.constant 0 : i32
    %dma_wait3A_396 = tpu.memref_slice %arg6[%dma_wait3A_394, %dma_wait3A_395] : memref<8x128xi32, #tpu.memory_space<vmem>> -> memref<1x64xi32, #tpu.memory_space<vmem>>
    %dma_wait3A_397 = tpu.memref_squeeze %dma_wait3A_396 : memref<1x64xi32, #tpu.memory_space<vmem>> -> memref<64xi32, #tpu.memory_space<vmem>>
    %dma_wait3A_398 = tpu.memref_slice %arg2[%dma_wait3A_393, %mul3A_2] : memref<16x2048xi32, #tpu.memory_space<hbm>> -> memref<1x64xi32, #tpu.memory_space<hbm>>
    %dma_wait3A_399 = tpu.memref_squeeze %dma_wait3A_398 : memref<1x64xi32, #tpu.memory_space<hbm>> -> memref<64xi32, #tpu.memory_space<hbm>>
    %dma_wait3A_400 = arith.constant 0 : i32
    %dma_wait3A_401 = tpu.memref_slice %arg6[%dma_wait3A_394, %dma_wait3A_400] : memref<8x128xi32, #tpu.memory_space<vmem>> -> memref<1x64xi32, #tpu.memory_space<vmem>>
    %dma_wait3A_402 = tpu.memref_squeeze %dma_wait3A_401 : memref<1x64xi32, #tpu.memory_space<vmem>> -> memref<64xi32, #tpu.memory_space<vmem>>
    %dma_wait3A_403 = tpu.memref_slice %arg2[%dma_wait3A_393, %mul3A_2] : memref<16x2048xi32, #tpu.memory_space<hbm>> -> memref<1x64xi32, #tpu.memory_space<hbm>>
    %dma_wait3A_404 = tpu.memref_squeeze %dma_wait3A_403 : memref<1x64xi32, #tpu.memory_space<hbm>> -> memref<64xi32, #tpu.memory_space<hbm>>
    tpu.wait_dma2 semaphore(%arg27 : memref<!tpu.dma_semaphore, #tpu.memory_space<semaphore_mem>>) src(%dma_wait3A_404 : memref<64xi32, #tpu.memory_space<hbm>>) dst(%dma_wait3A_402 : memref<64xi32, #tpu.memory_space<vmem>>)
    %dma_wait3A_405 = arith.constant 11 : i32
    %dma_wait3A_406 = arith.constant 5 : i32
    %dma_wait3A_407 = arith.constant 64 : i32
    %dma_wait3A_408 = tpu.memref_slice %arg6[%dma_wait3A_406, %dma_wait3A_407] : memref<8x128xi32, #tpu.memory_space<vmem>> -> memref<1x64xi32, #tpu.memory_space<vmem>>
    %dma_wait3A_409 = tpu.memref_squeeze %dma_wait3A_408 : memref<1x64xi32, #tpu.memory_space<vmem>> -> memref<64xi32, #tpu.memory_space<vmem>>
    %dma_wait3A_410 = tpu.memref_slice %arg2[%dma_wait3A_405, %mul3A_2] : memref<16x2048xi32, #tpu.memory_space<hbm>> -> memref<1x64xi32, #tpu.memory_space<hbm>>
    %dma_wait3A_411 = tpu.memref_squeeze %dma_wait3A_410 : memref<1x64xi32, #tpu.memory_space<hbm>> -> memref<64xi32, #tpu.memory_space<hbm>>
    %dma_wait3A_412 = arith.constant 64 : i32
    %dma_wait3A_413 = tpu.memref_slice %arg6[%dma_wait3A_406, %dma_wait3A_412] : memref<8x128xi32, #tpu.memory_space<vmem>> -> memref<1x64xi32, #tpu.memory_space<vmem>>
    %dma_wait3A_414 = tpu.memref_squeeze %dma_wait3A_413 : memref<1x64xi32, #tpu.memory_space<vmem>> -> memref<64xi32, #tpu.memory_space<vmem>>
    %dma_wait3A_415 = tpu.memref_slice %arg2[%dma_wait3A_405, %mul3A_2] : memref<16x2048xi32, #tpu.memory_space<hbm>> -> memref<1x64xi32, #tpu.memory_space<hbm>>
    %dma_wait3A_416 = tpu.memref_squeeze %dma_wait3A_415 : memref<1x64xi32, #tpu.memory_space<hbm>> -> memref<64xi32, #tpu.memory_space<hbm>>
    tpu.wait_dma2 semaphore(%arg27 : memref<!tpu.dma_semaphore, #tpu.memory_space<semaphore_mem>>) src(%dma_wait3A_416 : memref<64xi32, #tpu.memory_space<hbm>>) dst(%dma_wait3A_414 : memref<64xi32, #tpu.memory_space<vmem>>)
    %dma_start3A_417 = arith.constant 5 : i32
    %dma_start3A_418 = arith.constant 0 : i32
    %dma_start3A_419 = tpu.memref_slice %arg6[%dma_start3A_417, %dma_start3A_418] : memref<8x128xi32, #tpu.memory_space<vmem>> -> memref<1x128xi32, #tpu.memory_space<vmem>>
    %dma_start3A_420 = tpu.memref_squeeze %dma_start3A_419 : memref<1x128xi32, #tpu.memory_space<vmem>> -> memref<128xi32, #tpu.memory_space<vmem>>
    %dma_start3A_421 = arith.constant 0 : i32
    %dma_start3A_422 = arith.constant 0 : i32
    %dma_start3A_423 = tpu.memref_slice %arg3[%dma_start3A_421, %dma_start3A_422] : memref<100000x128xf32, #tpu.memory_space<hbm>> -> memref<100000x128xf32, #tpu.memory_space<hbm>>
    tpu.enqueue_indirect_dma source(%dma_start3A_423 : memref<100000x128xf32, #tpu.memory_space<hbm>>) target(%arg13 : memref<128x128xf32, #tpu.memory_space<vmem>>) offsets(%dma_start3A_420 : memref<128xi32, #tpu.memory_space<vmem>>) semaphore(%arg19 : memref<!tpu.dma_semaphore, #tpu.memory_space<semaphore_mem>>)
    %dma_wait3A_424 = arith.constant 1 : i32
    %dma_wait3A_425 = arith.constant 0 : i32
    %dma_wait3A_426 = tpu.memref_slice %arg6[%dma_wait3A_424, %dma_wait3A_425] : memref<8x128xi32, #tpu.memory_space<vmem>> -> memref<1x128xi32, #tpu.memory_space<vmem>>
    %dma_wait3A_427 = tpu.memref_squeeze %dma_wait3A_426 : memref<1x128xi32, #tpu.memory_space<vmem>> -> memref<128xi32, #tpu.memory_space<vmem>>
    %dma_wait3A_428 = arith.constant 0 : i32
    %dma_wait3A_429 = arith.constant 0 : i32
    %dma_wait3A_430 = tpu.memref_slice %arg3[%dma_wait3A_428, %dma_wait3A_429] : memref<100000x128xf32, #tpu.memory_space<hbm>> -> memref<100000x128xf32, #tpu.memory_space<hbm>>
    tpu.wait_indirect_dma semaphore(%arg15 : memref<!tpu.dma_semaphore, #tpu.memory_space<semaphore_mem>>) src(%dma_wait3A_430 : memref<100000x128xf32, #tpu.memory_space<hbm>>) dst(%arg9 : memref<128x128xf32, #tpu.memory_space<vmem>>)
    %scan3A_431 = arith.constant 0 : i32
    %scan3A_432 = arith.constant 0 : i32
    %scan3A_433 = arith.constant 64 : i32
    %scan3A_434 = arith.addi %scan3A_432, %scan3A_433 : i32
    %scan3A_435 = arith.constant 2 : i32
    %scan3A_436 = scf.for %scan3A_912 = %scan3A_432 to %scan3A_434 step %scan3A_435 iter_args(%scan3A_913 = %scan3A_431) -> (i32)  : i32 {
      %get3A = arith.index_cast %scan3A_912 : i32 to index
      %get3A_914 = arith.constant 0 : index
      %get3A_915 = tpu.vector_load %arg7[%get3A, %get3A_914] {strides = array<i32>} : memref<64x128xf32, #tpu.memory_space<vmem>>, vector<1x16xf32>,
      %get3A_916 = vector.shape_cast %get3A_915 : vector<1x16xf32> to vector<16xf32>
      %add3A_917 = arith.constant 0 : i32
      %add3A_918 = arith.addi %add3A_917, %scan3A_912 : i32
      %swap3A = arith.index_cast %add3A_918 : i32 to index
      %swap3A_919 = arith.constant 0 : index
      %swap3A_920 = tpu.vector_load %arg9[%swap3A, %swap3A_919] {strides = array<i32>} : memref<128x128xf32, #tpu.memory_space<vmem>>, vector<1x16xf32>,
      %swap3A_921 = vector.shape_cast %swap3A_920 : vector<1x16xf32> to vector<16xf32>
      %swap3A_922 = vector.shape_cast %get3A_916 : vector<16xf32> to vector<1x16xf32>
      tpu.vector_store %arg9[%swap3A, %swap3A_919], %swap3A_922 {add = true, strides = array<i32>} : memref<128x128xf32, #tpu.memory_space<vmem>>, vector<1x16xf32>,
      %add3A_923 = arith.constant 64 : i32
      %add3A_924 = arith.addi %add3A_923, %scan3A_912 : i32
      %swap3A_925 = arith.index_cast %add3A_924 : i32 to index
      %swap3A_926 = arith.constant 0 : index
      %swap3A_927 = tpu.vector_load %arg9[%swap3A_925, %swap3A_926] {strides = array<i32>} : memref<128x128xf32, #tpu.memory_space<vmem>>, vector<1x16xf32>,
      %swap3A_928 = vector.shape_cast %swap3A_927 : vector<1x16xf32> to vector<16xf32>
      %swap3A_929 = vector.shape_cast %get3A_916 : vector<16xf32> to vector<1x16xf32>
      tpu.vector_store %arg9[%swap3A_925, %swap3A_926], %swap3A_929 {add = true, strides = array<i32>} : memref<128x128xf32, #tpu.memory_space<vmem>>, vector<1x16xf32>,
      %get3A_930 = arith.index_cast %scan3A_912 : i32 to index
      %get3A_931 = arith.constant 16 : index
      %get3A_932 = tpu.vector_load %arg7[%get3A_930, %get3A_931] {strides = array<i32>} : memref<64x128xf32, #tpu.memory_space<vmem>>, vector<1x16xf32>,
      %get3A_933 = vector.shape_cast %get3A_932 : vector<1x16xf32> to vector<16xf32>
      %add3A_934 = arith.constant 0 : i32
      %add3A_935 = arith.addi %add3A_934, %scan3A_912 : i32
      %swap3A_936 = arith.index_cast %add3A_935 : i32 to index
      %swap3A_937 = arith.constant 16 : index
      %swap3A_938 = tpu.vector_load %arg9[%swap3A_936, %swap3A_937] {strides = array<i32>} : memref<128x128xf32, #tpu.memory_space<vmem>>, vector<1x16xf32>,
      %swap3A_939 = vector.shape_cast %swap3A_938 : vector<1x16xf32> to vector<16xf32>
      %swap3A_940 = vector.shape_cast %get3A_933 : vector<16xf32> to vector<1x16xf32>
      tpu.vector_store %arg9[%swap3A_936, %swap3A_937], %swap3A_940 {add = true, strides = array<i32>} : memref<128x128xf32, #tpu.memory_space<vmem>>, vector<1x16xf32>,
      %add3A_941 = arith.constant 64 : i32
      %add3A_942 = arith.addi %add3A_941, %scan3A_912 : i32
      %swap3A_943 = arith.index_cast %add3A_942 : i32 to index
      %swap3A_944 = arith.constant 16 : index
      %swap3A_945 = tpu.vector_load %arg9[%swap3A_943, %swap3A_944] {strides = array<i32>} : memref<128x128xf32, #tpu.memory_space<vmem>>, vector<1x16xf32>,
      %swap3A_946 = vector.shape_cast %swap3A_945 : vector<1x16xf32> to vector<16xf32>
      %swap3A_947 = vector.shape_cast %get3A_933 : vector<16xf32> to vector<1x16xf32>
      tpu.vector_store %arg9[%swap3A_943, %swap3A_944], %swap3A_947 {add = true, strides = array<i32>} : memref<128x128xf32, #tpu.memory_space<vmem>>, vector<1x16xf32>,
      %get3A_948 = arith.index_cast %scan3A_912 : i32 to index
      %get3A_949 = arith.constant 32 : index
      %get3A_950 = tpu.vector_load %arg7[%get3A_948, %get3A_949] {strides = array<i32>} : memref<64x128xf32, #tpu.memory_space<vmem>>, vector<1x16xf32>,
      %get3A_951 = vector.shape_cast %get3A_950 : vector<1x16xf32> to vector<16xf32>
      %add3A_952 = arith.constant 0 : i32
      %add3A_953 = arith.addi %add3A_952, %scan3A_912 : i32
      %swap3A_954 = arith.index_cast %add3A_953 : i32 to index
      %swap3A_955 = arith.constant 32 : index
      %swap3A_956 = tpu.vector_load %arg9[%swap3A_954, %swap3A_955] {strides = array<i32>} : memref<128x128xf32, #tpu.memory_space<vmem>>, vector<1x16xf32>,
      %swap3A_957 = vector.shape_cast %swap3A_956 : vector<1x16xf32> to vector<16xf32>
      %swap3A_958 = vector.shape_cast %get3A_951 : vector<16xf32> to vector<1x16xf32>
      tpu.vector_store %arg9[%swap3A_954, %swap3A_955], %swap3A_958 {add = true, strides = array<i32>} : memref<128x128xf32, #tpu.memory_space<vmem>>, vector<1x16xf32>,
      %add3A_959 = arith.constant 64 : i32
      %add3A_960 = arith.addi %add3A_959, %scan3A_912 : i32
      %swap3A_961 = arith.index_cast %add3A_960 : i32 to index
      %swap3A_962 = arith.constant 32 : index
      %swap3A_963 = tpu.vector_load %arg9[%swap3A_961, %swap3A_962] {strides = array<i32>} : memref<128x128xf32, #tpu.memory_space<vmem>>, vector<1x16xf32>,
      %swap3A_964 = vector.shape_cast %swap3A_963 : vector<1x16xf32> to vector<16xf32>
      %swap3A_965 = vector.shape_cast %get3A_951 : vector<16xf32> to vector<1x16xf32>
      tpu.vector_store %arg9[%swap3A_961, %swap3A_962], %swap3A_965 {add = true, strides = array<i32>} : memref<128x128xf32, #tpu.memory_space<vmem>>, vector<1x16xf32>,
      %get3A_966 = arith.index_cast %scan3A_912 : i32 to index
      %get3A_967 = arith.constant 48 : index
      %get3A_968 = tpu.vector_load %arg7[%get3A_966, %get3A_967] {strides = array<i32>} : memref<64x128xf32, #tpu.memory_space<vmem>>, vector<1x16xf32>,
      %get3A_969 = vector.shape_cast %get3A_968 : vector<1x16xf32> to vector<16xf32>
      %add3A_970 = arith.constant 0 : i32
      %add3A_971 = arith.addi %add3A_970, %scan3A_912 : i32
      %swap3A_972 = arith.index_cast %add3A_971 : i32 to index
      %swap3A_973 = arith.constant 48 : index
      %swap3A_974 = tpu.vector_load %arg9[%swap3A_972, %swap3A_973] {strides = array<i32>} : memref<128x128xf32, #tpu.memory_space<vmem>>, vector<1x16xf32>,
      %swap3A_975 = vector.shape_cast %swap3A_974 : vector<1x16xf32> to vector<16xf32>
      %swap3A_976 = vector.shape_cast %get3A_969 : vector<16xf32> to vector<1x16xf32>
      tpu.vector_store %arg9[%swap3A_972, %swap3A_973], %swap3A_976 {add = true, strides = array<i32>} : memref<128x128xf32, #tpu.memory_space<vmem>>, vector<1x16xf32>,
      %add3A_977 = arith.constant 64 : i32
      %add3A_978 = arith.addi %add3A_977, %scan3A_912 : i32
      %swap3A_979 = arith.index_cast %add3A_978 : i32 to index
      %swap3A_980 = arith.constant 48 : index
      %swap3A_981 = tpu.vector_load %arg9[%swap3A_979, %swap3A_980] {strides = array<i32>} : memref<128x128xf32, #tpu.memory_space<vmem>>, vector<1x16xf32>,
      %swap3A_982 = vector.shape_cast %swap3A_981 : vector<1x16xf32> to vector<16xf32>
      %swap3A_983 = vector.shape_cast %get3A_969 : vector<16xf32> to vector<1x16xf32>
      tpu.vector_store %arg9[%swap3A_979, %swap3A_980], %swap3A_983 {add = true, strides = array<i32>} : memref<128x128xf32, #tpu.memory_space<vmem>>, vector<1x16xf32>,
      %get3A_984 = arith.index_cast %scan3A_912 : i32 to index
      %get3A_985 = arith.constant 64 : index
      %get3A_986 = tpu.vector_load %arg7[%get3A_984, %get3A_985] {strides = array<i32>} : memref<64x128xf32, #tpu.memory_space<vmem>>, vector<1x16xf32>,
      %get3A_987 = vector.shape_cast %get3A_986 : vector<1x16xf32> to vector<16xf32>
      %add3A_988 = arith.constant 0 : i32
      %add3A_989 = arith.addi %add3A_988, %scan3A_912 : i32
      %swap3A_990 = arith.index_cast %add3A_989 : i32 to index
      %swap3A_991 = arith.constant 64 : index
      %swap3A_992 = tpu.vector_load %arg9[%swap3A_990, %swap3A_991] {strides = array<i32>} : memref<128x128xf32, #tpu.memory_space<vmem>>, vector<1x16xf32>,
      %swap3A_993 = vector.shape_cast %swap3A_992 : vector<1x16xf32> to vector<16xf32>
      %swap3A_994 = vector.shape_cast %get3A_987 : vector<16xf32> to vector<1x16xf32>
      tpu.vector_store %arg9[%swap3A_990, %swap3A_991], %swap3A_994 {add = true, strides = array<i32>} : memref<128x128xf32, #tpu.memory_space<vmem>>, vector<1x16xf32>,
      %add3A_995 = arith.constant 64 : i32
      %add3A_996 = arith.addi %add3A_995, %scan3A_912 : i32
      %swap3A_997 = arith.index_cast %add3A_996 : i32 to index
      %swap3A_998 = arith.constant 64 : index
      %swap3A_999 = tpu.vector_load %arg9[%swap3A_997, %swap3A_998] {strides = array<i32>} : memref<128x128xf32, #tpu.memory_space<vmem>>, vector<1x16xf32>,
      %swap3A_1000 = vector.shape_cast %swap3A_999 : vector<1x16xf32> to vector<16xf32>
      %swap3A_1001 = vector.shape_cast %get3A_987 : vector<16xf32> to vector<1x16xf32>
      tpu.vector_store %arg9[%swap3A_997, %swap3A_998], %swap3A_1001 {add = true, strides = array<i32>} : memref<128x128xf32, #tpu.memory_space<vmem>>, vector<1x16xf32>,
      %get3A_1002 = arith.index_cast %scan3A_912 : i32 to index
      %get3A_1003 = arith.constant 80 : index
      %get3A_1004 = tpu.vector_load %arg7[%get3A_1002, %get3A_1003] {strides = array<i32>} : memref<64x128xf32, #tpu.memory_space<vmem>>, vector<1x16xf32>,
      %get3A_1005 = vector.shape_cast %get3A_1004 : vector<1x16xf32> to vector<16xf32>
      %add3A_1006 = arith.constant 0 : i32
      %add3A_1007 = arith.addi %add3A_1006, %scan3A_912 : i32
      %swap3A_1008 = arith.index_cast %add3A_1007 : i32 to index
      %swap3A_1009 = arith.constant 80 : index
      %swap3A_1010 = tpu.vector_load %arg9[%swap3A_1008, %swap3A_1009] {strides = array<i32>} : memref<128x128xf32, #tpu.memory_space<vmem>>, vector<1x16xf32>,
      %swap3A_1011 = vector.shape_cast %swap3A_1010 : vector<1x16xf32> to vector<16xf32>
      %swap3A_1012 = vector.shape_cast %get3A_1005 : vector<16xf32> to vector<1x16xf32>
      tpu.vector_store %arg9[%swap3A_1008, %swap3A_1009], %swap3A_1012 {add = true, strides = array<i32>} : memref<128x128xf32, #tpu.memory_space<vmem>>, vector<1x16xf32>,
      %add3A_1013 = arith.constant 64 : i32
      %add3A_1014 = arith.addi %add3A_1013, %scan3A_912 : i32
      %swap3A_1015 = arith.index_cast %add3A_1014 : i32 to index
      %swap3A_1016 = arith.constant 80 : index
      %swap3A_1017 = tpu.vector_load %arg9[%swap3A_1015, %swap3A_1016] {strides = array<i32>} : memref<128x128xf32, #tpu.memory_space<vmem>>, vector<1x16xf32>,
      %swap3A_1018 = vector.shape_cast %swap3A_1017 : vector<1x16xf32> to vector<16xf32>
      %swap3A_1019 = vector.shape_cast %get3A_1005 : vector<16xf32> to vector<1x16xf32>
      tpu.vector_store %arg9[%swap3A_1015, %swap3A_1016], %swap3A_1019 {add = true, strides = array<i32>} : memref<128x128xf32, #tpu.memory_space<vmem>>, vector<1x16xf32>,
      %get3A_1020 = arith.index_cast %scan3A_912 : i32 to index
      %get3A_1021 = arith.constant 96 : index
      %get3A_1022 = tpu.vector_load %arg7[%get3A_1020, %get3A_1021] {strides = array<i32>} : memref<64x128xf32, #tpu.memory_space<vmem>>, vector<1x16xf32>,
      %get3A_1023 = vector.shape_cast %get3A_1022 : vector<1x16xf32> to vector<16xf32>
      %add3A_1024 = arith.constant 0 : i32
      %add3A_1025 = arith.addi %add3A_1024, %scan3A_912 : i32
      %swap3A_1026 = arith.index_cast %add3A_1025 : i32 to index
      %swap3A_1027 = arith.constant 96 : index
      %swap3A_1028 = tpu.vector_load %arg9[%swap3A_1026, %swap3A_1027] {strides = array<i32>} : memref<128x128xf32, #tpu.memory_space<vmem>>, vector<1x16xf32>,
      %swap3A_1029 = vector.shape_cast %swap3A_1028 : vector<1x16xf32> to vector<16xf32>
      %swap3A_1030 = vector.shape_cast %get3A_1023 : vector<16xf32> to vector<1x16xf32>
      tpu.vector_store %arg9[%swap3A_1026, %swap3A_1027], %swap3A_1030 {add = true, strides = array<i32>} : memref<128x128xf32, #tpu.memory_space<vmem>>, vector<1x16xf32>,
      %add3A_1031 = arith.constant 64 : i32
      %add3A_1032 = arith.addi %add3A_1031, %scan3A_912 : i32
      %swap3A_1033 = arith.index_cast %add3A_1032 : i32 to index
      %swap3A_1034 = arith.constant 96 : index
      %swap3A_1035 = tpu.vector_load %arg9[%swap3A_1033, %swap3A_1034] {strides = array<i32>} : memref<128x128xf32, #tpu.memory_space<vmem>>, vector<1x16xf32>,
      %swap3A_1036 = vector.shape_cast %swap3A_1035 : vector<1x16xf32> to vector<16xf32>
      %swap3A_1037 = vector.shape_cast %get3A_1023 : vector<16xf32> to vector<1x16xf32>
      tpu.vector_store %arg9[%swap3A_1033, %swap3A_1034], %swap3A_1037 {add = true, strides = array<i32>} : memref<128x128xf32, #tpu.memory_space<vmem>>, vector<1x16xf32>,
      %get3A_1038 = arith.index_cast %scan3A_912 : i32 to index
      %get3A_1039 = arith.constant 112 : index
      %get3A_1040 = tpu.vector_load %arg7[%get3A_1038, %get3A_1039] {strides = array<i32>} : memref<64x128xf32, #tpu.memory_space<vmem>>, vector<1x16xf32>,
      %get3A_1041 = vector.shape_cast %get3A_1040 : vector<1x16xf32> to vector<16xf32>
      %add3A_1042 = arith.constant 0 : i32
      %add3A_1043 = arith.addi %add3A_1042, %scan3A_912 : i32
      %swap3A_1044 = arith.index_cast %add3A_1043 : i32 to index
      %swap3A_1045 = arith.constant 112 : index
      %swap3A_1046 = tpu.vector_load %arg9[%swap3A_1044, %swap3A_1045] {strides = array<i32>} : memref<128x128xf32, #tpu.memory_space<vmem>>, vector<1x16xf32>,
      %swap3A_1047 = vector.shape_cast %swap3A_1046 : vector<1x16xf32> to vector<16xf32>
      %swap3A_1048 = vector.shape_cast %get3A_1041 : vector<16xf32> to vector<1x16xf32>
      tpu.vector_store %arg9[%swap3A_1044, %swap3A_1045], %swap3A_1048 {add = true, strides = array<i32>} : memref<128x128xf32, #tpu.memory_space<vmem>>, vector<1x16xf32>,
      %add3A_1049 = arith.constant 64 : i32
      %add3A_1050 = arith.addi %add3A_1049, %scan3A_912 : i32
      %swap3A_1051 = arith.index_cast %add3A_1050 : i32 to index
      %swap3A_1052 = arith.constant 112 : index
      %swap3A_1053 = tpu.vector_load %arg9[%swap3A_1051, %swap3A_1052] {strides = array<i32>} : memref<128x128xf32, #tpu.memory_space<vmem>>, vector<1x16xf32>,
      %swap3A_1054 = vector.shape_cast %swap3A_1053 : vector<1x16xf32> to vector<16xf32>
      %swap3A_1055 = vector.shape_cast %get3A_1041 : vector<16xf32> to vector<1x16xf32>
      tpu.vector_store %arg9[%swap3A_1051, %swap3A_1052], %swap3A_1055 {add = true, strides = array<i32>} : memref<128x128xf32, #tpu.memory_space<vmem>>, vector<1x16xf32>,
      %scan3A_1056 = arith.constant 0 : i32
      %scan3A_1057 = arith.constant 1 : i32
      %scan3A_1058 = arith.addi %scan3A_912, %scan3A_1057 : i32
      %get3A_1059 = arith.index_cast %scan3A_1058 : i32 to index
      %get3A_1060 = arith.constant 0 : index
      %get3A_1061 = tpu.vector_load %arg7[%get3A_1059, %get3A_1060] {strides = array<i32>} : memref<64x128xf32, #tpu.memory_space<vmem>>, vector<1x16xf32>,
      %get3A_1062 = vector.shape_cast %get3A_1061 : vector<1x16xf32> to vector<16xf32>
      %add3A_1063 = arith.constant 0 : i32
      %add3A_1064 = arith.addi %add3A_1063, %scan3A_1058 : i32
      %swap3A_1065 = arith.index_cast %add3A_1064 : i32 to index
      %swap3A_1066 = arith.constant 0 : index
      %swap3A_1067 = tpu.vector_load %arg9[%swap3A_1065, %swap3A_1066] {strides = array<i32>} : memref<128x128xf32, #tpu.memory_space<vmem>>, vector<1x16xf32>,
      %swap3A_1068 = vector.shape_cast %swap3A_1067 : vector<1x16xf32> to vector<16xf32>
      %swap3A_1069 = vector.shape_cast %get3A_1062 : vector<16xf32> to vector<1x16xf32>
      tpu.vector_store %arg9[%swap3A_1065, %swap3A_1066], %swap3A_1069 {add = true, strides = array<i32>} : memref<128x128xf32, #tpu.memory_space<vmem>>, vector<1x16xf32>,
      %add3A_1070 = arith.constant 64 : i32
      %add3A_1071 = arith.addi %add3A_1070, %scan3A_1058 : i32
      %swap3A_1072 = arith.index_cast %add3A_1071 : i32 to index
      %swap3A_1073 = arith.constant 0 : index
      %swap3A_1074 = tpu.vector_load %arg9[%swap3A_1072, %swap3A_1073] {strides = array<i32>} : memref<128x128xf32, #tpu.memory_space<vmem>>, vector<1x16xf32>,
      %swap3A_1075 = vector.shape_cast %swap3A_1074 : vector<1x16xf32> to vector<16xf32>
      %swap3A_1076 = vector.shape_cast %get3A_1062 : vector<16xf32> to vector<1x16xf32>
      tpu.vector_store %arg9[%swap3A_1072, %swap3A_1073], %swap3A_1076 {add = true, strides = array<i32>} : memref<128x128xf32, #tpu.memory_space<vmem>>, vector<1x16xf32>,
      %get3A_1077 = arith.index_cast %scan3A_1058 : i32 to index
      %get3A_1078 = arith.constant 16 : index
      %get3A_1079 = tpu.vector_load %arg7[%get3A_1077, %get3A_1078] {strides = array<i32>} : memref<64x128xf32, #tpu.memory_space<vmem>>, vector<1x16xf32>,
      %get3A_1080 = vector.shape_cast %get3A_1079 : vector<1x16xf32> to vector<16xf32>
      %add3A_1081 = arith.constant 0 : i32
      %add3A_1082 = arith.addi %add3A_1081, %scan3A_1058 : i32
      %swap3A_1083 = arith.index_cast %add3A_1082 : i32 to index
      %swap3A_1084 = arith.constant 16 : index
      %swap3A_1085 = tpu.vector_load %arg9[%swap3A_1083, %swap3A_1084] {strides = array<i32>} : memref<128x128xf32, #tpu.memory_space<vmem>>, vector<1x16xf32>,
      %swap3A_1086 = vector.shape_cast %swap3A_1085 : vector<1x16xf32> to vector<16xf32>
      %swap3A_1087 = vector.shape_cast %get3A_1080 : vector<16xf32> to vector<1x16xf32>
      tpu.vector_store %arg9[%swap3A_1083, %swap3A_1084], %swap3A_1087 {add = true, strides = array<i32>} : memref<128x128xf32, #tpu.memory_space<vmem>>, vector<1x16xf32>,
      %add3A_1088 = arith.constant 64 : i32
      %add3A_1089 = arith.addi %add3A_1088, %scan3A_1058 : i32
      %swap3A_1090 = arith.index_cast %add3A_1089 : i32 to index
      %swap3A_1091 = arith.constant 16 : index
      %swap3A_1092 = tpu.vector_load %arg9[%swap3A_1090, %swap3A_1091] {strides = array<i32>} : memref<128x128xf32, #tpu.memory_space<vmem>>, vector<1x16xf32>,
      %swap3A_1093 = vector.shape_cast %swap3A_1092 : vector<1x16xf32> to vector<16xf32>
      %swap3A_1094 = vector.shape_cast %get3A_1080 : vector<16xf32> to vector<1x16xf32>
      tpu.vector_store %arg9[%swap3A_1090, %swap3A_1091], %swap3A_1094 {add = true, strides = array<i32>} : memref<128x128xf32, #tpu.memory_space<vmem>>, vector<1x16xf32>,
      %get3A_1095 = arith.index_cast %scan3A_1058 : i32 to index
      %get3A_1096 = arith.constant 32 : index
      %get3A_1097 = tpu.vector_load %arg7[%get3A_1095, %get3A_1096] {strides = array<i32>} : memref<64x128xf32, #tpu.memory_space<vmem>>, vector<1x16xf32>,
      %get3A_1098 = vector.shape_cast %get3A_1097 : vector<1x16xf32> to vector<16xf32>
      %add3A_1099 = arith.constant 0 : i32
      %add3A_1100 = arith.addi %add3A_1099, %scan3A_1058 : i32
      %swap3A_1101 = arith.index_cast %add3A_1100 : i32 to index
      %swap3A_1102 = arith.constant 32 : index
      %swap3A_1103 = tpu.vector_load %arg9[%swap3A_1101, %swap3A_1102] {strides = array<i32>} : memref<128x128xf32, #tpu.memory_space<vmem>>, vector<1x16xf32>,
      %swap3A_1104 = vector.shape_cast %swap3A_1103 : vector<1x16xf32> to vector<16xf32>
      %swap3A_1105 = vector.shape_cast %get3A_1098 : vector<16xf32> to vector<1x16xf32>
      tpu.vector_store %arg9[%swap3A_1101, %swap3A_1102], %swap3A_1105 {add = true, strides = array<i32>} : memref<128x128xf32, #tpu.memory_space<vmem>>, vector<1x16xf32>,
      %add3A_1106 = arith.constant 64 : i32
      %add3A_1107 = arith.addi %add3A_1106, %scan3A_1058 : i32
      %swap3A_1108 = arith.index_cast %add3A_1107 : i32 to index
      %swap3A_1109 = arith.constant 32 : index
      %swap3A_1110 = tpu.vector_load %arg9[%swap3A_1108, %swap3A_1109] {strides = array<i32>} : memref<128x128xf32, #tpu.memory_space<vmem>>, vector<1x16xf32>,
      %swap3A_1111 = vector.shape_cast %swap3A_1110 : vector<1x16xf32> to vector<16xf32>
      %swap3A_1112 = vector.shape_cast %get3A_1098 : vector<16xf32> to vector<1x16xf32>
      tpu.vector_store %arg9[%swap3A_1108, %swap3A_1109], %swap3A_1112 {add = true, strides = array<i32>} : memref<128x128xf32, #tpu.memory_space<vmem>>, vector<1x16xf32>,
      %get3A_1113 = arith.index_cast %scan3A_1058 : i32 to index
      %get3A_1114 = arith.constant 48 : index
      %get3A_1115 = tpu.vector_load %arg7[%get3A_1113, %get3A_1114] {strides = array<i32>} : memref<64x128xf32, #tpu.memory_space<vmem>>, vector<1x16xf32>,
      %get3A_1116 = vector.shape_cast %get3A_1115 : vector<1x16xf32> to vector<16xf32>
      %add3A_1117 = arith.constant 0 : i32
      %add3A_1118 = arith.addi %add3A_1117, %scan3A_1058 : i32
      %swap3A_1119 = arith.index_cast %add3A_1118 : i32 to index
      %swap3A_1120 = arith.constant 48 : index
      %swap3A_1121 = tpu.vector_load %arg9[%swap3A_1119, %swap3A_1120] {strides = array<i32>} : memref<128x128xf32, #tpu.memory_space<vmem>>, vector<1x16xf32>,
      %swap3A_1122 = vector.shape_cast %swap3A_1121 : vector<1x16xf32> to vector<16xf32>
      %swap3A_1123 = vector.shape_cast %get3A_1116 : vector<16xf32> to vector<1x16xf32>
      tpu.vector_store %arg9[%swap3A_1119, %swap3A_1120], %swap3A_1123 {add = true, strides = array<i32>} : memref<128x128xf32, #tpu.memory_space<vmem>>, vector<1x16xf32>,
      %add3A_1124 = arith.constant 64 : i32
      %add3A_1125 = arith.addi %add3A_1124, %scan3A_1058 : i32
      %swap3A_1126 = arith.index_cast %add3A_1125 : i32 to index
      %swap3A_1127 = arith.constant 48 : index
      %swap3A_1128 = tpu.vector_load %arg9[%swap3A_1126, %swap3A_1127] {strides = array<i32>} : memref<128x128xf32, #tpu.memory_space<vmem>>, vector<1x16xf32>,
      %swap3A_1129 = vector.shape_cast %swap3A_1128 : vector<1x16xf32> to vector<16xf32>
      %swap3A_1130 = vector.shape_cast %get3A_1116 : vector<16xf32> to vector<1x16xf32>
      tpu.vector_store %arg9[%swap3A_1126, %swap3A_1127], %swap3A_1130 {add = true, strides = array<i32>} : memref<128x128xf32, #tpu.memory_space<vmem>>, vector<1x16xf32>,
      %get3A_1131 = arith.index_cast %scan3A_1058 : i32 to index
      %get3A_1132 = arith.constant 64 : index
      %get3A_1133 = tpu.vector_load %arg7[%get3A_1131, %get3A_1132] {strides = array<i32>} : memref<64x128xf32, #tpu.memory_space<vmem>>, vector<1x16xf32>,
      %get3A_1134 = vector.shape_cast %get3A_1133 : vector<1x16xf32> to vector<16xf32>
      %add3A_1135 = arith.constant 0 : i32
      %add3A_1136 = arith.addi %add3A_1135, %scan3A_1058 : i32
      %swap3A_1137 = arith.index_cast %add3A_1136 : i32 to index
      %swap3A_1138 = arith.constant 64 : index
      %swap3A_1139 = tpu.vector_load %arg9[%swap3A_1137, %swap3A_1138] {strides = array<i32>} : memref<128x128xf32, #tpu.memory_space<vmem>>, vector<1x16xf32>,
      %swap3A_1140 = vector.shape_cast %swap3A_1139 : vector<1x16xf32> to vector<16xf32>
      %swap3A_1141 = vector.shape_cast %get3A_1134 : vector<16xf32> to vector<1x16xf32>
      tpu.vector_store %arg9[%swap3A_1137, %swap3A_1138], %swap3A_1141 {add = true, strides = array<i32>} : memref<128x128xf32, #tpu.memory_space<vmem>>, vector<1x16xf32>,
      %add3A_1142 = arith.constant 64 : i32
      %add3A_1143 = arith.addi %add3A_1142, %scan3A_1058 : i32
      %swap3A_1144 = arith.index_cast %add3A_1143 : i32 to index
      %swap3A_1145 = arith.constant 64 : index
      %swap3A_1146 = tpu.vector_load %arg9[%swap3A_1144, %swap3A_1145] {strides = array<i32>} : memref<128x128xf32, #tpu.memory_space<vmem>>, vector<1x16xf32>,
      %swap3A_1147 = vector.shape_cast %swap3A_1146 : vector<1x16xf32> to vector<16xf32>
      %swap3A_1148 = vector.shape_cast %get3A_1134 : vector<16xf32> to vector<1x16xf32>
      tpu.vector_store %arg9[%swap3A_1144, %swap3A_1145], %swap3A_1148 {add = true, strides = array<i32>} : memref<128x128xf32, #tpu.memory_space<vmem>>, vector<1x16xf32>,
      %get3A_1149 = arith.index_cast %scan3A_1058 : i32 to index
      %get3A_1150 = arith.constant 80 : index
      %get3A_1151 = tpu.vector_load %arg7[%get3A_1149, %get3A_1150] {strides = array<i32>} : memref<64x128xf32, #tpu.memory_space<vmem>>, vector<1x16xf32>,
      %get3A_1152 = vector.shape_cast %get3A_1151 : vector<1x16xf32> to vector<16xf32>
      %add3A_1153 = arith.constant 0 : i32
      %add3A_1154 = arith.addi %add3A_1153, %scan3A_1058 : i32
      %swap3A_1155 = arith.index_cast %add3A_1154 : i32 to index
      %swap3A_1156 = arith.constant 80 : index
      %swap3A_1157 = tpu.vector_load %arg9[%swap3A_1155, %swap3A_1156] {strides = array<i32>} : memref<128x128xf32, #tpu.memory_space<vmem>>, vector<1x16xf32>,
      %swap3A_1158 = vector.shape_cast %swap3A_1157 : vector<1x16xf32> to vector<16xf32>
      %swap3A_1159 = vector.shape_cast %get3A_1152 : vector<16xf32> to vector<1x16xf32>
      tpu.vector_store %arg9[%swap3A_1155, %swap3A_1156], %swap3A_1159 {add = true, strides = array<i32>} : memref<128x128xf32, #tpu.memory_space<vmem>>, vector<1x16xf32>,
      %add3A_1160 = arith.constant 64 : i32
      %add3A_1161 = arith.addi %add3A_1160, %scan3A_1058 : i32
      %swap3A_1162 = arith.index_cast %add3A_1161 : i32 to index
      %swap3A_1163 = arith.constant 80 : index
      %swap3A_1164 = tpu.vector_load %arg9[%swap3A_1162, %swap3A_1163] {strides = array<i32>} : memref<128x128xf32, #tpu.memory_space<vmem>>, vector<1x16xf32>,
      %swap3A_1165 = vector.shape_cast %swap3A_1164 : vector<1x16xf32> to vector<16xf32>
      %swap3A_1166 = vector.shape_cast %get3A_1152 : vector<16xf32> to vector<1x16xf32>
      tpu.vector_store %arg9[%swap3A_1162, %swap3A_1163], %swap3A_1166 {add = true, strides = array<i32>} : memref<128x128xf32, #tpu.memory_space<vmem>>, vector<1x16xf32>,
      %get3A_1167 = arith.index_cast %scan3A_1058 : i32 to index
      %get3A_1168 = arith.constant 96 : index
      %get3A_1169 = tpu.vector_load %arg7[%get3A_1167, %get3A_1168] {strides = array<i32>} : memref<64x128xf32, #tpu.memory_space<vmem>>, vector<1x16xf32>,
      %get3A_1170 = vector.shape_cast %get3A_1169 : vector<1x16xf32> to vector<16xf32>
      %add3A_1171 = arith.constant 0 : i32
      %add3A_1172 = arith.addi %add3A_1171, %scan3A_1058 : i32
      %swap3A_1173 = arith.index_cast %add3A_1172 : i32 to index
      %swap3A_1174 = arith.constant 96 : index
      %swap3A_1175 = tpu.vector_load %arg9[%swap3A_1173, %swap3A_1174] {strides = array<i32>} : memref<128x128xf32, #tpu.memory_space<vmem>>, vector<1x16xf32>,
      %swap3A_1176 = vector.shape_cast %swap3A_1175 : vector<1x16xf32> to vector<16xf32>
      %swap3A_1177 = vector.shape_cast %get3A_1170 : vector<16xf32> to vector<1x16xf32>
      tpu.vector_store %arg9[%swap3A_1173, %swap3A_1174], %swap3A_1177 {add = true, strides = array<i32>} : memref<128x128xf32, #tpu.memory_space<vmem>>, vector<1x16xf32>,
      %add3A_1178 = arith.constant 64 : i32
      %add3A_1179 = arith.addi %add3A_1178, %scan3A_1058 : i32
      %swap3A_1180 = arith.index_cast %add3A_1179 : i32 to index
      %swap3A_1181 = arith.constant 96 : index
      %swap3A_1182 = tpu.vector_load %arg9[%swap3A_1180, %swap3A_1181] {strides = array<i32>} : memref<128x128xf32, #tpu.memory_space<vmem>>, vector<1x16xf32>,
      %swap3A_1183 = vector.shape_cast %swap3A_1182 : vector<1x16xf32> to vector<16xf32>
      %swap3A_1184 = vector.shape_cast %get3A_1170 : vector<16xf32> to vector<1x16xf32>
      tpu.vector_store %arg9[%swap3A_1180, %swap3A_1181], %swap3A_1184 {add = true, strides = array<i32>} : memref<128x128xf32, #tpu.memory_space<vmem>>, vector<1x16xf32>,
      %get3A_1185 = arith.index_cast %scan3A_1058 : i32 to index
      %get3A_1186 = arith.constant 112 : index
      %get3A_1187 = tpu.vector_load %arg7[%get3A_1185, %get3A_1186] {strides = array<i32>} : memref<64x128xf32, #tpu.memory_space<vmem>>, vector<1x16xf32>,
      %get3A_1188 = vector.shape_cast %get3A_1187 : vector<1x16xf32> to vector<16xf32>
      %add3A_1189 = arith.constant 0 : i32
      %add3A_1190 = arith.addi %add3A_1189, %scan3A_1058 : i32
      %swap3A_1191 = arith.index_cast %add3A_1190 : i32 to index
      %swap3A_1192 = arith.constant 112 : index
      %swap3A_1193 = tpu.vector_load %arg9[%swap3A_1191, %swap3A_1192] {strides = array<i32>} : memref<128x128xf32, #tpu.memory_space<vmem>>, vector<1x16xf32>,
      %swap3A_1194 = vector.shape_cast %swap3A_1193 : vector<1x16xf32> to vector<16xf32>
      %swap3A_1195 = vector.shape_cast %get3A_1188 : vector<16xf32> to vector<1x16xf32>
      tpu.vector_store %arg9[%swap3A_1191, %swap3A_1192], %swap3A_1195 {add = true, strides = array<i32>} : memref<128x128xf32, #tpu.memory_space<vmem>>, vector<1x16xf32>,
      %add3A_1196 = arith.constant 64 : i32
      %add3A_1197 = arith.addi %add3A_1196, %scan3A_1058 : i32
      %swap3A_1198 = arith.index_cast %add3A_1197 : i32 to index
      %swap3A_1199 = arith.constant 112 : index
      %swap3A_1200 = tpu.vector_load %arg9[%swap3A_1198, %swap3A_1199] {strides = array<i32>} : memref<128x128xf32, #tpu.memory_space<vmem>>, vector<1x16xf32>,
      %swap3A_1201 = vector.shape_cast %swap3A_1200 : vector<1x16xf32> to vector<16xf32>
      %swap3A_1202 = vector.shape_cast %get3A_1188 : vector<16xf32> to vector<1x16xf32>
      tpu.vector_store %arg9[%swap3A_1198, %swap3A_1199], %swap3A_1202 {add = true, strides = array<i32>} : memref<128x128xf32, #tpu.memory_space<vmem>>, vector<1x16xf32>,
      %scan3A_1203 = arith.constant 0 : i32
      scf.yield %scan3A_1203 : i32
    }
    %scan3A_437 = arith.constant 64 : i32
    %add3A_438 = arith.constant 4096 : i32
    %add3A_439 = arith.addi %add3A_438, %mul3A_2 : i32
    %dma_start3A_440 = arith.constant 0 : i32
    %dma_start3A_441 = arith.constant 0 : i32
    %dma_start3A_442 = tpu.memref_slice %arg9[%dma_start3A_440, %dma_start3A_441] : memref<128x128xf32, #tpu.memory_space<vmem>> -> memref<64x128xf32, #tpu.memory_space<vmem>>
    %dma_start3A_443 = arith.constant 0 : i32
    %dma_start3A_444 = tpu.memref_slice %arg5[%add3A_439, %dma_start3A_443] : memref<32768x128xf32, #tpu.memory_space<hbm>> -> memref<64x128xf32, #tpu.memory_space<hbm>>
    %dma_start3A_445 = arith.constant 0 : i32
    %dma_start3A_446 = tpu.memref_slice %arg5[%add3A_439, %dma_start3A_445] : memref<32768x128xf32, #tpu.memory_space<hbm>> -> memref<64x128xf32, #tpu.memory_space<hbm>>
    %dma_start3A_447 = arith.constant 0 : i32
    %dma_start3A_448 = arith.constant 0 : i32
    %dma_start3A_449 = tpu.memref_slice %arg9[%dma_start3A_447, %dma_start3A_448] : memref<128x128xf32, #tpu.memory_space<vmem>> -> memref<64x128xf32, #tpu.memory_space<vmem>>
    tpu.enqueue_dma source(%dma_start3A_449 : memref<64x128xf32, #tpu.memory_space<vmem>>) target(%dma_start3A_446 : memref<64x128xf32, #tpu.memory_space<hbm>>) target_semaphore(%arg21 : memref<!tpu.dma_semaphore, #tpu.memory_space<semaphore_mem>>)
    %add3A_450 = arith.constant 6144 : i32
    %add3A_451 = arith.addi %add3A_450, %mul3A_2 : i32
    %dma_start3A_452 = arith.constant 64 : i32
    %dma_start3A_453 = arith.constant 0 : i32
    %dma_start3A_454 = tpu.memref_slice %arg9[%dma_start3A_452, %dma_start3A_453] : memref<128x128xf32, #tpu.memory_space<vmem>> -> memref<64x128xf32, #tpu.memory_space<vmem>>
    %dma_start3A_455 = arith.constant 0 : i32
    %dma_start3A_456 = tpu.memref_slice %arg5[%add3A_451, %dma_start3A_455] : memref<32768x128xf32, #tpu.memory_space<hbm>> -> memref<64x128xf32, #tpu.memory_space<hbm>>
    %dma_start3A_457 = arith.constant 0 : i32
    %dma_start3A_458 = tpu.memref_slice %arg5[%add3A_451, %dma_start3A_457] : memref<32768x128xf32, #tpu.memory_space<hbm>> -> memref<64x128xf32, #tpu.memory_space<hbm>>
    %dma_start3A_459 = arith.constant 64 : i32
    %dma_start3A_460 = arith.constant 0 : i32
    %dma_start3A_461 = tpu.memref_slice %arg9[%dma_start3A_459, %dma_start3A_460] : memref<128x128xf32, #tpu.memory_space<vmem>> -> memref<64x128xf32, #tpu.memory_space<vmem>>
    tpu.enqueue_dma source(%dma_start3A_461 : memref<64x128xf32, #tpu.memory_space<vmem>>) target(%dma_start3A_458 : memref<64x128xf32, #tpu.memory_space<hbm>>) target_semaphore(%arg21 : memref<!tpu.dma_semaphore, #tpu.memory_space<semaphore_mem>>)
    %dma_wait3A_462 = arith.constant 0 : i32
    %dma_wait3A_463 = arith.constant 0 : i32
    %dma_wait3A_464 = tpu.memref_slice %arg8[%dma_wait3A_462, %dma_wait3A_463] : memref<128x128xf32, #tpu.memory_space<vmem>> -> memref<64x128xf32, #tpu.memory_space<vmem>>
    %dma_wait3A_465 = arith.constant 0 : i32
    %dma_wait3A_466 = tpu.memref_slice %arg5[%add3A_370, %dma_wait3A_465] : memref<32768x128xf32, #tpu.memory_space<hbm>> -> memref<64x128xf32, #tpu.memory_space<hbm>>
    %dma_wait3A_467 = arith.constant 0 : i32
    %dma_wait3A_468 = tpu.memref_slice %arg5[%add3A_370, %dma_wait3A_467] : memref<32768x128xf32, #tpu.memory_space<hbm>> -> memref<64x128xf32, #tpu.memory_space<hbm>>
    %dma_wait3A_469 = arith.constant 0 : i32
    %dma_wait3A_470 = arith.constant 0 : i32
    %dma_wait3A_471 = tpu.memref_slice %arg8[%dma_wait3A_469, %dma_wait3A_470] : memref<128x128xf32, #tpu.memory_space<vmem>> -> memref<64x128xf32, #tpu.memory_space<vmem>>
    tpu.wait_dma2 semaphore(%arg20 : memref<!tpu.dma_semaphore, #tpu.memory_space<semaphore_mem>>) src(%dma_wait3A_471 : memref<64x128xf32, #tpu.memory_space<vmem>>) dst(%dma_wait3A_468 : memref<64x128xf32, #tpu.memory_space<hbm>>)
    %dma_wait3A_472 = arith.constant 64 : i32
    %dma_wait3A_473 = arith.constant 0 : i32
    %dma_wait3A_474 = tpu.memref_slice %arg8[%dma_wait3A_472, %dma_wait3A_473] : memref<128x128xf32, #tpu.memory_space<vmem>> -> memref<64x128xf32, #tpu.memory_space<vmem>>
    %dma_wait3A_475 = arith.constant 0 : i32
    %dma_wait3A_476 = tpu.memref_slice %arg5[%add3A_382, %dma_wait3A_475] : memref<32768x128xf32, #tpu.memory_space<hbm>> -> memref<64x128xf32, #tpu.memory_space<hbm>>
    %dma_wait3A_477 = arith.constant 0 : i32
    %dma_wait3A_478 = tpu.memref_slice %arg5[%add3A_382, %dma_wait3A_477] : memref<32768x128xf32, #tpu.memory_space<hbm>> -> memref<64x128xf32, #tpu.memory_space<hbm>>
    %dma_wait3A_479 = arith.constant 64 : i32
    %dma_wait3A_480 = arith.constant 0 : i32
    %dma_wait3A_481 = tpu.memref_slice %arg8[%dma_wait3A_479, %dma_wait3A_480] : memref<128x128xf32, #tpu.memory_space<vmem>> -> memref<64x128xf32, #tpu.memory_space<vmem>>
    tpu.wait_dma2 semaphore(%arg20 : memref<!tpu.dma_semaphore, #tpu.memory_space<semaphore_mem>>) src(%dma_wait3A_481 : memref<64x128xf32, #tpu.memory_space<vmem>>) dst(%dma_wait3A_478 : memref<64x128xf32, #tpu.memory_space<hbm>>)
    %dma_wait3A_482 = arith.constant 12 : i32
    %dma_wait3A_483 = arith.constant 6 : i32
    %dma_wait3A_484 = arith.constant 0 : i32
    %dma_wait3A_485 = tpu.memref_slice %arg6[%dma_wait3A_483, %dma_wait3A_484] : memref<8x128xi32, #tpu.memory_space<vmem>> -> memref<1x64xi32, #tpu.memory_space<vmem>>
    %dma_wait3A_486 = tpu.memref_squeeze %dma_wait3A_485 : memref<1x64xi32, #tpu.memory_space<vmem>> -> memref<64xi32, #tpu.memory_space<vmem>>
    %dma_wait3A_487 = tpu.memref_slice %arg2[%dma_wait3A_482, %mul3A_2] : memref<16x2048xi32, #tpu.memory_space<hbm>> -> memref<1x64xi32, #tpu.memory_space<hbm>>
    %dma_wait3A_488 = tpu.memref_squeeze %dma_wait3A_487 : memref<1x64xi32, #tpu.memory_space<hbm>> -> memref<64xi32, #tpu.memory_space<hbm>>
    %dma_wait3A_489 = arith.constant 0 : i32
    %dma_wait3A_490 = tpu.memref_slice %arg6[%dma_wait3A_483, %dma_wait3A_489] : memref<8x128xi32, #tpu.memory_space<vmem>> -> memref<1x64xi32, #tpu.memory_space<vmem>>
    %dma_wait3A_491 = tpu.memref_squeeze %dma_wait3A_490 : memref<1x64xi32, #tpu.memory_space<vmem>> -> memref<64xi32, #tpu.memory_space<vmem>>
    %dma_wait3A_492 = tpu.memref_slice %arg2[%dma_wait3A_482, %mul3A_2] : memref<16x2048xi32, #tpu.memory_space<hbm>> -> memref<1x64xi32, #tpu.memory_space<hbm>>
    %dma_wait3A_493 = tpu.memref_squeeze %dma_wait3A_492 : memref<1x64xi32, #tpu.memory_space<hbm>> -> memref<64xi32, #tpu.memory_space<hbm>>
    tpu.wait_dma2 semaphore(%arg27 : memref<!tpu.dma_semaphore, #tpu.memory_space<semaphore_mem>>) src(%dma_wait3A_493 : memref<64xi32, #tpu.memory_space<hbm>>) dst(%dma_wait3A_491 : memref<64xi32, #tpu.memory_space<vmem>>)
    %dma_wait3A_494 = arith.constant 13 : i32
    %dma_wait3A_495 = arith.constant 6 : i32
    %dma_wait3A_496 = arith.constant 64 : i32
    %dma_wait3A_497 = tpu.memref_slice %arg6[%dma_wait3A_495, %dma_wait3A_496] : memref<8x128xi32, #tpu.memory_space<vmem>> -> memref<1x64xi32, #tpu.memory_space<vmem>>
    %dma_wait3A_498 = tpu.memref_squeeze %dma_wait3A_497 : memref<1x64xi32, #tpu.memory_space<vmem>> -> memref<64xi32, #tpu.memory_space<vmem>>
    %dma_wait3A_499 = tpu.memref_slice %arg2[%dma_wait3A_494, %mul3A_2] : memref<16x2048xi32, #tpu.memory_space<hbm>> -> memref<1x64xi32, #tpu.memory_space<hbm>>
    %dma_wait3A_500 = tpu.memref_squeeze %dma_wait3A_499 : memref<1x64xi32, #tpu.memory_space<hbm>> -> memref<64xi32, #tpu.memory_space<hbm>>
    %dma_wait3A_501 = arith.constant 64 : i32
    %dma_wait3A_502 = tpu.memref_slice %arg6[%dma_wait3A_495, %dma_wait3A_501] : memref<8x128xi32, #tpu.memory_space<vmem>> -> memref<1x64xi32, #tpu.memory_space<vmem>>
    %dma_wait3A_503 = tpu.memref_squeeze %dma_wait3A_502 : memref<1x64xi32, #tpu.memory_space<vmem>> -> memref<64xi32, #tpu.memory_space<vmem>>
    %dma_wait3A_504 = tpu.memref_slice %arg2[%dma_wait3A_494, %mul3A_2] : memref<16x2048xi32, #tpu.memory_space<hbm>> -> memref<1x64xi32, #tpu.memory_space<hbm>>
    %dma_wait3A_505 = tpu.memref_squeeze %dma_wait3A_504 : memref<1x64xi32, #tpu.memory_space<hbm>> -> memref<64xi32, #tpu.memory_space<hbm>>
    tpu.wait_dma2 semaphore(%arg27 : memref<!tpu.dma_semaphore, #tpu.memory_space<semaphore_mem>>) src(%dma_wait3A_505 : memref<64xi32, #tpu.memory_space<hbm>>) dst(%dma_wait3A_503 : memref<64xi32, #tpu.memory_space<vmem>>)
    %dma_start3A_506 = arith.constant 6 : i32
    %dma_start3A_507 = arith.constant 0 : i32
    %dma_start3A_508 = tpu.memref_slice %arg6[%dma_start3A_506, %dma_start3A_507] : memref<8x128xi32, #tpu.memory_space<vmem>> -> memref<1x128xi32, #tpu.memory_space<vmem>>
    %dma_start3A_509 = tpu.memref_squeeze %dma_start3A_508 : memref<1x128xi32, #tpu.memory_space<vmem>> -> memref<128xi32, #tpu.memory_space<vmem>>
    %dma_start3A_510 = arith.constant 0 : i32
    %dma_start3A_511 = arith.constant 0 : i32
    %dma_start3A_512 = tpu.memref_slice %arg3[%dma_start3A_510, %dma_start3A_511] : memref<100000x128xf32, #tpu.memory_space<hbm>> -> memref<100000x128xf32, #tpu.memory_space<hbm>>
    tpu.enqueue_indirect_dma source(%dma_start3A_512 : memref<100000x128xf32, #tpu.memory_space<hbm>>) target(%arg8 : memref<128x128xf32, #tpu.memory_space<vmem>>) offsets(%dma_start3A_509 : memref<128xi32, #tpu.memory_space<vmem>>) semaphore(%arg14 : memref<!tpu.dma_semaphore, #tpu.memory_space<semaphore_mem>>)
    %dma_wait3A_513 = arith.constant 2 : i32
    %dma_wait3A_514 = arith.constant 0 : i32
    %dma_wait3A_515 = tpu.memref_slice %arg6[%dma_wait3A_513, %dma_wait3A_514] : memref<8x128xi32, #tpu.memory_space<vmem>> -> memref<1x128xi32, #tpu.memory_space<vmem>>
    %dma_wait3A_516 = tpu.memref_squeeze %dma_wait3A_515 : memref<1x128xi32, #tpu.memory_space<vmem>> -> memref<128xi32, #tpu.memory_space<vmem>>
    %dma_wait3A_517 = arith.constant 0 : i32
    %dma_wait3A_518 = arith.constant 0 : i32
    %dma_wait3A_519 = tpu.memref_slice %arg3[%dma_wait3A_517, %dma_wait3A_518] : memref<100000x128xf32, #tpu.memory_space<hbm>> -> memref<100000x128xf32, #tpu.memory_space<hbm>>
    tpu.wait_indirect_dma semaphore(%arg16 : memref<!tpu.dma_semaphore, #tpu.memory_space<semaphore_mem>>) src(%dma_wait3A_519 : memref<100000x128xf32, #tpu.memory_space<hbm>>) dst(%arg10 : memref<128x128xf32, #tpu.memory_space<vmem>>)
    %scan3A_520 = arith.constant 0 : i32
    %scan3A_521 = arith.constant 0 : i32
    %scan3A_522 = arith.constant 64 : i32
    %scan3A_523 = arith.addi %scan3A_521, %scan3A_522 : i32
    %scan3A_524 = arith.constant 2 : i32
    %scan3A_525 = scf.for %scan3A_912 = %scan3A_521 to %scan3A_523 step %scan3A_524 iter_args(%scan3A_913 = %scan3A_520) -> (i32)  : i32 {
      %get3A = arith.index_cast %scan3A_912 : i32 to index
      %get3A_914 = arith.constant 0 : index
      %get3A_915 = tpu.vector_load %arg7[%get3A, %get3A_914] {strides = array<i32>} : memref<64x128xf32, #tpu.memory_space<vmem>>, vector<1x16xf32>,
      %get3A_916 = vector.shape_cast %get3A_915 : vector<1x16xf32> to vector<16xf32>
      %add3A_917 = arith.constant 0 : i32
      %add3A_918 = arith.addi %add3A_917, %scan3A_912 : i32
      %swap3A = arith.index_cast %add3A_918 : i32 to index
      %swap3A_919 = arith.constant 0 : index
      %swap3A_920 = tpu.vector_load %arg10[%swap3A, %swap3A_919] {strides = array<i32>} : memref<128x128xf32, #tpu.memory_space<vmem>>, vector<1x16xf32>,
      %swap3A_921 = vector.shape_cast %swap3A_920 : vector<1x16xf32> to vector<16xf32>
      %swap3A_922 = vector.shape_cast %get3A_916 : vector<16xf32> to vector<1x16xf32>
      tpu.vector_store %arg10[%swap3A, %swap3A_919], %swap3A_922 {add = true, strides = array<i32>} : memref<128x128xf32, #tpu.memory_space<vmem>>, vector<1x16xf32>,
      %add3A_923 = arith.constant 64 : i32
      %add3A_924 = arith.addi %add3A_923, %scan3A_912 : i32
      %swap3A_925 = arith.index_cast %add3A_924 : i32 to index
      %swap3A_926 = arith.constant 0 : index
      %swap3A_927 = tpu.vector_load %arg10[%swap3A_925, %swap3A_926] {strides = array<i32>} : memref<128x128xf32, #tpu.memory_space<vmem>>, vector<1x16xf32>,
      %swap3A_928 = vector.shape_cast %swap3A_927 : vector<1x16xf32> to vector<16xf32>
      %swap3A_929 = vector.shape_cast %get3A_916 : vector<16xf32> to vector<1x16xf32>
      tpu.vector_store %arg10[%swap3A_925, %swap3A_926], %swap3A_929 {add = true, strides = array<i32>} : memref<128x128xf32, #tpu.memory_space<vmem>>, vector<1x16xf32>,
      %get3A_930 = arith.index_cast %scan3A_912 : i32 to index
      %get3A_931 = arith.constant 16 : index
      %get3A_932 = tpu.vector_load %arg7[%get3A_930, %get3A_931] {strides = array<i32>} : memref<64x128xf32, #tpu.memory_space<vmem>>, vector<1x16xf32>,
      %get3A_933 = vector.shape_cast %get3A_932 : vector<1x16xf32> to vector<16xf32>
      %add3A_934 = arith.constant 0 : i32
      %add3A_935 = arith.addi %add3A_934, %scan3A_912 : i32
      %swap3A_936 = arith.index_cast %add3A_935 : i32 to index
      %swap3A_937 = arith.constant 16 : index
      %swap3A_938 = tpu.vector_load %arg10[%swap3A_936, %swap3A_937] {strides = array<i32>} : memref<128x128xf32, #tpu.memory_space<vmem>>, vector<1x16xf32>,
      %swap3A_939 = vector.shape_cast %swap3A_938 : vector<1x16xf32> to vector<16xf32>
      %swap3A_940 = vector.shape_cast %get3A_933 : vector<16xf32> to vector<1x16xf32>
      tpu.vector_store %arg10[%swap3A_936, %swap3A_937], %swap3A_940 {add = true, strides = array<i32>} : memref<128x128xf32, #tpu.memory_space<vmem>>, vector<1x16xf32>,
      %add3A_941 = arith.constant 64 : i32
      %add3A_942 = arith.addi %add3A_941, %scan3A_912 : i32
      %swap3A_943 = arith.index_cast %add3A_942 : i32 to index
      %swap3A_944 = arith.constant 16 : index
      %swap3A_945 = tpu.vector_load %arg10[%swap3A_943, %swap3A_944] {strides = array<i32>} : memref<128x128xf32, #tpu.memory_space<vmem>>, vector<1x16xf32>,
      %swap3A_946 = vector.shape_cast %swap3A_945 : vector<1x16xf32> to vector<16xf32>
      %swap3A_947 = vector.shape_cast %get3A_933 : vector<16xf32> to vector<1x16xf32>
      tpu.vector_store %arg10[%swap3A_943, %swap3A_944], %swap3A_947 {add = true, strides = array<i32>} : memref<128x128xf32, #tpu.memory_space<vmem>>, vector<1x16xf32>,
      %get3A_948 = arith.index_cast %scan3A_912 : i32 to index
      %get3A_949 = arith.constant 32 : index
      %get3A_950 = tpu.vector_load %arg7[%get3A_948, %get3A_949] {strides = array<i32>} : memref<64x128xf32, #tpu.memory_space<vmem>>, vector<1x16xf32>,
      %get3A_951 = vector.shape_cast %get3A_950 : vector<1x16xf32> to vector<16xf32>
      %add3A_952 = arith.constant 0 : i32
      %add3A_953 = arith.addi %add3A_952, %scan3A_912 : i32
      %swap3A_954 = arith.index_cast %add3A_953 : i32 to index
      %swap3A_955 = arith.constant 32 : index
      %swap3A_956 = tpu.vector_load %arg10[%swap3A_954, %swap3A_955] {strides = array<i32>} : memref<128x128xf32, #tpu.memory_space<vmem>>, vector<1x16xf32>,
      %swap3A_957 = vector.shape_cast %swap3A_956 : vector<1x16xf32> to vector<16xf32>
      %swap3A_958 = vector.shape_cast %get3A_951 : vector<16xf32> to vector<1x16xf32>
      tpu.vector_store %arg10[%swap3A_954, %swap3A_955], %swap3A_958 {add = true, strides = array<i32>} : memref<128x128xf32, #tpu.memory_space<vmem>>, vector<1x16xf32>,
      %add3A_959 = arith.constant 64 : i32
      %add3A_960 = arith.addi %add3A_959, %scan3A_912 : i32
      %swap3A_961 = arith.index_cast %add3A_960 : i32 to index
      %swap3A_962 = arith.constant 32 : index
      %swap3A_963 = tpu.vector_load %arg10[%swap3A_961, %swap3A_962] {strides = array<i32>} : memref<128x128xf32, #tpu.memory_space<vmem>>, vector<1x16xf32>,
      %swap3A_964 = vector.shape_cast %swap3A_963 : vector<1x16xf32> to vector<16xf32>
      %swap3A_965 = vector.shape_cast %get3A_951 : vector<16xf32> to vector<1x16xf32>
      tpu.vector_store %arg10[%swap3A_961, %swap3A_962], %swap3A_965 {add = true, strides = array<i32>} : memref<128x128xf32, #tpu.memory_space<vmem>>, vector<1x16xf32>,
      %get3A_966 = arith.index_cast %scan3A_912 : i32 to index
      %get3A_967 = arith.constant 48 : index
      %get3A_968 = tpu.vector_load %arg7[%get3A_966, %get3A_967] {strides = array<i32>} : memref<64x128xf32, #tpu.memory_space<vmem>>, vector<1x16xf32>,
      %get3A_969 = vector.shape_cast %get3A_968 : vector<1x16xf32> to vector<16xf32>
      %add3A_970 = arith.constant 0 : i32
      %add3A_971 = arith.addi %add3A_970, %scan3A_912 : i32
      %swap3A_972 = arith.index_cast %add3A_971 : i32 to index
      %swap3A_973 = arith.constant 48 : index
      %swap3A_974 = tpu.vector_load %arg10[%swap3A_972, %swap3A_973] {strides = array<i32>} : memref<128x128xf32, #tpu.memory_space<vmem>>, vector<1x16xf32>,
      %swap3A_975 = vector.shape_cast %swap3A_974 : vector<1x16xf32> to vector<16xf32>
      %swap3A_976 = vector.shape_cast %get3A_969 : vector<16xf32> to vector<1x16xf32>
      tpu.vector_store %arg10[%swap3A_972, %swap3A_973], %swap3A_976 {add = true, strides = array<i32>} : memref<128x128xf32, #tpu.memory_space<vmem>>, vector<1x16xf32>,
      %add3A_977 = arith.constant 64 : i32
      %add3A_978 = arith.addi %add3A_977, %scan3A_912 : i32
      %swap3A_979 = arith.index_cast %add3A_978 : i32 to index
      %swap3A_980 = arith.constant 48 : index
      %swap3A_981 = tpu.vector_load %arg10[%swap3A_979, %swap3A_980] {strides = array<i32>} : memref<128x128xf32, #tpu.memory_space<vmem>>, vector<1x16xf32>,
      %swap3A_982 = vector.shape_cast %swap3A_981 : vector<1x16xf32> to vector<16xf32>
      %swap3A_983 = vector.shape_cast %get3A_969 : vector<16xf32> to vector<1x16xf32>
      tpu.vector_store %arg10[%swap3A_979, %swap3A_980], %swap3A_983 {add = true, strides = array<i32>} : memref<128x128xf32, #tpu.memory_space<vmem>>, vector<1x16xf32>,
      %get3A_984 = arith.index_cast %scan3A_912 : i32 to index
      %get3A_985 = arith.constant 64 : index
      %get3A_986 = tpu.vector_load %arg7[%get3A_984, %get3A_985] {strides = array<i32>} : memref<64x128xf32, #tpu.memory_space<vmem>>, vector<1x16xf32>,
      %get3A_987 = vector.shape_cast %get3A_986 : vector<1x16xf32> to vector<16xf32>
      %add3A_988 = arith.constant 0 : i32
      %add3A_989 = arith.addi %add3A_988, %scan3A_912 : i32
      %swap3A_990 = arith.index_cast %add3A_989 : i32 to index
      %swap3A_991 = arith.constant 64 : index
      %swap3A_992 = tpu.vector_load %arg10[%swap3A_990, %swap3A_991] {strides = array<i32>} : memref<128x128xf32, #tpu.memory_space<vmem>>, vector<1x16xf32>,
      %swap3A_993 = vector.shape_cast %swap3A_992 : vector<1x16xf32> to vector<16xf32>
      %swap3A_994 = vector.shape_cast %get3A_987 : vector<16xf32> to vector<1x16xf32>
      tpu.vector_store %arg10[%swap3A_990, %swap3A_991], %swap3A_994 {add = true, strides = array<i32>} : memref<128x128xf32, #tpu.memory_space<vmem>>, vector<1x16xf32>,
      %add3A_995 = arith.constant 64 : i32
      %add3A_996 = arith.addi %add3A_995, %scan3A_912 : i32
      %swap3A_997 = arith.index_cast %add3A_996 : i32 to index
      %swap3A_998 = arith.constant 64 : index
      %swap3A_999 = tpu.vector_load %arg10[%swap3A_997, %swap3A_998] {strides = array<i32>} : memref<128x128xf32, #tpu.memory_space<vmem>>, vector<1x16xf32>,
      %swap3A_1000 = vector.shape_cast %swap3A_999 : vector<1x16xf32> to vector<16xf32>
      %swap3A_1001 = vector.shape_cast %get3A_987 : vector<16xf32> to vector<1x16xf32>
      tpu.vector_store %arg10[%swap3A_997, %swap3A_998], %swap3A_1001 {add = true, strides = array<i32>} : memref<128x128xf32, #tpu.memory_space<vmem>>, vector<1x16xf32>,
      %get3A_1002 = arith.index_cast %scan3A_912 : i32 to index
      %get3A_1003 = arith.constant 80 : index
      %get3A_1004 = tpu.vector_load %arg7[%get3A_1002, %get3A_1003] {strides = array<i32>} : memref<64x128xf32, #tpu.memory_space<vmem>>, vector<1x16xf32>,
      %get3A_1005 = vector.shape_cast %get3A_1004 : vector<1x16xf32> to vector<16xf32>
      %add3A_1006 = arith.constant 0 : i32
      %add3A_1007 = arith.addi %add3A_1006, %scan3A_912 : i32
      %swap3A_1008 = arith.index_cast %add3A_1007 : i32 to index
      %swap3A_1009 = arith.constant 80 : index
      %swap3A_1010 = tpu.vector_load %arg10[%swap3A_1008, %swap3A_1009] {strides = array<i32>} : memref<128x128xf32, #tpu.memory_space<vmem>>, vector<1x16xf32>,
      %swap3A_1011 = vector.shape_cast %swap3A_1010 : vector<1x16xf32> to vector<16xf32>
      %swap3A_1012 = vector.shape_cast %get3A_1005 : vector<16xf32> to vector<1x16xf32>
      tpu.vector_store %arg10[%swap3A_1008, %swap3A_1009], %swap3A_1012 {add = true, strides = array<i32>} : memref<128x128xf32, #tpu.memory_space<vmem>>, vector<1x16xf32>,
      %add3A_1013 = arith.constant 64 : i32
      %add3A_1014 = arith.addi %add3A_1013, %scan3A_912 : i32
      %swap3A_1015 = arith.index_cast %add3A_1014 : i32 to index
      %swap3A_1016 = arith.constant 80 : index
      %swap3A_1017 = tpu.vector_load %arg10[%swap3A_1015, %swap3A_1016] {strides = array<i32>} : memref<128x128xf32, #tpu.memory_space<vmem>>, vector<1x16xf32>,
      %swap3A_1018 = vector.shape_cast %swap3A_1017 : vector<1x16xf32> to vector<16xf32>
      %swap3A_1019 = vector.shape_cast %get3A_1005 : vector<16xf32> to vector<1x16xf32>
      tpu.vector_store %arg10[%swap3A_1015, %swap3A_1016], %swap3A_1019 {add = true, strides = array<i32>} : memref<128x128xf32, #tpu.memory_space<vmem>>, vector<1x16xf32>,
      %get3A_1020 = arith.index_cast %scan3A_912 : i32 to index
      %get3A_1021 = arith.constant 96 : index
      %get3A_1022 = tpu.vector_load %arg7[%get3A_1020, %get3A_1021] {strides = array<i32>} : memref<64x128xf32, #tpu.memory_space<vmem>>, vector<1x16xf32>,
      %get3A_1023 = vector.shape_cast %get3A_1022 : vector<1x16xf32> to vector<16xf32>
      %add3A_1024 = arith.constant 0 : i32
      %add3A_1025 = arith.addi %add3A_1024, %scan3A_912 : i32
      %swap3A_1026 = arith.index_cast %add3A_1025 : i32 to index
      %swap3A_1027 = arith.constant 96 : index
      %swap3A_1028 = tpu.vector_load %arg10[%swap3A_1026, %swap3A_1027] {strides = array<i32>} : memref<128x128xf32, #tpu.memory_space<vmem>>, vector<1x16xf32>,
      %swap3A_1029 = vector.shape_cast %swap3A_1028 : vector<1x16xf32> to vector<16xf32>
      %swap3A_1030 = vector.shape_cast %get3A_1023 : vector<16xf32> to vector<1x16xf32>
      tpu.vector_store %arg10[%swap3A_1026, %swap3A_1027], %swap3A_1030 {add = true, strides = array<i32>} : memref<128x128xf32, #tpu.memory_space<vmem>>, vector<1x16xf32>,
      %add3A_1031 = arith.constant 64 : i32
      %add3A_1032 = arith.addi %add3A_1031, %scan3A_912 : i32
      %swap3A_1033 = arith.index_cast %add3A_1032 : i32 to index
      %swap3A_1034 = arith.constant 96 : index
      %swap3A_1035 = tpu.vector_load %arg10[%swap3A_1033, %swap3A_1034] {strides = array<i32>} : memref<128x128xf32, #tpu.memory_space<vmem>>, vector<1x16xf32>,
      %swap3A_1036 = vector.shape_cast %swap3A_1035 : vector<1x16xf32> to vector<16xf32>
      %swap3A_1037 = vector.shape_cast %get3A_1023 : vector<16xf32> to vector<1x16xf32>
      tpu.vector_store %arg10[%swap3A_1033, %swap3A_1034], %swap3A_1037 {add = true, strides = array<i32>} : memref<128x128xf32, #tpu.memory_space<vmem>>, vector<1x16xf32>,
      %get3A_1038 = arith.index_cast %scan3A_912 : i32 to index
      %get3A_1039 = arith.constant 112 : index
      %get3A_1040 = tpu.vector_load %arg7[%get3A_1038, %get3A_1039] {strides = array<i32>} : memref<64x128xf32, #tpu.memory_space<vmem>>, vector<1x16xf32>,
      %get3A_1041 = vector.shape_cast %get3A_1040 : vector<1x16xf32> to vector<16xf32>
      %add3A_1042 = arith.constant 0 : i32
      %add3A_1043 = arith.addi %add3A_1042, %scan3A_912 : i32
      %swap3A_1044 = arith.index_cast %add3A_1043 : i32 to index
      %swap3A_1045 = arith.constant 112 : index
      %swap3A_1046 = tpu.vector_load %arg10[%swap3A_1044, %swap3A_1045] {strides = array<i32>} : memref<128x128xf32, #tpu.memory_space<vmem>>, vector<1x16xf32>,
      %swap3A_1047 = vector.shape_cast %swap3A_1046 : vector<1x16xf32> to vector<16xf32>
      %swap3A_1048 = vector.shape_cast %get3A_1041 : vector<16xf32> to vector<1x16xf32>
      tpu.vector_store %arg10[%swap3A_1044, %swap3A_1045], %swap3A_1048 {add = true, strides = array<i32>} : memref<128x128xf32, #tpu.memory_space<vmem>>, vector<1x16xf32>,
      %add3A_1049 = arith.constant 64 : i32
      %add3A_1050 = arith.addi %add3A_1049, %scan3A_912 : i32
      %swap3A_1051 = arith.index_cast %add3A_1050 : i32 to index
      %swap3A_1052 = arith.constant 112 : index
      %swap3A_1053 = tpu.vector_load %arg10[%swap3A_1051, %swap3A_1052] {strides = array<i32>} : memref<128x128xf32, #tpu.memory_space<vmem>>, vector<1x16xf32>,
      %swap3A_1054 = vector.shape_cast %swap3A_1053 : vector<1x16xf32> to vector<16xf32>
      %swap3A_1055 = vector.shape_cast %get3A_1041 : vector<16xf32> to vector<1x16xf32>
      tpu.vector_store %arg10[%swap3A_1051, %swap3A_1052], %swap3A_1055 {add = true, strides = array<i32>} : memref<128x128xf32, #tpu.memory_space<vmem>>, vector<1x16xf32>,
      %scan3A_1056 = arith.constant 0 : i32
      %scan3A_1057 = arith.constant 1 : i32
      %scan3A_1058 = arith.addi %scan3A_912, %scan3A_1057 : i32
      %get3A_1059 = arith.index_cast %scan3A_1058 : i32 to index
      %get3A_1060 = arith.constant 0 : index
      %get3A_1061 = tpu.vector_load %arg7[%get3A_1059, %get3A_1060] {strides = array<i32>} : memref<64x128xf32, #tpu.memory_space<vmem>>, vector<1x16xf32>,
      %get3A_1062 = vector.shape_cast %get3A_1061 : vector<1x16xf32> to vector<16xf32>
      %add3A_1063 = arith.constant 0 : i32
      %add3A_1064 = arith.addi %add3A_1063, %scan3A_1058 : i32
      %swap3A_1065 = arith.index_cast %add3A_1064 : i32 to index
      %swap3A_1066 = arith.constant 0 : index
      %swap3A_1067 = tpu.vector_load %arg10[%swap3A_1065, %swap3A_1066] {strides = array<i32>} : memref<128x128xf32, #tpu.memory_space<vmem>>, vector<1x16xf32>,
      %swap3A_1068 = vector.shape_cast %swap3A_1067 : vector<1x16xf32> to vector<16xf32>
      %swap3A_1069 = vector.shape_cast %get3A_1062 : vector<16xf32> to vector<1x16xf32>
      tpu.vector_store %arg10[%swap3A_1065, %swap3A_1066], %swap3A_1069 {add = true, strides = array<i32>} : memref<128x128xf32, #tpu.memory_space<vmem>>, vector<1x16xf32>,
      %add3A_1070 = arith.constant 64 : i32
      %add3A_1071 = arith.addi %add3A_1070, %scan3A_1058 : i32
      %swap3A_1072 = arith.index_cast %add3A_1071 : i32 to index
      %swap3A_1073 = arith.constant 0 : index
      %swap3A_1074 = tpu.vector_load %arg10[%swap3A_1072, %swap3A_1073] {strides = array<i32>} : memref<128x128xf32, #tpu.memory_space<vmem>>, vector<1x16xf32>,
      %swap3A_1075 = vector.shape_cast %swap3A_1074 : vector<1x16xf32> to vector<16xf32>
      %swap3A_1076 = vector.shape_cast %get3A_1062 : vector<16xf32> to vector<1x16xf32>
      tpu.vector_store %arg10[%swap3A_1072, %swap3A_1073], %swap3A_1076 {add = true, strides = array<i32>} : memref<128x128xf32, #tpu.memory_space<vmem>>, vector<1x16xf32>,
      %get3A_1077 = arith.index_cast %scan3A_1058 : i32 to index
      %get3A_1078 = arith.constant 16 : index
      %get3A_1079 = tpu.vector_load %arg7[%get3A_1077, %get3A_1078] {strides = array<i32>} : memref<64x128xf32, #tpu.memory_space<vmem>>, vector<1x16xf32>,
      %get3A_1080 = vector.shape_cast %get3A_1079 : vector<1x16xf32> to vector<16xf32>
      %add3A_1081 = arith.constant 0 : i32
      %add3A_1082 = arith.addi %add3A_1081, %scan3A_1058 : i32
      %swap3A_1083 = arith.index_cast %add3A_1082 : i32 to index
      %swap3A_1084 = arith.constant 16 : index
      %swap3A_1085 = tpu.vector_load %arg10[%swap3A_1083, %swap3A_1084] {strides = array<i32>} : memref<128x128xf32, #tpu.memory_space<vmem>>, vector<1x16xf32>,
      %swap3A_1086 = vector.shape_cast %swap3A_1085 : vector<1x16xf32> to vector<16xf32>
      %swap3A_1087 = vector.shape_cast %get3A_1080 : vector<16xf32> to vector<1x16xf32>
      tpu.vector_store %arg10[%swap3A_1083, %swap3A_1084], %swap3A_1087 {add = true, strides = array<i32>} : memref<128x128xf32, #tpu.memory_space<vmem>>, vector<1x16xf32>,
      %add3A_1088 = arith.constant 64 : i32
      %add3A_1089 = arith.addi %add3A_1088, %scan3A_1058 : i32
      %swap3A_1090 = arith.index_cast %add3A_1089 : i32 to index
      %swap3A_1091 = arith.constant 16 : index
      %swap3A_1092 = tpu.vector_load %arg10[%swap3A_1090, %swap3A_1091] {strides = array<i32>} : memref<128x128xf32, #tpu.memory_space<vmem>>, vector<1x16xf32>,
      %swap3A_1093 = vector.shape_cast %swap3A_1092 : vector<1x16xf32> to vector<16xf32>
      %swap3A_1094 = vector.shape_cast %get3A_1080 : vector<16xf32> to vector<1x16xf32>
      tpu.vector_store %arg10[%swap3A_1090, %swap3A_1091], %swap3A_1094 {add = true, strides = array<i32>} : memref<128x128xf32, #tpu.memory_space<vmem>>, vector<1x16xf32>,
      %get3A_1095 = arith.index_cast %scan3A_1058 : i32 to index
      %get3A_1096 = arith.constant 32 : index
      %get3A_1097 = tpu.vector_load %arg7[%get3A_1095, %get3A_1096] {strides = array<i32>} : memref<64x128xf32, #tpu.memory_space<vmem>>, vector<1x16xf32>,
      %get3A_1098 = vector.shape_cast %get3A_1097 : vector<1x16xf32> to vector<16xf32>
      %add3A_1099 = arith.constant 0 : i32
      %add3A_1100 = arith.addi %add3A_1099, %scan3A_1058 : i32
      %swap3A_1101 = arith.index_cast %add3A_1100 : i32 to index
      %swap3A_1102 = arith.constant 32 : index
      %swap3A_1103 = tpu.vector_load %arg10[%swap3A_1101, %swap3A_1102] {strides = array<i32>} : memref<128x128xf32, #tpu.memory_space<vmem>>, vector<1x16xf32>,
      %swap3A_1104 = vector.shape_cast %swap3A_1103 : vector<1x16xf32> to vector<16xf32>
      %swap3A_1105 = vector.shape_cast %get3A_1098 : vector<16xf32> to vector<1x16xf32>
      tpu.vector_store %arg10[%swap3A_1101, %swap3A_1102], %swap3A_1105 {add = true, strides = array<i32>} : memref<128x128xf32, #tpu.memory_space<vmem>>, vector<1x16xf32>,
      %add3A_1106 = arith.constant 64 : i32
      %add3A_1107 = arith.addi %add3A_1106, %scan3A_1058 : i32
      %swap3A_1108 = arith.index_cast %add3A_1107 : i32 to index
      %swap3A_1109 = arith.constant 32 : index
      %swap3A_1110 = tpu.vector_load %arg10[%swap3A_1108, %swap3A_1109] {strides = array<i32>} : memref<128x128xf32, #tpu.memory_space<vmem>>, vector<1x16xf32>,
      %swap3A_1111 = vector.shape_cast %swap3A_1110 : vector<1x16xf32> to vector<16xf32>
      %swap3A_1112 = vector.shape_cast %get3A_1098 : vector<16xf32> to vector<1x16xf32>
      tpu.vector_store %arg10[%swap3A_1108, %swap3A_1109], %swap3A_1112 {add = true, strides = array<i32>} : memref<128x128xf32, #tpu.memory_space<vmem>>, vector<1x16xf32>,
      %get3A_1113 = arith.index_cast %scan3A_1058 : i32 to index
      %get3A_1114 = arith.constant 48 : index
      %get3A_1115 = tpu.vector_load %arg7[%get3A_1113, %get3A_1114] {strides = array<i32>} : memref<64x128xf32, #tpu.memory_space<vmem>>, vector<1x16xf32>,
      %get3A_1116 = vector.shape_cast %get3A_1115 : vector<1x16xf32> to vector<16xf32>
      %add3A_1117 = arith.constant 0 : i32
      %add3A_1118 = arith.addi %add3A_1117, %scan3A_1058 : i32
      %swap3A_1119 = arith.index_cast %add3A_1118 : i32 to index
      %swap3A_1120 = arith.constant 48 : index
      %swap3A_1121 = tpu.vector_load %arg10[%swap3A_1119, %swap3A_1120] {strides = array<i32>} : memref<128x128xf32, #tpu.memory_space<vmem>>, vector<1x16xf32>,
      %swap3A_1122 = vector.shape_cast %swap3A_1121 : vector<1x16xf32> to vector<16xf32>
      %swap3A_1123 = vector.shape_cast %get3A_1116 : vector<16xf32> to vector<1x16xf32>
      tpu.vector_store %arg10[%swap3A_1119, %swap3A_1120], %swap3A_1123 {add = true, strides = array<i32>} : memref<128x128xf32, #tpu.memory_space<vmem>>, vector<1x16xf32>,
      %add3A_1124 = arith.constant 64 : i32
      %add3A_1125 = arith.addi %add3A_1124, %scan3A_1058 : i32
      %swap3A_1126 = arith.index_cast %add3A_1125 : i32 to index
      %swap3A_1127 = arith.constant 48 : index
      %swap3A_1128 = tpu.vector_load %arg10[%swap3A_1126, %swap3A_1127] {strides = array<i32>} : memref<128x128xf32, #tpu.memory_space<vmem>>, vector<1x16xf32>,
      %swap3A_1129 = vector.shape_cast %swap3A_1128 : vector<1x16xf32> to vector<16xf32>
      %swap3A_1130 = vector.shape_cast %get3A_1116 : vector<16xf32> to vector<1x16xf32>
      tpu.vector_store %arg10[%swap3A_1126, %swap3A_1127], %swap3A_1130 {add = true, strides = array<i32>} : memref<128x128xf32, #tpu.memory_space<vmem>>, vector<1x16xf32>,
      %get3A_1131 = arith.index_cast %scan3A_1058 : i32 to index
      %get3A_1132 = arith.constant 64 : index
      %get3A_1133 = tpu.vector_load %arg7[%get3A_1131, %get3A_1132] {strides = array<i32>} : memref<64x128xf32, #tpu.memory_space<vmem>>, vector<1x16xf32>,
      %get3A_1134 = vector.shape_cast %get3A_1133 : vector<1x16xf32> to vector<16xf32>
      %add3A_1135 = arith.constant 0 : i32
      %add3A_1136 = arith.addi %add3A_1135, %scan3A_1058 : i32
      %swap3A_1137 = arith.index_cast %add3A_1136 : i32 to index
      %swap3A_1138 = arith.constant 64 : index
      %swap3A_1139 = tpu.vector_load %arg10[%swap3A_1137, %swap3A_1138] {strides = array<i32>} : memref<128x128xf32, #tpu.memory_space<vmem>>, vector<1x16xf32>,
      %swap3A_1140 = vector.shape_cast %swap3A_1139 : vector<1x16xf32> to vector<16xf32>
      %swap3A_1141 = vector.shape_cast %get3A_1134 : vector<16xf32> to vector<1x16xf32>
      tpu.vector_store %arg10[%swap3A_1137, %swap3A_1138], %swap3A_1141 {add = true, strides = array<i32>} : memref<128x128xf32, #tpu.memory_space<vmem>>, vector<1x16xf32>,
      %add3A_1142 = arith.constant 64 : i32
      %add3A_1143 = arith.addi %add3A_1142, %scan3A_1058 : i32
      %swap3A_1144 = arith.index_cast %add3A_1143 : i32 to index
      %swap3A_1145 = arith.constant 64 : index
      %swap3A_1146 = tpu.vector_load %arg10[%swap3A_1144, %swap3A_1145] {strides = array<i32>} : memref<128x128xf32, #tpu.memory_space<vmem>>, vector<1x16xf32>,
      %swap3A_1147 = vector.shape_cast %swap3A_1146 : vector<1x16xf32> to vector<16xf32>
      %swap3A_1148 = vector.shape_cast %get3A_1134 : vector<16xf32> to vector<1x16xf32>
      tpu.vector_store %arg10[%swap3A_1144, %swap3A_1145], %swap3A_1148 {add = true, strides = array<i32>} : memref<128x128xf32, #tpu.memory_space<vmem>>, vector<1x16xf32>,
      %get3A_1149 = arith.index_cast %scan3A_1058 : i32 to index
      %get3A_1150 = arith.constant 80 : index
      %get3A_1151 = tpu.vector_load %arg7[%get3A_1149, %get3A_1150] {strides = array<i32>} : memref<64x128xf32, #tpu.memory_space<vmem>>, vector<1x16xf32>,
      %get3A_1152 = vector.shape_cast %get3A_1151 : vector<1x16xf32> to vector<16xf32>
      %add3A_1153 = arith.constant 0 : i32
      %add3A_1154 = arith.addi %add3A_1153, %scan3A_1058 : i32
      %swap3A_1155 = arith.index_cast %add3A_1154 : i32 to index
      %swap3A_1156 = arith.constant 80 : index
      %swap3A_1157 = tpu.vector_load %arg10[%swap3A_1155, %swap3A_1156] {strides = array<i32>} : memref<128x128xf32, #tpu.memory_space<vmem>>, vector<1x16xf32>,
      %swap3A_1158 = vector.shape_cast %swap3A_1157 : vector<1x16xf32> to vector<16xf32>
      %swap3A_1159 = vector.shape_cast %get3A_1152 : vector<16xf32> to vector<1x16xf32>
      tpu.vector_store %arg10[%swap3A_1155, %swap3A_1156], %swap3A_1159 {add = true, strides = array<i32>} : memref<128x128xf32, #tpu.memory_space<vmem>>, vector<1x16xf32>,
      %add3A_1160 = arith.constant 64 : i32
      %add3A_1161 = arith.addi %add3A_1160, %scan3A_1058 : i32
      %swap3A_1162 = arith.index_cast %add3A_1161 : i32 to index
      %swap3A_1163 = arith.constant 80 : index
      %swap3A_1164 = tpu.vector_load %arg10[%swap3A_1162, %swap3A_1163] {strides = array<i32>} : memref<128x128xf32, #tpu.memory_space<vmem>>, vector<1x16xf32>,
      %swap3A_1165 = vector.shape_cast %swap3A_1164 : vector<1x16xf32> to vector<16xf32>
      %swap3A_1166 = vector.shape_cast %get3A_1152 : vector<16xf32> to vector<1x16xf32>
      tpu.vector_store %arg10[%swap3A_1162, %swap3A_1163], %swap3A_1166 {add = true, strides = array<i32>} : memref<128x128xf32, #tpu.memory_space<vmem>>, vector<1x16xf32>,
      %get3A_1167 = arith.index_cast %scan3A_1058 : i32 to index
      %get3A_1168 = arith.constant 96 : index
      %get3A_1169 = tpu.vector_load %arg7[%get3A_1167, %get3A_1168] {strides = array<i32>} : memref<64x128xf32, #tpu.memory_space<vmem>>, vector<1x16xf32>,
      %get3A_1170 = vector.shape_cast %get3A_1169 : vector<1x16xf32> to vector<16xf32>
      %add3A_1171 = arith.constant 0 : i32
      %add3A_1172 = arith.addi %add3A_1171, %scan3A_1058 : i32
      %swap3A_1173 = arith.index_cast %add3A_1172 : i32 to index
      %swap3A_1174 = arith.constant 96 : index
      %swap3A_1175 = tpu.vector_load %arg10[%swap3A_1173, %swap3A_1174] {strides = array<i32>} : memref<128x128xf32, #tpu.memory_space<vmem>>, vector<1x16xf32>,
      %swap3A_1176 = vector.shape_cast %swap3A_1175 : vector<1x16xf32> to vector<16xf32>
      %swap3A_1177 = vector.shape_cast %get3A_1170 : vector<16xf32> to vector<1x16xf32>
      tpu.vector_store %arg10[%swap3A_1173, %swap3A_1174], %swap3A_1177 {add = true, strides = array<i32>} : memref<128x128xf32, #tpu.memory_space<vmem>>, vector<1x16xf32>,
      %add3A_1178 = arith.constant 64 : i32
      %add3A_1179 = arith.addi %add3A_1178, %scan3A_1058 : i32
      %swap3A_1180 = arith.index_cast %add3A_1179 : i32 to index
      %swap3A_1181 = arith.constant 96 : index
      %swap3A_1182 = tpu.vector_load %arg10[%swap3A_1180, %swap3A_1181] {strides = array<i32>} : memref<128x128xf32, #tpu.memory_space<vmem>>, vector<1x16xf32>,
      %swap3A_1183 = vector.shape_cast %swap3A_1182 : vector<1x16xf32> to vector<16xf32>
      %swap3A_1184 = vector.shape_cast %get3A_1170 : vector<16xf32> to vector<1x16xf32>
      tpu.vector_store %arg10[%swap3A_1180, %swap3A_1181], %swap3A_1184 {add = true, strides = array<i32>} : memref<128x128xf32, #tpu.memory_space<vmem>>, vector<1x16xf32>,
      %get3A_1185 = arith.index_cast %scan3A_1058 : i32 to index
      %get3A_1186 = arith.constant 112 : index
      %get3A_1187 = tpu.vector_load %arg7[%get3A_1185, %get3A_1186] {strides = array<i32>} : memref<64x128xf32, #tpu.memory_space<vmem>>, vector<1x16xf32>,
      %get3A_1188 = vector.shape_cast %get3A_1187 : vector<1x16xf32> to vector<16xf32>
      %add3A_1189 = arith.constant 0 : i32
      %add3A_1190 = arith.addi %add3A_1189, %scan3A_1058 : i32
      %swap3A_1191 = arith.index_cast %add3A_1190 : i32 to index
      %swap3A_1192 = arith.constant 112 : index
      %swap3A_1193 = tpu.vector_load %arg10[%swap3A_1191, %swap3A_1192] {strides = array<i32>} : memref<128x128xf32, #tpu.memory_space<vmem>>, vector<1x16xf32>,
      %swap3A_1194 = vector.shape_cast %swap3A_1193 : vector<1x16xf32> to vector<16xf32>
      %swap3A_1195 = vector.shape_cast %get3A_1188 : vector<16xf32> to vector<1x16xf32>
      tpu.vector_store %arg10[%swap3A_1191, %swap3A_1192], %swap3A_1195 {add = true, strides = array<i32>} : memref<128x128xf32, #tpu.memory_space<vmem>>, vector<1x16xf32>,
      %add3A_1196 = arith.constant 64 : i32
      %add3A_1197 = arith.addi %add3A_1196, %scan3A_1058 : i32
      %swap3A_1198 = arith.index_cast %add3A_1197 : i32 to index
      %swap3A_1199 = arith.constant 112 : index
      %swap3A_1200 = tpu.vector_load %arg10[%swap3A_1198, %swap3A_1199] {strides = array<i32>} : memref<128x128xf32, #tpu.memory_space<vmem>>, vector<1x16xf32>,
      %swap3A_1201 = vector.shape_cast %swap3A_1200 : vector<1x16xf32> to vector<16xf32>
      %swap3A_1202 = vector.shape_cast %get3A_1188 : vector<16xf32> to vector<1x16xf32>
      tpu.vector_store %arg10[%swap3A_1198, %swap3A_1199], %swap3A_1202 {add = true, strides = array<i32>} : memref<128x128xf32, #tpu.memory_space<vmem>>, vector<1x16xf32>,
      %scan3A_1203 = arith.constant 0 : i32
      scf.yield %scan3A_1203 : i32
    }
    %scan3A_526 = arith.constant 64 : i32
    %add3A_527 = arith.constant 8192 : i32
    %add3A_528 = arith.addi %add3A_527, %mul3A_2 : i32
    %dma_start3A_529 = arith.constant 0 : i32
    %dma_start3A_530 = arith.constant 0 : i32
    %dma_start3A_531 = tpu.memref_slice %arg10[%dma_start3A_529, %dma_start3A_530] : memref<128x128xf32, #tpu.memory_space<vmem>> -> memref<64x128xf32, #tpu.memory_space<vmem>>
    %dma_start3A_532 = arith.constant 0 : i32
    %dma_start3A_533 = tpu.memref_slice %arg5[%add3A_528, %dma_start3A_532] : memref<32768x128xf32, #tpu.memory_space<hbm>> -> memref<64x128xf32, #tpu.memory_space<hbm>>
    %dma_start3A_534 = arith.constant 0 : i32
    %dma_start3A_535 = tpu.memref_slice %arg5[%add3A_528, %dma_start3A_534] : memref<32768x128xf32, #tpu.memory_space<hbm>> -> memref<64x128xf32, #tpu.memory_space<hbm>>
    %dma_start3A_536 = arith.constant 0 : i32
    %dma_start3A_537 = arith.constant 0 : i32
    %dma_start3A_538 = tpu.memref_slice %arg10[%dma_start3A_536, %dma_start3A_537] : memref<128x128xf32, #tpu.memory_space<vmem>> -> memref<64x128xf32, #tpu.memory_space<vmem>>
    tpu.enqueue_dma source(%dma_start3A_538 : memref<64x128xf32, #tpu.memory_space<vmem>>) target(%dma_start3A_535 : memref<64x128xf32, #tpu.memory_space<hbm>>) target_semaphore(%arg22 : memref<!tpu.dma_semaphore, #tpu.memory_space<semaphore_mem>>)
    %add3A_539 = arith.constant 10240 : i32
    %add3A_540 = arith.addi %add3A_539, %mul3A_2 : i32
    %dma_start3A_541 = arith.constant 64 : i32
    %dma_start3A_542 = arith.constant 0 : i32
    %dma_start3A_543 = tpu.memref_slice %arg10[%dma_start3A_541, %dma_start3A_542] : memref<128x128xf32, #tpu.memory_space<vmem>> -> memref<64x128xf32, #tpu.memory_space<vmem>>
    %dma_start3A_544 = arith.constant 0 : i32
    %dma_start3A_545 = tpu.memref_slice %arg5[%add3A_540, %dma_start3A_544] : memref<32768x128xf32, #tpu.memory_space<hbm>> -> memref<64x128xf32, #tpu.memory_space<hbm>>
    %dma_start3A_546 = arith.constant 0 : i32
    %dma_start3A_547 = tpu.memref_slice %arg5[%add3A_540, %dma_start3A_546] : memref<32768x128xf32, #tpu.memory_space<hbm>> -> memref<64x128xf32, #tpu.memory_space<hbm>>
    %dma_start3A_548 = arith.constant 64 : i32
    %dma_start3A_549 = arith.constant 0 : i32
    %dma_start3A_550 = tpu.memref_slice %arg10[%dma_start3A_548, %dma_start3A_549] : memref<128x128xf32, #tpu.memory_space<vmem>> -> memref<64x128xf32, #tpu.memory_space<vmem>>
    tpu.enqueue_dma source(%dma_start3A_550 : memref<64x128xf32, #tpu.memory_space<vmem>>) target(%dma_start3A_547 : memref<64x128xf32, #tpu.memory_space<hbm>>) target_semaphore(%arg22 : memref<!tpu.dma_semaphore, #tpu.memory_space<semaphore_mem>>)
    %dma_wait3A_551 = arith.constant 0 : i32
    %dma_wait3A_552 = arith.constant 0 : i32
    %dma_wait3A_553 = tpu.memref_slice %arg9[%dma_wait3A_551, %dma_wait3A_552] : memref<128x128xf32, #tpu.memory_space<vmem>> -> memref<64x128xf32, #tpu.memory_space<vmem>>
    %dma_wait3A_554 = arith.constant 0 : i32
    %dma_wait3A_555 = tpu.memref_slice %arg5[%add3A_439, %dma_wait3A_554] : memref<32768x128xf32, #tpu.memory_space<hbm>> -> memref<64x128xf32, #tpu.memory_space<hbm>>
    %dma_wait3A_556 = arith.constant 0 : i32
    %dma_wait3A_557 = tpu.memref_slice %arg5[%add3A_439, %dma_wait3A_556] : memref<32768x128xf32, #tpu.memory_space<hbm>> -> memref<64x128xf32, #tpu.memory_space<hbm>>
    %dma_wait3A_558 = arith.constant 0 : i32
    %dma_wait3A_559 = arith.constant 0 : i32
    %dma_wait3A_560 = tpu.memref_slice %arg9[%dma_wait3A_558, %dma_wait3A_559] : memref<128x128xf32, #tpu.memory_space<vmem>> -> memref<64x128xf32, #tpu.memory_space<vmem>>
    tpu.wait_dma2 semaphore(%arg21 : memref<!tpu.dma_semaphore, #tpu.memory_space<semaphore_mem>>) src(%dma_wait3A_560 : memref<64x128xf32, #tpu.memory_space<vmem>>) dst(%dma_wait3A_557 : memref<64x128xf32, #tpu.memory_space<hbm>>)
    %dma_wait3A_561 = arith.constant 64 : i32
    %dma_wait3A_562 = arith.constant 0 : i32
    %dma_wait3A_563 = tpu.memref_slice %arg9[%dma_wait3A_561, %dma_wait3A_562] : memref<128x128xf32, #tpu.memory_space<vmem>> -> memref<64x128xf32, #tpu.memory_space<vmem>>
    %dma_wait3A_564 = arith.constant 0 : i32
    %dma_wait3A_565 = tpu.memref_slice %arg5[%add3A_451, %dma_wait3A_564] : memref<32768x128xf32, #tpu.memory_space<hbm>> -> memref<64x128xf32, #tpu.memory_space<hbm>>
    %dma_wait3A_566 = arith.constant 0 : i32
    %dma_wait3A_567 = tpu.memref_slice %arg5[%add3A_451, %dma_wait3A_566] : memref<32768x128xf32, #tpu.memory_space<hbm>> -> memref<64x128xf32, #tpu.memory_space<hbm>>
    %dma_wait3A_568 = arith.constant 64 : i32
    %dma_wait3A_569 = arith.constant 0 : i32
    %dma_wait3A_570 = tpu.memref_slice %arg9[%dma_wait3A_568, %dma_wait3A_569] : memref<128x128xf32, #tpu.memory_space<vmem>> -> memref<64x128xf32, #tpu.memory_space<vmem>>
    tpu.wait_dma2 semaphore(%arg21 : memref<!tpu.dma_semaphore, #tpu.memory_space<semaphore_mem>>) src(%dma_wait3A_570 : memref<64x128xf32, #tpu.memory_space<vmem>>) dst(%dma_wait3A_567 : memref<64x128xf32, #tpu.memory_space<hbm>>)
    %dma_wait3A_571 = arith.constant 14 : i32
    %dma_wait3A_572 = arith.constant 7 : i32
    %dma_wait3A_573 = arith.constant 0 : i32
    %dma_wait3A_574 = tpu.memref_slice %arg6[%dma_wait3A_572, %dma_wait3A_573] : memref<8x128xi32, #tpu.memory_space<vmem>> -> memref<1x64xi32, #tpu.memory_space<vmem>>
    %dma_wait3A_575 = tpu.memref_squeeze %dma_wait3A_574 : memref<1x64xi32, #tpu.memory_space<vmem>> -> memref<64xi32, #tpu.memory_space<vmem>>
    %dma_wait3A_576 = tpu.memref_slice %arg2[%dma_wait3A_571, %mul3A_2] : memref<16x2048xi32, #tpu.memory_space<hbm>> -> memref<1x64xi32, #tpu.memory_space<hbm>>
    %dma_wait3A_577 = tpu.memref_squeeze %dma_wait3A_576 : memref<1x64xi32, #tpu.memory_space<hbm>> -> memref<64xi32, #tpu.memory_space<hbm>>
    %dma_wait3A_578 = arith.constant 0 : i32
    %dma_wait3A_579 = tpu.memref_slice %arg6[%dma_wait3A_572, %dma_wait3A_578] : memref<8x128xi32, #tpu.memory_space<vmem>> -> memref<1x64xi32, #tpu.memory_space<vmem>>
    %dma_wait3A_580 = tpu.memref_squeeze %dma_wait3A_579 : memref<1x64xi32, #tpu.memory_space<vmem>> -> memref<64xi32, #tpu.memory_space<vmem>>
    %dma_wait3A_581 = tpu.memref_slice %arg2[%dma_wait3A_571, %mul3A_2] : memref<16x2048xi32, #tpu.memory_space<hbm>> -> memref<1x64xi32, #tpu.memory_space<hbm>>
    %dma_wait3A_582 = tpu.memref_squeeze %dma_wait3A_581 : memref<1x64xi32, #tpu.memory_space<hbm>> -> memref<64xi32, #tpu.memory_space<hbm>>
    tpu.wait_dma2 semaphore(%arg27 : memref<!tpu.dma_semaphore, #tpu.memory_space<semaphore_mem>>) src(%dma_wait3A_582 : memref<64xi32, #tpu.memory_space<hbm>>) dst(%dma_wait3A_580 : memref<64xi32, #tpu.memory_space<vmem>>)
    %dma_wait3A_583 = arith.constant 15 : i32
    %dma_wait3A_584 = arith.constant 7 : i32
    %dma_wait3A_585 = arith.constant 64 : i32
    %dma_wait3A_586 = tpu.memref_slice %arg6[%dma_wait3A_584, %dma_wait3A_585] : memref<8x128xi32, #tpu.memory_space<vmem>> -> memref<1x64xi32, #tpu.memory_space<vmem>>
    %dma_wait3A_587 = tpu.memref_squeeze %dma_wait3A_586 : memref<1x64xi32, #tpu.memory_space<vmem>> -> memref<64xi32, #tpu.memory_space<vmem>>
    %dma_wait3A_588 = tpu.memref_slice %arg2[%dma_wait3A_583, %mul3A_2] : memref<16x2048xi32, #tpu.memory_space<hbm>> -> memref<1x64xi32, #tpu.memory_space<hbm>>
    %dma_wait3A_589 = tpu.memref_squeeze %dma_wait3A_588 : memref<1x64xi32, #tpu.memory_space<hbm>> -> memref<64xi32, #tpu.memory_space<hbm>>
    %dma_wait3A_590 = arith.constant 64 : i32
    %dma_wait3A_591 = tpu.memref_slice %arg6[%dma_wait3A_584, %dma_wait3A_590] : memref<8x128xi32, #tpu.memory_space<vmem>> -> memref<1x64xi32, #tpu.memory_space<vmem>>
    %dma_wait3A_592 = tpu.memref_squeeze %dma_wait3A_591 : memref<1x64xi32, #tpu.memory_space<vmem>> -> memref<64xi32, #tpu.memory_space<vmem>>
    %dma_wait3A_593 = tpu.memref_slice %arg2[%dma_wait3A_583, %mul3A_2] : memref<16x2048xi32, #tpu.memory_space<hbm>> -> memref<1x64xi32, #tpu.memory_space<hbm>>
    %dma_wait3A_594 = tpu.memref_squeeze %dma_wait3A_593 : memref<1x64xi32, #tpu.memory_space<hbm>> -> memref<64xi32, #tpu.memory_space<hbm>>
    tpu.wait_dma2 semaphore(%arg27 : memref<!tpu.dma_semaphore, #tpu.memory_space<semaphore_mem>>) src(%dma_wait3A_594 : memref<64xi32, #tpu.memory_space<hbm>>) dst(%dma_wait3A_592 : memref<64xi32, #tpu.memory_space<vmem>>)
    %dma_start3A_595 = arith.constant 7 : i32
    %dma_start3A_596 = arith.constant 0 : i32
    %dma_start3A_597 = tpu.memref_slice %arg6[%dma_start3A_595, %dma_start3A_596] : memref<8x128xi32, #tpu.memory_space<vmem>> -> memref<1x128xi32, #tpu.memory_space<vmem>>
    %dma_start3A_598 = tpu.memref_squeeze %dma_start3A_597 : memref<1x128xi32, #tpu.memory_space<vmem>> -> memref<128xi32, #tpu.memory_space<vmem>>
    %dma_start3A_599 = arith.constant 0 : i32
    %dma_start3A_600 = arith.constant 0 : i32
    %dma_start3A_601 = tpu.memref_slice %arg3[%dma_start3A_599, %dma_start3A_600] : memref<100000x128xf32, #tpu.memory_space<hbm>> -> memref<100000x128xf32, #tpu.memory_space<hbm>>
    tpu.enqueue_indirect_dma source(%dma_start3A_601 : memref<100000x128xf32, #tpu.memory_space<hbm>>) target(%arg9 : memref<128x128xf32, #tpu.memory_space<vmem>>) offsets(%dma_start3A_598 : memref<128xi32, #tpu.memory_space<vmem>>) semaphore(%arg15 : memref<!tpu.dma_semaphore, #tpu.memory_space<semaphore_mem>>)
    %dma_wait3A_602 = arith.constant 3 : i32
    %dma_wait3A_603 = arith.constant 0 : i32
    %dma_wait3A_604 = tpu.memref_slice %arg6[%dma_wait3A_602, %dma_wait3A_603] : memref<8x128xi32, #tpu.memory_space<vmem>> -> memref<1x128xi32, #tpu.memory_space<vmem>>
    %dma_wait3A_605 = tpu.memref_squeeze %dma_wait3A_604 : memref<1x128xi32, #tpu.memory_space<vmem>> -> memref<128xi32, #tpu.memory_space<vmem>>
    %dma_wait3A_606 = arith.constant 0 : i32
    %dma_wait3A_607 = arith.constant 0 : i32
    %dma_wait3A_608 = tpu.memref_slice %arg3[%dma_wait3A_606, %dma_wait3A_607] : memref<100000x128xf32, #tpu.memory_space<hbm>> -> memref<100000x128xf32, #tpu.memory_space<hbm>>
    tpu.wait_indirect_dma semaphore(%arg17 : memref<!tpu.dma_semaphore, #tpu.memory_space<semaphore_mem>>) src(%dma_wait3A_608 : memref<100000x128xf32, #tpu.memory_space<hbm>>) dst(%arg11 : memref<128x128xf32, #tpu.memory_space<vmem>>)
    %scan3A_609 = arith.constant 0 : i32
    %scan3A_610 = arith.constant 0 : i32
    %scan3A_611 = arith.constant 64 : i32
    %scan3A_612 = arith.addi %scan3A_610, %scan3A_611 : i32
    %scan3A_613 = arith.constant 2 : i32
    %scan3A_614 = scf.for %scan3A_912 = %scan3A_610 to %scan3A_612 step %scan3A_613 iter_args(%scan3A_913 = %scan3A_609) -> (i32)  : i32 {
      %get3A = arith.index_cast %scan3A_912 : i32 to index
      %get3A_914 = arith.constant 0 : index
      %get3A_915 = tpu.vector_load %arg7[%get3A, %get3A_914] {strides = array<i32>} : memref<64x128xf32, #tpu.memory_space<vmem>>, vector<1x16xf32>,
      %get3A_916 = vector.shape_cast %get3A_915 : vector<1x16xf32> to vector<16xf32>
      %add3A_917 = arith.constant 0 : i32
      %add3A_918 = arith.addi %add3A_917, %scan3A_912 : i32
      %swap3A = arith.index_cast %add3A_918 : i32 to index
      %swap3A_919 = arith.constant 0 : index
      %swap3A_920 = tpu.vector_load %arg11[%swap3A, %swap3A_919] {strides = array<i32>} : memref<128x128xf32, #tpu.memory_space<vmem>>, vector<1x16xf32>,
      %swap3A_921 = vector.shape_cast %swap3A_920 : vector<1x16xf32> to vector<16xf32>
      %swap3A_922 = vector.shape_cast %get3A_916 : vector<16xf32> to vector<1x16xf32>
      tpu.vector_store %arg11[%swap3A, %swap3A_919], %swap3A_922 {add = true, strides = array<i32>} : memref<128x128xf32, #tpu.memory_space<vmem>>, vector<1x16xf32>,
      %add3A_923 = arith.constant 64 : i32
      %add3A_924 = arith.addi %add3A_923, %scan3A_912 : i32
      %swap3A_925 = arith.index_cast %add3A_924 : i32 to index
      %swap3A_926 = arith.constant 0 : index
      %swap3A_927 = tpu.vector_load %arg11[%swap3A_925, %swap3A_926] {strides = array<i32>} : memref<128x128xf32, #tpu.memory_space<vmem>>, vector<1x16xf32>,
      %swap3A_928 = vector.shape_cast %swap3A_927 : vector<1x16xf32> to vector<16xf32>
      %swap3A_929 = vector.shape_cast %get3A_916 : vector<16xf32> to vector<1x16xf32>
      tpu.vector_store %arg11[%swap3A_925, %swap3A_926], %swap3A_929 {add = true, strides = array<i32>} : memref<128x128xf32, #tpu.memory_space<vmem>>, vector<1x16xf32>,
      %get3A_930 = arith.index_cast %scan3A_912 : i32 to index
      %get3A_931 = arith.constant 16 : index
      %get3A_932 = tpu.vector_load %arg7[%get3A_930, %get3A_931] {strides = array<i32>} : memref<64x128xf32, #tpu.memory_space<vmem>>, vector<1x16xf32>,
      %get3A_933 = vector.shape_cast %get3A_932 : vector<1x16xf32> to vector<16xf32>
      %add3A_934 = arith.constant 0 : i32
      %add3A_935 = arith.addi %add3A_934, %scan3A_912 : i32
      %swap3A_936 = arith.index_cast %add3A_935 : i32 to index
      %swap3A_937 = arith.constant 16 : index
      %swap3A_938 = tpu.vector_load %arg11[%swap3A_936, %swap3A_937] {strides = array<i32>} : memref<128x128xf32, #tpu.memory_space<vmem>>, vector<1x16xf32>,
      %swap3A_939 = vector.shape_cast %swap3A_938 : vector<1x16xf32> to vector<16xf32>
      %swap3A_940 = vector.shape_cast %get3A_933 : vector<16xf32> to vector<1x16xf32>
      tpu.vector_store %arg11[%swap3A_936, %swap3A_937], %swap3A_940 {add = true, strides = array<i32>} : memref<128x128xf32, #tpu.memory_space<vmem>>, vector<1x16xf32>,
      %add3A_941 = arith.constant 64 : i32
      %add3A_942 = arith.addi %add3A_941, %scan3A_912 : i32
      %swap3A_943 = arith.index_cast %add3A_942 : i32 to index
      %swap3A_944 = arith.constant 16 : index
      %swap3A_945 = tpu.vector_load %arg11[%swap3A_943, %swap3A_944] {strides = array<i32>} : memref<128x128xf32, #tpu.memory_space<vmem>>, vector<1x16xf32>,
      %swap3A_946 = vector.shape_cast %swap3A_945 : vector<1x16xf32> to vector<16xf32>
      %swap3A_947 = vector.shape_cast %get3A_933 : vector<16xf32> to vector<1x16xf32>
      tpu.vector_store %arg11[%swap3A_943, %swap3A_944], %swap3A_947 {add = true, strides = array<i32>} : memref<128x128xf32, #tpu.memory_space<vmem>>, vector<1x16xf32>,
      %get3A_948 = arith.index_cast %scan3A_912 : i32 to index
      %get3A_949 = arith.constant 32 : index
      %get3A_950 = tpu.vector_load %arg7[%get3A_948, %get3A_949] {strides = array<i32>} : memref<64x128xf32, #tpu.memory_space<vmem>>, vector<1x16xf32>,
      %get3A_951 = vector.shape_cast %get3A_950 : vector<1x16xf32> to vector<16xf32>
      %add3A_952 = arith.constant 0 : i32
      %add3A_953 = arith.addi %add3A_952, %scan3A_912 : i32
      %swap3A_954 = arith.index_cast %add3A_953 : i32 to index
      %swap3A_955 = arith.constant 32 : index
      %swap3A_956 = tpu.vector_load %arg11[%swap3A_954, %swap3A_955] {strides = array<i32>} : memref<128x128xf32, #tpu.memory_space<vmem>>, vector<1x16xf32>,
      %swap3A_957 = vector.shape_cast %swap3A_956 : vector<1x16xf32> to vector<16xf32>
      %swap3A_958 = vector.shape_cast %get3A_951 : vector<16xf32> to vector<1x16xf32>
      tpu.vector_store %arg11[%swap3A_954, %swap3A_955], %swap3A_958 {add = true, strides = array<i32>} : memref<128x128xf32, #tpu.memory_space<vmem>>, vector<1x16xf32>,
      %add3A_959 = arith.constant 64 : i32
      %add3A_960 = arith.addi %add3A_959, %scan3A_912 : i32
      %swap3A_961 = arith.index_cast %add3A_960 : i32 to index
      %swap3A_962 = arith.constant 32 : index
      %swap3A_963 = tpu.vector_load %arg11[%swap3A_961, %swap3A_962] {strides = array<i32>} : memref<128x128xf32, #tpu.memory_space<vmem>>, vector<1x16xf32>,
      %swap3A_964 = vector.shape_cast %swap3A_963 : vector<1x16xf32> to vector<16xf32>
      %swap3A_965 = vector.shape_cast %get3A_951 : vector<16xf32> to vector<1x16xf32>
      tpu.vector_store %arg11[%swap3A_961, %swap3A_962], %swap3A_965 {add = true, strides = array<i32>} : memref<128x128xf32, #tpu.memory_space<vmem>>, vector<1x16xf32>,
      %get3A_966 = arith.index_cast %scan3A_912 : i32 to index
      %get3A_967 = arith.constant 48 : index
      %get3A_968 = tpu.vector_load %arg7[%get3A_966, %get3A_967] {strides = array<i32>} : memref<64x128xf32, #tpu.memory_space<vmem>>, vector<1x16xf32>,
      %get3A_969 = vector.shape_cast %get3A_968 : vector<1x16xf32> to vector<16xf32>
      %add3A_970 = arith.constant 0 : i32
      %add3A_971 = arith.addi %add3A_970, %scan3A_912 : i32
      %swap3A_972 = arith.index_cast %add3A_971 : i32 to index
      %swap3A_973 = arith.constant 48 : index
      %swap3A_974 = tpu.vector_load %arg11[%swap3A_972, %swap3A_973] {strides = array<i32>} : memref<128x128xf32, #tpu.memory_space<vmem>>, vector<1x16xf32>,
      %swap3A_975 = vector.shape_cast %swap3A_974 : vector<1x16xf32> to vector<16xf32>
      %swap3A_976 = vector.shape_cast %get3A_969 : vector<16xf32> to vector<1x16xf32>
      tpu.vector_store %arg11[%swap3A_972, %swap3A_973], %swap3A_976 {add = true, strides = array<i32>} : memref<128x128xf32, #tpu.memory_space<vmem>>, vector<1x16xf32>,
      %add3A_977 = arith.constant 64 : i32
      %add3A_978 = arith.addi %add3A_977, %scan3A_912 : i32
      %swap3A_979 = arith.index_cast %add3A_978 : i32 to index
      %swap3A_980 = arith.constant 48 : index
      %swap3A_981 = tpu.vector_load %arg11[%swap3A_979, %swap3A_980] {strides = array<i32>} : memref<128x128xf32, #tpu.memory_space<vmem>>, vector<1x16xf32>,
      %swap3A_982 = vector.shape_cast %swap3A_981 : vector<1x16xf32> to vector<16xf32>
      %swap3A_983 = vector.shape_cast %get3A_969 : vector<16xf32> to vector<1x16xf32>
      tpu.vector_store %arg11[%swap3A_979, %swap3A_980], %swap3A_983 {add = true, strides = array<i32>} : memref<128x128xf32, #tpu.memory_space<vmem>>, vector<1x16xf32>,
      %get3A_984 = arith.index_cast %scan3A_912 : i32 to index
      %get3A_985 = arith.constant 64 : index
      %get3A_986 = tpu.vector_load %arg7[%get3A_984, %get3A_985] {strides = array<i32>} : memref<64x128xf32, #tpu.memory_space<vmem>>, vector<1x16xf32>,
      %get3A_987 = vector.shape_cast %get3A_986 : vector<1x16xf32> to vector<16xf32>
      %add3A_988 = arith.constant 0 : i32
      %add3A_989 = arith.addi %add3A_988, %scan3A_912 : i32
      %swap3A_990 = arith.index_cast %add3A_989 : i32 to index
      %swap3A_991 = arith.constant 64 : index
      %swap3A_992 = tpu.vector_load %arg11[%swap3A_990, %swap3A_991] {strides = array<i32>} : memref<128x128xf32, #tpu.memory_space<vmem>>, vector<1x16xf32>,
      %swap3A_993 = vector.shape_cast %swap3A_992 : vector<1x16xf32> to vector<16xf32>
      %swap3A_994 = vector.shape_cast %get3A_987 : vector<16xf32> to vector<1x16xf32>
      tpu.vector_store %arg11[%swap3A_990, %swap3A_991], %swap3A_994 {add = true, strides = array<i32>} : memref<128x128xf32, #tpu.memory_space<vmem>>, vector<1x16xf32>,
      %add3A_995 = arith.constant 64 : i32
      %add3A_996 = arith.addi %add3A_995, %scan3A_912 : i32
      %swap3A_997 = arith.index_cast %add3A_996 : i32 to index
      %swap3A_998 = arith.constant 64 : index
      %swap3A_999 = tpu.vector_load %arg11[%swap3A_997, %swap3A_998] {strides = array<i32>} : memref<128x128xf32, #tpu.memory_space<vmem>>, vector<1x16xf32>,
      %swap3A_1000 = vector.shape_cast %swap3A_999 : vector<1x16xf32> to vector<16xf32>
      %swap3A_1001 = vector.shape_cast %get3A_987 : vector<16xf32> to vector<1x16xf32>
      tpu.vector_store %arg11[%swap3A_997, %swap3A_998], %swap3A_1001 {add = true, strides = array<i32>} : memref<128x128xf32, #tpu.memory_space<vmem>>, vector<1x16xf32>,
      %get3A_1002 = arith.index_cast %scan3A_912 : i32 to index
      %get3A_1003 = arith.constant 80 : index
      %get3A_1004 = tpu.vector_load %arg7[%get3A_1002, %get3A_1003] {strides = array<i32>} : memref<64x128xf32, #tpu.memory_space<vmem>>, vector<1x16xf32>,
      %get3A_1005 = vector.shape_cast %get3A_1004 : vector<1x16xf32> to vector<16xf32>
      %add3A_1006 = arith.constant 0 : i32
      %add3A_1007 = arith.addi %add3A_1006, %scan3A_912 : i32
      %swap3A_1008 = arith.index_cast %add3A_1007 : i32 to index
      %swap3A_1009 = arith.constant 80 : index
      %swap3A_1010 = tpu.vector_load %arg11[%swap3A_1008, %swap3A_1009] {strides = array<i32>} : memref<128x128xf32, #tpu.memory_space<vmem>>, vector<1x16xf32>,
      %swap3A_1011 = vector.shape_cast %swap3A_1010 : vector<1x16xf32> to vector<16xf32>
      %swap3A_1012 = vector.shape_cast %get3A_1005 : vector<16xf32> to vector<1x16xf32>
      tpu.vector_store %arg11[%swap3A_1008, %swap3A_1009], %swap3A_1012 {add = true, strides = array<i32>} : memref<128x128xf32, #tpu.memory_space<vmem>>, vector<1x16xf32>,
      %add3A_1013 = arith.constant 64 : i32
      %add3A_1014 = arith.addi %add3A_1013, %scan3A_912 : i32
      %swap3A_1015 = arith.index_cast %add3A_1014 : i32 to index
      %swap3A_1016 = arith.constant 80 : index
      %swap3A_1017 = tpu.vector_load %arg11[%swap3A_1015, %swap3A_1016] {strides = array<i32>} : memref<128x128xf32, #tpu.memory_space<vmem>>, vector<1x16xf32>,
      %swap3A_1018 = vector.shape_cast %swap3A_1017 : vector<1x16xf32> to vector<16xf32>
      %swap3A_1019 = vector.shape_cast %get3A_1005 : vector<16xf32> to vector<1x16xf32>
      tpu.vector_store %arg11[%swap3A_1015, %swap3A_1016], %swap3A_1019 {add = true, strides = array<i32>} : memref<128x128xf32, #tpu.memory_space<vmem>>, vector<1x16xf32>,
      %get3A_1020 = arith.index_cast %scan3A_912 : i32 to index
      %get3A_1021 = arith.constant 96 : index
      %get3A_1022 = tpu.vector_load %arg7[%get3A_1020, %get3A_1021] {strides = array<i32>} : memref<64x128xf32, #tpu.memory_space<vmem>>, vector<1x16xf32>,
      %get3A_1023 = vector.shape_cast %get3A_1022 : vector<1x16xf32> to vector<16xf32>
      %add3A_1024 = arith.constant 0 : i32
      %add3A_1025 = arith.addi %add3A_1024, %scan3A_912 : i32
      %swap3A_1026 = arith.index_cast %add3A_1025 : i32 to index
      %swap3A_1027 = arith.constant 96 : index
      %swap3A_1028 = tpu.vector_load %arg11[%swap3A_1026, %swap3A_1027] {strides = array<i32>} : memref<128x128xf32, #tpu.memory_space<vmem>>, vector<1x16xf32>,
      %swap3A_1029 = vector.shape_cast %swap3A_1028 : vector<1x16xf32> to vector<16xf32>
      %swap3A_1030 = vector.shape_cast %get3A_1023 : vector<16xf32> to vector<1x16xf32>
      tpu.vector_store %arg11[%swap3A_1026, %swap3A_1027], %swap3A_1030 {add = true, strides = array<i32>} : memref<128x128xf32, #tpu.memory_space<vmem>>, vector<1x16xf32>,
      %add3A_1031 = arith.constant 64 : i32
      %add3A_1032 = arith.addi %add3A_1031, %scan3A_912 : i32
      %swap3A_1033 = arith.index_cast %add3A_1032 : i32 to index
      %swap3A_1034 = arith.constant 96 : index
      %swap3A_1035 = tpu.vector_load %arg11[%swap3A_1033, %swap3A_1034] {strides = array<i32>} : memref<128x128xf32, #tpu.memory_space<vmem>>, vector<1x16xf32>,
      %swap3A_1036 = vector.shape_cast %swap3A_1035 : vector<1x16xf32> to vector<16xf32>
      %swap3A_1037 = vector.shape_cast %get3A_1023 : vector<16xf32> to vector<1x16xf32>
      tpu.vector_store %arg11[%swap3A_1033, %swap3A_1034], %swap3A_1037 {add = true, strides = array<i32>} : memref<128x128xf32, #tpu.memory_space<vmem>>, vector<1x16xf32>,
      %get3A_1038 = arith.index_cast %scan3A_912 : i32 to index
      %get3A_1039 = arith.constant 112 : index
      %get3A_1040 = tpu.vector_load %arg7[%get3A_1038, %get3A_1039] {strides = array<i32>} : memref<64x128xf32, #tpu.memory_space<vmem>>, vector<1x16xf32>,
      %get3A_1041 = vector.shape_cast %get3A_1040 : vector<1x16xf32> to vector<16xf32>
      %add3A_1042 = arith.constant 0 : i32
      %add3A_1043 = arith.addi %add3A_1042, %scan3A_912 : i32
      %swap3A_1044 = arith.index_cast %add3A_1043 : i32 to index
      %swap3A_1045 = arith.constant 112 : index
      %swap3A_1046 = tpu.vector_load %arg11[%swap3A_1044, %swap3A_1045] {strides = array<i32>} : memref<128x128xf32, #tpu.memory_space<vmem>>, vector<1x16xf32>,
      %swap3A_1047 = vector.shape_cast %swap3A_1046 : vector<1x16xf32> to vector<16xf32>
      %swap3A_1048 = vector.shape_cast %get3A_1041 : vector<16xf32> to vector<1x16xf32>
      tpu.vector_store %arg11[%swap3A_1044, %swap3A_1045], %swap3A_1048 {add = true, strides = array<i32>} : memref<128x128xf32, #tpu.memory_space<vmem>>, vector<1x16xf32>,
      %add3A_1049 = arith.constant 64 : i32
      %add3A_1050 = arith.addi %add3A_1049, %scan3A_912 : i32
      %swap3A_1051 = arith.index_cast %add3A_1050 : i32 to index
      %swap3A_1052 = arith.constant 112 : index
      %swap3A_1053 = tpu.vector_load %arg11[%swap3A_1051, %swap3A_1052] {strides = array<i32>} : memref<128x128xf32, #tpu.memory_space<vmem>>, vector<1x16xf32>,
      %swap3A_1054 = vector.shape_cast %swap3A_1053 : vector<1x16xf32> to vector<16xf32>
      %swap3A_1055 = vector.shape_cast %get3A_1041 : vector<16xf32> to vector<1x16xf32>
      tpu.vector_store %arg11[%swap3A_1051, %swap3A_1052], %swap3A_1055 {add = true, strides = array<i32>} : memref<128x128xf32, #tpu.memory_space<vmem>>, vector<1x16xf32>,
      %scan3A_1056 = arith.constant 0 : i32
      %scan3A_1057 = arith.constant 1 : i32
      %scan3A_1058 = arith.addi %scan3A_912, %scan3A_1057 : i32
      %get3A_1059 = arith.index_cast %scan3A_1058 : i32 to index
      %get3A_1060 = arith.constant 0 : index
      %get3A_1061 = tpu.vector_load %arg7[%get3A_1059, %get3A_1060] {strides = array<i32>} : memref<64x128xf32, #tpu.memory_space<vmem>>, vector<1x16xf32>,
      %get3A_1062 = vector.shape_cast %get3A_1061 : vector<1x16xf32> to vector<16xf32>
      %add3A_1063 = arith.constant 0 : i32
      %add3A_1064 = arith.addi %add3A_1063, %scan3A_1058 : i32
      %swap3A_1065 = arith.index_cast %add3A_1064 : i32 to index
      %swap3A_1066 = arith.constant 0 : index
      %swap3A_1067 = tpu.vector_load %arg11[%swap3A_1065, %swap3A_1066] {strides = array<i32>} : memref<128x128xf32, #tpu.memory_space<vmem>>, vector<1x16xf32>,
      %swap3A_1068 = vector.shape_cast %swap3A_1067 : vector<1x16xf32> to vector<16xf32>
      %swap3A_1069 = vector.shape_cast %get3A_1062 : vector<16xf32> to vector<1x16xf32>
      tpu.vector_store %arg11[%swap3A_1065, %swap3A_1066], %swap3A_1069 {add = true, strides = array<i32>} : memref<128x128xf32, #tpu.memory_space<vmem>>, vector<1x16xf32>,
      %add3A_1070 = arith.constant 64 : i32
      %add3A_1071 = arith.addi %add3A_1070, %scan3A_1058 : i32
      %swap3A_1072 = arith.index_cast %add3A_1071 : i32 to index
      %swap3A_1073 = arith.constant 0 : index
      %swap3A_1074 = tpu.vector_load %arg11[%swap3A_1072, %swap3A_1073] {strides = array<i32>} : memref<128x128xf32, #tpu.memory_space<vmem>>, vector<1x16xf32>,
      %swap3A_1075 = vector.shape_cast %swap3A_1074 : vector<1x16xf32> to vector<16xf32>
      %swap3A_1076 = vector.shape_cast %get3A_1062 : vector<16xf32> to vector<1x16xf32>
      tpu.vector_store %arg11[%swap3A_1072, %swap3A_1073], %swap3A_1076 {add = true, strides = array<i32>} : memref<128x128xf32, #tpu.memory_space<vmem>>, vector<1x16xf32>,
      %get3A_1077 = arith.index_cast %scan3A_1058 : i32 to index
      %get3A_1078 = arith.constant 16 : index
      %get3A_1079 = tpu.vector_load %arg7[%get3A_1077, %get3A_1078] {strides = array<i32>} : memref<64x128xf32, #tpu.memory_space<vmem>>, vector<1x16xf32>,
      %get3A_1080 = vector.shape_cast %get3A_1079 : vector<1x16xf32> to vector<16xf32>
      %add3A_1081 = arith.constant 0 : i32
      %add3A_1082 = arith.addi %add3A_1081, %scan3A_1058 : i32
      %swap3A_1083 = arith.index_cast %add3A_1082 : i32 to index
      %swap3A_1084 = arith.constant 16 : index
      %swap3A_1085 = tpu.vector_load %arg11[%swap3A_1083, %swap3A_1084] {strides = array<i32>} : memref<128x128xf32, #tpu.memory_space<vmem>>, vector<1x16xf32>,
      %swap3A_1086 = vector.shape_cast %swap3A_1085 : vector<1x16xf32> to vector<16xf32>
      %swap3A_1087 = vector.shape_cast %get3A_1080 : vector<16xf32> to vector<1x16xf32>
      tpu.vector_store %arg11[%swap3A_1083, %swap3A_1084], %swap3A_1087 {add = true, strides = array<i32>} : memref<128x128xf32, #tpu.memory_space<vmem>>, vector<1x16xf32>,
      %add3A_1088 = arith.constant 64 : i32
      %add3A_1089 = arith.addi %add3A_1088, %scan3A_1058 : i32
      %swap3A_1090 = arith.index_cast %add3A_1089 : i32 to index
      %swap3A_1091 = arith.constant 16 : index
      %swap3A_1092 = tpu.vector_load %arg11[%swap3A_1090, %swap3A_1091] {strides = array<i32>} : memref<128x128xf32, #tpu.memory_space<vmem>>, vector<1x16xf32>,
      %swap3A_1093 = vector.shape_cast %swap3A_1092 : vector<1x16xf32> to vector<16xf32>
      %swap3A_1094 = vector.shape_cast %get3A_1080 : vector<16xf32> to vector<1x16xf32>
      tpu.vector_store %arg11[%swap3A_1090, %swap3A_1091], %swap3A_1094 {add = true, strides = array<i32>} : memref<128x128xf32, #tpu.memory_space<vmem>>, vector<1x16xf32>,
      %get3A_1095 = arith.index_cast %scan3A_1058 : i32 to index
      %get3A_1096 = arith.constant 32 : index
      %get3A_1097 = tpu.vector_load %arg7[%get3A_1095, %get3A_1096] {strides = array<i32>} : memref<64x128xf32, #tpu.memory_space<vmem>>, vector<1x16xf32>,
      %get3A_1098 = vector.shape_cast %get3A_1097 : vector<1x16xf32> to vector<16xf32>
      %add3A_1099 = arith.constant 0 : i32
      %add3A_1100 = arith.addi %add3A_1099, %scan3A_1058 : i32
      %swap3A_1101 = arith.index_cast %add3A_1100 : i32 to index
      %swap3A_1102 = arith.constant 32 : index
      %swap3A_1103 = tpu.vector_load %arg11[%swap3A_1101, %swap3A_1102] {strides = array<i32>} : memref<128x128xf32, #tpu.memory_space<vmem>>, vector<1x16xf32>,
      %swap3A_1104 = vector.shape_cast %swap3A_1103 : vector<1x16xf32> to vector<16xf32>
      %swap3A_1105 = vector.shape_cast %get3A_1098 : vector<16xf32> to vector<1x16xf32>
      tpu.vector_store %arg11[%swap3A_1101, %swap3A_1102], %swap3A_1105 {add = true, strides = array<i32>} : memref<128x128xf32, #tpu.memory_space<vmem>>, vector<1x16xf32>,
      %add3A_1106 = arith.constant 64 : i32
      %add3A_1107 = arith.addi %add3A_1106, %scan3A_1058 : i32
      %swap3A_1108 = arith.index_cast %add3A_1107 : i32 to index
      %swap3A_1109 = arith.constant 32 : index
      %swap3A_1110 = tpu.vector_load %arg11[%swap3A_1108, %swap3A_1109] {strides = array<i32>} : memref<128x128xf32, #tpu.memory_space<vmem>>, vector<1x16xf32>,
      %swap3A_1111 = vector.shape_cast %swap3A_1110 : vector<1x16xf32> to vector<16xf32>
      %swap3A_1112 = vector.shape_cast %get3A_1098 : vector<16xf32> to vector<1x16xf32>
      tpu.vector_store %arg11[%swap3A_1108, %swap3A_1109], %swap3A_1112 {add = true, strides = array<i32>} : memref<128x128xf32, #tpu.memory_space<vmem>>, vector<1x16xf32>,
      %get3A_1113 = arith.index_cast %scan3A_1058 : i32 to index
      %get3A_1114 = arith.constant 48 : index
      %get3A_1115 = tpu.vector_load %arg7[%get3A_1113, %get3A_1114] {strides = array<i32>} : memref<64x128xf32, #tpu.memory_space<vmem>>, vector<1x16xf32>,
      %get3A_1116 = vector.shape_cast %get3A_1115 : vector<1x16xf32> to vector<16xf32>
      %add3A_1117 = arith.constant 0 : i32
      %add3A_1118 = arith.addi %add3A_1117, %scan3A_1058 : i32
      %swap3A_1119 = arith.index_cast %add3A_1118 : i32 to index
      %swap3A_1120 = arith.constant 48 : index
      %swap3A_1121 = tpu.vector_load %arg11[%swap3A_1119, %swap3A_1120] {strides = array<i32>} : memref<128x128xf32, #tpu.memory_space<vmem>>, vector<1x16xf32>,
      %swap3A_1122 = vector.shape_cast %swap3A_1121 : vector<1x16xf32> to vector<16xf32>
      %swap3A_1123 = vector.shape_cast %get3A_1116 : vector<16xf32> to vector<1x16xf32>
      tpu.vector_store %arg11[%swap3A_1119, %swap3A_1120], %swap3A_1123 {add = true, strides = array<i32>} : memref<128x128xf32, #tpu.memory_space<vmem>>, vector<1x16xf32>,
      %add3A_1124 = arith.constant 64 : i32
      %add3A_1125 = arith.addi %add3A_1124, %scan3A_1058 : i32
      %swap3A_1126 = arith.index_cast %add3A_1125 : i32 to index
      %swap3A_1127 = arith.constant 48 : index
      %swap3A_1128 = tpu.vector_load %arg11[%swap3A_1126, %swap3A_1127] {strides = array<i32>} : memref<128x128xf32, #tpu.memory_space<vmem>>, vector<1x16xf32>,
      %swap3A_1129 = vector.shape_cast %swap3A_1128 : vector<1x16xf32> to vector<16xf32>
      %swap3A_1130 = vector.shape_cast %get3A_1116 : vector<16xf32> to vector<1x16xf32>
      tpu.vector_store %arg11[%swap3A_1126, %swap3A_1127], %swap3A_1130 {add = true, strides = array<i32>} : memref<128x128xf32, #tpu.memory_space<vmem>>, vector<1x16xf32>,
      %get3A_1131 = arith.index_cast %scan3A_1058 : i32 to index
      %get3A_1132 = arith.constant 64 : index
      %get3A_1133 = tpu.vector_load %arg7[%get3A_1131, %get3A_1132] {strides = array<i32>} : memref<64x128xf32, #tpu.memory_space<vmem>>, vector<1x16xf32>,
      %get3A_1134 = vector.shape_cast %get3A_1133 : vector<1x16xf32> to vector<16xf32>
      %add3A_1135 = arith.constant 0 : i32
      %add3A_1136 = arith.addi %add3A_1135, %scan3A_1058 : i32
      %swap3A_1137 = arith.index_cast %add3A_1136 : i32 to index
      %swap3A_1138 = arith.constant 64 : index
      %swap3A_1139 = tpu.vector_load %arg11[%swap3A_1137, %swap3A_1138] {strides = array<i32>} : memref<128x128xf32, #tpu.memory_space<vmem>>, vector<1x16xf32>,
      %swap3A_1140 = vector.shape_cast %swap3A_1139 : vector<1x16xf32> to vector<16xf32>
      %swap3A_1141 = vector.shape_cast %get3A_1134 : vector<16xf32> to vector<1x16xf32>
      tpu.vector_store %arg11[%swap3A_1137, %swap3A_1138], %swap3A_1141 {add = true, strides = array<i32>} : memref<128x128xf32, #tpu.memory_space<vmem>>, vector<1x16xf32>,
      %add3A_1142 = arith.constant 64 : i32
      %add3A_1143 = arith.addi %add3A_1142, %scan3A_1058 : i32
      %swap3A_1144 = arith.index_cast %add3A_1143 : i32 to index
      %swap3A_1145 = arith.constant 64 : index
      %swap3A_1146 = tpu.vector_load %arg11[%swap3A_1144, %swap3A_1145] {strides = array<i32>} : memref<128x128xf32, #tpu.memory_space<vmem>>, vector<1x16xf32>,
      %swap3A_1147 = vector.shape_cast %swap3A_1146 : vector<1x16xf32> to vector<16xf32>
      %swap3A_1148 = vector.shape_cast %get3A_1134 : vector<16xf32> to vector<1x16xf32>
      tpu.vector_store %arg11[%swap3A_1144, %swap3A_1145], %swap3A_1148 {add = true, strides = array<i32>} : memref<128x128xf32, #tpu.memory_space<vmem>>, vector<1x16xf32>,
      %get3A_1149 = arith.index_cast %scan3A_1058 : i32 to index
      %get3A_1150 = arith.constant 80 : index
      %get3A_1151 = tpu.vector_load %arg7[%get3A_1149, %get3A_1150] {strides = array<i32>} : memref<64x128xf32, #tpu.memory_space<vmem>>, vector<1x16xf32>,
      %get3A_1152 = vector.shape_cast %get3A_1151 : vector<1x16xf32> to vector<16xf32>
      %add3A_1153 = arith.constant 0 : i32
      %add3A_1154 = arith.addi %add3A_1153, %scan3A_1058 : i32
      %swap3A_1155 = arith.index_cast %add3A_1154 : i32 to index
      %swap3A_1156 = arith.constant 80 : index
      %swap3A_1157 = tpu.vector_load %arg11[%swap3A_1155, %swap3A_1156] {strides = array<i32>} : memref<128x128xf32, #tpu.memory_space<vmem>>, vector<1x16xf32>,
      %swap3A_1158 = vector.shape_cast %swap3A_1157 : vector<1x16xf32> to vector<16xf32>
      %swap3A_1159 = vector.shape_cast %get3A_1152 : vector<16xf32> to vector<1x16xf32>
      tpu.vector_store %arg11[%swap3A_1155, %swap3A_1156], %swap3A_1159 {add = true, strides = array<i32>} : memref<128x128xf32, #tpu.memory_space<vmem>>, vector<1x16xf32>,
      %add3A_1160 = arith.constant 64 : i32
      %add3A_1161 = arith.addi %add3A_1160, %scan3A_1058 : i32
      %swap3A_1162 = arith.index_cast %add3A_1161 : i32 to index
      %swap3A_1163 = arith.constant 80 : index
      %swap3A_1164 = tpu.vector_load %arg11[%swap3A_1162, %swap3A_1163] {strides = array<i32>} : memref<128x128xf32, #tpu.memory_space<vmem>>, vector<1x16xf32>,
      %swap3A_1165 = vector.shape_cast %swap3A_1164 : vector<1x16xf32> to vector<16xf32>
      %swap3A_1166 = vector.shape_cast %get3A_1152 : vector<16xf32> to vector<1x16xf32>
      tpu.vector_store %arg11[%swap3A_1162, %swap3A_1163], %swap3A_1166 {add = true, strides = array<i32>} : memref<128x128xf32, #tpu.memory_space<vmem>>, vector<1x16xf32>,
      %get3A_1167 = arith.index_cast %scan3A_1058 : i32 to index
      %get3A_1168 = arith.constant 96 : index
      %get3A_1169 = tpu.vector_load %arg7[%get3A_1167, %get3A_1168] {strides = array<i32>} : memref<64x128xf32, #tpu.memory_space<vmem>>, vector<1x16xf32>,
      %get3A_1170 = vector.shape_cast %get3A_1169 : vector<1x16xf32> to vector<16xf32>
      %add3A_1171 = arith.constant 0 : i32
      %add3A_1172 = arith.addi %add3A_1171, %scan3A_1058 : i32
      %swap3A_1173 = arith.index_cast %add3A_1172 : i32 to index
      %swap3A_1174 = arith.constant 96 : index
      %swap3A_1175 = tpu.vector_load %arg11[%swap3A_1173, %swap3A_1174] {strides = array<i32>} : memref<128x128xf32, #tpu.memory_space<vmem>>, vector<1x16xf32>,
      %swap3A_1176 = vector.shape_cast %swap3A_1175 : vector<1x16xf32> to vector<16xf32>
      %swap3A_1177 = vector.shape_cast %get3A_1170 : vector<16xf32> to vector<1x16xf32>
      tpu.vector_store %arg11[%swap3A_1173, %swap3A_1174], %swap3A_1177 {add = true, strides = array<i32>} : memref<128x128xf32, #tpu.memory_space<vmem>>, vector<1x16xf32>,
      %add3A_1178 = arith.constant 64 : i32
      %add3A_1179 = arith.addi %add3A_1178, %scan3A_1058 : i32
      %swap3A_1180 = arith.index_cast %add3A_1179 : i32 to index
      %swap3A_1181 = arith.constant 96 : index
      %swap3A_1182 = tpu.vector_load %arg11[%swap3A_1180, %swap3A_1181] {strides = array<i32>} : memref<128x128xf32, #tpu.memory_space<vmem>>, vector<1x16xf32>,
      %swap3A_1183 = vector.shape_cast %swap3A_1182 : vector<1x16xf32> to vector<16xf32>
      %swap3A_1184 = vector.shape_cast %get3A_1170 : vector<16xf32> to vector<1x16xf32>
      tpu.vector_store %arg11[%swap3A_1180, %swap3A_1181], %swap3A_1184 {add = true, strides = array<i32>} : memref<128x128xf32, #tpu.memory_space<vmem>>, vector<1x16xf32>,
      %get3A_1185 = arith.index_cast %scan3A_1058 : i32 to index
      %get3A_1186 = arith.constant 112 : index
      %get3A_1187 = tpu.vector_load %arg7[%get3A_1185, %get3A_1186] {strides = array<i32>} : memref<64x128xf32, #tpu.memory_space<vmem>>, vector<1x16xf32>,
      %get3A_1188 = vector.shape_cast %get3A_1187 : vector<1x16xf32> to vector<16xf32>
      %add3A_1189 = arith.constant 0 : i32
      %add3A_1190 = arith.addi %add3A_1189, %scan3A_1058 : i32
      %swap3A_1191 = arith.index_cast %add3A_1190 : i32 to index
      %swap3A_1192 = arith.constant 112 : index
      %swap3A_1193 = tpu.vector_load %arg11[%swap3A_1191, %swap3A_1192] {strides = array<i32>} : memref<128x128xf32, #tpu.memory_space<vmem>>, vector<1x16xf32>,
      %swap3A_1194 = vector.shape_cast %swap3A_1193 : vector<1x16xf32> to vector<16xf32>
      %swap3A_1195 = vector.shape_cast %get3A_1188 : vector<16xf32> to vector<1x16xf32>
      tpu.vector_store %arg11[%swap3A_1191, %swap3A_1192], %swap3A_1195 {add = true, strides = array<i32>} : memref<128x128xf32, #tpu.memory_space<vmem>>, vector<1x16xf32>,
      %add3A_1196 = arith.constant 64 : i32
      %add3A_1197 = arith.addi %add3A_1196, %scan3A_1058 : i32
      %swap3A_1198 = arith.index_cast %add3A_1197 : i32 to index
      %swap3A_1199 = arith.constant 112 : index
      %swap3A_1200 = tpu.vector_load %arg11[%swap3A_1198, %swap3A_1199] {strides = array<i32>} : memref<128x128xf32, #tpu.memory_space<vmem>>, vector<1x16xf32>,
      %swap3A_1201 = vector.shape_cast %swap3A_1200 : vector<1x16xf32> to vector<16xf32>
      %swap3A_1202 = vector.shape_cast %get3A_1188 : vector<16xf32> to vector<1x16xf32>
      tpu.vector_store %arg11[%swap3A_1198, %swap3A_1199], %swap3A_1202 {add = true, strides = array<i32>} : memref<128x128xf32, #tpu.memory_space<vmem>>, vector<1x16xf32>,
      %scan3A_1203 = arith.constant 0 : i32
      scf.yield %scan3A_1203 : i32
    }
    %scan3A_615 = arith.constant 64 : i32
    %add3A_616 = arith.constant 12288 : i32
    %add3A_617 = arith.addi %add3A_616, %mul3A_2 : i32
    %dma_start3A_618 = arith.constant 0 : i32
    %dma_start3A_619 = arith.constant 0 : i32
    %dma_start3A_620 = tpu.memref_slice %arg11[%dma_start3A_618, %dma_start3A_619] : memref<128x128xf32, #tpu.memory_space<vmem>> -> memref<64x128xf32, #tpu.memory_space<vmem>>
    %dma_start3A_621 = arith.constant 0 : i32
    %dma_start3A_622 = tpu.memref_slice %arg5[%add3A_617, %dma_start3A_621] : memref<32768x128xf32, #tpu.memory_space<hbm>> -> memref<64x128xf32, #tpu.memory_space<hbm>>
    %dma_start3A_623 = arith.constant 0 : i32
    %dma_start3A_624 = tpu.memref_slice %arg5[%add3A_617, %dma_start3A_623] : memref<32768x128xf32, #tpu.memory_space<hbm>> -> memref<64x128xf32, #tpu.memory_space<hbm>>
    %dma_start3A_625 = arith.constant 0 : i32
    %dma_start3A_626 = arith.constant 0 : i32
    %dma_start3A_627 = tpu.memref_slice %arg11[%dma_start3A_625, %dma_start3A_626] : memref<128x128xf32, #tpu.memory_space<vmem>> -> memref<64x128xf32, #tpu.memory_space<vmem>>
    tpu.enqueue_dma source(%dma_start3A_627 : memref<64x128xf32, #tpu.memory_space<vmem>>) target(%dma_start3A_624 : memref<64x128xf32, #tpu.memory_space<hbm>>) target_semaphore(%arg23 : memref<!tpu.dma_semaphore, #tpu.memory_space<semaphore_mem>>)
    %add3A_628 = arith.constant 14336 : i32
    %add3A_629 = arith.addi %add3A_628, %mul3A_2 : i32
    %dma_start3A_630 = arith.constant 64 : i32
    %dma_start3A_631 = arith.constant 0 : i32
    %dma_start3A_632 = tpu.memref_slice %arg11[%dma_start3A_630, %dma_start3A_631] : memref<128x128xf32, #tpu.memory_space<vmem>> -> memref<64x128xf32, #tpu.memory_space<vmem>>
    %dma_start3A_633 = arith.constant 0 : i32
    %dma_start3A_634 = tpu.memref_slice %arg5[%add3A_629, %dma_start3A_633] : memref<32768x128xf32, #tpu.memory_space<hbm>> -> memref<64x128xf32, #tpu.memory_space<hbm>>
    %dma_start3A_635 = arith.constant 0 : i32
    %dma_start3A_636 = tpu.memref_slice %arg5[%add3A_629, %dma_start3A_635] : memref<32768x128xf32, #tpu.memory_space<hbm>> -> memref<64x128xf32, #tpu.memory_space<hbm>>
    %dma_start3A_637 = arith.constant 64 : i32
    %dma_start3A_638 = arith.constant 0 : i32
    %dma_start3A_639 = tpu.memref_slice %arg11[%dma_start3A_637, %dma_start3A_638] : memref<128x128xf32, #tpu.memory_space<vmem>> -> memref<64x128xf32, #tpu.memory_space<vmem>>
    tpu.enqueue_dma source(%dma_start3A_639 : memref<64x128xf32, #tpu.memory_space<vmem>>) target(%dma_start3A_636 : memref<64x128xf32, #tpu.memory_space<hbm>>) target_semaphore(%arg23 : memref<!tpu.dma_semaphore, #tpu.memory_space<semaphore_mem>>)
    %dma_wait3A_640 = arith.constant 4 : i32
    %dma_wait3A_641 = arith.constant 0 : i32
    %dma_wait3A_642 = tpu.memref_slice %arg6[%dma_wait3A_640, %dma_wait3A_641] : memref<8x128xi32, #tpu.memory_space<vmem>> -> memref<1x128xi32, #tpu.memory_space<vmem>>
    %dma_wait3A_643 = tpu.memref_squeeze %dma_wait3A_642 : memref<1x128xi32, #tpu.memory_space<vmem>> -> memref<128xi32, #tpu.memory_space<vmem>>
    %dma_wait3A_644 = arith.constant 0 : i32
    %dma_wait3A_645 = arith.constant 0 : i32
    %dma_wait3A_646 = tpu.memref_slice %arg3[%dma_wait3A_644, %dma_wait3A_645] : memref<100000x128xf32, #tpu.memory_space<hbm>> -> memref<100000x128xf32, #tpu.memory_space<hbm>>
    tpu.wait_indirect_dma semaphore(%arg18 : memref<!tpu.dma_semaphore, #tpu.memory_space<semaphore_mem>>) src(%dma_wait3A_646 : memref<100000x128xf32, #tpu.memory_space<hbm>>) dst(%arg12 : memref<128x128xf32, #tpu.memory_space<vmem>>)
    %scan3A_647 = arith.constant 0 : i32
    %scan3A_648 = arith.constant 0 : i32
    %scan3A_649 = arith.constant 64 : i32
    %scan3A_650 = arith.addi %scan3A_648, %scan3A_649 : i32
    %scan3A_651 = arith.constant 2 : i32
    %scan3A_652 = scf.for %scan3A_912 = %scan3A_648 to %scan3A_650 step %scan3A_651 iter_args(%scan3A_913 = %scan3A_647) -> (i32)  : i32 {
      %get3A = arith.index_cast %scan3A_912 : i32 to index
      %get3A_914 = arith.constant 0 : index
      %get3A_915 = tpu.vector_load %arg7[%get3A, %get3A_914] {strides = array<i32>} : memref<64x128xf32, #tpu.memory_space<vmem>>, vector<1x16xf32>,
      %get3A_916 = vector.shape_cast %get3A_915 : vector<1x16xf32> to vector<16xf32>
      %add3A_917 = arith.constant 0 : i32
      %add3A_918 = arith.addi %add3A_917, %scan3A_912 : i32
      %swap3A = arith.index_cast %add3A_918 : i32 to index
      %swap3A_919 = arith.constant 0 : index
      %swap3A_920 = tpu.vector_load %arg12[%swap3A, %swap3A_919] {strides = array<i32>} : memref<128x128xf32, #tpu.memory_space<vmem>>, vector<1x16xf32>,
      %swap3A_921 = vector.shape_cast %swap3A_920 : vector<1x16xf32> to vector<16xf32>
      %swap3A_922 = vector.shape_cast %get3A_916 : vector<16xf32> to vector<1x16xf32>
      tpu.vector_store %arg12[%swap3A, %swap3A_919], %swap3A_922 {add = true, strides = array<i32>} : memref<128x128xf32, #tpu.memory_space<vmem>>, vector<1x16xf32>,
      %add3A_923 = arith.constant 64 : i32
      %add3A_924 = arith.addi %add3A_923, %scan3A_912 : i32
      %swap3A_925 = arith.index_cast %add3A_924 : i32 to index
      %swap3A_926 = arith.constant 0 : index
      %swap3A_927 = tpu.vector_load %arg12[%swap3A_925, %swap3A_926] {strides = array<i32>} : memref<128x128xf32, #tpu.memory_space<vmem>>, vector<1x16xf32>,
      %swap3A_928 = vector.shape_cast %swap3A_927 : vector<1x16xf32> to vector<16xf32>
      %swap3A_929 = vector.shape_cast %get3A_916 : vector<16xf32> to vector<1x16xf32>
      tpu.vector_store %arg12[%swap3A_925, %swap3A_926], %swap3A_929 {add = true, strides = array<i32>} : memref<128x128xf32, #tpu.memory_space<vmem>>, vector<1x16xf32>,
      %get3A_930 = arith.index_cast %scan3A_912 : i32 to index
      %get3A_931 = arith.constant 16 : index
      %get3A_932 = tpu.vector_load %arg7[%get3A_930, %get3A_931] {strides = array<i32>} : memref<64x128xf32, #tpu.memory_space<vmem>>, vector<1x16xf32>,
      %get3A_933 = vector.shape_cast %get3A_932 : vector<1x16xf32> to vector<16xf32>
      %add3A_934 = arith.constant 0 : i32
      %add3A_935 = arith.addi %add3A_934, %scan3A_912 : i32
      %swap3A_936 = arith.index_cast %add3A_935 : i32 to index
      %swap3A_937 = arith.constant 16 : index
      %swap3A_938 = tpu.vector_load %arg12[%swap3A_936, %swap3A_937] {strides = array<i32>} : memref<128x128xf32, #tpu.memory_space<vmem>>, vector<1x16xf32>,
      %swap3A_939 = vector.shape_cast %swap3A_938 : vector<1x16xf32> to vector<16xf32>
      %swap3A_940 = vector.shape_cast %get3A_933 : vector<16xf32> to vector<1x16xf32>
      tpu.vector_store %arg12[%swap3A_936, %swap3A_937], %swap3A_940 {add = true, strides = array<i32>} : memref<128x128xf32, #tpu.memory_space<vmem>>, vector<1x16xf32>,
      %add3A_941 = arith.constant 64 : i32
      %add3A_942 = arith.addi %add3A_941, %scan3A_912 : i32
      %swap3A_943 = arith.index_cast %add3A_942 : i32 to index
      %swap3A_944 = arith.constant 16 : index
      %swap3A_945 = tpu.vector_load %arg12[%swap3A_943, %swap3A_944] {strides = array<i32>} : memref<128x128xf32, #tpu.memory_space<vmem>>, vector<1x16xf32>,
      %swap3A_946 = vector.shape_cast %swap3A_945 : vector<1x16xf32> to vector<16xf32>
      %swap3A_947 = vector.shape_cast %get3A_933 : vector<16xf32> to vector<1x16xf32>
      tpu.vector_store %arg12[%swap3A_943, %swap3A_944], %swap3A_947 {add = true, strides = array<i32>} : memref<128x128xf32, #tpu.memory_space<vmem>>, vector<1x16xf32>,
      %get3A_948 = arith.index_cast %scan3A_912 : i32 to index
      %get3A_949 = arith.constant 32 : index
      %get3A_950 = tpu.vector_load %arg7[%get3A_948, %get3A_949] {strides = array<i32>} : memref<64x128xf32, #tpu.memory_space<vmem>>, vector<1x16xf32>,
      %get3A_951 = vector.shape_cast %get3A_950 : vector<1x16xf32> to vector<16xf32>
      %add3A_952 = arith.constant 0 : i32
      %add3A_953 = arith.addi %add3A_952, %scan3A_912 : i32
      %swap3A_954 = arith.index_cast %add3A_953 : i32 to index
      %swap3A_955 = arith.constant 32 : index
      %swap3A_956 = tpu.vector_load %arg12[%swap3A_954, %swap3A_955] {strides = array<i32>} : memref<128x128xf32, #tpu.memory_space<vmem>>, vector<1x16xf32>,
      %swap3A_957 = vector.shape_cast %swap3A_956 : vector<1x16xf32> to vector<16xf32>
      %swap3A_958 = vector.shape_cast %get3A_951 : vector<16xf32> to vector<1x16xf32>
      tpu.vector_store %arg12[%swap3A_954, %swap3A_955], %swap3A_958 {add = true, strides = array<i32>} : memref<128x128xf32, #tpu.memory_space<vmem>>, vector<1x16xf32>,
      %add3A_959 = arith.constant 64 : i32
      %add3A_960 = arith.addi %add3A_959, %scan3A_912 : i32
      %swap3A_961 = arith.index_cast %add3A_960 : i32 to index
      %swap3A_962 = arith.constant 32 : index
      %swap3A_963 = tpu.vector_load %arg12[%swap3A_961, %swap3A_962] {strides = array<i32>} : memref<128x128xf32, #tpu.memory_space<vmem>>, vector<1x16xf32>,
      %swap3A_964 = vector.shape_cast %swap3A_963 : vector<1x16xf32> to vector<16xf32>
      %swap3A_965 = vector.shape_cast %get3A_951 : vector<16xf32> to vector<1x16xf32>
      tpu.vector_store %arg12[%swap3A_961, %swap3A_962], %swap3A_965 {add = true, strides = array<i32>} : memref<128x128xf32, #tpu.memory_space<vmem>>, vector<1x16xf32>,
      %get3A_966 = arith.index_cast %scan3A_912 : i32 to index
      %get3A_967 = arith.constant 48 : index
      %get3A_968 = tpu.vector_load %arg7[%get3A_966, %get3A_967] {strides = array<i32>} : memref<64x128xf32, #tpu.memory_space<vmem>>, vector<1x16xf32>,
      %get3A_969 = vector.shape_cast %get3A_968 : vector<1x16xf32> to vector<16xf32>
      %add3A_970 = arith.constant 0 : i32
      %add3A_971 = arith.addi %add3A_970, %scan3A_912 : i32
      %swap3A_972 = arith.index_cast %add3A_971 : i32 to index
      %swap3A_973 = arith.constant 48 : index
      %swap3A_974 = tpu.vector_load %arg12[%swap3A_972, %swap3A_973] {strides = array<i32>} : memref<128x128xf32, #tpu.memory_space<vmem>>, vector<1x16xf32>,
      %swap3A_975 = vector.shape_cast %swap3A_974 : vector<1x16xf32> to vector<16xf32>
      %swap3A_976 = vector.shape_cast %get3A_969 : vector<16xf32> to vector<1x16xf32>
      tpu.vector_store %arg12[%swap3A_972, %swap3A_973], %swap3A_976 {add = true, strides = array<i32>} : memref<128x128xf32, #tpu.memory_space<vmem>>, vector<1x16xf32>,
      %add3A_977 = arith.constant 64 : i32
      %add3A_978 = arith.addi %add3A_977, %scan3A_912 : i32
      %swap3A_979 = arith.index_cast %add3A_978 : i32 to index
      %swap3A_980 = arith.constant 48 : index
      %swap3A_981 = tpu.vector_load %arg12[%swap3A_979, %swap3A_980] {strides = array<i32>} : memref<128x128xf32, #tpu.memory_space<vmem>>, vector<1x16xf32>,
      %swap3A_982 = vector.shape_cast %swap3A_981 : vector<1x16xf32> to vector<16xf32>
      %swap3A_983 = vector.shape_cast %get3A_969 : vector<16xf32> to vector<1x16xf32>
      tpu.vector_store %arg12[%swap3A_979, %swap3A_980], %swap3A_983 {add = true, strides = array<i32>} : memref<128x128xf32, #tpu.memory_space<vmem>>, vector<1x16xf32>,
      %get3A_984 = arith.index_cast %scan3A_912 : i32 to index
      %get3A_985 = arith.constant 64 : index
      %get3A_986 = tpu.vector_load %arg7[%get3A_984, %get3A_985] {strides = array<i32>} : memref<64x128xf32, #tpu.memory_space<vmem>>, vector<1x16xf32>,
      %get3A_987 = vector.shape_cast %get3A_986 : vector<1x16xf32> to vector<16xf32>
      %add3A_988 = arith.constant 0 : i32
      %add3A_989 = arith.addi %add3A_988, %scan3A_912 : i32
      %swap3A_990 = arith.index_cast %add3A_989 : i32 to index
      %swap3A_991 = arith.constant 64 : index
      %swap3A_992 = tpu.vector_load %arg12[%swap3A_990, %swap3A_991] {strides = array<i32>} : memref<128x128xf32, #tpu.memory_space<vmem>>, vector<1x16xf32>,
      %swap3A_993 = vector.shape_cast %swap3A_992 : vector<1x16xf32> to vector<16xf32>
      %swap3A_994 = vector.shape_cast %get3A_987 : vector<16xf32> to vector<1x16xf32>
      tpu.vector_store %arg12[%swap3A_990, %swap3A_991], %swap3A_994 {add = true, strides = array<i32>} : memref<128x128xf32, #tpu.memory_space<vmem>>, vector<1x16xf32>,
      %add3A_995 = arith.constant 64 : i32
      %add3A_996 = arith.addi %add3A_995, %scan3A_912 : i32
      %swap3A_997 = arith.index_cast %add3A_996 : i32 to index
      %swap3A_998 = arith.constant 64 : index
      %swap3A_999 = tpu.vector_load %arg12[%swap3A_997, %swap3A_998] {strides = array<i32>} : memref<128x128xf32, #tpu.memory_space<vmem>>, vector<1x16xf32>,
      %swap3A_1000 = vector.shape_cast %swap3A_999 : vector<1x16xf32> to vector<16xf32>
      %swap3A_1001 = vector.shape_cast %get3A_987 : vector<16xf32> to vector<1x16xf32>
      tpu.vector_store %arg12[%swap3A_997, %swap3A_998], %swap3A_1001 {add = true, strides = array<i32>} : memref<128x128xf32, #tpu.memory_space<vmem>>, vector<1x16xf32>,
      %get3A_1002 = arith.index_cast %scan3A_912 : i32 to index
      %get3A_1003 = arith.constant 80 : index
      %get3A_1004 = tpu.vector_load %arg7[%get3A_1002, %get3A_1003] {strides = array<i32>} : memref<64x128xf32, #tpu.memory_space<vmem>>, vector<1x16xf32>,
      %get3A_1005 = vector.shape_cast %get3A_1004 : vector<1x16xf32> to vector<16xf32>
      %add3A_1006 = arith.constant 0 : i32
      %add3A_1007 = arith.addi %add3A_1006, %scan3A_912 : i32
      %swap3A_1008 = arith.index_cast %add3A_1007 : i32 to index
      %swap3A_1009 = arith.constant 80 : index
      %swap3A_1010 = tpu.vector_load %arg12[%swap3A_1008, %swap3A_1009] {strides = array<i32>} : memref<128x128xf32, #tpu.memory_space<vmem>>, vector<1x16xf32>,
      %swap3A_1011 = vector.shape_cast %swap3A_1010 : vector<1x16xf32> to vector<16xf32>
      %swap3A_1012 = vector.shape_cast %get3A_1005 : vector<16xf32> to vector<1x16xf32>
      tpu.vector_store %arg12[%swap3A_1008, %swap3A_1009], %swap3A_1012 {add = true, strides = array<i32>} : memref<128x128xf32, #tpu.memory_space<vmem>>, vector<1x16xf32>,
      %add3A_1013 = arith.constant 64 : i32
      %add3A_1014 = arith.addi %add3A_1013, %scan3A_912 : i32
      %swap3A_1015 = arith.index_cast %add3A_1014 : i32 to index
      %swap3A_1016 = arith.constant 80 : index
      %swap3A_1017 = tpu.vector_load %arg12[%swap3A_1015, %swap3A_1016] {strides = array<i32>} : memref<128x128xf32, #tpu.memory_space<vmem>>, vector<1x16xf32>,
      %swap3A_1018 = vector.shape_cast %swap3A_1017 : vector<1x16xf32> to vector<16xf32>
      %swap3A_1019 = vector.shape_cast %get3A_1005 : vector<16xf32> to vector<1x16xf32>
      tpu.vector_store %arg12[%swap3A_1015, %swap3A_1016], %swap3A_1019 {add = true, strides = array<i32>} : memref<128x128xf32, #tpu.memory_space<vmem>>, vector<1x16xf32>,
      %get3A_1020 = arith.index_cast %scan3A_912 : i32 to index
      %get3A_1021 = arith.constant 96 : index
      %get3A_1022 = tpu.vector_load %arg7[%get3A_1020, %get3A_1021] {strides = array<i32>} : memref<64x128xf32, #tpu.memory_space<vmem>>, vector<1x16xf32>,
      %get3A_1023 = vector.shape_cast %get3A_1022 : vector<1x16xf32> to vector<16xf32>
      %add3A_1024 = arith.constant 0 : i32
      %add3A_1025 = arith.addi %add3A_1024, %scan3A_912 : i32
      %swap3A_1026 = arith.index_cast %add3A_1025 : i32 to index
      %swap3A_1027 = arith.constant 96 : index
      %swap3A_1028 = tpu.vector_load %arg12[%swap3A_1026, %swap3A_1027] {strides = array<i32>} : memref<128x128xf32, #tpu.memory_space<vmem>>, vector<1x16xf32>,
      %swap3A_1029 = vector.shape_cast %swap3A_1028 : vector<1x16xf32> to vector<16xf32>
      %swap3A_1030 = vector.shape_cast %get3A_1023 : vector<16xf32> to vector<1x16xf32>
      tpu.vector_store %arg12[%swap3A_1026, %swap3A_1027], %swap3A_1030 {add = true, strides = array<i32>} : memref<128x128xf32, #tpu.memory_space<vmem>>, vector<1x16xf32>,
      %add3A_1031 = arith.constant 64 : i32
      %add3A_1032 = arith.addi %add3A_1031, %scan3A_912 : i32
      %swap3A_1033 = arith.index_cast %add3A_1032 : i32 to index
      %swap3A_1034 = arith.constant 96 : index
      %swap3A_1035 = tpu.vector_load %arg12[%swap3A_1033, %swap3A_1034] {strides = array<i32>} : memref<128x128xf32, #tpu.memory_space<vmem>>, vector<1x16xf32>,
      %swap3A_1036 = vector.shape_cast %swap3A_1035 : vector<1x16xf32> to vector<16xf32>
      %swap3A_1037 = vector.shape_cast %get3A_1023 : vector<16xf32> to vector<1x16xf32>
      tpu.vector_store %arg12[%swap3A_1033, %swap3A_1034], %swap3A_1037 {add = true, strides = array<i32>} : memref<128x128xf32, #tpu.memory_space<vmem>>, vector<1x16xf32>,
      %get3A_1038 = arith.index_cast %scan3A_912 : i32 to index
      %get3A_1039 = arith.constant 112 : index
      %get3A_1040 = tpu.vector_load %arg7[%get3A_1038, %get3A_1039] {strides = array<i32>} : memref<64x128xf32, #tpu.memory_space<vmem>>, vector<1x16xf32>,
      %get3A_1041 = vector.shape_cast %get3A_1040 : vector<1x16xf32> to vector<16xf32>
      %add3A_1042 = arith.constant 0 : i32
      %add3A_1043 = arith.addi %add3A_1042, %scan3A_912 : i32
      %swap3A_1044 = arith.index_cast %add3A_1043 : i32 to index
      %swap3A_1045 = arith.constant 112 : index
      %swap3A_1046 = tpu.vector_load %arg12[%swap3A_1044, %swap3A_1045] {strides = array<i32>} : memref<128x128xf32, #tpu.memory_space<vmem>>, vector<1x16xf32>,
      %swap3A_1047 = vector.shape_cast %swap3A_1046 : vector<1x16xf32> to vector<16xf32>
      %swap3A_1048 = vector.shape_cast %get3A_1041 : vector<16xf32> to vector<1x16xf32>
      tpu.vector_store %arg12[%swap3A_1044, %swap3A_1045], %swap3A_1048 {add = true, strides = array<i32>} : memref<128x128xf32, #tpu.memory_space<vmem>>, vector<1x16xf32>,
      %add3A_1049 = arith.constant 64 : i32
      %add3A_1050 = arith.addi %add3A_1049, %scan3A_912 : i32
      %swap3A_1051 = arith.index_cast %add3A_1050 : i32 to index
      %swap3A_1052 = arith.constant 112 : index
      %swap3A_1053 = tpu.vector_load %arg12[%swap3A_1051, %swap3A_1052] {strides = array<i32>} : memref<128x128xf32, #tpu.memory_space<vmem>>, vector<1x16xf32>,
      %swap3A_1054 = vector.shape_cast %swap3A_1053 : vector<1x16xf32> to vector<16xf32>
      %swap3A_1055 = vector.shape_cast %get3A_1041 : vector<16xf32> to vector<1x16xf32>
      tpu.vector_store %arg12[%swap3A_1051, %swap3A_1052], %swap3A_1055 {add = true, strides = array<i32>} : memref<128x128xf32, #tpu.memory_space<vmem>>, vector<1x16xf32>,
      %scan3A_1056 = arith.constant 0 : i32
      %scan3A_1057 = arith.constant 1 : i32
      %scan3A_1058 = arith.addi %scan3A_912, %scan3A_1057 : i32
      %get3A_1059 = arith.index_cast %scan3A_1058 : i32 to index
      %get3A_1060 = arith.constant 0 : index
      %get3A_1061 = tpu.vector_load %arg7[%get3A_1059, %get3A_1060] {strides = array<i32>} : memref<64x128xf32, #tpu.memory_space<vmem>>, vector<1x16xf32>,
      %get3A_1062 = vector.shape_cast %get3A_1061 : vector<1x16xf32> to vector<16xf32>
      %add3A_1063 = arith.constant 0 : i32
      %add3A_1064 = arith.addi %add3A_1063, %scan3A_1058 : i32
      %swap3A_1065 = arith.index_cast %add3A_1064 : i32 to index
      %swap3A_1066 = arith.constant 0 : index
      %swap3A_1067 = tpu.vector_load %arg12[%swap3A_1065, %swap3A_1066] {strides = array<i32>} : memref<128x128xf32, #tpu.memory_space<vmem>>, vector<1x16xf32>,
      %swap3A_1068 = vector.shape_cast %swap3A_1067 : vector<1x16xf32> to vector<16xf32>
      %swap3A_1069 = vector.shape_cast %get3A_1062 : vector<16xf32> to vector<1x16xf32>
      tpu.vector_store %arg12[%swap3A_1065, %swap3A_1066], %swap3A_1069 {add = true, strides = array<i32>} : memref<128x128xf32, #tpu.memory_space<vmem>>, vector<1x16xf32>,
      %add3A_1070 = arith.constant 64 : i32
      %add3A_1071 = arith.addi %add3A_1070, %scan3A_1058 : i32
      %swap3A_1072 = arith.index_cast %add3A_1071 : i32 to index
      %swap3A_1073 = arith.constant 0 : index
      %swap3A_1074 = tpu.vector_load %arg12[%swap3A_1072, %swap3A_1073] {strides = array<i32>} : memref<128x128xf32, #tpu.memory_space<vmem>>, vector<1x16xf32>,
      %swap3A_1075 = vector.shape_cast %swap3A_1074 : vector<1x16xf32> to vector<16xf32>
      %swap3A_1076 = vector.shape_cast %get3A_1062 : vector<16xf32> to vector<1x16xf32>
      tpu.vector_store %arg12[%swap3A_1072, %swap3A_1073], %swap3A_1076 {add = true, strides = array<i32>} : memref<128x128xf32, #tpu.memory_space<vmem>>, vector<1x16xf32>,
      %get3A_1077 = arith.index_cast %scan3A_1058 : i32 to index
      %get3A_1078 = arith.constant 16 : index
      %get3A_1079 = tpu.vector_load %arg7[%get3A_1077, %get3A_1078] {strides = array<i32>} : memref<64x128xf32, #tpu.memory_space<vmem>>, vector<1x16xf32>,
      %get3A_1080 = vector.shape_cast %get3A_1079 : vector<1x16xf32> to vector<16xf32>
      %add3A_1081 = arith.constant 0 : i32
      %add3A_1082 = arith.addi %add3A_1081, %scan3A_1058 : i32
      %swap3A_1083 = arith.index_cast %add3A_1082 : i32 to index
      %swap3A_1084 = arith.constant 16 : index
      %swap3A_1085 = tpu.vector_load %arg12[%swap3A_1083, %swap3A_1084] {strides = array<i32>} : memref<128x128xf32, #tpu.memory_space<vmem>>, vector<1x16xf32>,
      %swap3A_1086 = vector.shape_cast %swap3A_1085 : vector<1x16xf32> to vector<16xf32>
      %swap3A_1087 = vector.shape_cast %get3A_1080 : vector<16xf32> to vector<1x16xf32>
      tpu.vector_store %arg12[%swap3A_1083, %swap3A_1084], %swap3A_1087 {add = true, strides = array<i32>} : memref<128x128xf32, #tpu.memory_space<vmem>>, vector<1x16xf32>,
      %add3A_1088 = arith.constant 64 : i32
      %add3A_1089 = arith.addi %add3A_1088, %scan3A_1058 : i32
      %swap3A_1090 = arith.index_cast %add3A_1089 : i32 to index
      %swap3A_1091 = arith.constant 16 : index
      %swap3A_1092 = tpu.vector_load %arg12[%swap3A_1090, %swap3A_1091] {strides = array<i32>} : memref<128x128xf32, #tpu.memory_space<vmem>>, vector<1x16xf32>,
      %swap3A_1093 = vector.shape_cast %swap3A_1092 : vector<1x16xf32> to vector<16xf32>
      %swap3A_1094 = vector.shape_cast %get3A_1080 : vector<16xf32> to vector<1x16xf32>
      tpu.vector_store %arg12[%swap3A_1090, %swap3A_1091], %swap3A_1094 {add = true, strides = array<i32>} : memref<128x128xf32, #tpu.memory_space<vmem>>, vector<1x16xf32>,
      %get3A_1095 = arith.index_cast %scan3A_1058 : i32 to index
      %get3A_1096 = arith.constant 32 : index
      %get3A_1097 = tpu.vector_load %arg7[%get3A_1095, %get3A_1096] {strides = array<i32>} : memref<64x128xf32, #tpu.memory_space<vmem>>, vector<1x16xf32>,
      %get3A_1098 = vector.shape_cast %get3A_1097 : vector<1x16xf32> to vector<16xf32>
      %add3A_1099 = arith.constant 0 : i32
      %add3A_1100 = arith.addi %add3A_1099, %scan3A_1058 : i32
      %swap3A_1101 = arith.index_cast %add3A_1100 : i32 to index
      %swap3A_1102 = arith.constant 32 : index
      %swap3A_1103 = tpu.vector_load %arg12[%swap3A_1101, %swap3A_1102] {strides = array<i32>} : memref<128x128xf32, #tpu.memory_space<vmem>>, vector<1x16xf32>,
      %swap3A_1104 = vector.shape_cast %swap3A_1103 : vector<1x16xf32> to vector<16xf32>
      %swap3A_1105 = vector.shape_cast %get3A_1098 : vector<16xf32> to vector<1x16xf32>
      tpu.vector_store %arg12[%swap3A_1101, %swap3A_1102], %swap3A_1105 {add = true, strides = array<i32>} : memref<128x128xf32, #tpu.memory_space<vmem>>, vector<1x16xf32>,
      %add3A_1106 = arith.constant 64 : i32
      %add3A_1107 = arith.addi %add3A_1106, %scan3A_1058 : i32
      %swap3A_1108 = arith.index_cast %add3A_1107 : i32 to index
      %swap3A_1109 = arith.constant 32 : index
      %swap3A_1110 = tpu.vector_load %arg12[%swap3A_1108, %swap3A_1109] {strides = array<i32>} : memref<128x128xf32, #tpu.memory_space<vmem>>, vector<1x16xf32>,
      %swap3A_1111 = vector.shape_cast %swap3A_1110 : vector<1x16xf32> to vector<16xf32>
      %swap3A_1112 = vector.shape_cast %get3A_1098 : vector<16xf32> to vector<1x16xf32>
      tpu.vector_store %arg12[%swap3A_1108, %swap3A_1109], %swap3A_1112 {add = true, strides = array<i32>} : memref<128x128xf32, #tpu.memory_space<vmem>>, vector<1x16xf32>,
      %get3A_1113 = arith.index_cast %scan3A_1058 : i32 to index
      %get3A_1114 = arith.constant 48 : index
      %get3A_1115 = tpu.vector_load %arg7[%get3A_1113, %get3A_1114] {strides = array<i32>} : memref<64x128xf32, #tpu.memory_space<vmem>>, vector<1x16xf32>,
      %get3A_1116 = vector.shape_cast %get3A_1115 : vector<1x16xf32> to vector<16xf32>
      %add3A_1117 = arith.constant 0 : i32
      %add3A_1118 = arith.addi %add3A_1117, %scan3A_1058 : i32
      %swap3A_1119 = arith.index_cast %add3A_1118 : i32 to index
      %swap3A_1120 = arith.constant 48 : index
      %swap3A_1121 = tpu.vector_load %arg12[%swap3A_1119, %swap3A_1120] {strides = array<i32>} : memref<128x128xf32, #tpu.memory_space<vmem>>, vector<1x16xf32>,
      %swap3A_1122 = vector.shape_cast %swap3A_1121 : vector<1x16xf32> to vector<16xf32>
      %swap3A_1123 = vector.shape_cast %get3A_1116 : vector<16xf32> to vector<1x16xf32>
      tpu.vector_store %arg12[%swap3A_1119, %swap3A_1120], %swap3A_1123 {add = true, strides = array<i32>} : memref<128x128xf32, #tpu.memory_space<vmem>>, vector<1x16xf32>,
      %add3A_1124 = arith.constant 64 : i32
      %add3A_1125 = arith.addi %add3A_1124, %scan3A_1058 : i32
      %swap3A_1126 = arith.index_cast %add3A_1125 : i32 to index
      %swap3A_1127 = arith.constant 48 : index
      %swap3A_1128 = tpu.vector_load %arg12[%swap3A_1126, %swap3A_1127] {strides = array<i32>} : memref<128x128xf32, #tpu.memory_space<vmem>>, vector<1x16xf32>,
      %swap3A_1129 = vector.shape_cast %swap3A_1128 : vector<1x16xf32> to vector<16xf32>
      %swap3A_1130 = vector.shape_cast %get3A_1116 : vector<16xf32> to vector<1x16xf32>
      tpu.vector_store %arg12[%swap3A_1126, %swap3A_1127], %swap3A_1130 {add = true, strides = array<i32>} : memref<128x128xf32, #tpu.memory_space<vmem>>, vector<1x16xf32>,
      %get3A_1131 = arith.index_cast %scan3A_1058 : i32 to index
      %get3A_1132 = arith.constant 64 : index
      %get3A_1133 = tpu.vector_load %arg7[%get3A_1131, %get3A_1132] {strides = array<i32>} : memref<64x128xf32, #tpu.memory_space<vmem>>, vector<1x16xf32>,
      %get3A_1134 = vector.shape_cast %get3A_1133 : vector<1x16xf32> to vector<16xf32>
      %add3A_1135 = arith.constant 0 : i32
      %add3A_1136 = arith.addi %add3A_1135, %scan3A_1058 : i32
      %swap3A_1137 = arith.index_cast %add3A_1136 : i32 to index
      %swap3A_1138 = arith.constant 64 : index
      %swap3A_1139 = tpu.vector_load %arg12[%swap3A_1137, %swap3A_1138] {strides = array<i32>} : memref<128x128xf32, #tpu.memory_space<vmem>>, vector<1x16xf32>,
      %swap3A_1140 = vector.shape_cast %swap3A_1139 : vector<1x16xf32> to vector<16xf32>
      %swap3A_1141 = vector.shape_cast %get3A_1134 : vector<16xf32> to vector<1x16xf32>
      tpu.vector_store %arg12[%swap3A_1137, %swap3A_1138], %swap3A_1141 {add = true, strides = array<i32>} : memref<128x128xf32, #tpu.memory_space<vmem>>, vector<1x16xf32>,
      %add3A_1142 = arith.constant 64 : i32
      %add3A_1143 = arith.addi %add3A_1142, %scan3A_1058 : i32
      %swap3A_1144 = arith.index_cast %add3A_1143 : i32 to index
      %swap3A_1145 = arith.constant 64 : index
      %swap3A_1146 = tpu.vector_load %arg12[%swap3A_1144, %swap3A_1145] {strides = array<i32>} : memref<128x128xf32, #tpu.memory_space<vmem>>, vector<1x16xf32>,
      %swap3A_1147 = vector.shape_cast %swap3A_1146 : vector<1x16xf32> to vector<16xf32>
      %swap3A_1148 = vector.shape_cast %get3A_1134 : vector<16xf32> to vector<1x16xf32>
      tpu.vector_store %arg12[%swap3A_1144, %swap3A_1145], %swap3A_1148 {add = true, strides = array<i32>} : memref<128x128xf32, #tpu.memory_space<vmem>>, vector<1x16xf32>,
      %get3A_1149 = arith.index_cast %scan3A_1058 : i32 to index
      %get3A_1150 = arith.constant 80 : index
      %get3A_1151 = tpu.vector_load %arg7[%get3A_1149, %get3A_1150] {strides = array<i32>} : memref<64x128xf32, #tpu.memory_space<vmem>>, vector<1x16xf32>,
      %get3A_1152 = vector.shape_cast %get3A_1151 : vector<1x16xf32> to vector<16xf32>
      %add3A_1153 = arith.constant 0 : i32
      %add3A_1154 = arith.addi %add3A_1153, %scan3A_1058 : i32
      %swap3A_1155 = arith.index_cast %add3A_1154 : i32 to index
      %swap3A_1156 = arith.constant 80 : index
      %swap3A_1157 = tpu.vector_load %arg12[%swap3A_1155, %swap3A_1156] {strides = array<i32>} : memref<128x128xf32, #tpu.memory_space<vmem>>, vector<1x16xf32>,
      %swap3A_1158 = vector.shape_cast %swap3A_1157 : vector<1x16xf32> to vector<16xf32>
      %swap3A_1159 = vector.shape_cast %get3A_1152 : vector<16xf32> to vector<1x16xf32>
      tpu.vector_store %arg12[%swap3A_1155, %swap3A_1156], %swap3A_1159 {add = true, strides = array<i32>} : memref<128x128xf32, #tpu.memory_space<vmem>>, vector<1x16xf32>,
      %add3A_1160 = arith.constant 64 : i32
      %add3A_1161 = arith.addi %add3A_1160, %scan3A_1058 : i32
      %swap3A_1162 = arith.index_cast %add3A_1161 : i32 to index
      %swap3A_1163 = arith.constant 80 : index
      %swap3A_1164 = tpu.vector_load %arg12[%swap3A_1162, %swap3A_1163] {strides = array<i32>} : memref<128x128xf32, #tpu.memory_space<vmem>>, vector<1x16xf32>,
      %swap3A_1165 = vector.shape_cast %swap3A_1164 : vector<1x16xf32> to vector<16xf32>
      %swap3A_1166 = vector.shape_cast %get3A_1152 : vector<16xf32> to vector<1x16xf32>
      tpu.vector_store %arg12[%swap3A_1162, %swap3A_1163], %swap3A_1166 {add = true, strides = array<i32>} : memref<128x128xf32, #tpu.memory_space<vmem>>, vector<1x16xf32>,
      %get3A_1167 = arith.index_cast %scan3A_1058 : i32 to index
      %get3A_1168 = arith.constant 96 : index
      %get3A_1169 = tpu.vector_load %arg7[%get3A_1167, %get3A_1168] {strides = array<i32>} : memref<64x128xf32, #tpu.memory_space<vmem>>, vector<1x16xf32>,
      %get3A_1170 = vector.shape_cast %get3A_1169 : vector<1x16xf32> to vector<16xf32>
      %add3A_1171 = arith.constant 0 : i32
      %add3A_1172 = arith.addi %add3A_1171, %scan3A_1058 : i32
      %swap3A_1173 = arith.index_cast %add3A_1172 : i32 to index
      %swap3A_1174 = arith.constant 96 : index
      %swap3A_1175 = tpu.vector_load %arg12[%swap3A_1173, %swap3A_1174] {strides = array<i32>} : memref<128x128xf32, #tpu.memory_space<vmem>>, vector<1x16xf32>,
      %swap3A_1176 = vector.shape_cast %swap3A_1175 : vector<1x16xf32> to vector<16xf32>
      %swap3A_1177 = vector.shape_cast %get3A_1170 : vector<16xf32> to vector<1x16xf32>
      tpu.vector_store %arg12[%swap3A_1173, %swap3A_1174], %swap3A_1177 {add = true, strides = array<i32>} : memref<128x128xf32, #tpu.memory_space<vmem>>, vector<1x16xf32>,
      %add3A_1178 = arith.constant 64 : i32
      %add3A_1179 = arith.addi %add3A_1178, %scan3A_1058 : i32
      %swap3A_1180 = arith.index_cast %add3A_1179 : i32 to index
      %swap3A_1181 = arith.constant 96 : index
      %swap3A_1182 = tpu.vector_load %arg12[%swap3A_1180, %swap3A_1181] {strides = array<i32>} : memref<128x128xf32, #tpu.memory_space<vmem>>, vector<1x16xf32>,
      %swap3A_1183 = vector.shape_cast %swap3A_1182 : vector<1x16xf32> to vector<16xf32>
      %swap3A_1184 = vector.shape_cast %get3A_1170 : vector<16xf32> to vector<1x16xf32>
      tpu.vector_store %arg12[%swap3A_1180, %swap3A_1181], %swap3A_1184 {add = true, strides = array<i32>} : memref<128x128xf32, #tpu.memory_space<vmem>>, vector<1x16xf32>,
      %get3A_1185 = arith.index_cast %scan3A_1058 : i32 to index
      %get3A_1186 = arith.constant 112 : index
      %get3A_1187 = tpu.vector_load %arg7[%get3A_1185, %get3A_1186] {strides = array<i32>} : memref<64x128xf32, #tpu.memory_space<vmem>>, vector<1x16xf32>,
      %get3A_1188 = vector.shape_cast %get3A_1187 : vector<1x16xf32> to vector<16xf32>
      %add3A_1189 = arith.constant 0 : i32
      %add3A_1190 = arith.addi %add3A_1189, %scan3A_1058 : i32
      %swap3A_1191 = arith.index_cast %add3A_1190 : i32 to index
      %swap3A_1192 = arith.constant 112 : index
      %swap3A_1193 = tpu.vector_load %arg12[%swap3A_1191, %swap3A_1192] {strides = array<i32>} : memref<128x128xf32, #tpu.memory_space<vmem>>, vector<1x16xf32>,
      %swap3A_1194 = vector.shape_cast %swap3A_1193 : vector<1x16xf32> to vector<16xf32>
      %swap3A_1195 = vector.shape_cast %get3A_1188 : vector<16xf32> to vector<1x16xf32>
      tpu.vector_store %arg12[%swap3A_1191, %swap3A_1192], %swap3A_1195 {add = true, strides = array<i32>} : memref<128x128xf32, #tpu.memory_space<vmem>>, vector<1x16xf32>,
      %add3A_1196 = arith.constant 64 : i32
      %add3A_1197 = arith.addi %add3A_1196, %scan3A_1058 : i32
      %swap3A_1198 = arith.index_cast %add3A_1197 : i32 to index
      %swap3A_1199 = arith.constant 112 : index
      %swap3A_1200 = tpu.vector_load %arg12[%swap3A_1198, %swap3A_1199] {strides = array<i32>} : memref<128x128xf32, #tpu.memory_space<vmem>>, vector<1x16xf32>,
      %swap3A_1201 = vector.shape_cast %swap3A_1200 : vector<1x16xf32> to vector<16xf32>
      %swap3A_1202 = vector.shape_cast %get3A_1188 : vector<16xf32> to vector<1x16xf32>
      tpu.vector_store %arg12[%swap3A_1198, %swap3A_1199], %swap3A_1202 {add = true, strides = array<i32>} : memref<128x128xf32, #tpu.memory_space<vmem>>, vector<1x16xf32>,
      %scan3A_1203 = arith.constant 0 : i32
      scf.yield %scan3A_1203 : i32
    }
    %scan3A_653 = arith.constant 64 : i32
    %add3A_654 = arith.constant 16384 : i32
    %add3A_655 = arith.addi %add3A_654, %mul3A_2 : i32
    %dma_start3A_656 = arith.constant 0 : i32
    %dma_start3A_657 = arith.constant 0 : i32
    %dma_start3A_658 = tpu.memref_slice %arg12[%dma_start3A_656, %dma_start3A_657] : memref<128x128xf32, #tpu.memory_space<vmem>> -> memref<64x128xf32, #tpu.memory_space<vmem>>
    %dma_start3A_659 = arith.constant 0 : i32
    %dma_start3A_660 = tpu.memref_slice %arg5[%add3A_655, %dma_start3A_659] : memref<32768x128xf32, #tpu.memory_space<hbm>> -> memref<64x128xf32, #tpu.memory_space<hbm>>
    %dma_start3A_661 = arith.constant 0 : i32
    %dma_start3A_662 = tpu.memref_slice %arg5[%add3A_655, %dma_start3A_661] : memref<32768x128xf32, #tpu.memory_space<hbm>> -> memref<64x128xf32, #tpu.memory_space<hbm>>
    %dma_start3A_663 = arith.constant 0 : i32
    %dma_start3A_664 = arith.constant 0 : i32
    %dma_start3A_665 = tpu.memref_slice %arg12[%dma_start3A_663, %dma_start3A_664] : memref<128x128xf32, #tpu.memory_space<vmem>> -> memref<64x128xf32, #tpu.memory_space<vmem>>
    tpu.enqueue_dma source(%dma_start3A_665 : memref<64x128xf32, #tpu.memory_space<vmem>>) target(%dma_start3A_662 : memref<64x128xf32, #tpu.memory_space<hbm>>) target_semaphore(%arg24 : memref<!tpu.dma_semaphore, #tpu.memory_space<semaphore_mem>>)
    %add3A_666 = arith.constant 18432 : i32
    %add3A_667 = arith.addi %add3A_666, %mul3A_2 : i32
    %dma_start3A_668 = arith.constant 64 : i32
    %dma_start3A_669 = arith.constant 0 : i32
    %dma_start3A_670 = tpu.memref_slice %arg12[%dma_start3A_668, %dma_start3A_669] : memref<128x128xf32, #tpu.memory_space<vmem>> -> memref<64x128xf32, #tpu.memory_space<vmem>>
    %dma_start3A_671 = arith.constant 0 : i32
    %dma_start3A_672 = tpu.memref_slice %arg5[%add3A_667, %dma_start3A_671] : memref<32768x128xf32, #tpu.memory_space<hbm>> -> memref<64x128xf32, #tpu.memory_space<hbm>>
    %dma_start3A_673 = arith.constant 0 : i32
    %dma_start3A_674 = tpu.memref_slice %arg5[%add3A_667, %dma_start3A_673] : memref<32768x128xf32, #tpu.memory_space<hbm>> -> memref<64x128xf32, #tpu.memory_space<hbm>>
    %dma_start3A_675 = arith.constant 64 : i32
    %dma_start3A_676 = arith.constant 0 : i32
    %dma_start3A_677 = tpu.memref_slice %arg12[%dma_start3A_675, %dma_start3A_676] : memref<128x128xf32, #tpu.memory_space<vmem>> -> memref<64x128xf32, #tpu.memory_space<vmem>>
    tpu.enqueue_dma source(%dma_start3A_677 : memref<64x128xf32, #tpu.memory_space<vmem>>) target(%dma_start3A_674 : memref<64x128xf32, #tpu.memory_space<hbm>>) target_semaphore(%arg24 : memref<!tpu.dma_semaphore, #tpu.memory_space<semaphore_mem>>)
    %dma_wait3A_678 = arith.constant 5 : i32
    %dma_wait3A_679 = arith.constant 0 : i32
    %dma_wait3A_680 = tpu.memref_slice %arg6[%dma_wait3A_678, %dma_wait3A_679] : memref<8x128xi32, #tpu.memory_space<vmem>> -> memref<1x128xi32, #tpu.memory_space<vmem>>
    %dma_wait3A_681 = tpu.memref_squeeze %dma_wait3A_680 : memref<1x128xi32, #tpu.memory_space<vmem>> -> memref<128xi32, #tpu.memory_space<vmem>>
    %dma_wait3A_682 = arith.constant 0 : i32
    %dma_wait3A_683 = arith.constant 0 : i32
    %dma_wait3A_684 = tpu.memref_slice %arg3[%dma_wait3A_682, %dma_wait3A_683] : memref<100000x128xf32, #tpu.memory_space<hbm>> -> memref<100000x128xf32, #tpu.memory_space<hbm>>
    tpu.wait_indirect_dma semaphore(%arg19 : memref<!tpu.dma_semaphore, #tpu.memory_space<semaphore_mem>>) src(%dma_wait3A_684 : memref<100000x128xf32, #tpu.memory_space<hbm>>) dst(%arg13 : memref<128x128xf32, #tpu.memory_space<vmem>>)
    %scan3A_685 = arith.constant 0 : i32
    %scan3A_686 = arith.constant 0 : i32
    %scan3A_687 = arith.constant 64 : i32
    %scan3A_688 = arith.addi %scan3A_686, %scan3A_687 : i32
    %scan3A_689 = arith.constant 2 : i32
    %scan3A_690 = scf.for %scan3A_912 = %scan3A_686 to %scan3A_688 step %scan3A_689 iter_args(%scan3A_913 = %scan3A_685) -> (i32)  : i32 {
      %get3A = arith.index_cast %scan3A_912 : i32 to index
      %get3A_914 = arith.constant 0 : index
      %get3A_915 = tpu.vector_load %arg7[%get3A, %get3A_914] {strides = array<i32>} : memref<64x128xf32, #tpu.memory_space<vmem>>, vector<1x16xf32>,
      %get3A_916 = vector.shape_cast %get3A_915 : vector<1x16xf32> to vector<16xf32>
      %add3A_917 = arith.constant 0 : i32
      %add3A_918 = arith.addi %add3A_917, %scan3A_912 : i32
      %swap3A = arith.index_cast %add3A_918 : i32 to index
      %swap3A_919 = arith.constant 0 : index
      %swap3A_920 = tpu.vector_load %arg13[%swap3A, %swap3A_919] {strides = array<i32>} : memref<128x128xf32, #tpu.memory_space<vmem>>, vector<1x16xf32>,
      %swap3A_921 = vector.shape_cast %swap3A_920 : vector<1x16xf32> to vector<16xf32>
      %swap3A_922 = vector.shape_cast %get3A_916 : vector<16xf32> to vector<1x16xf32>
      tpu.vector_store %arg13[%swap3A, %swap3A_919], %swap3A_922 {add = true, strides = array<i32>} : memref<128x128xf32, #tpu.memory_space<vmem>>, vector<1x16xf32>,
      %add3A_923 = arith.constant 64 : i32
      %add3A_924 = arith.addi %add3A_923, %scan3A_912 : i32
      %swap3A_925 = arith.index_cast %add3A_924 : i32 to index
      %swap3A_926 = arith.constant 0 : index
      %swap3A_927 = tpu.vector_load %arg13[%swap3A_925, %swap3A_926] {strides = array<i32>} : memref<128x128xf32, #tpu.memory_space<vmem>>, vector<1x16xf32>,
      %swap3A_928 = vector.shape_cast %swap3A_927 : vector<1x16xf32> to vector<16xf32>
      %swap3A_929 = vector.shape_cast %get3A_916 : vector<16xf32> to vector<1x16xf32>
      tpu.vector_store %arg13[%swap3A_925, %swap3A_926], %swap3A_929 {add = true, strides = array<i32>} : memref<128x128xf32, #tpu.memory_space<vmem>>, vector<1x16xf32>,
      %get3A_930 = arith.index_cast %scan3A_912 : i32 to index
      %get3A_931 = arith.constant 16 : index
      %get3A_932 = tpu.vector_load %arg7[%get3A_930, %get3A_931] {strides = array<i32>} : memref<64x128xf32, #tpu.memory_space<vmem>>, vector<1x16xf32>,
      %get3A_933 = vector.shape_cast %get3A_932 : vector<1x16xf32> to vector<16xf32>
      %add3A_934 = arith.constant 0 : i32
      %add3A_935 = arith.addi %add3A_934, %scan3A_912 : i32
      %swap3A_936 = arith.index_cast %add3A_935 : i32 to index
      %swap3A_937 = arith.constant 16 : index
      %swap3A_938 = tpu.vector_load %arg13[%swap3A_936, %swap3A_937] {strides = array<i32>} : memref<128x128xf32, #tpu.memory_space<vmem>>, vector<1x16xf32>,
      %swap3A_939 = vector.shape_cast %swap3A_938 : vector<1x16xf32> to vector<16xf32>
      %swap3A_940 = vector.shape_cast %get3A_933 : vector<16xf32> to vector<1x16xf32>
      tpu.vector_store %arg13[%swap3A_936, %swap3A_937], %swap3A_940 {add = true, strides = array<i32>} : memref<128x128xf32, #tpu.memory_space<vmem>>, vector<1x16xf32>,
      %add3A_941 = arith.constant 64 : i32
      %add3A_942 = arith.addi %add3A_941, %scan3A_912 : i32
      %swap3A_943 = arith.index_cast %add3A_942 : i32 to index
      %swap3A_944 = arith.constant 16 : index
      %swap3A_945 = tpu.vector_load %arg13[%swap3A_943, %swap3A_944] {strides = array<i32>} : memref<128x128xf32, #tpu.memory_space<vmem>>, vector<1x16xf32>,
      %swap3A_946 = vector.shape_cast %swap3A_945 : vector<1x16xf32> to vector<16xf32>
      %swap3A_947 = vector.shape_cast %get3A_933 : vector<16xf32> to vector<1x16xf32>
      tpu.vector_store %arg13[%swap3A_943, %swap3A_944], %swap3A_947 {add = true, strides = array<i32>} : memref<128x128xf32, #tpu.memory_space<vmem>>, vector<1x16xf32>,
      %get3A_948 = arith.index_cast %scan3A_912 : i32 to index
      %get3A_949 = arith.constant 32 : index
      %get3A_950 = tpu.vector_load %arg7[%get3A_948, %get3A_949] {strides = array<i32>} : memref<64x128xf32, #tpu.memory_space<vmem>>, vector<1x16xf32>,
      %get3A_951 = vector.shape_cast %get3A_950 : vector<1x16xf32> to vector<16xf32>
      %add3A_952 = arith.constant 0 : i32
      %add3A_953 = arith.addi %add3A_952, %scan3A_912 : i32
      %swap3A_954 = arith.index_cast %add3A_953 : i32 to index
      %swap3A_955 = arith.constant 32 : index
      %swap3A_956 = tpu.vector_load %arg13[%swap3A_954, %swap3A_955] {strides = array<i32>} : memref<128x128xf32, #tpu.memory_space<vmem>>, vector<1x16xf32>,
      %swap3A_957 = vector.shape_cast %swap3A_956 : vector<1x16xf32> to vector<16xf32>
      %swap3A_958 = vector.shape_cast %get3A_951 : vector<16xf32> to vector<1x16xf32>
      tpu.vector_store %arg13[%swap3A_954, %swap3A_955], %swap3A_958 {add = true, strides = array<i32>} : memref<128x128xf32, #tpu.memory_space<vmem>>, vector<1x16xf32>,
      %add3A_959 = arith.constant 64 : i32
      %add3A_960 = arith.addi %add3A_959, %scan3A_912 : i32
      %swap3A_961 = arith.index_cast %add3A_960 : i32 to index
      %swap3A_962 = arith.constant 32 : index
      %swap3A_963 = tpu.vector_load %arg13[%swap3A_961, %swap3A_962] {strides = array<i32>} : memref<128x128xf32, #tpu.memory_space<vmem>>, vector<1x16xf32>,
      %swap3A_964 = vector.shape_cast %swap3A_963 : vector<1x16xf32> to vector<16xf32>
      %swap3A_965 = vector.shape_cast %get3A_951 : vector<16xf32> to vector<1x16xf32>
      tpu.vector_store %arg13[%swap3A_961, %swap3A_962], %swap3A_965 {add = true, strides = array<i32>} : memref<128x128xf32, #tpu.memory_space<vmem>>, vector<1x16xf32>,
      %get3A_966 = arith.index_cast %scan3A_912 : i32 to index
      %get3A_967 = arith.constant 48 : index
      %get3A_968 = tpu.vector_load %arg7[%get3A_966, %get3A_967] {strides = array<i32>} : memref<64x128xf32, #tpu.memory_space<vmem>>, vector<1x16xf32>,
      %get3A_969 = vector.shape_cast %get3A_968 : vector<1x16xf32> to vector<16xf32>
      %add3A_970 = arith.constant 0 : i32
      %add3A_971 = arith.addi %add3A_970, %scan3A_912 : i32
      %swap3A_972 = arith.index_cast %add3A_971 : i32 to index
      %swap3A_973 = arith.constant 48 : index
      %swap3A_974 = tpu.vector_load %arg13[%swap3A_972, %swap3A_973] {strides = array<i32>} : memref<128x128xf32, #tpu.memory_space<vmem>>, vector<1x16xf32>,
      %swap3A_975 = vector.shape_cast %swap3A_974 : vector<1x16xf32> to vector<16xf32>
      %swap3A_976 = vector.shape_cast %get3A_969 : vector<16xf32> to vector<1x16xf32>
      tpu.vector_store %arg13[%swap3A_972, %swap3A_973], %swap3A_976 {add = true, strides = array<i32>} : memref<128x128xf32, #tpu.memory_space<vmem>>, vector<1x16xf32>,
      %add3A_977 = arith.constant 64 : i32
      %add3A_978 = arith.addi %add3A_977, %scan3A_912 : i32
      %swap3A_979 = arith.index_cast %add3A_978 : i32 to index
      %swap3A_980 = arith.constant 48 : index
      %swap3A_981 = tpu.vector_load %arg13[%swap3A_979, %swap3A_980] {strides = array<i32>} : memref<128x128xf32, #tpu.memory_space<vmem>>, vector<1x16xf32>,
      %swap3A_982 = vector.shape_cast %swap3A_981 : vector<1x16xf32> to vector<16xf32>
      %swap3A_983 = vector.shape_cast %get3A_969 : vector<16xf32> to vector<1x16xf32>
      tpu.vector_store %arg13[%swap3A_979, %swap3A_980], %swap3A_983 {add = true, strides = array<i32>} : memref<128x128xf32, #tpu.memory_space<vmem>>, vector<1x16xf32>,
      %get3A_984 = arith.index_cast %scan3A_912 : i32 to index
      %get3A_985 = arith.constant 64 : index
      %get3A_986 = tpu.vector_load %arg7[%get3A_984, %get3A_985] {strides = array<i32>} : memref<64x128xf32, #tpu.memory_space<vmem>>, vector<1x16xf32>,
      %get3A_987 = vector.shape_cast %get3A_986 : vector<1x16xf32> to vector<16xf32>
      %add3A_988 = arith.constant 0 : i32
      %add3A_989 = arith.addi %add3A_988, %scan3A_912 : i32
      %swap3A_990 = arith.index_cast %add3A_989 : i32 to index
      %swap3A_991 = arith.constant 64 : index
      %swap3A_992 = tpu.vector_load %arg13[%swap3A_990, %swap3A_991] {strides = array<i32>} : memref<128x128xf32, #tpu.memory_space<vmem>>, vector<1x16xf32>,
      %swap3A_993 = vector.shape_cast %swap3A_992 : vector<1x16xf32> to vector<16xf32>
      %swap3A_994 = vector.shape_cast %get3A_987 : vector<16xf32> to vector<1x16xf32>
      tpu.vector_store %arg13[%swap3A_990, %swap3A_991], %swap3A_994 {add = true, strides = array<i32>} : memref<128x128xf32, #tpu.memory_space<vmem>>, vector<1x16xf32>,
      %add3A_995 = arith.constant 64 : i32
      %add3A_996 = arith.addi %add3A_995, %scan3A_912 : i32
      %swap3A_997 = arith.index_cast %add3A_996 : i32 to index
      %swap3A_998 = arith.constant 64 : index
      %swap3A_999 = tpu.vector_load %arg13[%swap3A_997, %swap3A_998] {strides = array<i32>} : memref<128x128xf32, #tpu.memory_space<vmem>>, vector<1x16xf32>,
      %swap3A_1000 = vector.shape_cast %swap3A_999 : vector<1x16xf32> to vector<16xf32>
      %swap3A_1001 = vector.shape_cast %get3A_987 : vector<16xf32> to vector<1x16xf32>
      tpu.vector_store %arg13[%swap3A_997, %swap3A_998], %swap3A_1001 {add = true, strides = array<i32>} : memref<128x128xf32, #tpu.memory_space<vmem>>, vector<1x16xf32>,
      %get3A_1002 = arith.index_cast %scan3A_912 : i32 to index
      %get3A_1003 = arith.constant 80 : index
      %get3A_1004 = tpu.vector_load %arg7[%get3A_1002, %get3A_1003] {strides = array<i32>} : memref<64x128xf32, #tpu.memory_space<vmem>>, vector<1x16xf32>,
      %get3A_1005 = vector.shape_cast %get3A_1004 : vector<1x16xf32> to vector<16xf32>
      %add3A_1006 = arith.constant 0 : i32
      %add3A_1007 = arith.addi %add3A_1006, %scan3A_912 : i32
      %swap3A_1008 = arith.index_cast %add3A_1007 : i32 to index
      %swap3A_1009 = arith.constant 80 : index
      %swap3A_1010 = tpu.vector_load %arg13[%swap3A_1008, %swap3A_1009] {strides = array<i32>} : memref<128x128xf32, #tpu.memory_space<vmem>>, vector<1x16xf32>,
      %swap3A_1011 = vector.shape_cast %swap3A_1010 : vector<1x16xf32> to vector<16xf32>
      %swap3A_1012 = vector.shape_cast %get3A_1005 : vector<16xf32> to vector<1x16xf32>
      tpu.vector_store %arg13[%swap3A_1008, %swap3A_1009], %swap3A_1012 {add = true, strides = array<i32>} : memref<128x128xf32, #tpu.memory_space<vmem>>, vector<1x16xf32>,
      %add3A_1013 = arith.constant 64 : i32
      %add3A_1014 = arith.addi %add3A_1013, %scan3A_912 : i32
      %swap3A_1015 = arith.index_cast %add3A_1014 : i32 to index
      %swap3A_1016 = arith.constant 80 : index
      %swap3A_1017 = tpu.vector_load %arg13[%swap3A_1015, %swap3A_1016] {strides = array<i32>} : memref<128x128xf32, #tpu.memory_space<vmem>>, vector<1x16xf32>,
      %swap3A_1018 = vector.shape_cast %swap3A_1017 : vector<1x16xf32> to vector<16xf32>
      %swap3A_1019 = vector.shape_cast %get3A_1005 : vector<16xf32> to vector<1x16xf32>
      tpu.vector_store %arg13[%swap3A_1015, %swap3A_1016], %swap3A_1019 {add = true, strides = array<i32>} : memref<128x128xf32, #tpu.memory_space<vmem>>, vector<1x16xf32>,
      %get3A_1020 = arith.index_cast %scan3A_912 : i32 to index
      %get3A_1021 = arith.constant 96 : index
      %get3A_1022 = tpu.vector_load %arg7[%get3A_1020, %get3A_1021] {strides = array<i32>} : memref<64x128xf32, #tpu.memory_space<vmem>>, vector<1x16xf32>,
      %get3A_1023 = vector.shape_cast %get3A_1022 : vector<1x16xf32> to vector<16xf32>
      %add3A_1024 = arith.constant 0 : i32
      %add3A_1025 = arith.addi %add3A_1024, %scan3A_912 : i32
      %swap3A_1026 = arith.index_cast %add3A_1025 : i32 to index
      %swap3A_1027 = arith.constant 96 : index
      %swap3A_1028 = tpu.vector_load %arg13[%swap3A_1026, %swap3A_1027] {strides = array<i32>} : memref<128x128xf32, #tpu.memory_space<vmem>>, vector<1x16xf32>,
      %swap3A_1029 = vector.shape_cast %swap3A_1028 : vector<1x16xf32> to vector<16xf32>
      %swap3A_1030 = vector.shape_cast %get3A_1023 : vector<16xf32> to vector<1x16xf32>
      tpu.vector_store %arg13[%swap3A_1026, %swap3A_1027], %swap3A_1030 {add = true, strides = array<i32>} : memref<128x128xf32, #tpu.memory_space<vmem>>, vector<1x16xf32>,
      %add3A_1031 = arith.constant 64 : i32
      %add3A_1032 = arith.addi %add3A_1031, %scan3A_912 : i32
      %swap3A_1033 = arith.index_cast %add3A_1032 : i32 to index
      %swap3A_1034 = arith.constant 96 : index
      %swap3A_1035 = tpu.vector_load %arg13[%swap3A_1033, %swap3A_1034] {strides = array<i32>} : memref<128x128xf32, #tpu.memory_space<vmem>>, vector<1x16xf32>,
      %swap3A_1036 = vector.shape_cast %swap3A_1035 : vector<1x16xf32> to vector<16xf32>
      %swap3A_1037 = vector.shape_cast %get3A_1023 : vector<16xf32> to vector<1x16xf32>
      tpu.vector_store %arg13[%swap3A_1033, %swap3A_1034], %swap3A_1037 {add = true, strides = array<i32>} : memref<128x128xf32, #tpu.memory_space<vmem>>, vector<1x16xf32>,
      %get3A_1038 = arith.index_cast %scan3A_912 : i32 to index
      %get3A_1039 = arith.constant 112 : index
      %get3A_1040 = tpu.vector_load %arg7[%get3A_1038, %get3A_1039] {strides = array<i32>} : memref<64x128xf32, #tpu.memory_space<vmem>>, vector<1x16xf32>,
      %get3A_1041 = vector.shape_cast %get3A_1040 : vector<1x16xf32> to vector<16xf32>
      %add3A_1042 = arith.constant 0 : i32
      %add3A_1043 = arith.addi %add3A_1042, %scan3A_912 : i32
      %swap3A_1044 = arith.index_cast %add3A_1043 : i32 to index
      %swap3A_1045 = arith.constant 112 : index
      %swap3A_1046 = tpu.vector_load %arg13[%swap3A_1044, %swap3A_1045] {strides = array<i32>} : memref<128x128xf32, #tpu.memory_space<vmem>>, vector<1x16xf32>,
      %swap3A_1047 = vector.shape_cast %swap3A_1046 : vector<1x16xf32> to vector<16xf32>
      %swap3A_1048 = vector.shape_cast %get3A_1041 : vector<16xf32> to vector<1x16xf32>
      tpu.vector_store %arg13[%swap3A_1044, %swap3A_1045], %swap3A_1048 {add = true, strides = array<i32>} : memref<128x128xf32, #tpu.memory_space<vmem>>, vector<1x16xf32>,
      %add3A_1049 = arith.constant 64 : i32
      %add3A_1050 = arith.addi %add3A_1049, %scan3A_912 : i32
      %swap3A_1051 = arith.index_cast %add3A_1050 : i32 to index
      %swap3A_1052 = arith.constant 112 : index
      %swap3A_1053 = tpu.vector_load %arg13[%swap3A_1051, %swap3A_1052] {strides = array<i32>} : memref<128x128xf32, #tpu.memory_space<vmem>>, vector<1x16xf32>,
      %swap3A_1054 = vector.shape_cast %swap3A_1053 : vector<1x16xf32> to vector<16xf32>
      %swap3A_1055 = vector.shape_cast %get3A_1041 : vector<16xf32> to vector<1x16xf32>
      tpu.vector_store %arg13[%swap3A_1051, %swap3A_1052], %swap3A_1055 {add = true, strides = array<i32>} : memref<128x128xf32, #tpu.memory_space<vmem>>, vector<1x16xf32>,
      %scan3A_1056 = arith.constant 0 : i32
      %scan3A_1057 = arith.constant 1 : i32
      %scan3A_1058 = arith.addi %scan3A_912, %scan3A_1057 : i32
      %get3A_1059 = arith.index_cast %scan3A_1058 : i32 to index
      %get3A_1060 = arith.constant 0 : index
      %get3A_1061 = tpu.vector_load %arg7[%get3A_1059, %get3A_1060] {strides = array<i32>} : memref<64x128xf32, #tpu.memory_space<vmem>>, vector<1x16xf32>,
      %get3A_1062 = vector.shape_cast %get3A_1061 : vector<1x16xf32> to vector<16xf32>
      %add3A_1063 = arith.constant 0 : i32
      %add3A_1064 = arith.addi %add3A_1063, %scan3A_1058 : i32
      %swap3A_1065 = arith.index_cast %add3A_1064 : i32 to index
      %swap3A_1066 = arith.constant 0 : index
      %swap3A_1067 = tpu.vector_load %arg13[%swap3A_1065, %swap3A_1066] {strides = array<i32>} : memref<128x128xf32, #tpu.memory_space<vmem>>, vector<1x16xf32>,
      %swap3A_1068 = vector.shape_cast %swap3A_1067 : vector<1x16xf32> to vector<16xf32>
      %swap3A_1069 = vector.shape_cast %get3A_1062 : vector<16xf32> to vector<1x16xf32>
      tpu.vector_store %arg13[%swap3A_1065, %swap3A_1066], %swap3A_1069 {add = true, strides = array<i32>} : memref<128x128xf32, #tpu.memory_space<vmem>>, vector<1x16xf32>,
      %add3A_1070 = arith.constant 64 : i32
      %add3A_1071 = arith.addi %add3A_1070, %scan3A_1058 : i32
      %swap3A_1072 = arith.index_cast %add3A_1071 : i32 to index
      %swap3A_1073 = arith.constant 0 : index
      %swap3A_1074 = tpu.vector_load %arg13[%swap3A_1072, %swap3A_1073] {strides = array<i32>} : memref<128x128xf32, #tpu.memory_space<vmem>>, vector<1x16xf32>,
      %swap3A_1075 = vector.shape_cast %swap3A_1074 : vector<1x16xf32> to vector<16xf32>
      %swap3A_1076 = vector.shape_cast %get3A_1062 : vector<16xf32> to vector<1x16xf32>
      tpu.vector_store %arg13[%swap3A_1072, %swap3A_1073], %swap3A_1076 {add = true, strides = array<i32>} : memref<128x128xf32, #tpu.memory_space<vmem>>, vector<1x16xf32>,
      %get3A_1077 = arith.index_cast %scan3A_1058 : i32 to index
      %get3A_1078 = arith.constant 16 : index
      %get3A_1079 = tpu.vector_load %arg7[%get3A_1077, %get3A_1078] {strides = array<i32>} : memref<64x128xf32, #tpu.memory_space<vmem>>, vector<1x16xf32>,
      %get3A_1080 = vector.shape_cast %get3A_1079 : vector<1x16xf32> to vector<16xf32>
      %add3A_1081 = arith.constant 0 : i32
      %add3A_1082 = arith.addi %add3A_1081, %scan3A_1058 : i32
      %swap3A_1083 = arith.index_cast %add3A_1082 : i32 to index
      %swap3A_1084 = arith.constant 16 : index
      %swap3A_1085 = tpu.vector_load %arg13[%swap3A_1083, %swap3A_1084] {strides = array<i32>} : memref<128x128xf32, #tpu.memory_space<vmem>>, vector<1x16xf32>,
      %swap3A_1086 = vector.shape_cast %swap3A_1085 : vector<1x16xf32> to vector<16xf32>
      %swap3A_1087 = vector.shape_cast %get3A_1080 : vector<16xf32> to vector<1x16xf32>
      tpu.vector_store %arg13[%swap3A_1083, %swap3A_1084], %swap3A_1087 {add = true, strides = array<i32>} : memref<128x128xf32, #tpu.memory_space<vmem>>, vector<1x16xf32>,
      %add3A_1088 = arith.constant 64 : i32
      %add3A_1089 = arith.addi %add3A_1088, %scan3A_1058 : i32
      %swap3A_1090 = arith.index_cast %add3A_1089 : i32 to index
      %swap3A_1091 = arith.constant 16 : index
      %swap3A_1092 = tpu.vector_load %arg13[%swap3A_1090, %swap3A_1091] {strides = array<i32>} : memref<128x128xf32, #tpu.memory_space<vmem>>, vector<1x16xf32>,
      %swap3A_1093 = vector.shape_cast %swap3A_1092 : vector<1x16xf32> to vector<16xf32>
      %swap3A_1094 = vector.shape_cast %get3A_1080 : vector<16xf32> to vector<1x16xf32>
      tpu.vector_store %arg13[%swap3A_1090, %swap3A_1091], %swap3A_1094 {add = true, strides = array<i32>} : memref<128x128xf32, #tpu.memory_space<vmem>>, vector<1x16xf32>,
      %get3A_1095 = arith.index_cast %scan3A_1058 : i32 to index
      %get3A_1096 = arith.constant 32 : index
      %get3A_1097 = tpu.vector_load %arg7[%get3A_1095, %get3A_1096] {strides = array<i32>} : memref<64x128xf32, #tpu.memory_space<vmem>>, vector<1x16xf32>,
      %get3A_1098 = vector.shape_cast %get3A_1097 : vector<1x16xf32> to vector<16xf32>
      %add3A_1099 = arith.constant 0 : i32
      %add3A_1100 = arith.addi %add3A_1099, %scan3A_1058 : i32
      %swap3A_1101 = arith.index_cast %add3A_1100 : i32 to index
      %swap3A_1102 = arith.constant 32 : index
      %swap3A_1103 = tpu.vector_load %arg13[%swap3A_1101, %swap3A_1102] {strides = array<i32>} : memref<128x128xf32, #tpu.memory_space<vmem>>, vector<1x16xf32>,
      %swap3A_1104 = vector.shape_cast %swap3A_1103 : vector<1x16xf32> to vector<16xf32>
      %swap3A_1105 = vector.shape_cast %get3A_1098 : vector<16xf32> to vector<1x16xf32>
      tpu.vector_store %arg13[%swap3A_1101, %swap3A_1102], %swap3A_1105 {add = true, strides = array<i32>} : memref<128x128xf32, #tpu.memory_space<vmem>>, vector<1x16xf32>,
      %add3A_1106 = arith.constant 64 : i32
      %add3A_1107 = arith.addi %add3A_1106, %scan3A_1058 : i32
      %swap3A_1108 = arith.index_cast %add3A_1107 : i32 to index
      %swap3A_1109 = arith.constant 32 : index
      %swap3A_1110 = tpu.vector_load %arg13[%swap3A_1108, %swap3A_1109] {strides = array<i32>} : memref<128x128xf32, #tpu.memory_space<vmem>>, vector<1x16xf32>,
      %swap3A_1111 = vector.shape_cast %swap3A_1110 : vector<1x16xf32> to vector<16xf32>
      %swap3A_1112 = vector.shape_cast %get3A_1098 : vector<16xf32> to vector<1x16xf32>
      tpu.vector_store %arg13[%swap3A_1108, %swap3A_1109], %swap3A_1112 {add = true, strides = array<i32>} : memref<128x128xf32, #tpu.memory_space<vmem>>, vector<1x16xf32>,
      %get3A_1113 = arith.index_cast %scan3A_1058 : i32 to index
      %get3A_1114 = arith.constant 48 : index
      %get3A_1115 = tpu.vector_load %arg7[%get3A_1113, %get3A_1114] {strides = array<i32>} : memref<64x128xf32, #tpu.memory_space<vmem>>, vector<1x16xf32>,
      %get3A_1116 = vector.shape_cast %get3A_1115 : vector<1x16xf32> to vector<16xf32>
      %add3A_1117 = arith.constant 0 : i32
      %add3A_1118 = arith.addi %add3A_1117, %scan3A_1058 : i32
      %swap3A_1119 = arith.index_cast %add3A_1118 : i32 to index
      %swap3A_1120 = arith.constant 48 : index
      %swap3A_1121 = tpu.vector_load %arg13[%swap3A_1119, %swap3A_1120] {strides = array<i32>} : memref<128x128xf32, #tpu.memory_space<vmem>>, vector<1x16xf32>,
      %swap3A_1122 = vector.shape_cast %swap3A_1121 : vector<1x16xf32> to vector<16xf32>
      %swap3A_1123 = vector.shape_cast %get3A_1116 : vector<16xf32> to vector<1x16xf32>
      tpu.vector_store %arg13[%swap3A_1119, %swap3A_1120], %swap3A_1123 {add = true, strides = array<i32>} : memref<128x128xf32, #tpu.memory_space<vmem>>, vector<1x16xf32>,
      %add3A_1124 = arith.constant 64 : i32
      %add3A_1125 = arith.addi %add3A_1124, %scan3A_1058 : i32
      %swap3A_1126 = arith.index_cast %add3A_1125 : i32 to index
      %swap3A_1127 = arith.constant 48 : index
      %swap3A_1128 = tpu.vector_load %arg13[%swap3A_1126, %swap3A_1127] {strides = array<i32>} : memref<128x128xf32, #tpu.memory_space<vmem>>, vector<1x16xf32>,
      %swap3A_1129 = vector.shape_cast %swap3A_1128 : vector<1x16xf32> to vector<16xf32>
      %swap3A_1130 = vector.shape_cast %get3A_1116 : vector<16xf32> to vector<1x16xf32>
      tpu.vector_store %arg13[%swap3A_1126, %swap3A_1127], %swap3A_1130 {add = true, strides = array<i32>} : memref<128x128xf32, #tpu.memory_space<vmem>>, vector<1x16xf32>,
      %get3A_1131 = arith.index_cast %scan3A_1058 : i32 to index
      %get3A_1132 = arith.constant 64 : index
      %get3A_1133 = tpu.vector_load %arg7[%get3A_1131, %get3A_1132] {strides = array<i32>} : memref<64x128xf32, #tpu.memory_space<vmem>>, vector<1x16xf32>,
      %get3A_1134 = vector.shape_cast %get3A_1133 : vector<1x16xf32> to vector<16xf32>
      %add3A_1135 = arith.constant 0 : i32
      %add3A_1136 = arith.addi %add3A_1135, %scan3A_1058 : i32
      %swap3A_1137 = arith.index_cast %add3A_1136 : i32 to index
      %swap3A_1138 = arith.constant 64 : index
      %swap3A_1139 = tpu.vector_load %arg13[%swap3A_1137, %swap3A_1138] {strides = array<i32>} : memref<128x128xf32, #tpu.memory_space<vmem>>, vector<1x16xf32>,
      %swap3A_1140 = vector.shape_cast %swap3A_1139 : vector<1x16xf32> to vector<16xf32>
      %swap3A_1141 = vector.shape_cast %get3A_1134 : vector<16xf32> to vector<1x16xf32>
      tpu.vector_store %arg13[%swap3A_1137, %swap3A_1138], %swap3A_1141 {add = true, strides = array<i32>} : memref<128x128xf32, #tpu.memory_space<vmem>>, vector<1x16xf32>,
      %add3A_1142 = arith.constant 64 : i32
      %add3A_1143 = arith.addi %add3A_1142, %scan3A_1058 : i32
      %swap3A_1144 = arith.index_cast %add3A_1143 : i32 to index
      %swap3A_1145 = arith.constant 64 : index
      %swap3A_1146 = tpu.vector_load %arg13[%swap3A_1144, %swap3A_1145] {strides = array<i32>} : memref<128x128xf32, #tpu.memory_space<vmem>>, vector<1x16xf32>,
      %swap3A_1147 = vector.shape_cast %swap3A_1146 : vector<1x16xf32> to vector<16xf32>
      %swap3A_1148 = vector.shape_cast %get3A_1134 : vector<16xf32> to vector<1x16xf32>
      tpu.vector_store %arg13[%swap3A_1144, %swap3A_1145], %swap3A_1148 {add = true, strides = array<i32>} : memref<128x128xf32, #tpu.memory_space<vmem>>, vector<1x16xf32>,
      %get3A_1149 = arith.index_cast %scan3A_1058 : i32 to index
      %get3A_1150 = arith.constant 80 : index
      %get3A_1151 = tpu.vector_load %arg7[%get3A_1149, %get3A_1150] {strides = array<i32>} : memref<64x128xf32, #tpu.memory_space<vmem>>, vector<1x16xf32>,
      %get3A_1152 = vector.shape_cast %get3A_1151 : vector<1x16xf32> to vector<16xf32>
      %add3A_1153 = arith.constant 0 : i32
      %add3A_1154 = arith.addi %add3A_1153, %scan3A_1058 : i32
      %swap3A_1155 = arith.index_cast %add3A_1154 : i32 to index
      %swap3A_1156 = arith.constant 80 : index
      %swap3A_1157 = tpu.vector_load %arg13[%swap3A_1155, %swap3A_1156] {strides = array<i32>} : memref<128x128xf32, #tpu.memory_space<vmem>>, vector<1x16xf32>,
      %swap3A_1158 = vector.shape_cast %swap3A_1157 : vector<1x16xf32> to vector<16xf32>
      %swap3A_1159 = vector.shape_cast %get3A_1152 : vector<16xf32> to vector<1x16xf32>
      tpu.vector_store %arg13[%swap3A_1155, %swap3A_1156], %swap3A_1159 {add = true, strides = array<i32>} : memref<128x128xf32, #tpu.memory_space<vmem>>, vector<1x16xf32>,
      %add3A_1160 = arith.constant 64 : i32
      %add3A_1161 = arith.addi %add3A_1160, %scan3A_1058 : i32
      %swap3A_1162 = arith.index_cast %add3A_1161 : i32 to index
      %swap3A_1163 = arith.constant 80 : index
      %swap3A_1164 = tpu.vector_load %arg13[%swap3A_1162, %swap3A_1163] {strides = array<i32>} : memref<128x128xf32, #tpu.memory_space<vmem>>, vector<1x16xf32>,
      %swap3A_1165 = vector.shape_cast %swap3A_1164 : vector<1x16xf32> to vector<16xf32>
      %swap3A_1166 = vector.shape_cast %get3A_1152 : vector<16xf32> to vector<1x16xf32>
      tpu.vector_store %arg13[%swap3A_1162, %swap3A_1163], %swap3A_1166 {add = true, strides = array<i32>} : memref<128x128xf32, #tpu.memory_space<vmem>>, vector<1x16xf32>,
      %get3A_1167 = arith.index_cast %scan3A_1058 : i32 to index
      %get3A_1168 = arith.constant 96 : index
      %get3A_1169 = tpu.vector_load %arg7[%get3A_1167, %get3A_1168] {strides = array<i32>} : memref<64x128xf32, #tpu.memory_space<vmem>>, vector<1x16xf32>,
      %get3A_1170 = vector.shape_cast %get3A_1169 : vector<1x16xf32> to vector<16xf32>
      %add3A_1171 = arith.constant 0 : i32
      %add3A_1172 = arith.addi %add3A_1171, %scan3A_1058 : i32
      %swap3A_1173 = arith.index_cast %add3A_1172 : i32 to index
      %swap3A_1174 = arith.constant 96 : index
      %swap3A_1175 = tpu.vector_load %arg13[%swap3A_1173, %swap3A_1174] {strides = array<i32>} : memref<128x128xf32, #tpu.memory_space<vmem>>, vector<1x16xf32>,
      %swap3A_1176 = vector.shape_cast %swap3A_1175 : vector<1x16xf32> to vector<16xf32>
      %swap3A_1177 = vector.shape_cast %get3A_1170 : vector<16xf32> to vector<1x16xf32>
      tpu.vector_store %arg13[%swap3A_1173, %swap3A_1174], %swap3A_1177 {add = true, strides = array<i32>} : memref<128x128xf32, #tpu.memory_space<vmem>>, vector<1x16xf32>,
      %add3A_1178 = arith.constant 64 : i32
      %add3A_1179 = arith.addi %add3A_1178, %scan3A_1058 : i32
      %swap3A_1180 = arith.index_cast %add3A_1179 : i32 to index
      %swap3A_1181 = arith.constant 96 : index
      %swap3A_1182 = tpu.vector_load %arg13[%swap3A_1180, %swap3A_1181] {strides = array<i32>} : memref<128x128xf32, #tpu.memory_space<vmem>>, vector<1x16xf32>,
      %swap3A_1183 = vector.shape_cast %swap3A_1182 : vector<1x16xf32> to vector<16xf32>
      %swap3A_1184 = vector.shape_cast %get3A_1170 : vector<16xf32> to vector<1x16xf32>
      tpu.vector_store %arg13[%swap3A_1180, %swap3A_1181], %swap3A_1184 {add = true, strides = array<i32>} : memref<128x128xf32, #tpu.memory_space<vmem>>, vector<1x16xf32>,
      %get3A_1185 = arith.index_cast %scan3A_1058 : i32 to index
      %get3A_1186 = arith.constant 112 : index
      %get3A_1187 = tpu.vector_load %arg7[%get3A_1185, %get3A_1186] {strides = array<i32>} : memref<64x128xf32, #tpu.memory_space<vmem>>, vector<1x16xf32>,
      %get3A_1188 = vector.shape_cast %get3A_1187 : vector<1x16xf32> to vector<16xf32>
      %add3A_1189 = arith.constant 0 : i32
      %add3A_1190 = arith.addi %add3A_1189, %scan3A_1058 : i32
      %swap3A_1191 = arith.index_cast %add3A_1190 : i32 to index
      %swap3A_1192 = arith.constant 112 : index
      %swap3A_1193 = tpu.vector_load %arg13[%swap3A_1191, %swap3A_1192] {strides = array<i32>} : memref<128x128xf32, #tpu.memory_space<vmem>>, vector<1x16xf32>,
      %swap3A_1194 = vector.shape_cast %swap3A_1193 : vector<1x16xf32> to vector<16xf32>
      %swap3A_1195 = vector.shape_cast %get3A_1188 : vector<16xf32> to vector<1x16xf32>
      tpu.vector_store %arg13[%swap3A_1191, %swap3A_1192], %swap3A_1195 {add = true, strides = array<i32>} : memref<128x128xf32, #tpu.memory_space<vmem>>, vector<1x16xf32>,
      %add3A_1196 = arith.constant 64 : i32
      %add3A_1197 = arith.addi %add3A_1196, %scan3A_1058 : i32
      %swap3A_1198 = arith.index_cast %add3A_1197 : i32 to index
      %swap3A_1199 = arith.constant 112 : index
      %swap3A_1200 = tpu.vector_load %arg13[%swap3A_1198, %swap3A_1199] {strides = array<i32>} : memref<128x128xf32, #tpu.memory_space<vmem>>, vector<1x16xf32>,
      %swap3A_1201 = vector.shape_cast %swap3A_1200 : vector<1x16xf32> to vector<16xf32>
      %swap3A_1202 = vector.shape_cast %get3A_1188 : vector<16xf32> to vector<1x16xf32>
      tpu.vector_store %arg13[%swap3A_1198, %swap3A_1199], %swap3A_1202 {add = true, strides = array<i32>} : memref<128x128xf32, #tpu.memory_space<vmem>>, vector<1x16xf32>,
      %scan3A_1203 = arith.constant 0 : i32
      scf.yield %scan3A_1203 : i32
    }
    %scan3A_691 = arith.constant 64 : i32
    %add3A_692 = arith.constant 20480 : i32
    %add3A_693 = arith.addi %add3A_692, %mul3A_2 : i32
    %dma_start3A_694 = arith.constant 0 : i32
    %dma_start3A_695 = arith.constant 0 : i32
    %dma_start3A_696 = tpu.memref_slice %arg13[%dma_start3A_694, %dma_start3A_695] : memref<128x128xf32, #tpu.memory_space<vmem>> -> memref<64x128xf32, #tpu.memory_space<vmem>>
    %dma_start3A_697 = arith.constant 0 : i32
    %dma_start3A_698 = tpu.memref_slice %arg5[%add3A_693, %dma_start3A_697] : memref<32768x128xf32, #tpu.memory_space<hbm>> -> memref<64x128xf32, #tpu.memory_space<hbm>>
    %dma_start3A_699 = arith.constant 0 : i32
    %dma_start3A_700 = tpu.memref_slice %arg5[%add3A_693, %dma_start3A_699] : memref<32768x128xf32, #tpu.memory_space<hbm>> -> memref<64x128xf32, #tpu.memory_space<hbm>>
    %dma_start3A_701 = arith.constant 0 : i32
    %dma_start3A_702 = arith.constant 0 : i32
    %dma_start3A_703 = tpu.memref_slice %arg13[%dma_start3A_701, %dma_start3A_702] : memref<128x128xf32, #tpu.memory_space<vmem>> -> memref<64x128xf32, #tpu.memory_space<vmem>>
    tpu.enqueue_dma source(%dma_start3A_703 : memref<64x128xf32, #tpu.memory_space<vmem>>) target(%dma_start3A_700 : memref<64x128xf32, #tpu.memory_space<hbm>>) target_semaphore(%arg25 : memref<!tpu.dma_semaphore, #tpu.memory_space<semaphore_mem>>)
    %add3A_704 = arith.constant 22528 : i32
    %add3A_705 = arith.addi %add3A_704, %mul3A_2 : i32
    %dma_start3A_706 = arith.constant 64 : i32
    %dma_start3A_707 = arith.constant 0 : i32
    %dma_start3A_708 = tpu.memref_slice %arg13[%dma_start3A_706, %dma_start3A_707] : memref<128x128xf32, #tpu.memory_space<vmem>> -> memref<64x128xf32, #tpu.memory_space<vmem>>
    %dma_start3A_709 = arith.constant 0 : i32
    %dma_start3A_710 = tpu.memref_slice %arg5[%add3A_705, %dma_start3A_709] : memref<32768x128xf32, #tpu.memory_space<hbm>> -> memref<64x128xf32, #tpu.memory_space<hbm>>
    %dma_start3A_711 = arith.constant 0 : i32
    %dma_start3A_712 = tpu.memref_slice %arg5[%add3A_705, %dma_start3A_711] : memref<32768x128xf32, #tpu.memory_space<hbm>> -> memref<64x128xf32, #tpu.memory_space<hbm>>
    %dma_start3A_713 = arith.constant 64 : i32
    %dma_start3A_714 = arith.constant 0 : i32
    %dma_start3A_715 = tpu.memref_slice %arg13[%dma_start3A_713, %dma_start3A_714] : memref<128x128xf32, #tpu.memory_space<vmem>> -> memref<64x128xf32, #tpu.memory_space<vmem>>
    tpu.enqueue_dma source(%dma_start3A_715 : memref<64x128xf32, #tpu.memory_space<vmem>>) target(%dma_start3A_712 : memref<64x128xf32, #tpu.memory_space<hbm>>) target_semaphore(%arg25 : memref<!tpu.dma_semaphore, #tpu.memory_space<semaphore_mem>>)
    %dma_wait3A_716 = arith.constant 6 : i32
    %dma_wait3A_717 = arith.constant 0 : i32
    %dma_wait3A_718 = tpu.memref_slice %arg6[%dma_wait3A_716, %dma_wait3A_717] : memref<8x128xi32, #tpu.memory_space<vmem>> -> memref<1x128xi32, #tpu.memory_space<vmem>>
    %dma_wait3A_719 = tpu.memref_squeeze %dma_wait3A_718 : memref<1x128xi32, #tpu.memory_space<vmem>> -> memref<128xi32, #tpu.memory_space<vmem>>
    %dma_wait3A_720 = arith.constant 0 : i32
    %dma_wait3A_721 = arith.constant 0 : i32
    %dma_wait3A_722 = tpu.memref_slice %arg3[%dma_wait3A_720, %dma_wait3A_721] : memref<100000x128xf32, #tpu.memory_space<hbm>> -> memref<100000x128xf32, #tpu.memory_space<hbm>>
    tpu.wait_indirect_dma semaphore(%arg14 : memref<!tpu.dma_semaphore, #tpu.memory_space<semaphore_mem>>) src(%dma_wait3A_722 : memref<100000x128xf32, #tpu.memory_space<hbm>>) dst(%arg8 : memref<128x128xf32, #tpu.memory_space<vmem>>)
    %scan3A_723 = arith.constant 0 : i32
    %scan3A_724 = arith.constant 0 : i32
    %scan3A_725 = arith.constant 64 : i32
    %scan3A_726 = arith.addi %scan3A_724, %scan3A_725 : i32
    %scan3A_727 = arith.constant 2 : i32
    %scan3A_728 = scf.for %scan3A_912 = %scan3A_724 to %scan3A_726 step %scan3A_727 iter_args(%scan3A_913 = %scan3A_723) -> (i32)  : i32 {
      %get3A = arith.index_cast %scan3A_912 : i32 to index
      %get3A_914 = arith.constant 0 : index
      %get3A_915 = tpu.vector_load %arg7[%get3A, %get3A_914] {strides = array<i32>} : memref<64x128xf32, #tpu.memory_space<vmem>>, vector<1x16xf32>,
      %get3A_916 = vector.shape_cast %get3A_915 : vector<1x16xf32> to vector<16xf32>
      %add3A_917 = arith.constant 0 : i32
      %add3A_918 = arith.addi %add3A_917, %scan3A_912 : i32
      %swap3A = arith.index_cast %add3A_918 : i32 to index
      %swap3A_919 = arith.constant 0 : index
      %swap3A_920 = tpu.vector_load %arg8[%swap3A, %swap3A_919] {strides = array<i32>} : memref<128x128xf32, #tpu.memory_space<vmem>>, vector<1x16xf32>,
      %swap3A_921 = vector.shape_cast %swap3A_920 : vector<1x16xf32> to vector<16xf32>
      %swap3A_922 = vector.shape_cast %get3A_916 : vector<16xf32> to vector<1x16xf32>
      tpu.vector_store %arg8[%swap3A, %swap3A_919], %swap3A_922 {add = true, strides = array<i32>} : memref<128x128xf32, #tpu.memory_space<vmem>>, vector<1x16xf32>,
      %add3A_923 = arith.constant 64 : i32
      %add3A_924 = arith.addi %add3A_923, %scan3A_912 : i32
      %swap3A_925 = arith.index_cast %add3A_924 : i32 to index
      %swap3A_926 = arith.constant 0 : index
      %swap3A_927 = tpu.vector_load %arg8[%swap3A_925, %swap3A_926] {strides = array<i32>} : memref<128x128xf32, #tpu.memory_space<vmem>>, vector<1x16xf32>,
      %swap3A_928 = vector.shape_cast %swap3A_927 : vector<1x16xf32> to vector<16xf32>
      %swap3A_929 = vector.shape_cast %get3A_916 : vector<16xf32> to vector<1x16xf32>
      tpu.vector_store %arg8[%swap3A_925, %swap3A_926], %swap3A_929 {add = true, strides = array<i32>} : memref<128x128xf32, #tpu.memory_space<vmem>>, vector<1x16xf32>,
      %get3A_930 = arith.index_cast %scan3A_912 : i32 to index
      %get3A_931 = arith.constant 16 : index
      %get3A_932 = tpu.vector_load %arg7[%get3A_930, %get3A_931] {strides = array<i32>} : memref<64x128xf32, #tpu.memory_space<vmem>>, vector<1x16xf32>,
      %get3A_933 = vector.shape_cast %get3A_932 : vector<1x16xf32> to vector<16xf32>
      %add3A_934 = arith.constant 0 : i32
      %add3A_935 = arith.addi %add3A_934, %scan3A_912 : i32
      %swap3A_936 = arith.index_cast %add3A_935 : i32 to index
      %swap3A_937 = arith.constant 16 : index
      %swap3A_938 = tpu.vector_load %arg8[%swap3A_936, %swap3A_937] {strides = array<i32>} : memref<128x128xf32, #tpu.memory_space<vmem>>, vector<1x16xf32>,
      %swap3A_939 = vector.shape_cast %swap3A_938 : vector<1x16xf32> to vector<16xf32>
      %swap3A_940 = vector.shape_cast %get3A_933 : vector<16xf32> to vector<1x16xf32>
      tpu.vector_store %arg8[%swap3A_936, %swap3A_937], %swap3A_940 {add = true, strides = array<i32>} : memref<128x128xf32, #tpu.memory_space<vmem>>, vector<1x16xf32>,
      %add3A_941 = arith.constant 64 : i32
      %add3A_942 = arith.addi %add3A_941, %scan3A_912 : i32
      %swap3A_943 = arith.index_cast %add3A_942 : i32 to index
      %swap3A_944 = arith.constant 16 : index
      %swap3A_945 = tpu.vector_load %arg8[%swap3A_943, %swap3A_944] {strides = array<i32>} : memref<128x128xf32, #tpu.memory_space<vmem>>, vector<1x16xf32>,
      %swap3A_946 = vector.shape_cast %swap3A_945 : vector<1x16xf32> to vector<16xf32>
      %swap3A_947 = vector.shape_cast %get3A_933 : vector<16xf32> to vector<1x16xf32>
      tpu.vector_store %arg8[%swap3A_943, %swap3A_944], %swap3A_947 {add = true, strides = array<i32>} : memref<128x128xf32, #tpu.memory_space<vmem>>, vector<1x16xf32>,
      %get3A_948 = arith.index_cast %scan3A_912 : i32 to index
      %get3A_949 = arith.constant 32 : index
      %get3A_950 = tpu.vector_load %arg7[%get3A_948, %get3A_949] {strides = array<i32>} : memref<64x128xf32, #tpu.memory_space<vmem>>, vector<1x16xf32>,
      %get3A_951 = vector.shape_cast %get3A_950 : vector<1x16xf32> to vector<16xf32>
      %add3A_952 = arith.constant 0 : i32
      %add3A_953 = arith.addi %add3A_952, %scan3A_912 : i32
      %swap3A_954 = arith.index_cast %add3A_953 : i32 to index
      %swap3A_955 = arith.constant 32 : index
      %swap3A_956 = tpu.vector_load %arg8[%swap3A_954, %swap3A_955] {strides = array<i32>} : memref<128x128xf32, #tpu.memory_space<vmem>>, vector<1x16xf32>,
      %swap3A_957 = vector.shape_cast %swap3A_956 : vector<1x16xf32> to vector<16xf32>
      %swap3A_958 = vector.shape_cast %get3A_951 : vector<16xf32> to vector<1x16xf32>
      tpu.vector_store %arg8[%swap3A_954, %swap3A_955], %swap3A_958 {add = true, strides = array<i32>} : memref<128x128xf32, #tpu.memory_space<vmem>>, vector<1x16xf32>,
      %add3A_959 = arith.constant 64 : i32
      %add3A_960 = arith.addi %add3A_959, %scan3A_912 : i32
      %swap3A_961 = arith.index_cast %add3A_960 : i32 to index
      %swap3A_962 = arith.constant 32 : index
      %swap3A_963 = tpu.vector_load %arg8[%swap3A_961, %swap3A_962] {strides = array<i32>} : memref<128x128xf32, #tpu.memory_space<vmem>>, vector<1x16xf32>,
      %swap3A_964 = vector.shape_cast %swap3A_963 : vector<1x16xf32> to vector<16xf32>
      %swap3A_965 = vector.shape_cast %get3A_951 : vector<16xf32> to vector<1x16xf32>
      tpu.vector_store %arg8[%swap3A_961, %swap3A_962], %swap3A_965 {add = true, strides = array<i32>} : memref<128x128xf32, #tpu.memory_space<vmem>>, vector<1x16xf32>,
      %get3A_966 = arith.index_cast %scan3A_912 : i32 to index
      %get3A_967 = arith.constant 48 : index
      %get3A_968 = tpu.vector_load %arg7[%get3A_966, %get3A_967] {strides = array<i32>} : memref<64x128xf32, #tpu.memory_space<vmem>>, vector<1x16xf32>,
      %get3A_969 = vector.shape_cast %get3A_968 : vector<1x16xf32> to vector<16xf32>
      %add3A_970 = arith.constant 0 : i32
      %add3A_971 = arith.addi %add3A_970, %scan3A_912 : i32
      %swap3A_972 = arith.index_cast %add3A_971 : i32 to index
      %swap3A_973 = arith.constant 48 : index
      %swap3A_974 = tpu.vector_load %arg8[%swap3A_972, %swap3A_973] {strides = array<i32>} : memref<128x128xf32, #tpu.memory_space<vmem>>, vector<1x16xf32>,
      %swap3A_975 = vector.shape_cast %swap3A_974 : vector<1x16xf32> to vector<16xf32>
      %swap3A_976 = vector.shape_cast %get3A_969 : vector<16xf32> to vector<1x16xf32>
      tpu.vector_store %arg8[%swap3A_972, %swap3A_973], %swap3A_976 {add = true, strides = array<i32>} : memref<128x128xf32, #tpu.memory_space<vmem>>, vector<1x16xf32>,
      %add3A_977 = arith.constant 64 : i32
      %add3A_978 = arith.addi %add3A_977, %scan3A_912 : i32
      %swap3A_979 = arith.index_cast %add3A_978 : i32 to index
      %swap3A_980 = arith.constant 48 : index
      %swap3A_981 = tpu.vector_load %arg8[%swap3A_979, %swap3A_980] {strides = array<i32>} : memref<128x128xf32, #tpu.memory_space<vmem>>, vector<1x16xf32>,
      %swap3A_982 = vector.shape_cast %swap3A_981 : vector<1x16xf32> to vector<16xf32>
      %swap3A_983 = vector.shape_cast %get3A_969 : vector<16xf32> to vector<1x16xf32>
      tpu.vector_store %arg8[%swap3A_979, %swap3A_980], %swap3A_983 {add = true, strides = array<i32>} : memref<128x128xf32, #tpu.memory_space<vmem>>, vector<1x16xf32>,
      %get3A_984 = arith.index_cast %scan3A_912 : i32 to index
      %get3A_985 = arith.constant 64 : index
      %get3A_986 = tpu.vector_load %arg7[%get3A_984, %get3A_985] {strides = array<i32>} : memref<64x128xf32, #tpu.memory_space<vmem>>, vector<1x16xf32>,
      %get3A_987 = vector.shape_cast %get3A_986 : vector<1x16xf32> to vector<16xf32>
      %add3A_988 = arith.constant 0 : i32
      %add3A_989 = arith.addi %add3A_988, %scan3A_912 : i32
      %swap3A_990 = arith.index_cast %add3A_989 : i32 to index
      %swap3A_991 = arith.constant 64 : index
      %swap3A_992 = tpu.vector_load %arg8[%swap3A_990, %swap3A_991] {strides = array<i32>} : memref<128x128xf32, #tpu.memory_space<vmem>>, vector<1x16xf32>,
      %swap3A_993 = vector.shape_cast %swap3A_992 : vector<1x16xf32> to vector<16xf32>
      %swap3A_994 = vector.shape_cast %get3A_987 : vector<16xf32> to vector<1x16xf32>
      tpu.vector_store %arg8[%swap3A_990, %swap3A_991], %swap3A_994 {add = true, strides = array<i32>} : memref<128x128xf32, #tpu.memory_space<vmem>>, vector<1x16xf32>,
      %add3A_995 = arith.constant 64 : i32
      %add3A_996 = arith.addi %add3A_995, %scan3A_912 : i32
      %swap3A_997 = arith.index_cast %add3A_996 : i32 to index
      %swap3A_998 = arith.constant 64 : index
      %swap3A_999 = tpu.vector_load %arg8[%swap3A_997, %swap3A_998] {strides = array<i32>} : memref<128x128xf32, #tpu.memory_space<vmem>>, vector<1x16xf32>,
      %swap3A_1000 = vector.shape_cast %swap3A_999 : vector<1x16xf32> to vector<16xf32>
      %swap3A_1001 = vector.shape_cast %get3A_987 : vector<16xf32> to vector<1x16xf32>
      tpu.vector_store %arg8[%swap3A_997, %swap3A_998], %swap3A_1001 {add = true, strides = array<i32>} : memref<128x128xf32, #tpu.memory_space<vmem>>, vector<1x16xf32>,
      %get3A_1002 = arith.index_cast %scan3A_912 : i32 to index
      %get3A_1003 = arith.constant 80 : index
      %get3A_1004 = tpu.vector_load %arg7[%get3A_1002, %get3A_1003] {strides = array<i32>} : memref<64x128xf32, #tpu.memory_space<vmem>>, vector<1x16xf32>,
      %get3A_1005 = vector.shape_cast %get3A_1004 : vector<1x16xf32> to vector<16xf32>
      %add3A_1006 = arith.constant 0 : i32
      %add3A_1007 = arith.addi %add3A_1006, %scan3A_912 : i32
      %swap3A_1008 = arith.index_cast %add3A_1007 : i32 to index
      %swap3A_1009 = arith.constant 80 : index
      %swap3A_1010 = tpu.vector_load %arg8[%swap3A_1008, %swap3A_1009] {strides = array<i32>} : memref<128x128xf32, #tpu.memory_space<vmem>>, vector<1x16xf32>,
      %swap3A_1011 = vector.shape_cast %swap3A_1010 : vector<1x16xf32> to vector<16xf32>
      %swap3A_1012 = vector.shape_cast %get3A_1005 : vector<16xf32> to vector<1x16xf32>
      tpu.vector_store %arg8[%swap3A_1008, %swap3A_1009], %swap3A_1012 {add = true, strides = array<i32>} : memref<128x128xf32, #tpu.memory_space<vmem>>, vector<1x16xf32>,
      %add3A_1013 = arith.constant 64 : i32
      %add3A_1014 = arith.addi %add3A_1013, %scan3A_912 : i32
      %swap3A_1015 = arith.index_cast %add3A_1014 : i32 to index
      %swap3A_1016 = arith.constant 80 : index
      %swap3A_1017 = tpu.vector_load %arg8[%swap3A_1015, %swap3A_1016] {strides = array<i32>} : memref<128x128xf32, #tpu.memory_space<vmem>>, vector<1x16xf32>,
      %swap3A_1018 = vector.shape_cast %swap3A_1017 : vector<1x16xf32> to vector<16xf32>
      %swap3A_1019 = vector.shape_cast %get3A_1005 : vector<16xf32> to vector<1x16xf32>
      tpu.vector_store %arg8[%swap3A_1015, %swap3A_1016], %swap3A_1019 {add = true, strides = array<i32>} : memref<128x128xf32, #tpu.memory_space<vmem>>, vector<1x16xf32>,
      %get3A_1020 = arith.index_cast %scan3A_912 : i32 to index
      %get3A_1021 = arith.constant 96 : index
      %get3A_1022 = tpu.vector_load %arg7[%get3A_1020, %get3A_1021] {strides = array<i32>} : memref<64x128xf32, #tpu.memory_space<vmem>>, vector<1x16xf32>,
      %get3A_1023 = vector.shape_cast %get3A_1022 : vector<1x16xf32> to vector<16xf32>
      %add3A_1024 = arith.constant 0 : i32
      %add3A_1025 = arith.addi %add3A_1024, %scan3A_912 : i32
      %swap3A_1026 = arith.index_cast %add3A_1025 : i32 to index
      %swap3A_1027 = arith.constant 96 : index
      %swap3A_1028 = tpu.vector_load %arg8[%swap3A_1026, %swap3A_1027] {strides = array<i32>} : memref<128x128xf32, #tpu.memory_space<vmem>>, vector<1x16xf32>,
      %swap3A_1029 = vector.shape_cast %swap3A_1028 : vector<1x16xf32> to vector<16xf32>
      %swap3A_1030 = vector.shape_cast %get3A_1023 : vector<16xf32> to vector<1x16xf32>
      tpu.vector_store %arg8[%swap3A_1026, %swap3A_1027], %swap3A_1030 {add = true, strides = array<i32>} : memref<128x128xf32, #tpu.memory_space<vmem>>, vector<1x16xf32>,
      %add3A_1031 = arith.constant 64 : i32
      %add3A_1032 = arith.addi %add3A_1031, %scan3A_912 : i32
      %swap3A_1033 = arith.index_cast %add3A_1032 : i32 to index
      %swap3A_1034 = arith.constant 96 : index
      %swap3A_1035 = tpu.vector_load %arg8[%swap3A_1033, %swap3A_1034] {strides = array<i32>} : memref<128x128xf32, #tpu.memory_space<vmem>>, vector<1x16xf32>,
      %swap3A_1036 = vector.shape_cast %swap3A_1035 : vector<1x16xf32> to vector<16xf32>
      %swap3A_1037 = vector.shape_cast %get3A_1023 : vector<16xf32> to vector<1x16xf32>
      tpu.vector_store %arg8[%swap3A_1033, %swap3A_1034], %swap3A_1037 {add = true, strides = array<i32>} : memref<128x128xf32, #tpu.memory_space<vmem>>, vector<1x16xf32>,
      %get3A_1038 = arith.index_cast %scan3A_912 : i32 to index
      %get3A_1039 = arith.constant 112 : index
      %get3A_1040 = tpu.vector_load %arg7[%get3A_1038, %get3A_1039] {strides = array<i32>} : memref<64x128xf32, #tpu.memory_space<vmem>>, vector<1x16xf32>,
      %get3A_1041 = vector.shape_cast %get3A_1040 : vector<1x16xf32> to vector<16xf32>
      %add3A_1042 = arith.constant 0 : i32
      %add3A_1043 = arith.addi %add3A_1042, %scan3A_912 : i32
      %swap3A_1044 = arith.index_cast %add3A_1043 : i32 to index
      %swap3A_1045 = arith.constant 112 : index
      %swap3A_1046 = tpu.vector_load %arg8[%swap3A_1044, %swap3A_1045] {strides = array<i32>} : memref<128x128xf32, #tpu.memory_space<vmem>>, vector<1x16xf32>,
      %swap3A_1047 = vector.shape_cast %swap3A_1046 : vector<1x16xf32> to vector<16xf32>
      %swap3A_1048 = vector.shape_cast %get3A_1041 : vector<16xf32> to vector<1x16xf32>
      tpu.vector_store %arg8[%swap3A_1044, %swap3A_1045], %swap3A_1048 {add = true, strides = array<i32>} : memref<128x128xf32, #tpu.memory_space<vmem>>, vector<1x16xf32>,
      %add3A_1049 = arith.constant 64 : i32
      %add3A_1050 = arith.addi %add3A_1049, %scan3A_912 : i32
      %swap3A_1051 = arith.index_cast %add3A_1050 : i32 to index
      %swap3A_1052 = arith.constant 112 : index
      %swap3A_1053 = tpu.vector_load %arg8[%swap3A_1051, %swap3A_1052] {strides = array<i32>} : memref<128x128xf32, #tpu.memory_space<vmem>>, vector<1x16xf32>,
      %swap3A_1054 = vector.shape_cast %swap3A_1053 : vector<1x16xf32> to vector<16xf32>
      %swap3A_1055 = vector.shape_cast %get3A_1041 : vector<16xf32> to vector<1x16xf32>
      tpu.vector_store %arg8[%swap3A_1051, %swap3A_1052], %swap3A_1055 {add = true, strides = array<i32>} : memref<128x128xf32, #tpu.memory_space<vmem>>, vector<1x16xf32>,
      %scan3A_1056 = arith.constant 0 : i32
      %scan3A_1057 = arith.constant 1 : i32
      %scan3A_1058 = arith.addi %scan3A_912, %scan3A_1057 : i32
      %get3A_1059 = arith.index_cast %scan3A_1058 : i32 to index
      %get3A_1060 = arith.constant 0 : index
      %get3A_1061 = tpu.vector_load %arg7[%get3A_1059, %get3A_1060] {strides = array<i32>} : memref<64x128xf32, #tpu.memory_space<vmem>>, vector<1x16xf32>,
      %get3A_1062 = vector.shape_cast %get3A_1061 : vector<1x16xf32> to vector<16xf32>
      %add3A_1063 = arith.constant 0 : i32
      %add3A_1064 = arith.addi %add3A_1063, %scan3A_1058 : i32
      %swap3A_1065 = arith.index_cast %add3A_1064 : i32 to index
      %swap3A_1066 = arith.constant 0 : index
      %swap3A_1067 = tpu.vector_load %arg8[%swap3A_1065, %swap3A_1066] {strides = array<i32>} : memref<128x128xf32, #tpu.memory_space<vmem>>, vector<1x16xf32>,
      %swap3A_1068 = vector.shape_cast %swap3A_1067 : vector<1x16xf32> to vector<16xf32>
      %swap3A_1069 = vector.shape_cast %get3A_1062 : vector<16xf32> to vector<1x16xf32>
      tpu.vector_store %arg8[%swap3A_1065, %swap3A_1066], %swap3A_1069 {add = true, strides = array<i32>} : memref<128x128xf32, #tpu.memory_space<vmem>>, vector<1x16xf32>,
      %add3A_1070 = arith.constant 64 : i32
      %add3A_1071 = arith.addi %add3A_1070, %scan3A_1058 : i32
      %swap3A_1072 = arith.index_cast %add3A_1071 : i32 to index
      %swap3A_1073 = arith.constant 0 : index
      %swap3A_1074 = tpu.vector_load %arg8[%swap3A_1072, %swap3A_1073] {strides = array<i32>} : memref<128x128xf32, #tpu.memory_space<vmem>>, vector<1x16xf32>,
      %swap3A_1075 = vector.shape_cast %swap3A_1074 : vector<1x16xf32> to vector<16xf32>
      %swap3A_1076 = vector.shape_cast %get3A_1062 : vector<16xf32> to vector<1x16xf32>
      tpu.vector_store %arg8[%swap3A_1072, %swap3A_1073], %swap3A_1076 {add = true, strides = array<i32>} : memref<128x128xf32, #tpu.memory_space<vmem>>, vector<1x16xf32>,
      %get3A_1077 = arith.index_cast %scan3A_1058 : i32 to index
      %get3A_1078 = arith.constant 16 : index
      %get3A_1079 = tpu.vector_load %arg7[%get3A_1077, %get3A_1078] {strides = array<i32>} : memref<64x128xf32, #tpu.memory_space<vmem>>, vector<1x16xf32>,
      %get3A_1080 = vector.shape_cast %get3A_1079 : vector<1x16xf32> to vector<16xf32>
      %add3A_1081 = arith.constant 0 : i32
      %add3A_1082 = arith.addi %add3A_1081, %scan3A_1058 : i32
      %swap3A_1083 = arith.index_cast %add3A_1082 : i32 to index
      %swap3A_1084 = arith.constant 16 : index
      %swap3A_1085 = tpu.vector_load %arg8[%swap3A_1083, %swap3A_1084] {strides = array<i32>} : memref<128x128xf32, #tpu.memory_space<vmem>>, vector<1x16xf32>,
      %swap3A_1086 = vector.shape_cast %swap3A_1085 : vector<1x16xf32> to vector<16xf32>
      %swap3A_1087 = vector.shape_cast %get3A_1080 : vector<16xf32> to vector<1x16xf32>
      tpu.vector_store %arg8[%swap3A_1083, %swap3A_1084], %swap3A_1087 {add = true, strides = array<i32>} : memref<128x128xf32, #tpu.memory_space<vmem>>, vector<1x16xf32>,
      %add3A_1088 = arith.constant 64 : i32
      %add3A_1089 = arith.addi %add3A_1088, %scan3A_1058 : i32
      %swap3A_1090 = arith.index_cast %add3A_1089 : i32 to index
      %swap3A_1091 = arith.constant 16 : index
      %swap3A_1092 = tpu.vector_load %arg8[%swap3A_1090, %swap3A_1091] {strides = array<i32>} : memref<128x128xf32, #tpu.memory_space<vmem>>, vector<1x16xf32>,
      %swap3A_1093 = vector.shape_cast %swap3A_1092 : vector<1x16xf32> to vector<16xf32>
      %swap3A_1094 = vector.shape_cast %get3A_1080 : vector<16xf32> to vector<1x16xf32>
      tpu.vector_store %arg8[%swap3A_1090, %swap3A_1091], %swap3A_1094 {add = true, strides = array<i32>} : memref<128x128xf32, #tpu.memory_space<vmem>>, vector<1x16xf32>,
      %get3A_1095 = arith.index_cast %scan3A_1058 : i32 to index
      %get3A_1096 = arith.constant 32 : index
      %get3A_1097 = tpu.vector_load %arg7[%get3A_1095, %get3A_1096] {strides = array<i32>} : memref<64x128xf32, #tpu.memory_space<vmem>>, vector<1x16xf32>,
      %get3A_1098 = vector.shape_cast %get3A_1097 : vector<1x16xf32> to vector<16xf32>
      %add3A_1099 = arith.constant 0 : i32
      %add3A_1100 = arith.addi %add3A_1099, %scan3A_1058 : i32
      %swap3A_1101 = arith.index_cast %add3A_1100 : i32 to index
      %swap3A_1102 = arith.constant 32 : index
      %swap3A_1103 = tpu.vector_load %arg8[%swap3A_1101, %swap3A_1102] {strides = array<i32>} : memref<128x128xf32, #tpu.memory_space<vmem>>, vector<1x16xf32>,
      %swap3A_1104 = vector.shape_cast %swap3A_1103 : vector<1x16xf32> to vector<16xf32>
      %swap3A_1105 = vector.shape_cast %get3A_1098 : vector<16xf32> to vector<1x16xf32>
      tpu.vector_store %arg8[%swap3A_1101, %swap3A_1102], %swap3A_1105 {add = true, strides = array<i32>} : memref<128x128xf32, #tpu.memory_space<vmem>>, vector<1x16xf32>,
      %add3A_1106 = arith.constant 64 : i32
      %add3A_1107 = arith.addi %add3A_1106, %scan3A_1058 : i32
      %swap3A_1108 = arith.index_cast %add3A_1107 : i32 to index
      %swap3A_1109 = arith.constant 32 : index
      %swap3A_1110 = tpu.vector_load %arg8[%swap3A_1108, %swap3A_1109] {strides = array<i32>} : memref<128x128xf32, #tpu.memory_space<vmem>>, vector<1x16xf32>,
      %swap3A_1111 = vector.shape_cast %swap3A_1110 : vector<1x16xf32> to vector<16xf32>
      %swap3A_1112 = vector.shape_cast %get3A_1098 : vector<16xf32> to vector<1x16xf32>
      tpu.vector_store %arg8[%swap3A_1108, %swap3A_1109], %swap3A_1112 {add = true, strides = array<i32>} : memref<128x128xf32, #tpu.memory_space<vmem>>, vector<1x16xf32>,
      %get3A_1113 = arith.index_cast %scan3A_1058 : i32 to index
      %get3A_1114 = arith.constant 48 : index
      %get3A_1115 = tpu.vector_load %arg7[%get3A_1113, %get3A_1114] {strides = array<i32>} : memref<64x128xf32, #tpu.memory_space<vmem>>, vector<1x16xf32>,
      %get3A_1116 = vector.shape_cast %get3A_1115 : vector<1x16xf32> to vector<16xf32>
      %add3A_1117 = arith.constant 0 : i32
      %add3A_1118 = arith.addi %add3A_1117, %scan3A_1058 : i32
      %swap3A_1119 = arith.index_cast %add3A_1118 : i32 to index
      %swap3A_1120 = arith.constant 48 : index
      %swap3A_1121 = tpu.vector_load %arg8[%swap3A_1119, %swap3A_1120] {strides = array<i32>} : memref<128x128xf32, #tpu.memory_space<vmem>>, vector<1x16xf32>,
      %swap3A_1122 = vector.shape_cast %swap3A_1121 : vector<1x16xf32> to vector<16xf32>
      %swap3A_1123 = vector.shape_cast %get3A_1116 : vector<16xf32> to vector<1x16xf32>
      tpu.vector_store %arg8[%swap3A_1119, %swap3A_1120], %swap3A_1123 {add = true, strides = array<i32>} : memref<128x128xf32, #tpu.memory_space<vmem>>, vector<1x16xf32>,
      %add3A_1124 = arith.constant 64 : i32
      %add3A_1125 = arith.addi %add3A_1124, %scan3A_1058 : i32
      %swap3A_1126 = arith.index_cast %add3A_1125 : i32 to index
      %swap3A_1127 = arith.constant 48 : index
      %swap3A_1128 = tpu.vector_load %arg8[%swap3A_1126, %swap3A_1127] {strides = array<i32>} : memref<128x128xf32, #tpu.memory_space<vmem>>, vector<1x16xf32>,
      %swap3A_1129 = vector.shape_cast %swap3A_1128 : vector<1x16xf32> to vector<16xf32>
      %swap3A_1130 = vector.shape_cast %get3A_1116 : vector<16xf32> to vector<1x16xf32>
      tpu.vector_store %arg8[%swap3A_1126, %swap3A_1127], %swap3A_1130 {add = true, strides = array<i32>} : memref<128x128xf32, #tpu.memory_space<vmem>>, vector<1x16xf32>,
      %get3A_1131 = arith.index_cast %scan3A_1058 : i32 to index
      %get3A_1132 = arith.constant 64 : index
      %get3A_1133 = tpu.vector_load %arg7[%get3A_1131, %get3A_1132] {strides = array<i32>} : memref<64x128xf32, #tpu.memory_space<vmem>>, vector<1x16xf32>,
      %get3A_1134 = vector.shape_cast %get3A_1133 : vector<1x16xf32> to vector<16xf32>
      %add3A_1135 = arith.constant 0 : i32
      %add3A_1136 = arith.addi %add3A_1135, %scan3A_1058 : i32
      %swap3A_1137 = arith.index_cast %add3A_1136 : i32 to index
      %swap3A_1138 = arith.constant 64 : index
      %swap3A_1139 = tpu.vector_load %arg8[%swap3A_1137, %swap3A_1138] {strides = array<i32>} : memref<128x128xf32, #tpu.memory_space<vmem>>, vector<1x16xf32>,
      %swap3A_1140 = vector.shape_cast %swap3A_1139 : vector<1x16xf32> to vector<16xf32>
      %swap3A_1141 = vector.shape_cast %get3A_1134 : vector<16xf32> to vector<1x16xf32>
      tpu.vector_store %arg8[%swap3A_1137, %swap3A_1138], %swap3A_1141 {add = true, strides = array<i32>} : memref<128x128xf32, #tpu.memory_space<vmem>>, vector<1x16xf32>,
      %add3A_1142 = arith.constant 64 : i32
      %add3A_1143 = arith.addi %add3A_1142, %scan3A_1058 : i32
      %swap3A_1144 = arith.index_cast %add3A_1143 : i32 to index
      %swap3A_1145 = arith.constant 64 : index
      %swap3A_1146 = tpu.vector_load %arg8[%swap3A_1144, %swap3A_1145] {strides = array<i32>} : memref<128x128xf32, #tpu.memory_space<vmem>>, vector<1x16xf32>,
      %swap3A_1147 = vector.shape_cast %swap3A_1146 : vector<1x16xf32> to vector<16xf32>
      %swap3A_1148 = vector.shape_cast %get3A_1134 : vector<16xf32> to vector<1x16xf32>
      tpu.vector_store %arg8[%swap3A_1144, %swap3A_1145], %swap3A_1148 {add = true, strides = array<i32>} : memref<128x128xf32, #tpu.memory_space<vmem>>, vector<1x16xf32>,
      %get3A_1149 = arith.index_cast %scan3A_1058 : i32 to index
      %get3A_1150 = arith.constant 80 : index
      %get3A_1151 = tpu.vector_load %arg7[%get3A_1149, %get3A_1150] {strides = array<i32>} : memref<64x128xf32, #tpu.memory_space<vmem>>, vector<1x16xf32>,
      %get3A_1152 = vector.shape_cast %get3A_1151 : vector<1x16xf32> to vector<16xf32>
      %add3A_1153 = arith.constant 0 : i32
      %add3A_1154 = arith.addi %add3A_1153, %scan3A_1058 : i32
      %swap3A_1155 = arith.index_cast %add3A_1154 : i32 to index
      %swap3A_1156 = arith.constant 80 : index
      %swap3A_1157 = tpu.vector_load %arg8[%swap3A_1155, %swap3A_1156] {strides = array<i32>} : memref<128x128xf32, #tpu.memory_space<vmem>>, vector<1x16xf32>,
      %swap3A_1158 = vector.shape_cast %swap3A_1157 : vector<1x16xf32> to vector<16xf32>
      %swap3A_1159 = vector.shape_cast %get3A_1152 : vector<16xf32> to vector<1x16xf32>
      tpu.vector_store %arg8[%swap3A_1155, %swap3A_1156], %swap3A_1159 {add = true, strides = array<i32>} : memref<128x128xf32, #tpu.memory_space<vmem>>, vector<1x16xf32>,
      %add3A_1160 = arith.constant 64 : i32
      %add3A_1161 = arith.addi %add3A_1160, %scan3A_1058 : i32
      %swap3A_1162 = arith.index_cast %add3A_1161 : i32 to index
      %swap3A_1163 = arith.constant 80 : index
      %swap3A_1164 = tpu.vector_load %arg8[%swap3A_1162, %swap3A_1163] {strides = array<i32>} : memref<128x128xf32, #tpu.memory_space<vmem>>, vector<1x16xf32>,
      %swap3A_1165 = vector.shape_cast %swap3A_1164 : vector<1x16xf32> to vector<16xf32>
      %swap3A_1166 = vector.shape_cast %get3A_1152 : vector<16xf32> to vector<1x16xf32>
      tpu.vector_store %arg8[%swap3A_1162, %swap3A_1163], %swap3A_1166 {add = true, strides = array<i32>} : memref<128x128xf32, #tpu.memory_space<vmem>>, vector<1x16xf32>,
      %get3A_1167 = arith.index_cast %scan3A_1058 : i32 to index
      %get3A_1168 = arith.constant 96 : index
      %get3A_1169 = tpu.vector_load %arg7[%get3A_1167, %get3A_1168] {strides = array<i32>} : memref<64x128xf32, #tpu.memory_space<vmem>>, vector<1x16xf32>,
      %get3A_1170 = vector.shape_cast %get3A_1169 : vector<1x16xf32> to vector<16xf32>
      %add3A_1171 = arith.constant 0 : i32
      %add3A_1172 = arith.addi %add3A_1171, %scan3A_1058 : i32
      %swap3A_1173 = arith.index_cast %add3A_1172 : i32 to index
      %swap3A_1174 = arith.constant 96 : index
      %swap3A_1175 = tpu.vector_load %arg8[%swap3A_1173, %swap3A_1174] {strides = array<i32>} : memref<128x128xf32, #tpu.memory_space<vmem>>, vector<1x16xf32>,
      %swap3A_1176 = vector.shape_cast %swap3A_1175 : vector<1x16xf32> to vector<16xf32>
      %swap3A_1177 = vector.shape_cast %get3A_1170 : vector<16xf32> to vector<1x16xf32>
      tpu.vector_store %arg8[%swap3A_1173, %swap3A_1174], %swap3A_1177 {add = true, strides = array<i32>} : memref<128x128xf32, #tpu.memory_space<vmem>>, vector<1x16xf32>,
      %add3A_1178 = arith.constant 64 : i32
      %add3A_1179 = arith.addi %add3A_1178, %scan3A_1058 : i32
      %swap3A_1180 = arith.index_cast %add3A_1179 : i32 to index
      %swap3A_1181 = arith.constant 96 : index
      %swap3A_1182 = tpu.vector_load %arg8[%swap3A_1180, %swap3A_1181] {strides = array<i32>} : memref<128x128xf32, #tpu.memory_space<vmem>>, vector<1x16xf32>,
      %swap3A_1183 = vector.shape_cast %swap3A_1182 : vector<1x16xf32> to vector<16xf32>
      %swap3A_1184 = vector.shape_cast %get3A_1170 : vector<16xf32> to vector<1x16xf32>
      tpu.vector_store %arg8[%swap3A_1180, %swap3A_1181], %swap3A_1184 {add = true, strides = array<i32>} : memref<128x128xf32, #tpu.memory_space<vmem>>, vector<1x16xf32>,
      %get3A_1185 = arith.index_cast %scan3A_1058 : i32 to index
      %get3A_1186 = arith.constant 112 : index
      %get3A_1187 = tpu.vector_load %arg7[%get3A_1185, %get3A_1186] {strides = array<i32>} : memref<64x128xf32, #tpu.memory_space<vmem>>, vector<1x16xf32>,
      %get3A_1188 = vector.shape_cast %get3A_1187 : vector<1x16xf32> to vector<16xf32>
      %add3A_1189 = arith.constant 0 : i32
      %add3A_1190 = arith.addi %add3A_1189, %scan3A_1058 : i32
      %swap3A_1191 = arith.index_cast %add3A_1190 : i32 to index
      %swap3A_1192 = arith.constant 112 : index
      %swap3A_1193 = tpu.vector_load %arg8[%swap3A_1191, %swap3A_1192] {strides = array<i32>} : memref<128x128xf32, #tpu.memory_space<vmem>>, vector<1x16xf32>,
      %swap3A_1194 = vector.shape_cast %swap3A_1193 : vector<1x16xf32> to vector<16xf32>
      %swap3A_1195 = vector.shape_cast %get3A_1188 : vector<16xf32> to vector<1x16xf32>
      tpu.vector_store %arg8[%swap3A_1191, %swap3A_1192], %swap3A_1195 {add = true, strides = array<i32>} : memref<128x128xf32, #tpu.memory_space<vmem>>, vector<1x16xf32>,
      %add3A_1196 = arith.constant 64 : i32
      %add3A_1197 = arith.addi %add3A_1196, %scan3A_1058 : i32
      %swap3A_1198 = arith.index_cast %add3A_1197 : i32 to index
      %swap3A_1199 = arith.constant 112 : index
      %swap3A_1200 = tpu.vector_load %arg8[%swap3A_1198, %swap3A_1199] {strides = array<i32>} : memref<128x128xf32, #tpu.memory_space<vmem>>, vector<1x16xf32>,
      %swap3A_1201 = vector.shape_cast %swap3A_1200 : vector<1x16xf32> to vector<16xf32>
      %swap3A_1202 = vector.shape_cast %get3A_1188 : vector<16xf32> to vector<1x16xf32>
      tpu.vector_store %arg8[%swap3A_1198, %swap3A_1199], %swap3A_1202 {add = true, strides = array<i32>} : memref<128x128xf32, #tpu.memory_space<vmem>>, vector<1x16xf32>,
      %scan3A_1203 = arith.constant 0 : i32
      scf.yield %scan3A_1203 : i32
    }
    %scan3A_729 = arith.constant 64 : i32
    %add3A_730 = arith.constant 24576 : i32
    %add3A_731 = arith.addi %add3A_730, %mul3A_2 : i32
    %dma_start3A_732 = arith.constant 0 : i32
    %dma_start3A_733 = arith.constant 0 : i32
    %dma_start3A_734 = tpu.memref_slice %arg8[%dma_start3A_732, %dma_start3A_733] : memref<128x128xf32, #tpu.memory_space<vmem>> -> memref<64x128xf32, #tpu.memory_space<vmem>>
    %dma_start3A_735 = arith.constant 0 : i32
    %dma_start3A_736 = tpu.memref_slice %arg5[%add3A_731, %dma_start3A_735] : memref<32768x128xf32, #tpu.memory_space<hbm>> -> memref<64x128xf32, #tpu.memory_space<hbm>>
    %dma_start3A_737 = arith.constant 0 : i32
    %dma_start3A_738 = tpu.memref_slice %arg5[%add3A_731, %dma_start3A_737] : memref<32768x128xf32, #tpu.memory_space<hbm>> -> memref<64x128xf32, #tpu.memory_space<hbm>>
    %dma_start3A_739 = arith.constant 0 : i32
    %dma_start3A_740 = arith.constant 0 : i32
    %dma_start3A_741 = tpu.memref_slice %arg8[%dma_start3A_739, %dma_start3A_740] : memref<128x128xf32, #tpu.memory_space<vmem>> -> memref<64x128xf32, #tpu.memory_space<vmem>>
    tpu.enqueue_dma source(%dma_start3A_741 : memref<64x128xf32, #tpu.memory_space<vmem>>) target(%dma_start3A_738 : memref<64x128xf32, #tpu.memory_space<hbm>>) target_semaphore(%arg20 : memref<!tpu.dma_semaphore, #tpu.memory_space<semaphore_mem>>)
    %add3A_742 = arith.constant 26624 : i32
    %add3A_743 = arith.addi %add3A_742, %mul3A_2 : i32
    %dma_start3A_744 = arith.constant 64 : i32
    %dma_start3A_745 = arith.constant 0 : i32
    %dma_start3A_746 = tpu.memref_slice %arg8[%dma_start3A_744, %dma_start3A_745] : memref<128x128xf32, #tpu.memory_space<vmem>> -> memref<64x128xf32, #tpu.memory_space<vmem>>
    %dma_start3A_747 = arith.constant 0 : i32
    %dma_start3A_748 = tpu.memref_slice %arg5[%add3A_743, %dma_start3A_747] : memref<32768x128xf32, #tpu.memory_space<hbm>> -> memref<64x128xf32, #tpu.memory_space<hbm>>
    %dma_start3A_749 = arith.constant 0 : i32
    %dma_start3A_750 = tpu.memref_slice %arg5[%add3A_743, %dma_start3A_749] : memref<32768x128xf32, #tpu.memory_space<hbm>> -> memref<64x128xf32, #tpu.memory_space<hbm>>
    %dma_start3A_751 = arith.constant 64 : i32
    %dma_start3A_752 = arith.constant 0 : i32
    %dma_start3A_753 = tpu.memref_slice %arg8[%dma_start3A_751, %dma_start3A_752] : memref<128x128xf32, #tpu.memory_space<vmem>> -> memref<64x128xf32, #tpu.memory_space<vmem>>
    tpu.enqueue_dma source(%dma_start3A_753 : memref<64x128xf32, #tpu.memory_space<vmem>>) target(%dma_start3A_750 : memref<64x128xf32, #tpu.memory_space<hbm>>) target_semaphore(%arg20 : memref<!tpu.dma_semaphore, #tpu.memory_space<semaphore_mem>>)
    %dma_wait3A_754 = arith.constant 7 : i32
    %dma_wait3A_755 = arith.constant 0 : i32
    %dma_wait3A_756 = tpu.memref_slice %arg6[%dma_wait3A_754, %dma_wait3A_755] : memref<8x128xi32, #tpu.memory_space<vmem>> -> memref<1x128xi32, #tpu.memory_space<vmem>>
    %dma_wait3A_757 = tpu.memref_squeeze %dma_wait3A_756 : memref<1x128xi32, #tpu.memory_space<vmem>> -> memref<128xi32, #tpu.memory_space<vmem>>
    %dma_wait3A_758 = arith.constant 0 : i32
    %dma_wait3A_759 = arith.constant 0 : i32
    %dma_wait3A_760 = tpu.memref_slice %arg3[%dma_wait3A_758, %dma_wait3A_759] : memref<100000x128xf32, #tpu.memory_space<hbm>> -> memref<100000x128xf32, #tpu.memory_space<hbm>>
    tpu.wait_indirect_dma semaphore(%arg15 : memref<!tpu.dma_semaphore, #tpu.memory_space<semaphore_mem>>) src(%dma_wait3A_760 : memref<100000x128xf32, #tpu.memory_space<hbm>>) dst(%arg9 : memref<128x128xf32, #tpu.memory_space<vmem>>)
    %scan3A_761 = arith.constant 0 : i32
    %scan3A_762 = arith.constant 0 : i32
    %scan3A_763 = arith.constant 64 : i32
    %scan3A_764 = arith.addi %scan3A_762, %scan3A_763 : i32
    %scan3A_765 = arith.constant 2 : i32
    %scan3A_766 = scf.for %scan3A_912 = %scan3A_762 to %scan3A_764 step %scan3A_765 iter_args(%scan3A_913 = %scan3A_761) -> (i32)  : i32 {
      %get3A = arith.index_cast %scan3A_912 : i32 to index
      %get3A_914 = arith.constant 0 : index
      %get3A_915 = tpu.vector_load %arg7[%get3A, %get3A_914] {strides = array<i32>} : memref<64x128xf32, #tpu.memory_space<vmem>>, vector<1x16xf32>,
      %get3A_916 = vector.shape_cast %get3A_915 : vector<1x16xf32> to vector<16xf32>
      %add3A_917 = arith.constant 0 : i32
      %add3A_918 = arith.addi %add3A_917, %scan3A_912 : i32
      %swap3A = arith.index_cast %add3A_918 : i32 to index
      %swap3A_919 = arith.constant 0 : index
      %swap3A_920 = tpu.vector_load %arg9[%swap3A, %swap3A_919] {strides = array<i32>} : memref<128x128xf32, #tpu.memory_space<vmem>>, vector<1x16xf32>,
      %swap3A_921 = vector.shape_cast %swap3A_920 : vector<1x16xf32> to vector<16xf32>
      %swap3A_922 = vector.shape_cast %get3A_916 : vector<16xf32> to vector<1x16xf32>
      tpu.vector_store %arg9[%swap3A, %swap3A_919], %swap3A_922 {add = true, strides = array<i32>} : memref<128x128xf32, #tpu.memory_space<vmem>>, vector<1x16xf32>,
      %add3A_923 = arith.constant 64 : i32
      %add3A_924 = arith.addi %add3A_923, %scan3A_912 : i32
      %swap3A_925 = arith.index_cast %add3A_924 : i32 to index
      %swap3A_926 = arith.constant 0 : index
      %swap3A_927 = tpu.vector_load %arg9[%swap3A_925, %swap3A_926] {strides = array<i32>} : memref<128x128xf32, #tpu.memory_space<vmem>>, vector<1x16xf32>,
      %swap3A_928 = vector.shape_cast %swap3A_927 : vector<1x16xf32> to vector<16xf32>
      %swap3A_929 = vector.shape_cast %get3A_916 : vector<16xf32> to vector<1x16xf32>
      tpu.vector_store %arg9[%swap3A_925, %swap3A_926], %swap3A_929 {add = true, strides = array<i32>} : memref<128x128xf32, #tpu.memory_space<vmem>>, vector<1x16xf32>,
      %get3A_930 = arith.index_cast %scan3A_912 : i32 to index
      %get3A_931 = arith.constant 16 : index
      %get3A_932 = tpu.vector_load %arg7[%get3A_930, %get3A_931] {strides = array<i32>} : memref<64x128xf32, #tpu.memory_space<vmem>>, vector<1x16xf32>,
      %get3A_933 = vector.shape_cast %get3A_932 : vector<1x16xf32> to vector<16xf32>
      %add3A_934 = arith.constant 0 : i32
      %add3A_935 = arith.addi %add3A_934, %scan3A_912 : i32
      %swap3A_936 = arith.index_cast %add3A_935 : i32 to index
      %swap3A_937 = arith.constant 16 : index
      %swap3A_938 = tpu.vector_load %arg9[%swap3A_936, %swap3A_937] {strides = array<i32>} : memref<128x128xf32, #tpu.memory_space<vmem>>, vector<1x16xf32>,
      %swap3A_939 = vector.shape_cast %swap3A_938 : vector<1x16xf32> to vector<16xf32>
      %swap3A_940 = vector.shape_cast %get3A_933 : vector<16xf32> to vector<1x16xf32>
      tpu.vector_store %arg9[%swap3A_936, %swap3A_937], %swap3A_940 {add = true, strides = array<i32>} : memref<128x128xf32, #tpu.memory_space<vmem>>, vector<1x16xf32>,
      %add3A_941 = arith.constant 64 : i32
      %add3A_942 = arith.addi %add3A_941, %scan3A_912 : i32
      %swap3A_943 = arith.index_cast %add3A_942 : i32 to index
      %swap3A_944 = arith.constant 16 : index
      %swap3A_945 = tpu.vector_load %arg9[%swap3A_943, %swap3A_944] {strides = array<i32>} : memref<128x128xf32, #tpu.memory_space<vmem>>, vector<1x16xf32>,
      %swap3A_946 = vector.shape_cast %swap3A_945 : vector<1x16xf32> to vector<16xf32>
      %swap3A_947 = vector.shape_cast %get3A_933 : vector<16xf32> to vector<1x16xf32>
      tpu.vector_store %arg9[%swap3A_943, %swap3A_944], %swap3A_947 {add = true, strides = array<i32>} : memref<128x128xf32, #tpu.memory_space<vmem>>, vector<1x16xf32>,
      %get3A_948 = arith.index_cast %scan3A_912 : i32 to index
      %get3A_949 = arith.constant 32 : index
      %get3A_950 = tpu.vector_load %arg7[%get3A_948, %get3A_949] {strides = array<i32>} : memref<64x128xf32, #tpu.memory_space<vmem>>, vector<1x16xf32>,
      %get3A_951 = vector.shape_cast %get3A_950 : vector<1x16xf32> to vector<16xf32>
      %add3A_952 = arith.constant 0 : i32
      %add3A_953 = arith.addi %add3A_952, %scan3A_912 : i32
      %swap3A_954 = arith.index_cast %add3A_953 : i32 to index
      %swap3A_955 = arith.constant 32 : index
      %swap3A_956 = tpu.vector_load %arg9[%swap3A_954, %swap3A_955] {strides = array<i32>} : memref<128x128xf32, #tpu.memory_space<vmem>>, vector<1x16xf32>,
      %swap3A_957 = vector.shape_cast %swap3A_956 : vector<1x16xf32> to vector<16xf32>
      %swap3A_958 = vector.shape_cast %get3A_951 : vector<16xf32> to vector<1x16xf32>
      tpu.vector_store %arg9[%swap3A_954, %swap3A_955], %swap3A_958 {add = true, strides = array<i32>} : memref<128x128xf32, #tpu.memory_space<vmem>>, vector<1x16xf32>,
      %add3A_959 = arith.constant 64 : i32
      %add3A_960 = arith.addi %add3A_959, %scan3A_912 : i32
      %swap3A_961 = arith.index_cast %add3A_960 : i32 to index
      %swap3A_962 = arith.constant 32 : index
      %swap3A_963 = tpu.vector_load %arg9[%swap3A_961, %swap3A_962] {strides = array<i32>} : memref<128x128xf32, #tpu.memory_space<vmem>>, vector<1x16xf32>,
      %swap3A_964 = vector.shape_cast %swap3A_963 : vector<1x16xf32> to vector<16xf32>
      %swap3A_965 = vector.shape_cast %get3A_951 : vector<16xf32> to vector<1x16xf32>
      tpu.vector_store %arg9[%swap3A_961, %swap3A_962], %swap3A_965 {add = true, strides = array<i32>} : memref<128x128xf32, #tpu.memory_space<vmem>>, vector<1x16xf32>,
      %get3A_966 = arith.index_cast %scan3A_912 : i32 to index
      %get3A_967 = arith.constant 48 : index
      %get3A_968 = tpu.vector_load %arg7[%get3A_966, %get3A_967] {strides = array<i32>} : memref<64x128xf32, #tpu.memory_space<vmem>>, vector<1x16xf32>,
      %get3A_969 = vector.shape_cast %get3A_968 : vector<1x16xf32> to vector<16xf32>
      %add3A_970 = arith.constant 0 : i32
      %add3A_971 = arith.addi %add3A_970, %scan3A_912 : i32
      %swap3A_972 = arith.index_cast %add3A_971 : i32 to index
      %swap3A_973 = arith.constant 48 : index
      %swap3A_974 = tpu.vector_load %arg9[%swap3A_972, %swap3A_973] {strides = array<i32>} : memref<128x128xf32, #tpu.memory_space<vmem>>, vector<1x16xf32>,
      %swap3A_975 = vector.shape_cast %swap3A_974 : vector<1x16xf32> to vector<16xf32>
      %swap3A_976 = vector.shape_cast %get3A_969 : vector<16xf32> to vector<1x16xf32>
      tpu.vector_store %arg9[%swap3A_972, %swap3A_973], %swap3A_976 {add = true, strides = array<i32>} : memref<128x128xf32, #tpu.memory_space<vmem>>, vector<1x16xf32>,
      %add3A_977 = arith.constant 64 : i32
      %add3A_978 = arith.addi %add3A_977, %scan3A_912 : i32
      %swap3A_979 = arith.index_cast %add3A_978 : i32 to index
      %swap3A_980 = arith.constant 48 : index
      %swap3A_981 = tpu.vector_load %arg9[%swap3A_979, %swap3A_980] {strides = array<i32>} : memref<128x128xf32, #tpu.memory_space<vmem>>, vector<1x16xf32>,
      %swap3A_982 = vector.shape_cast %swap3A_981 : vector<1x16xf32> to vector<16xf32>
      %swap3A_983 = vector.shape_cast %get3A_969 : vector<16xf32> to vector<1x16xf32>
      tpu.vector_store %arg9[%swap3A_979, %swap3A_980], %swap3A_983 {add = true, strides = array<i32>} : memref<128x128xf32, #tpu.memory_space<vmem>>, vector<1x16xf32>,
      %get3A_984 = arith.index_cast %scan3A_912 : i32 to index
      %get3A_985 = arith.constant 64 : index
      %get3A_986 = tpu.vector_load %arg7[%get3A_984, %get3A_985] {strides = array<i32>} : memref<64x128xf32, #tpu.memory_space<vmem>>, vector<1x16xf32>,
      %get3A_987 = vector.shape_cast %get3A_986 : vector<1x16xf32> to vector<16xf32>
      %add3A_988 = arith.constant 0 : i32
      %add3A_989 = arith.addi %add3A_988, %scan3A_912 : i32
      %swap3A_990 = arith.index_cast %add3A_989 : i32 to index
      %swap3A_991 = arith.constant 64 : index
      %swap3A_992 = tpu.vector_load %arg9[%swap3A_990, %swap3A_991] {strides = array<i32>} : memref<128x128xf32, #tpu.memory_space<vmem>>, vector<1x16xf32>,
      %swap3A_993 = vector.shape_cast %swap3A_992 : vector<1x16xf32> to vector<16xf32>
      %swap3A_994 = vector.shape_cast %get3A_987 : vector<16xf32> to vector<1x16xf32>
      tpu.vector_store %arg9[%swap3A_990, %swap3A_991], %swap3A_994 {add = true, strides = array<i32>} : memref<128x128xf32, #tpu.memory_space<vmem>>, vector<1x16xf32>,
      %add3A_995 = arith.constant 64 : i32
      %add3A_996 = arith.addi %add3A_995, %scan3A_912 : i32
      %swap3A_997 = arith.index_cast %add3A_996 : i32 to index
      %swap3A_998 = arith.constant 64 : index
      %swap3A_999 = tpu.vector_load %arg9[%swap3A_997, %swap3A_998] {strides = array<i32>} : memref<128x128xf32, #tpu.memory_space<vmem>>, vector<1x16xf32>,
      %swap3A_1000 = vector.shape_cast %swap3A_999 : vector<1x16xf32> to vector<16xf32>
      %swap3A_1001 = vector.shape_cast %get3A_987 : vector<16xf32> to vector<1x16xf32>
      tpu.vector_store %arg9[%swap3A_997, %swap3A_998], %swap3A_1001 {add = true, strides = array<i32>} : memref<128x128xf32, #tpu.memory_space<vmem>>, vector<1x16xf32>,
      %get3A_1002 = arith.index_cast %scan3A_912 : i32 to index
      %get3A_1003 = arith.constant 80 : index
      %get3A_1004 = tpu.vector_load %arg7[%get3A_1002, %get3A_1003] {strides = array<i32>} : memref<64x128xf32, #tpu.memory_space<vmem>>, vector<1x16xf32>,
      %get3A_1005 = vector.shape_cast %get3A_1004 : vector<1x16xf32> to vector<16xf32>
      %add3A_1006 = arith.constant 0 : i32
      %add3A_1007 = arith.addi %add3A_1006, %scan3A_912 : i32
      %swap3A_1008 = arith.index_cast %add3A_1007 : i32 to index
      %swap3A_1009 = arith.constant 80 : index
      %swap3A_1010 = tpu.vector_load %arg9[%swap3A_1008, %swap3A_1009] {strides = array<i32>} : memref<128x128xf32, #tpu.memory_space<vmem>>, vector<1x16xf32>,
      %swap3A_1011 = vector.shape_cast %swap3A_1010 : vector<1x16xf32> to vector<16xf32>
      %swap3A_1012 = vector.shape_cast %get3A_1005 : vector<16xf32> to vector<1x16xf32>
      tpu.vector_store %arg9[%swap3A_1008, %swap3A_1009], %swap3A_1012 {add = true, strides = array<i32>} : memref<128x128xf32, #tpu.memory_space<vmem>>, vector<1x16xf32>,
      %add3A_1013 = arith.constant 64 : i32
      %add3A_1014 = arith.addi %add3A_1013, %scan3A_912 : i32
      %swap3A_1015 = arith.index_cast %add3A_1014 : i32 to index
      %swap3A_1016 = arith.constant 80 : index
      %swap3A_1017 = tpu.vector_load %arg9[%swap3A_1015, %swap3A_1016] {strides = array<i32>} : memref<128x128xf32, #tpu.memory_space<vmem>>, vector<1x16xf32>,
      %swap3A_1018 = vector.shape_cast %swap3A_1017 : vector<1x16xf32> to vector<16xf32>
      %swap3A_1019 = vector.shape_cast %get3A_1005 : vector<16xf32> to vector<1x16xf32>
      tpu.vector_store %arg9[%swap3A_1015, %swap3A_1016], %swap3A_1019 {add = true, strides = array<i32>} : memref<128x128xf32, #tpu.memory_space<vmem>>, vector<1x16xf32>,
      %get3A_1020 = arith.index_cast %scan3A_912 : i32 to index
      %get3A_1021 = arith.constant 96 : index
      %get3A_1022 = tpu.vector_load %arg7[%get3A_1020, %get3A_1021] {strides = array<i32>} : memref<64x128xf32, #tpu.memory_space<vmem>>, vector<1x16xf32>,
      %get3A_1023 = vector.shape_cast %get3A_1022 : vector<1x16xf32> to vector<16xf32>
      %add3A_1024 = arith.constant 0 : i32
      %add3A_1025 = arith.addi %add3A_1024, %scan3A_912 : i32
      %swap3A_1026 = arith.index_cast %add3A_1025 : i32 to index
      %swap3A_1027 = arith.constant 96 : index
      %swap3A_1028 = tpu.vector_load %arg9[%swap3A_1026, %swap3A_1027] {strides = array<i32>} : memref<128x128xf32, #tpu.memory_space<vmem>>, vector<1x16xf32>,
      %swap3A_1029 = vector.shape_cast %swap3A_1028 : vector<1x16xf32> to vector<16xf32>
      %swap3A_1030 = vector.shape_cast %get3A_1023 : vector<16xf32> to vector<1x16xf32>
      tpu.vector_store %arg9[%swap3A_1026, %swap3A_1027], %swap3A_1030 {add = true, strides = array<i32>} : memref<128x128xf32, #tpu.memory_space<vmem>>, vector<1x16xf32>,
      %add3A_1031 = arith.constant 64 : i32
      %add3A_1032 = arith.addi %add3A_1031, %scan3A_912 : i32
      %swap3A_1033 = arith.index_cast %add3A_1032 : i32 to index
      %swap3A_1034 = arith.constant 96 : index
      %swap3A_1035 = tpu.vector_load %arg9[%swap3A_1033, %swap3A_1034] {strides = array<i32>} : memref<128x128xf32, #tpu.memory_space<vmem>>, vector<1x16xf32>,
      %swap3A_1036 = vector.shape_cast %swap3A_1035 : vector<1x16xf32> to vector<16xf32>
      %swap3A_1037 = vector.shape_cast %get3A_1023 : vector<16xf32> to vector<1x16xf32>
      tpu.vector_store %arg9[%swap3A_1033, %swap3A_1034], %swap3A_1037 {add = true, strides = array<i32>} : memref<128x128xf32, #tpu.memory_space<vmem>>, vector<1x16xf32>,
      %get3A_1038 = arith.index_cast %scan3A_912 : i32 to index
      %get3A_1039 = arith.constant 112 : index
      %get3A_1040 = tpu.vector_load %arg7[%get3A_1038, %get3A_1039] {strides = array<i32>} : memref<64x128xf32, #tpu.memory_space<vmem>>, vector<1x16xf32>,
      %get3A_1041 = vector.shape_cast %get3A_1040 : vector<1x16xf32> to vector<16xf32>
      %add3A_1042 = arith.constant 0 : i32
      %add3A_1043 = arith.addi %add3A_1042, %scan3A_912 : i32
      %swap3A_1044 = arith.index_cast %add3A_1043 : i32 to index
      %swap3A_1045 = arith.constant 112 : index
      %swap3A_1046 = tpu.vector_load %arg9[%swap3A_1044, %swap3A_1045] {strides = array<i32>} : memref<128x128xf32, #tpu.memory_space<vmem>>, vector<1x16xf32>,
      %swap3A_1047 = vector.shape_cast %swap3A_1046 : vector<1x16xf32> to vector<16xf32>
      %swap3A_1048 = vector.shape_cast %get3A_1041 : vector<16xf32> to vector<1x16xf32>
      tpu.vector_store %arg9[%swap3A_1044, %swap3A_1045], %swap3A_1048 {add = true, strides = array<i32>} : memref<128x128xf32, #tpu.memory_space<vmem>>, vector<1x16xf32>,
      %add3A_1049 = arith.constant 64 : i32
      %add3A_1050 = arith.addi %add3A_1049, %scan3A_912 : i32
      %swap3A_1051 = arith.index_cast %add3A_1050 : i32 to index
      %swap3A_1052 = arith.constant 112 : index
      %swap3A_1053 = tpu.vector_load %arg9[%swap3A_1051, %swap3A_1052] {strides = array<i32>} : memref<128x128xf32, #tpu.memory_space<vmem>>, vector<1x16xf32>,
      %swap3A_1054 = vector.shape_cast %swap3A_1053 : vector<1x16xf32> to vector<16xf32>
      %swap3A_1055 = vector.shape_cast %get3A_1041 : vector<16xf32> to vector<1x16xf32>
      tpu.vector_store %arg9[%swap3A_1051, %swap3A_1052], %swap3A_1055 {add = true, strides = array<i32>} : memref<128x128xf32, #tpu.memory_space<vmem>>, vector<1x16xf32>,
      %scan3A_1056 = arith.constant 0 : i32
      %scan3A_1057 = arith.constant 1 : i32
      %scan3A_1058 = arith.addi %scan3A_912, %scan3A_1057 : i32
      %get3A_1059 = arith.index_cast %scan3A_1058 : i32 to index
      %get3A_1060 = arith.constant 0 : index
      %get3A_1061 = tpu.vector_load %arg7[%get3A_1059, %get3A_1060] {strides = array<i32>} : memref<64x128xf32, #tpu.memory_space<vmem>>, vector<1x16xf32>,
      %get3A_1062 = vector.shape_cast %get3A_1061 : vector<1x16xf32> to vector<16xf32>
      %add3A_1063 = arith.constant 0 : i32
      %add3A_1064 = arith.addi %add3A_1063, %scan3A_1058 : i32
      %swap3A_1065 = arith.index_cast %add3A_1064 : i32 to index
      %swap3A_1066 = arith.constant 0 : index
      %swap3A_1067 = tpu.vector_load %arg9[%swap3A_1065, %swap3A_1066] {strides = array<i32>} : memref<128x128xf32, #tpu.memory_space<vmem>>, vector<1x16xf32>,
      %swap3A_1068 = vector.shape_cast %swap3A_1067 : vector<1x16xf32> to vector<16xf32>
      %swap3A_1069 = vector.shape_cast %get3A_1062 : vector<16xf32> to vector<1x16xf32>
      tpu.vector_store %arg9[%swap3A_1065, %swap3A_1066], %swap3A_1069 {add = true, strides = array<i32>} : memref<128x128xf32, #tpu.memory_space<vmem>>, vector<1x16xf32>,
      %add3A_1070 = arith.constant 64 : i32
      %add3A_1071 = arith.addi %add3A_1070, %scan3A_1058 : i32
      %swap3A_1072 = arith.index_cast %add3A_1071 : i32 to index
      %swap3A_1073 = arith.constant 0 : index
      %swap3A_1074 = tpu.vector_load %arg9[%swap3A_1072, %swap3A_1073] {strides = array<i32>} : memref<128x128xf32, #tpu.memory_space<vmem>>, vector<1x16xf32>,
      %swap3A_1075 = vector.shape_cast %swap3A_1074 : vector<1x16xf32> to vector<16xf32>
      %swap3A_1076 = vector.shape_cast %get3A_1062 : vector<16xf32> to vector<1x16xf32>
      tpu.vector_store %arg9[%swap3A_1072, %swap3A_1073], %swap3A_1076 {add = true, strides = array<i32>} : memref<128x128xf32, #tpu.memory_space<vmem>>, vector<1x16xf32>,
      %get3A_1077 = arith.index_cast %scan3A_1058 : i32 to index
      %get3A_1078 = arith.constant 16 : index
      %get3A_1079 = tpu.vector_load %arg7[%get3A_1077, %get3A_1078] {strides = array<i32>} : memref<64x128xf32, #tpu.memory_space<vmem>>, vector<1x16xf32>,
      %get3A_1080 = vector.shape_cast %get3A_1079 : vector<1x16xf32> to vector<16xf32>
      %add3A_1081 = arith.constant 0 : i32
      %add3A_1082 = arith.addi %add3A_1081, %scan3A_1058 : i32
      %swap3A_1083 = arith.index_cast %add3A_1082 : i32 to index
      %swap3A_1084 = arith.constant 16 : index
      %swap3A_1085 = tpu.vector_load %arg9[%swap3A_1083, %swap3A_1084] {strides = array<i32>} : memref<128x128xf32, #tpu.memory_space<vmem>>, vector<1x16xf32>,
      %swap3A_1086 = vector.shape_cast %swap3A_1085 : vector<1x16xf32> to vector<16xf32>
      %swap3A_1087 = vector.shape_cast %get3A_1080 : vector<16xf32> to vector<1x16xf32>
      tpu.vector_store %arg9[%swap3A_1083, %swap3A_1084], %swap3A_1087 {add = true, strides = array<i32>} : memref<128x128xf32, #tpu.memory_space<vmem>>, vector<1x16xf32>,
      %add3A_1088 = arith.constant 64 : i32
      %add3A_1089 = arith.addi %add3A_1088, %scan3A_1058 : i32
      %swap3A_1090 = arith.index_cast %add3A_1089 : i32 to index
      %swap3A_1091 = arith.constant 16 : index
      %swap3A_1092 = tpu.vector_load %arg9[%swap3A_1090, %swap3A_1091] {strides = array<i32>} : memref<128x128xf32, #tpu.memory_space<vmem>>, vector<1x16xf32>,
      %swap3A_1093 = vector.shape_cast %swap3A_1092 : vector<1x16xf32> to vector<16xf32>
      %swap3A_1094 = vector.shape_cast %get3A_1080 : vector<16xf32> to vector<1x16xf32>
      tpu.vector_store %arg9[%swap3A_1090, %swap3A_1091], %swap3A_1094 {add = true, strides = array<i32>} : memref<128x128xf32, #tpu.memory_space<vmem>>, vector<1x16xf32>,
      %get3A_1095 = arith.index_cast %scan3A_1058 : i32 to index
      %get3A_1096 = arith.constant 32 : index
      %get3A_1097 = tpu.vector_load %arg7[%get3A_1095, %get3A_1096] {strides = array<i32>} : memref<64x128xf32, #tpu.memory_space<vmem>>, vector<1x16xf32>,
      %get3A_1098 = vector.shape_cast %get3A_1097 : vector<1x16xf32> to vector<16xf32>
      %add3A_1099 = arith.constant 0 : i32
      %add3A_1100 = arith.addi %add3A_1099, %scan3A_1058 : i32
      %swap3A_1101 = arith.index_cast %add3A_1100 : i32 to index
      %swap3A_1102 = arith.constant 32 : index
      %swap3A_1103 = tpu.vector_load %arg9[%swap3A_1101, %swap3A_1102] {strides = array<i32>} : memref<128x128xf32, #tpu.memory_space<vmem>>, vector<1x16xf32>,
      %swap3A_1104 = vector.shape_cast %swap3A_1103 : vector<1x16xf32> to vector<16xf32>
      %swap3A_1105 = vector.shape_cast %get3A_1098 : vector<16xf32> to vector<1x16xf32>
      tpu.vector_store %arg9[%swap3A_1101, %swap3A_1102], %swap3A_1105 {add = true, strides = array<i32>} : memref<128x128xf32, #tpu.memory_space<vmem>>, vector<1x16xf32>,
      %add3A_1106 = arith.constant 64 : i32
      %add3A_1107 = arith.addi %add3A_1106, %scan3A_1058 : i32
      %swap3A_1108 = arith.index_cast %add3A_1107 : i32 to index
      %swap3A_1109 = arith.constant 32 : index
      %swap3A_1110 = tpu.vector_load %arg9[%swap3A_1108, %swap3A_1109] {strides = array<i32>} : memref<128x128xf32, #tpu.memory_space<vmem>>, vector<1x16xf32>,
      %swap3A_1111 = vector.shape_cast %swap3A_1110 : vector<1x16xf32> to vector<16xf32>
      %swap3A_1112 = vector.shape_cast %get3A_1098 : vector<16xf32> to vector<1x16xf32>
      tpu.vector_store %arg9[%swap3A_1108, %swap3A_1109], %swap3A_1112 {add = true, strides = array<i32>} : memref<128x128xf32, #tpu.memory_space<vmem>>, vector<1x16xf32>,
      %get3A_1113 = arith.index_cast %scan3A_1058 : i32 to index
      %get3A_1114 = arith.constant 48 : index
      %get3A_1115 = tpu.vector_load %arg7[%get3A_1113, %get3A_1114] {strides = array<i32>} : memref<64x128xf32, #tpu.memory_space<vmem>>, vector<1x16xf32>,
      %get3A_1116 = vector.shape_cast %get3A_1115 : vector<1x16xf32> to vector<16xf32>
      %add3A_1117 = arith.constant 0 : i32
      %add3A_1118 = arith.addi %add3A_1117, %scan3A_1058 : i32
      %swap3A_1119 = arith.index_cast %add3A_1118 : i32 to index
      %swap3A_1120 = arith.constant 48 : index
      %swap3A_1121 = tpu.vector_load %arg9[%swap3A_1119, %swap3A_1120] {strides = array<i32>} : memref<128x128xf32, #tpu.memory_space<vmem>>, vector<1x16xf32>,
      %swap3A_1122 = vector.shape_cast %swap3A_1121 : vector<1x16xf32> to vector<16xf32>
      %swap3A_1123 = vector.shape_cast %get3A_1116 : vector<16xf32> to vector<1x16xf32>
      tpu.vector_store %arg9[%swap3A_1119, %swap3A_1120], %swap3A_1123 {add = true, strides = array<i32>} : memref<128x128xf32, #tpu.memory_space<vmem>>, vector<1x16xf32>,
      %add3A_1124 = arith.constant 64 : i32
      %add3A_1125 = arith.addi %add3A_1124, %scan3A_1058 : i32
      %swap3A_1126 = arith.index_cast %add3A_1125 : i32 to index
      %swap3A_1127 = arith.constant 48 : index
      %swap3A_1128 = tpu.vector_load %arg9[%swap3A_1126, %swap3A_1127] {strides = array<i32>} : memref<128x128xf32, #tpu.memory_space<vmem>>, vector<1x16xf32>,
      %swap3A_1129 = vector.shape_cast %swap3A_1128 : vector<1x16xf32> to vector<16xf32>
      %swap3A_1130 = vector.shape_cast %get3A_1116 : vector<16xf32> to vector<1x16xf32>
      tpu.vector_store %arg9[%swap3A_1126, %swap3A_1127], %swap3A_1130 {add = true, strides = array<i32>} : memref<128x128xf32, #tpu.memory_space<vmem>>, vector<1x16xf32>,
      %get3A_1131 = arith.index_cast %scan3A_1058 : i32 to index
      %get3A_1132 = arith.constant 64 : index
      %get3A_1133 = tpu.vector_load %arg7[%get3A_1131, %get3A_1132] {strides = array<i32>} : memref<64x128xf32, #tpu.memory_space<vmem>>, vector<1x16xf32>,
      %get3A_1134 = vector.shape_cast %get3A_1133 : vector<1x16xf32> to vector<16xf32>
      %add3A_1135 = arith.constant 0 : i32
      %add3A_1136 = arith.addi %add3A_1135, %scan3A_1058 : i32
      %swap3A_1137 = arith.index_cast %add3A_1136 : i32 to index
      %swap3A_1138 = arith.constant 64 : index
      %swap3A_1139 = tpu.vector_load %arg9[%swap3A_1137, %swap3A_1138] {strides = array<i32>} : memref<128x128xf32, #tpu.memory_space<vmem>>, vector<1x16xf32>,
      %swap3A_1140 = vector.shape_cast %swap3A_1139 : vector<1x16xf32> to vector<16xf32>
      %swap3A_1141 = vector.shape_cast %get3A_1134 : vector<16xf32> to vector<1x16xf32>
      tpu.vector_store %arg9[%swap3A_1137, %swap3A_1138], %swap3A_1141 {add = true, strides = array<i32>} : memref<128x128xf32, #tpu.memory_space<vmem>>, vector<1x16xf32>,
      %add3A_1142 = arith.constant 64 : i32
      %add3A_1143 = arith.addi %add3A_1142, %scan3A_1058 : i32
      %swap3A_1144 = arith.index_cast %add3A_1143 : i32 to index
      %swap3A_1145 = arith.constant 64 : index
      %swap3A_1146 = tpu.vector_load %arg9[%swap3A_1144, %swap3A_1145] {strides = array<i32>} : memref<128x128xf32, #tpu.memory_space<vmem>>, vector<1x16xf32>,
      %swap3A_1147 = vector.shape_cast %swap3A_1146 : vector<1x16xf32> to vector<16xf32>
      %swap3A_1148 = vector.shape_cast %get3A_1134 : vector<16xf32> to vector<1x16xf32>
      tpu.vector_store %arg9[%swap3A_1144, %swap3A_1145], %swap3A_1148 {add = true, strides = array<i32>} : memref<128x128xf32, #tpu.memory_space<vmem>>, vector<1x16xf32>,
      %get3A_1149 = arith.index_cast %scan3A_1058 : i32 to index
      %get3A_1150 = arith.constant 80 : index
      %get3A_1151 = tpu.vector_load %arg7[%get3A_1149, %get3A_1150] {strides = array<i32>} : memref<64x128xf32, #tpu.memory_space<vmem>>, vector<1x16xf32>,
      %get3A_1152 = vector.shape_cast %get3A_1151 : vector<1x16xf32> to vector<16xf32>
      %add3A_1153 = arith.constant 0 : i32
      %add3A_1154 = arith.addi %add3A_1153, %scan3A_1058 : i32
      %swap3A_1155 = arith.index_cast %add3A_1154 : i32 to index
      %swap3A_1156 = arith.constant 80 : index
      %swap3A_1157 = tpu.vector_load %arg9[%swap3A_1155, %swap3A_1156] {strides = array<i32>} : memref<128x128xf32, #tpu.memory_space<vmem>>, vector<1x16xf32>,
      %swap3A_1158 = vector.shape_cast %swap3A_1157 : vector<1x16xf32> to vector<16xf32>
      %swap3A_1159 = vector.shape_cast %get3A_1152 : vector<16xf32> to vector<1x16xf32>
      tpu.vector_store %arg9[%swap3A_1155, %swap3A_1156], %swap3A_1159 {add = true, strides = array<i32>} : memref<128x128xf32, #tpu.memory_space<vmem>>, vector<1x16xf32>,
      %add3A_1160 = arith.constant 64 : i32
      %add3A_1161 = arith.addi %add3A_1160, %scan3A_1058 : i32
      %swap3A_1162 = arith.index_cast %add3A_1161 : i32 to index
      %swap3A_1163 = arith.constant 80 : index
      %swap3A_1164 = tpu.vector_load %arg9[%swap3A_1162, %swap3A_1163] {strides = array<i32>} : memref<128x128xf32, #tpu.memory_space<vmem>>, vector<1x16xf32>,
      %swap3A_1165 = vector.shape_cast %swap3A_1164 : vector<1x16xf32> to vector<16xf32>
      %swap3A_1166 = vector.shape_cast %get3A_1152 : vector<16xf32> to vector<1x16xf32>
      tpu.vector_store %arg9[%swap3A_1162, %swap3A_1163], %swap3A_1166 {add = true, strides = array<i32>} : memref<128x128xf32, #tpu.memory_space<vmem>>, vector<1x16xf32>,
      %get3A_1167 = arith.index_cast %scan3A_1058 : i32 to index
      %get3A_1168 = arith.constant 96 : index
      %get3A_1169 = tpu.vector_load %arg7[%get3A_1167, %get3A_1168] {strides = array<i32>} : memref<64x128xf32, #tpu.memory_space<vmem>>, vector<1x16xf32>,
      %get3A_1170 = vector.shape_cast %get3A_1169 : vector<1x16xf32> to vector<16xf32>
      %add3A_1171 = arith.constant 0 : i32
      %add3A_1172 = arith.addi %add3A_1171, %scan3A_1058 : i32
      %swap3A_1173 = arith.index_cast %add3A_1172 : i32 to index
      %swap3A_1174 = arith.constant 96 : index
      %swap3A_1175 = tpu.vector_load %arg9[%swap3A_1173, %swap3A_1174] {strides = array<i32>} : memref<128x128xf32, #tpu.memory_space<vmem>>, vector<1x16xf32>,
      %swap3A_1176 = vector.shape_cast %swap3A_1175 : vector<1x16xf32> to vector<16xf32>
      %swap3A_1177 = vector.shape_cast %get3A_1170 : vector<16xf32> to vector<1x16xf32>
      tpu.vector_store %arg9[%swap3A_1173, %swap3A_1174], %swap3A_1177 {add = true, strides = array<i32>} : memref<128x128xf32, #tpu.memory_space<vmem>>, vector<1x16xf32>,
      %add3A_1178 = arith.constant 64 : i32
      %add3A_1179 = arith.addi %add3A_1178, %scan3A_1058 : i32
      %swap3A_1180 = arith.index_cast %add3A_1179 : i32 to index
      %swap3A_1181 = arith.constant 96 : index
      %swap3A_1182 = tpu.vector_load %arg9[%swap3A_1180, %swap3A_1181] {strides = array<i32>} : memref<128x128xf32, #tpu.memory_space<vmem>>, vector<1x16xf32>,
      %swap3A_1183 = vector.shape_cast %swap3A_1182 : vector<1x16xf32> to vector<16xf32>
      %swap3A_1184 = vector.shape_cast %get3A_1170 : vector<16xf32> to vector<1x16xf32>
      tpu.vector_store %arg9[%swap3A_1180, %swap3A_1181], %swap3A_1184 {add = true, strides = array<i32>} : memref<128x128xf32, #tpu.memory_space<vmem>>, vector<1x16xf32>,
      %get3A_1185 = arith.index_cast %scan3A_1058 : i32 to index
      %get3A_1186 = arith.constant 112 : index
      %get3A_1187 = tpu.vector_load %arg7[%get3A_1185, %get3A_1186] {strides = array<i32>} : memref<64x128xf32, #tpu.memory_space<vmem>>, vector<1x16xf32>,
      %get3A_1188 = vector.shape_cast %get3A_1187 : vector<1x16xf32> to vector<16xf32>
      %add3A_1189 = arith.constant 0 : i32
      %add3A_1190 = arith.addi %add3A_1189, %scan3A_1058 : i32
      %swap3A_1191 = arith.index_cast %add3A_1190 : i32 to index
      %swap3A_1192 = arith.constant 112 : index
      %swap3A_1193 = tpu.vector_load %arg9[%swap3A_1191, %swap3A_1192] {strides = array<i32>} : memref<128x128xf32, #tpu.memory_space<vmem>>, vector<1x16xf32>,
      %swap3A_1194 = vector.shape_cast %swap3A_1193 : vector<1x16xf32> to vector<16xf32>
      %swap3A_1195 = vector.shape_cast %get3A_1188 : vector<16xf32> to vector<1x16xf32>
      tpu.vector_store %arg9[%swap3A_1191, %swap3A_1192], %swap3A_1195 {add = true, strides = array<i32>} : memref<128x128xf32, #tpu.memory_space<vmem>>, vector<1x16xf32>,
      %add3A_1196 = arith.constant 64 : i32
      %add3A_1197 = arith.addi %add3A_1196, %scan3A_1058 : i32
      %swap3A_1198 = arith.index_cast %add3A_1197 : i32 to index
      %swap3A_1199 = arith.constant 112 : index
      %swap3A_1200 = tpu.vector_load %arg9[%swap3A_1198, %swap3A_1199] {strides = array<i32>} : memref<128x128xf32, #tpu.memory_space<vmem>>, vector<1x16xf32>,
      %swap3A_1201 = vector.shape_cast %swap3A_1200 : vector<1x16xf32> to vector<16xf32>
      %swap3A_1202 = vector.shape_cast %get3A_1188 : vector<16xf32> to vector<1x16xf32>
      tpu.vector_store %arg9[%swap3A_1198, %swap3A_1199], %swap3A_1202 {add = true, strides = array<i32>} : memref<128x128xf32, #tpu.memory_space<vmem>>, vector<1x16xf32>,
      %scan3A_1203 = arith.constant 0 : i32
      scf.yield %scan3A_1203 : i32
    }
    %scan3A_767 = arith.constant 64 : i32
    %add3A_768 = arith.constant 28672 : i32
    %add3A_769 = arith.addi %add3A_768, %mul3A_2 : i32
    %dma_start3A_770 = arith.constant 0 : i32
    %dma_start3A_771 = arith.constant 0 : i32
    %dma_start3A_772 = tpu.memref_slice %arg9[%dma_start3A_770, %dma_start3A_771] : memref<128x128xf32, #tpu.memory_space<vmem>> -> memref<64x128xf32, #tpu.memory_space<vmem>>
    %dma_start3A_773 = arith.constant 0 : i32
    %dma_start3A_774 = tpu.memref_slice %arg5[%add3A_769, %dma_start3A_773] : memref<32768x128xf32, #tpu.memory_space<hbm>> -> memref<64x128xf32, #tpu.memory_space<hbm>>
    %dma_start3A_775 = arith.constant 0 : i32
    %dma_start3A_776 = tpu.memref_slice %arg5[%add3A_769, %dma_start3A_775] : memref<32768x128xf32, #tpu.memory_space<hbm>> -> memref<64x128xf32, #tpu.memory_space<hbm>>
    %dma_start3A_777 = arith.constant 0 : i32
    %dma_start3A_778 = arith.constant 0 : i32
    %dma_start3A_779 = tpu.memref_slice %arg9[%dma_start3A_777, %dma_start3A_778] : memref<128x128xf32, #tpu.memory_space<vmem>> -> memref<64x128xf32, #tpu.memory_space<vmem>>
    tpu.enqueue_dma source(%dma_start3A_779 : memref<64x128xf32, #tpu.memory_space<vmem>>) target(%dma_start3A_776 : memref<64x128xf32, #tpu.memory_space<hbm>>) target_semaphore(%arg21 : memref<!tpu.dma_semaphore, #tpu.memory_space<semaphore_mem>>)
    %add3A_780 = arith.constant 30720 : i32
    %add3A_781 = arith.addi %add3A_780, %mul3A_2 : i32
    %dma_start3A_782 = arith.constant 64 : i32
    %dma_start3A_783 = arith.constant 0 : i32
    %dma_start3A_784 = tpu.memref_slice %arg9[%dma_start3A_782, %dma_start3A_783] : memref<128x128xf32, #tpu.memory_space<vmem>> -> memref<64x128xf32, #tpu.memory_space<vmem>>
    %dma_start3A_785 = arith.constant 0 : i32
    %dma_start3A_786 = tpu.memref_slice %arg5[%add3A_781, %dma_start3A_785] : memref<32768x128xf32, #tpu.memory_space<hbm>> -> memref<64x128xf32, #tpu.memory_space<hbm>>
    %dma_start3A_787 = arith.constant 0 : i32
    %dma_start3A_788 = tpu.memref_slice %arg5[%add3A_781, %dma_start3A_787] : memref<32768x128xf32, #tpu.memory_space<hbm>> -> memref<64x128xf32, #tpu.memory_space<hbm>>
    %dma_start3A_789 = arith.constant 64 : i32
    %dma_start3A_790 = arith.constant 0 : i32
    %dma_start3A_791 = tpu.memref_slice %arg9[%dma_start3A_789, %dma_start3A_790] : memref<128x128xf32, #tpu.memory_space<vmem>> -> memref<64x128xf32, #tpu.memory_space<vmem>>
    tpu.enqueue_dma source(%dma_start3A_791 : memref<64x128xf32, #tpu.memory_space<vmem>>) target(%dma_start3A_788 : memref<64x128xf32, #tpu.memory_space<hbm>>) target_semaphore(%arg21 : memref<!tpu.dma_semaphore, #tpu.memory_space<semaphore_mem>>)
    %dma_wait3A_792 = arith.constant 0 : i32
    %dma_wait3A_793 = arith.constant 0 : i32
    %dma_wait3A_794 = tpu.memref_slice %arg10[%dma_wait3A_792, %dma_wait3A_793] : memref<128x128xf32, #tpu.memory_space<vmem>> -> memref<64x128xf32, #tpu.memory_space<vmem>>
    %dma_wait3A_795 = arith.constant 0 : i32
    %dma_wait3A_796 = tpu.memref_slice %arg5[%add3A_528, %dma_wait3A_795] : memref<32768x128xf32, #tpu.memory_space<hbm>> -> memref<64x128xf32, #tpu.memory_space<hbm>>
    %dma_wait3A_797 = arith.constant 0 : i32
    %dma_wait3A_798 = tpu.memref_slice %arg5[%add3A_528, %dma_wait3A_797] : memref<32768x128xf32, #tpu.memory_space<hbm>> -> memref<64x128xf32, #tpu.memory_space<hbm>>
    %dma_wait3A_799 = arith.constant 0 : i32
    %dma_wait3A_800 = arith.constant 0 : i32
    %dma_wait3A_801 = tpu.memref_slice %arg10[%dma_wait3A_799, %dma_wait3A_800] : memref<128x128xf32, #tpu.memory_space<vmem>> -> memref<64x128xf32, #tpu.memory_space<vmem>>
    tpu.wait_dma2 semaphore(%arg22 : memref<!tpu.dma_semaphore, #tpu.memory_space<semaphore_mem>>) src(%dma_wait3A_801 : memref<64x128xf32, #tpu.memory_space<vmem>>) dst(%dma_wait3A_798 : memref<64x128xf32, #tpu.memory_space<hbm>>)
    %dma_wait3A_802 = arith.constant 64 : i32
    %dma_wait3A_803 = arith.constant 0 : i32
    %dma_wait3A_804 = tpu.memref_slice %arg10[%dma_wait3A_802, %dma_wait3A_803] : memref<128x128xf32, #tpu.memory_space<vmem>> -> memref<64x128xf32, #tpu.memory_space<vmem>>
    %dma_wait3A_805 = arith.constant 0 : i32
    %dma_wait3A_806 = tpu.memref_slice %arg5[%add3A_540, %dma_wait3A_805] : memref<32768x128xf32, #tpu.memory_space<hbm>> -> memref<64x128xf32, #tpu.memory_space<hbm>>
    %dma_wait3A_807 = arith.constant 0 : i32
    %dma_wait3A_808 = tpu.memref_slice %arg5[%add3A_540, %dma_wait3A_807] : memref<32768x128xf32, #tpu.memory_space<hbm>> -> memref<64x128xf32, #tpu.memory_space<hbm>>
    %dma_wait3A_809 = arith.constant 64 : i32
    %dma_wait3A_810 = arith.constant 0 : i32
    %dma_wait3A_811 = tpu.memref_slice %arg10[%dma_wait3A_809, %dma_wait3A_810] : memref<128x128xf32, #tpu.memory_space<vmem>> -> memref<64x128xf32, #tpu.memory_space<vmem>>
    tpu.wait_dma2 semaphore(%arg22 : memref<!tpu.dma_semaphore, #tpu.memory_space<semaphore_mem>>) src(%dma_wait3A_811 : memref<64x128xf32, #tpu.memory_space<vmem>>) dst(%dma_wait3A_808 : memref<64x128xf32, #tpu.memory_space<hbm>>)
    %dma_wait3A_812 = arith.constant 0 : i32
    %dma_wait3A_813 = arith.constant 0 : i32
    %dma_wait3A_814 = tpu.memref_slice %arg11[%dma_wait3A_812, %dma_wait3A_813] : memref<128x128xf32, #tpu.memory_space<vmem>> -> memref<64x128xf32, #tpu.memory_space<vmem>>
    %dma_wait3A_815 = arith.constant 0 : i32
    %dma_wait3A_816 = tpu.memref_slice %arg5[%add3A_617, %dma_wait3A_815] : memref<32768x128xf32, #tpu.memory_space<hbm>> -> memref<64x128xf32, #tpu.memory_space<hbm>>
    %dma_wait3A_817 = arith.constant 0 : i32
    %dma_wait3A_818 = tpu.memref_slice %arg5[%add3A_617, %dma_wait3A_817] : memref<32768x128xf32, #tpu.memory_space<hbm>> -> memref<64x128xf32, #tpu.memory_space<hbm>>
    %dma_wait3A_819 = arith.constant 0 : i32
    %dma_wait3A_820 = arith.constant 0 : i32
    %dma_wait3A_821 = tpu.memref_slice %arg11[%dma_wait3A_819, %dma_wait3A_820] : memref<128x128xf32, #tpu.memory_space<vmem>> -> memref<64x128xf32, #tpu.memory_space<vmem>>
    tpu.wait_dma2 semaphore(%arg23 : memref<!tpu.dma_semaphore, #tpu.memory_space<semaphore_mem>>) src(%dma_wait3A_821 : memref<64x128xf32, #tpu.memory_space<vmem>>) dst(%dma_wait3A_818 : memref<64x128xf32, #tpu.memory_space<hbm>>)
    %dma_wait3A_822 = arith.constant 64 : i32
    %dma_wait3A_823 = arith.constant 0 : i32
    %dma_wait3A_824 = tpu.memref_slice %arg11[%dma_wait3A_822, %dma_wait3A_823] : memref<128x128xf32, #tpu.memory_space<vmem>> -> memref<64x128xf32, #tpu.memory_space<vmem>>
    %dma_wait3A_825 = arith.constant 0 : i32
    %dma_wait3A_826 = tpu.memref_slice %arg5[%add3A_629, %dma_wait3A_825] : memref<32768x128xf32, #tpu.memory_space<hbm>> -> memref<64x128xf32, #tpu.memory_space<hbm>>
    %dma_wait3A_827 = arith.constant 0 : i32
    %dma_wait3A_828 = tpu.memref_slice %arg5[%add3A_629, %dma_wait3A_827] : memref<32768x128xf32, #tpu.memory_space<hbm>> -> memref<64x128xf32, #tpu.memory_space<hbm>>
    %dma_wait3A_829 = arith.constant 64 : i32
    %dma_wait3A_830 = arith.constant 0 : i32
    %dma_wait3A_831 = tpu.memref_slice %arg11[%dma_wait3A_829, %dma_wait3A_830] : memref<128x128xf32, #tpu.memory_space<vmem>> -> memref<64x128xf32, #tpu.memory_space<vmem>>
    tpu.wait_dma2 semaphore(%arg23 : memref<!tpu.dma_semaphore, #tpu.memory_space<semaphore_mem>>) src(%dma_wait3A_831 : memref<64x128xf32, #tpu.memory_space<vmem>>) dst(%dma_wait3A_828 : memref<64x128xf32, #tpu.memory_space<hbm>>)
    %dma_wait3A_832 = arith.constant 0 : i32
    %dma_wait3A_833 = arith.constant 0 : i32
    %dma_wait3A_834 = tpu.memref_slice %arg12[%dma_wait3A_832, %dma_wait3A_833] : memref<128x128xf32, #tpu.memory_space<vmem>> -> memref<64x128xf32, #tpu.memory_space<vmem>>
    %dma_wait3A_835 = arith.constant 0 : i32
    %dma_wait3A_836 = tpu.memref_slice %arg5[%add3A_655, %dma_wait3A_835] : memref<32768x128xf32, #tpu.memory_space<hbm>> -> memref<64x128xf32, #tpu.memory_space<hbm>>
    %dma_wait3A_837 = arith.constant 0 : i32
    %dma_wait3A_838 = tpu.memref_slice %arg5[%add3A_655, %dma_wait3A_837] : memref<32768x128xf32, #tpu.memory_space<hbm>> -> memref<64x128xf32, #tpu.memory_space<hbm>>
    %dma_wait3A_839 = arith.constant 0 : i32
    %dma_wait3A_840 = arith.constant 0 : i32
    %dma_wait3A_841 = tpu.memref_slice %arg12[%dma_wait3A_839, %dma_wait3A_840] : memref<128x128xf32, #tpu.memory_space<vmem>> -> memref<64x128xf32, #tpu.memory_space<vmem>>
    tpu.wait_dma2 semaphore(%arg24 : memref<!tpu.dma_semaphore, #tpu.memory_space<semaphore_mem>>) src(%dma_wait3A_841 : memref<64x128xf32, #tpu.memory_space<vmem>>) dst(%dma_wait3A_838 : memref<64x128xf32, #tpu.memory_space<hbm>>)
    %dma_wait3A_842 = arith.constant 64 : i32
    %dma_wait3A_843 = arith.constant 0 : i32
    %dma_wait3A_844 = tpu.memref_slice %arg12[%dma_wait3A_842, %dma_wait3A_843] : memref<128x128xf32, #tpu.memory_space<vmem>> -> memref<64x128xf32, #tpu.memory_space<vmem>>
    %dma_wait3A_845 = arith.constant 0 : i32
    %dma_wait3A_846 = tpu.memref_slice %arg5[%add3A_667, %dma_wait3A_845] : memref<32768x128xf32, #tpu.memory_space<hbm>> -> memref<64x128xf32, #tpu.memory_space<hbm>>
    %dma_wait3A_847 = arith.constant 0 : i32
    %dma_wait3A_848 = tpu.memref_slice %arg5[%add3A_667, %dma_wait3A_847] : memref<32768x128xf32, #tpu.memory_space<hbm>> -> memref<64x128xf32, #tpu.memory_space<hbm>>
    %dma_wait3A_849 = arith.constant 64 : i32
    %dma_wait3A_850 = arith.constant 0 : i32
    %dma_wait3A_851 = tpu.memref_slice %arg12[%dma_wait3A_849, %dma_wait3A_850] : memref<128x128xf32, #tpu.memory_space<vmem>> -> memref<64x128xf32, #tpu.memory_space<vmem>>
    tpu.wait_dma2 semaphore(%arg24 : memref<!tpu.dma_semaphore, #tpu.memory_space<semaphore_mem>>) src(%dma_wait3A_851 : memref<64x128xf32, #tpu.memory_space<vmem>>) dst(%dma_wait3A_848 : memref<64x128xf32, #tpu.memory_space<hbm>>)
    %dma_wait3A_852 = arith.constant 0 : i32
    %dma_wait3A_853 = arith.constant 0 : i32
    %dma_wait3A_854 = tpu.memref_slice %arg13[%dma_wait3A_852, %dma_wait3A_853] : memref<128x128xf32, #tpu.memory_space<vmem>> -> memref<64x128xf32, #tpu.memory_space<vmem>>
    %dma_wait3A_855 = arith.constant 0 : i32
    %dma_wait3A_856 = tpu.memref_slice %arg5[%add3A_693, %dma_wait3A_855] : memref<32768x128xf32, #tpu.memory_space<hbm>> -> memref<64x128xf32, #tpu.memory_space<hbm>>
    %dma_wait3A_857 = arith.constant 0 : i32
    %dma_wait3A_858 = tpu.memref_slice %arg5[%add3A_693, %dma_wait3A_857] : memref<32768x128xf32, #tpu.memory_space<hbm>> -> memref<64x128xf32, #tpu.memory_space<hbm>>
    %dma_wait3A_859 = arith.constant 0 : i32
    %dma_wait3A_860 = arith.constant 0 : i32
    %dma_wait3A_861 = tpu.memref_slice %arg13[%dma_wait3A_859, %dma_wait3A_860] : memref<128x128xf32, #tpu.memory_space<vmem>> -> memref<64x128xf32, #tpu.memory_space<vmem>>
    tpu.wait_dma2 semaphore(%arg25 : memref<!tpu.dma_semaphore, #tpu.memory_space<semaphore_mem>>) src(%dma_wait3A_861 : memref<64x128xf32, #tpu.memory_space<vmem>>) dst(%dma_wait3A_858 : memref<64x128xf32, #tpu.memory_space<hbm>>)
    %dma_wait3A_862 = arith.constant 64 : i32
    %dma_wait3A_863 = arith.constant 0 : i32
    %dma_wait3A_864 = tpu.memref_slice %arg13[%dma_wait3A_862, %dma_wait3A_863] : memref<128x128xf32, #tpu.memory_space<vmem>> -> memref<64x128xf32, #tpu.memory_space<vmem>>
    %dma_wait3A_865 = arith.constant 0 : i32
    %dma_wait3A_866 = tpu.memref_slice %arg5[%add3A_705, %dma_wait3A_865] : memref<32768x128xf32, #tpu.memory_space<hbm>> -> memref<64x128xf32, #tpu.memory_space<hbm>>
    %dma_wait3A_867 = arith.constant 0 : i32
    %dma_wait3A_868 = tpu.memref_slice %arg5[%add3A_705, %dma_wait3A_867] : memref<32768x128xf32, #tpu.memory_space<hbm>> -> memref<64x128xf32, #tpu.memory_space<hbm>>
    %dma_wait3A_869 = arith.constant 64 : i32
    %dma_wait3A_870 = arith.constant 0 : i32
    %dma_wait3A_871 = tpu.memref_slice %arg13[%dma_wait3A_869, %dma_wait3A_870] : memref<128x128xf32, #tpu.memory_space<vmem>> -> memref<64x128xf32, #tpu.memory_space<vmem>>
    tpu.wait_dma2 semaphore(%arg25 : memref<!tpu.dma_semaphore, #tpu.memory_space<semaphore_mem>>) src(%dma_wait3A_871 : memref<64x128xf32, #tpu.memory_space<vmem>>) dst(%dma_wait3A_868 : memref<64x128xf32, #tpu.memory_space<hbm>>)
    %dma_wait3A_872 = arith.constant 0 : i32
    %dma_wait3A_873 = arith.constant 0 : i32
    %dma_wait3A_874 = tpu.memref_slice %arg8[%dma_wait3A_872, %dma_wait3A_873] : memref<128x128xf32, #tpu.memory_space<vmem>> -> memref<64x128xf32, #tpu.memory_space<vmem>>
    %dma_wait3A_875 = arith.constant 0 : i32
    %dma_wait3A_876 = tpu.memref_slice %arg5[%add3A_731, %dma_wait3A_875] : memref<32768x128xf32, #tpu.memory_space<hbm>> -> memref<64x128xf32, #tpu.memory_space<hbm>>
    %dma_wait3A_877 = arith.constant 0 : i32
    %dma_wait3A_878 = tpu.memref_slice %arg5[%add3A_731, %dma_wait3A_877] : memref<32768x128xf32, #tpu.memory_space<hbm>> -> memref<64x128xf32, #tpu.memory_space<hbm>>
    %dma_wait3A_879 = arith.constant 0 : i32
    %dma_wait3A_880 = arith.constant 0 : i32
    %dma_wait3A_881 = tpu.memref_slice %arg8[%dma_wait3A_879, %dma_wait3A_880] : memref<128x128xf32, #tpu.memory_space<vmem>> -> memref<64x128xf32, #tpu.memory_space<vmem>>
    tpu.wait_dma2 semaphore(%arg20 : memref<!tpu.dma_semaphore, #tpu.memory_space<semaphore_mem>>) src(%dma_wait3A_881 : memref<64x128xf32, #tpu.memory_space<vmem>>) dst(%dma_wait3A_878 : memref<64x128xf32, #tpu.memory_space<hbm>>)
    %dma_wait3A_882 = arith.constant 64 : i32
    %dma_wait3A_883 = arith.constant 0 : i32
    %dma_wait3A_884 = tpu.memref_slice %arg8[%dma_wait3A_882, %dma_wait3A_883] : memref<128x128xf32, #tpu.memory_space<vmem>> -> memref<64x128xf32, #tpu.memory_space<vmem>>
    %dma_wait3A_885 = arith.constant 0 : i32
    %dma_wait3A_886 = tpu.memref_slice %arg5[%add3A_743, %dma_wait3A_885] : memref<32768x128xf32, #tpu.memory_space<hbm>> -> memref<64x128xf32, #tpu.memory_space<hbm>>
    %dma_wait3A_887 = arith.constant 0 : i32
    %dma_wait3A_888 = tpu.memref_slice %arg5[%add3A_743, %dma_wait3A_887] : memref<32768x128xf32, #tpu.memory_space<hbm>> -> memref<64x128xf32, #tpu.memory_space<hbm>>
    %dma_wait3A_889 = arith.constant 64 : i32
    %dma_wait3A_890 = arith.constant 0 : i32
    %dma_wait3A_891 = tpu.memref_slice %arg8[%dma_wait3A_889, %dma_wait3A_890] : memref<128x128xf32, #tpu.memory_space<vmem>> -> memref<64x128xf32, #tpu.memory_space<vmem>>
    tpu.wait_dma2 semaphore(%arg20 : memref<!tpu.dma_semaphore, #tpu.memory_space<semaphore_mem>>) src(%dma_wait3A_891 : memref<64x128xf32, #tpu.memory_space<vmem>>) dst(%dma_wait3A_888 : memref<64x128xf32, #tpu.memory_space<hbm>>)
    %dma_wait3A_892 = arith.constant 0 : i32
    %dma_wait3A_893 = arith.constant 0 : i32
    %dma_wait3A_894 = tpu.memref_slice %arg9[%dma_wait3A_892, %dma_wait3A_893] : memref<128x128xf32, #tpu.memory_space<vmem>> -> memref<64x128xf32, #tpu.memory_space<vmem>>
    %dma_wait3A_895 = arith.constant 0 : i32
    %dma_wait3A_896 = tpu.memref_slice %arg5[%add3A_769, %dma_wait3A_895] : memref<32768x128xf32, #tpu.memory_space<hbm>> -> memref<64x128xf32, #tpu.memory_space<hbm>>
    %dma_wait3A_897 = arith.constant 0 : i32
    %dma_wait3A_898 = tpu.memref_slice %arg5[%add3A_769, %dma_wait3A_897] : memref<32768x128xf32, #tpu.memory_space<hbm>> -> memref<64x128xf32, #tpu.memory_space<hbm>>
    %dma_wait3A_899 = arith.constant 0 : i32
    %dma_wait3A_900 = arith.constant 0 : i32
    %dma_wait3A_901 = tpu.memref_slice %arg9[%dma_wait3A_899, %dma_wait3A_900] : memref<128x128xf32, #tpu.memory_space<vmem>> -> memref<64x128xf32, #tpu.memory_space<vmem>>
    tpu.wait_dma2 semaphore(%arg21 : memref<!tpu.dma_semaphore, #tpu.memory_space<semaphore_mem>>) src(%dma_wait3A_901 : memref<64x128xf32, #tpu.memory_space<vmem>>) dst(%dma_wait3A_898 : memref<64x128xf32, #tpu.memory_space<hbm>>)
    %dma_wait3A_902 = arith.constant 64 : i32
    %dma_wait3A_903 = arith.constant 0 : i32
    %dma_wait3A_904 = tpu.memref_slice %arg9[%dma_wait3A_902, %dma_wait3A_903] : memref<128x128xf32, #tpu.memory_space<vmem>> -> memref<64x128xf32, #tpu.memory_space<vmem>>
    %dma_wait3A_905 = arith.constant 0 : i32
    %dma_wait3A_906 = tpu.memref_slice %arg5[%add3A_781, %dma_wait3A_905] : memref<32768x128xf32, #tpu.memory_space<hbm>> -> memref<64x128xf32, #tpu.memory_space<hbm>>
    %dma_wait3A_907 = arith.constant 0 : i32
    %dma_wait3A_908 = tpu.memref_slice %arg5[%add3A_781, %dma_wait3A_907] : memref<32768x128xf32, #tpu.memory_space<hbm>> -> memref<64x128xf32, #tpu.memory_space<hbm>>
    %dma_wait3A_909 = arith.constant 64 : i32
    %dma_wait3A_910 = arith.constant 0 : i32
    %dma_wait3A_911 = tpu.memref_slice %arg9[%dma_wait3A_909, %dma_wait3A_910] : memref<128x128xf32, #tpu.memory_space<vmem>> -> memref<64x128xf32, #tpu.memory_space<vmem>>
    tpu.wait_dma2 semaphore(%arg21 : memref<!tpu.dma_semaphore, #tpu.memory_space<semaphore_mem>>) src(%dma_wait3A_911 : memref<64x128xf32, #tpu.memory_space<vmem>>) dst(%dma_wait3A_908 : memref<64x128xf32, #tpu.memory_space<hbm>>)
    return
  }
}

</mosaic_0001>

<sc_bundles>
// kernel: kernel.3.cloned.1.call-start
scs
__scs_entry_jumppad:
0x0: {  	(pc) =	sbr.rel $0x88, $3  }
0x1: {  	(tag) =	ssettag $0x0;
	lr =	simm.s32 $0x1  }
0x2: {  	[smem:$0x3F9E] =	sst lr;
	_ =	strace $0xD0000000  }
0x3: {  	_ = 	snop  }
0x4: {  	_ = 	snop  }
0x5: {  	_ = 	snop  }
0x6: {  	_ = 	snop  }
0x7: {  	_ = 	snop  }
__scs_overlays_trampoline_lowered:
0x8: {  	[smem:$0x3FAD] =	sst s0  }
0x9: {  	[smem:$0x3FAE] =	sst s1  }
0xa: {  	[smem:$0x3FAF] =	sst s2  }
0xb: {  	[smem:$0x3FB0] =	sst s3  }
0xc: {  	[smem:$0x3FB1] =	sst s4  }
0xd: {  	[smem:$0x3FB2] =	sst s5  }
0xe: {  	[smem:$0x3FB3] =	sst s6  }
0xf: {  	[smem:$0x3FB4] =	sst s7  }
0x10: {  	[smem:$0x3FB5] =	sst s8  }
0x11: {  	[smem:$0x3FB6] =	sst s9;
	s0 =	simm.s32 @!p0 $0x0  }
0x12: {  	s1 =	sld [smem:$0x3F9C];
	s0 =	simm.s32 @p0 $0x1  }
0x13: {  	[smem:$0x3FB7] =	sst s0;
	s0 =	simm.s32 @!p1 $0x0  }
0x14: {  	s2 =	sld [smem:$0x3F9B];
	s0 =	simm.s32 @p1 $0x1  }
0x15: {  	[smem:$0x3FB8] =	sst s0;
	s0 =	simm.s32 @!p2 $0x0  }
0x16: {  	s3 =	sld [smem:$0x3FDB];
	s0 =	simm.s32 @p2 $0x1  }
0x17: {  	s4 =	simm.s32 $0x1BF5;
	[smem:$0x3FBA] =	sst s0  }
0x18: {  	s0 =	sld [smem:$0x3F9D];
	_ =	swait.ge [sflag:s4], $0x0  }
0x19: {  	s7 =	sld [smem:$0x3F9E]  }
0x1a: {  	s8 =	sadd.s32 $0xFFFFE003, lr  }
0x1b: {  	s9 =	sadd.s32 $0xFFFFFEF7, lr;
	s5 =	simm.s32 $0xFFFFFFFF;
	p2 =	slt.u32 s8, $0xFFFFF086  }
0x1c: {  	p1 =	slt.u32 s9, $0xF7A;
	s5 =	simm.s32 @!p2 $0x0  }
0x1d: {  	s5 =	simm.s32 @p1 $0x1;
	p0 =	seq.s32 s7, s2  }
0x1e: {  	s7 =	smul.u32 @!p0 $0xF7A, s2;
	p2 =	seq.s32 @!p0 s5, $0x0  }
0x1f: {  	s9 =	smul.u32 $0xF7A, s1;
	s8 =	simm.s32 @!p0 $0x1BF5;
	p2 =	por !p2, p0  }
0x20: {  	[sflag:s8] =	ssyncset.s32 @!p0 $0xFFFFF086;
	s6 =	sadd.s32 @!p0 s3, s7;
	s7 =	simm.s32 @!p0 $0x108  }
0x21: {  	s3 =	sadd.s32 s3, s9;
	s6 =	sadd.s32 @!p0 $0x88, s6;
	s7 =	simm.s32 @p2 $0x1082  }
0x22: {  	[simem:s7], [sflag:s8] =	dma.local @!p0 [hbm:s6], $0xF7A  }
0x23: {  	s9 =	sor.u32 $0xD0000000, s2;
	s6 =	simm.s32 $0x108;
	_ =	swait.ge @!p0 [sflag:s8], $0x0  }
0x24: {  	s3 =	sadd.s32 $0x88, s3;
	s6 =	simm.s32 @!p1 $0x1082;
	[sflag:s4] =	ssyncset.s32 $0xFFFFF086  }
0x25: {  	[simem:s6], [sflag:s4] =	dma.local [hbm:s3], $0xF7A  }
0x26: {  	[smem:$0x3F9E] =	sst s1;
	(tag) =	ssettag s2;
	_ =	strace s9  }
0x27: {  	s1 =	sld [smem:$0x3FAE]  }
0x28: {  	s2 =	sld [smem:$0x3FAF]  }
0x29: {  	s4 =	sld [smem:$0x3FB1]  }
0x2a: {  	p0 =	seq.s32 s5, $0x0;
	s5 =	sld [smem:$0x3FB2]  }
0x2b: {  	s6 =	sld [smem:$0x3FB3]  }
0x2c: {  	s7 =	sld [smem:$0x3FB4]  }
0x2d: {  	s3 =	simm.s32 $0x108;
	s8 =	sld [smem:$0x3FB5]  }
0x2e: {  	s3 =	simm.s32 @!p0 $0x1082;
	s9 =	sld [smem:$0x3FB6]  }
0x2f: {  	lr =	sadd.s32 s0, s3;
	s0 =	sld [smem:$0x3FAD]  }
0x30: {  	s3 =	sld [smem:$0x3FB0]  }
0x31: {  	[smem:$0x3FB9] =	sst s10  }
0x32: {  	s10 =	sld [smem:$0x3FB7];
	_ =	sdelay $0x3  }
0x33: {  	p0 =	seq.s32 s10, $0x1;
	s10 =	sld [smem:$0x3FB9];
	_ =	sdelay $0x3  }
0x34: {  	[smem:$0x3FB9] =	sst s10  }
0x35: {  	s10 =	sld [smem:$0x3FB8];
	_ =	sdelay $0x3  }
0x36: {  	p1 =	seq.s32 s10, $0x1;
	s10 =	sld [smem:$0x3FB9];
	_ =	sdelay $0x3  }
0x37: {  	[smem:$0x3FB9] =	sst s10  }
0x38: {  	s10 =	sld [smem:$0x3FBA]  }
0x39: {  	_ = 	snop;
	(pc) =	sbr.ind lr, $3  }
0x3a: {  	_ = 	snop  }
0x3b: {  	_ = 	snop  }
0x3c: {  	p2 =	seq.s32 s10, $0x1;
	s10 =	sld [smem:$0x3FB9]  }
0x3d: {  	_ =	shalt  }
0x3e: {  	_ =	shalt  }
0x3f: {  	_ =	shalt  }
0x40: {  	_ =	shalt  }
0x41: {  	_ =	shalt  }
0x42: {  	_ =	shalt  }
0x43: {  	_ =	shalt  }
0x44: {  	_ =	shalt  }
0x45: {  	_ =	shalt  }
0x46: {  	_ =	shalt  }
0x47: {  	_ =	shalt  }
0x48: {  	_ =	shalt  }
0x49: {  	_ =	shalt  }
0x4a: {  	_ =	shalt  }
0x4b: {  	_ =	shalt  }
0x4c: {  	_ =	shalt  }
0x4d: {  	_ =	shalt  }
0x4e: {  	_ =	shalt  }
0x4f: {  	_ =	shalt  }
0x50: {  	_ =	shalt  }
0x51: {  	_ =	shalt  }
0x52: {  	_ =	shalt  }
0x53: {  	_ =	shalt  }
0x54: {  	_ =	shalt  }
0x55: {  	_ =	shalt  }
0x56: {  	_ =	shalt  }
0x57: {  	_ =	shalt  }
0x58: {  	_ =	shalt  }
0x59: {  	_ =	shalt  }
0x5a: {  	_ =	shalt  }
0x5b: {  	_ =	shalt  }
0x5c: {  	_ =	shalt  }
0x5d: {  	_ =	shalt  }
0x5e: {  	_ =	shalt  }
0x5f: {  	_ =	shalt  }
0x60: {  	_ =	shalt  }
0x61: {  	_ =	shalt  }
0x62: {  	_ =	shalt  }
0x63: {  	_ =	shalt  }
0x64: {  	_ =	shalt  }
0x65: {  	_ =	shalt  }
0x66: {  	_ =	shalt  }
0x67: {  	_ =	shalt  }
0x68: {  	_ =	shalt  }
0x69: {  	_ =	shalt  }
0x6a: {  	_ =	shalt  }
0x6b: {  	_ =	shalt  }
0x6c: {  	_ =	shalt  }
0x6d: {  	_ =	shalt  }
0x6e: {  	_ =	shalt  }
0x6f: {  	_ =	shalt  }
0x70: {  	_ =	shalt  }
0x71: {  	_ =	shalt  }
0x72: {  	_ =	shalt  }
0x73: {  	_ =	shalt  }
0x74: {  	_ =	shalt  }
0x75: {  	_ =	shalt  }
0x76: {  	_ =	shalt  }
0x77: {  	_ =	shalt  }
0x78: {  	_ =	shalt  }
0x79: {  	_ =	shalt  }
0x7a: {  	_ =	shalt  }
0x7b: {  	_ =	shalt  }
0x7c: {  	_ =	shalt  }
0x7d: {  	_ =	shalt  }
0x7e: {  	_ =	shalt  }
0x7f: {  	_ =	shalt  }
0x80: {  	_ =	shalt  }
0x81: {  	_ =	shalt  }
0x82: {  	_ =	shalt  }
0x83: {  	_ =	shalt  }
0x84: {  	_ =	shalt  }
0x85: {  	_ =	shalt  }
0x86: {  	_ =	shalt  }
0x87: {  	_ =	shalt  }
.Lfunc_end0:
.L_simem_size_0:
called_computation_lowered:
.L_overlay_start_0:
0x88: {  	s2 =	sld [smem:$0x3FD9]  }
0x89: {  	s3 =	sld [smem:$0x3FFE];
	_ =	sdelay $0x1  }
0x8a: {  	s1 =	srdreg.scid  }
0x8b: {  	s0 =	sand.u32 $0x1, s1  }
0x8c: {  	s18 =	sshll.u32 s0, $0xA;
	s2 =	sadd.s32 s3, s2  }
0x8d: {  	s2 =	sadd.s32 s2, s18  }
0x8e: {  	[smem:$0x3FC5] =	sst s2  }
0x8f: {  	_ = 	snop  }
0x90: {  	s2 =	sld [smem:$0x3FC9]  }
0x91: {  	s19 =	sld [smem:$0x3FC8]  }
0x92: {  	s4 =	sld [smem:$0x3FC7]  }
0x93: {  	s5 =	sld [smem:$0x3FD0];
	(tm) =	ssettm $0x1  }
0x94: {  	s6 =	sld [smem:$0x3FFB];
	_ =	sdelay $0x3  }
0x95: {  	_ =	strace s6  }
0x96: {  	s6 =	sld [smem:$0x3FFC];
	_ =	sdelay $0x3  }
0x97: {  	_ =	strace s6  }
0x98: {  	s6 =	sld [smem:$0x3FFD];
	_ =	sdelay $0x3  }
0x99: {  	_ =	strace s6  }
0x9a: {  	_ =	strace $0x8FFFFFFF  }
0x9b: {  	s20 =	sld [smem:$0x3FDB];
	_ =	sdelay $0x1  }
0x9c: {  	s7 =	simm.s32 $_scs_section_size  }
0x9d: {  	s8 =	simm.s32 $_size__tile_overlayer_lowered;
	s9 =	simm.s32 $_tile_overlayer_lowered  }
0x9e: {  	s23 =	simm.s32 $0x1BFF;
	s22 =	sshll.u32 s9, $0x1;
	s6 =	sadd.s32 s7, s20  }
0x9f: {  	s10 =	simm.s32 $0x0;
	s21 =	sshll.u32 s8, $0x1;
	s8 =	sadd.s32 s22, s6  }
0xa0: {  	[timem:s10], [sflag:s23] =	dma.local [hbm:s8], s21  }
0xa1: {  	_ =	swait.ge [sflag:s23], s21  }
0xa2: {  	s7 =	ssub.s32 $0x0, s21;
	[sflag:s23] =	ssyncset.done $0x0  }
0xa3: {  	[sflag:s23] =	ssyncadd.s32 s7;
	_ =	sdelay $0x1  }
0xa4: {  	s24 =	simm.s32 $0x1B8B  }
0xa5: {  	_ =	swait.ge [sflag:s24], $0x1  }
0xa6: {  	[sflag:s24] =	ssyncset.done $0x0  }
0xa7: {  	s25 =	simm.s32 $0x1B8E;
	[sflag:s24] =	ssyncadd.s32 $0xFFFFFFFF  }
0xa8: {  	s26 =	simm.s32 $execute0_lowered;
	[smem:$0x3FD2] =	sst s25  }
0xa9: {  	s7 =	sshll.u32 s26, $0x1;
	_ =	strace $0x80000046;
	[dreg:$0x1] =	wrdreg $0xFFFFFFFF  }
0xaa: {  	s28 =	simm.s32 $_size_execute0_lowered;
	s6 =	sadd.s32 s6, s7;
	[dreg:$0x0] =	wrdreg $0x0  }
0xab: {  	s7 =	sshll.u32 s28, $0x1;
	[dreg:$0x2] =	wrdreg s6  }
0xac: {  	[dreg:$0x3] =	wrdreg s7  }
0xad: {  	[dreg:$0x4] =	wrdreg $0xC0  }
0xae: {  	_ =	task [dreg:s10], $0x5FFFF  }
0xaf: {  	[dreg:$0x1] =	wrdreg $0xFFFFFFFF  }
0xb0: {  	[dreg:$0x0] =	wrdreg $0x60  }
0xb1: {  	[dreg:$0x2] =	wrdreg s2  }
0xb2: {  	[dreg:$0x3] =	wrdreg s19  }
0xb3: {  	[dreg:$0x4] =	wrdreg s4  }
0xb4: {  	[dreg:$0x5] =	wrdreg s5  }
0xb5: {  	[dreg:$0x6] =	wrdreg $0x9  }
0xb6: {  	_ =	task.clear_ibuf [dreg:s10], $0x7FFFF;
	_ =	strace $0x90000046  }
0xb7: {  	s29 =	simm.s32 $0x9;
	_ =	strace $0x80000048  }
0xb8: {  	_ =	swait.ge [sflag:s29], $0x1  }
0xb9: {  	[sflag:s29] =	ssyncadd.s32 $0xFFFFFFFF  }
0xba: {  	_ =	strace $0x90000048  }
0xbb: {  	_ =	sfence  }
0xbc: {  	s30 =	sld [smem:$0x0];
	_ =	sdelay $0x2  }
0xbd: {  	s31 =	sshll.u32 s1, $0xD;
	s1 =	sshrl.u32 s1, $0x2  }
0xbe: {  	s3 =	sand.u32 $0x4000, s31;
	s1 =	sadd.s32 s1, s30  }
0xbf: {  	s0 =	sor.u32 s3, s0;
	s1 =	sshll.u32 s1, $0x11  }
0xc0: {  	s0 =	sor.u32 s1, s0  }
0xc1: {  	s0 =	sadd.s32 $0x8F2B, s0  }
0xc2: {  	[sflag:s0] =	ssyncadd.remote.s32 $0x1  }
0xc3: {  	_ =	sfence.sel $0xFFFF  }
0xc4: {  	[dreg:$0x0] =	wrdreg $0xFFFFFFFF;
	(pc) =	sbr.abs _section_cstart, $3  }
0xc5: {  	[dreg:$0x1] =	wrdreg $0xFFFFFFFF  }
0xc6: {  	_ =	task.clear_ibuf [dreg:s10], $0x2FFFF;
	_ =	strace $0x9FFFFFFF  }
0xc7: {  	(tm) =	ssettm $0x7FFFFFFF  }
tec
execute0_lowered:
.L_overlay_start_1:
0x0: {  	(tag) =	ssettag $0x1  }
0x1: {  	s0 =	rddreg [dreg:$0x0]  }
0x2: {  	s1 =	rddreg [dreg:$0x1]  }
0x3: {  	s2 =	rddreg [dreg:$0x2]  }
0x4: {  	s5 =	rddreg [dreg:$0x3];
	s3 =	simm.s32 $0x0;
	s4 =	srdreg.scid  }
0x5: {  	s10 =	stileid.u32;
	[smem:$0x7FF] =	sst s3;
	s6 =	sand.u32 $0x1, s4  }
0x6: {  	s8 =	sshll.u32 s10, $0xA;
	s10 =	sshll.u32 s10, $0x7;
	s7 =	sshll.u32 s6, $0x6  }
0x7: {  	s4 =	ssub.s32 $0x2, s6;
	s8 =	sor.u32 s7, s8;
	s7 =	sor.u32 s7, s10  }
0x8: {  	_ =	strace $0x80000047;
	s9 =	sshrl.u32 s4, $0x1;
	s15 =	sshll.u32 s7, $0x4  }
0x9: {  	s9 =	ssub.s32 s4, s9;
	s14 =	sshrl.u32 s8, $0x3;
	s2 =	sadd.s32 s2, s15  }
0xa: {  	s4 =	sadd.s32 s0, s14;
	s13 =	smax.u32 s9, $0x1;
	[dreg:$0x5] =	wrdreg s2  }
0xb: {  	s6 =	sshll.u32 s6, $0x3;
	s16 =	sadd.s32 $0x10, s4;
	[dreg:$0x18] =	wrdreg s13  }
0xc: {  	s17 =	sor.u32 s6, s7;
	s18 =	sadd.s32 $0x20, s4;
	[dreg:$0x6] =	wrdreg s16  }
0xd: {  	s20 =	sor.u32 $0x40, s17;
	s19 =	sadd.s32 $0x30, s4;
	[dreg:$0x7] =	wrdreg s18  }
0xe: {  	s7 =	sor.u32 $0x60, s17;
	s6 =	sadd.s32 s0, s20;
	[dreg:$0x8] =	wrdreg s19  }
0xf: {  	s22 =	sadd.s32 s0, s7;
	[dreg:$0x9] =	wrdreg s6  }
0x10: {  	s23 =	sadd.s32 $0x800, s4;
	[dreg:$0xb] =	wrdreg s22  }
0x11: {  	s24 =	sadd.s32 $0x810, s4;
	[dreg:$0xd] =	wrdreg s23  }
0x12: {  	s25 =	sadd.s32 $0x820, s4;
	[dreg:$0xe] =	wrdreg s24  }
0x13: {  	s26 =	sadd.s32 $0x830, s4;
	[dreg:$0xf] =	wrdreg s25  }
0x14: {  	s7 =	sadd.s32 $0x860, s4;
	[dreg:$0x10] =	wrdreg s26  }
0x15: {  	s21 =	sor.u32 $0x50, s17;
	s8 =	sadd.s32 $0x870, s4;
	[dreg:$0x13] =	wrdreg s7  }
0x16: {  	s2 =	sor.u32 $0x70, s17;
	s6 =	sadd.s32 s0, s21;
	[dreg:$0x14] =	wrdreg s8  }
0x17: {  	s0 =	sadd.s32 s0, s2;
	[dreg:$0xa] =	wrdreg s6  }
0x18: {  	s20 =	sadd.s32 s5, s15;
	s2 =	sadd.s32 $0x840, s4;
	[dreg:$0xc] =	wrdreg s0  }
0x19: {  	s10 =	sadd.s32 $0x8000, s20;
	[dreg:$0x11] =	wrdreg s2  }
0x1a: {  	s11 =	sadd.s32 $0x10000, s20;
	[dreg:$0x15] =	wrdreg s10  }
0x1b: {  	s12 =	sadd.s32 $0x18000, s20;
	[dreg:$0x16] =	wrdreg s11  }
0x1c: {  	s14 =	sadd.s32 $0x20000, s20;
	[dreg:$0x17] =	wrdreg s12  }
0x1d: {  	s15 =	sadd.s32 $0x28000, s20;
	[dreg:$0x19] =	wrdreg s14  }
0x1e: {  	s16 =	sadd.s32 $0x30000, s20;
	[dreg:$0x1a] =	wrdreg s15  }
0x1f: {  	s17 =	sadd.s32 $0x38000, s20;
	[dreg:$0x1b] =	wrdreg s16  }
0x20: {  	s18 =	sadd.s32 $0x40000, s20;
	[dreg:$0x1c] =	wrdreg s17  }
0x21: {  	s19 =	sadd.s32 $0x48000, s20;
	[dreg:$0x1d] =	wrdreg s18  }
0x22: {  	s21 =	sadd.s32 $0x50000, s20;
	[dreg:$0x1e] =	wrdreg s19  }
0x23: {  	s22 =	sadd.s32 $0x58000, s20;
	[dreg:$0x1f] =	wrdreg s21  }
0x24: {  	s28 =	simm.s32 $0x3;
	s23 =	sadd.s32 $0x60000, s20;
	[smem:$0x7F9] =	sst s22  }
0x25: {  	s29 =	simm.s32 $0x4;
	s24 =	sadd.s32 $0x68000, s20;
	[smem:$0x7FA] =	sst s23  }
0x26: {  	s30 =	simm.s32 $0x5;
	s25 =	sadd.s32 $0x70000, s20;
	[smem:$0x7FB] =	sst s24  }
0x27: {  	s31 =	simm.s32 $0x9;
	s26 =	sadd.s32 $0x78000, s20;
	[smem:$0x7FC] =	sst s25  }
0x28: {  	s5 =	simm.s32 $0xC;
	s6 =	sadd.s32 $0x850, s4;
	[smem:$0x7FD] =	sst s26  }
0x29: {  	s10 =	simm.s32 $0x80;
	s17 =	simm.s32 $0xE;
	s18 =	simm.s32 $0x2400  }
0x2a: {  	s19 =	simm.s32 $0x6400;
	s22 =	simm.s32 $0x1;
	s23 =	simm.s32 $0xD  }
0x2b: {  	s25 =	simm.s32 $0x2;
	s14 =	simm.s32 $0x8400;
	s26 =	simm.s32 $0x7  }
0x2c: {  	s15 =	simm.s32 $0x8;
	s16 =	simm.s32 $0x6;
	s0 =	simm.s32 $0xA  }
0x2d: {  	s2 =	simm.s32 $0xB;
	[dreg:$0x12] =	wrdreg s6;
	s6 =	simm.s32 $0x0  }
.LBB2_1:
0x2e: {  	s7 =	rddreg [dreg:$0x5];
	s11 =	simm.s32 $0x400  }
0x2f: {  	[tilespmem:s11], [sflag:$0xD] =	stream.linear.gather [hbm4b:s7+s3], $0x2000, $0x38;
	[tilespmem:$0x1A400] =	vst v63  }
0x30: {  	_ = 	snop  }
0x31: {  	[tilespmem:s3], [sflag:$0xE] =	stream.linear.gather [hbm4b:s4+s3], $0x40, $0x38;
	[tilespmem:$0x1A400] =	vst v63  }
0x32: {  	s12 =	simm.s32 $0x40;
	s11 =	rddreg [dreg:$0x6]  }
0x33: {  	[tilespmem:s12], [sflag:$0xE] =	stream.linear.gather [hbm4b:s11+s3], $0x40, $0x38;
	[tilespmem:$0x1A400] =	vst v63  }
0x34: {  	s13 =	rddreg [dreg:$0x7]  }
0x35: {  	[tilespmem:s10], [sflag:$0xE] =	stream.linear.gather [hbm4b:s13+s3], $0x40, $0x38;
	[tilespmem:$0x1A400] =	vst v63  }
0x36: {  	s21 =	rddreg [dreg:$0x8];
	s24 =	simm.s32 $0xC0  }
0x37: {  	[tilespmem:s24], [sflag:$0xE] =	stream.linear.gather [hbm4b:s21+s3], $0x40, $0x38;
	[tilespmem:$0x1A400] =	vst v63  }
0x38: {  	s8 =	rddreg [dreg:$0x9];
	s11 =	simm.s32 $0x100  }
0x39: {  	[tilespmem:s11], [sflag:$0xE] =	stream.linear.gather [hbm4b:s8+s3], $0x40, $0x38;
	[tilespmem:$0x1A400] =	vst v63  }
0x3a: {  	s9 =	rddreg [dreg:$0xa];
	s21 =	simm.s32 $0x140  }
0x3b: {  	[tilespmem:s21], [sflag:$0xE] =	stream.linear.gather [hbm4b:s9+s3], $0x40, $0x38;
	[tilespmem:$0x1A400] =	vst v63  }
0x3c: {  	s12 =	rddreg [dreg:$0xb];
	s21 =	simm.s32 $0x180  }
0x3d: {  	[tilespmem:s21], [sflag:$0xE] =	stream.linear.gather [hbm4b:s12+s3], $0x40, $0x38;
	[tilespmem:$0x1A400] =	vst v63  }
0x3e: {  	s13 =	rddreg [dreg:$0xc];
	s8 =	simm.s32 $0x1C0  }
0x3f: {  	[tilespmem:s8], [sflag:$0xE] =	stream.linear.gather [hbm4b:s13+s3], $0x40, $0x38;
	[tilespmem:$0x1A400] =	vst v63  }
0x40: {  	s24 =	rddreg [dreg:$0xd];
	s8 =	simm.s32 $0x200  }
0x41: {  	[tilespmem:s8], [sflag:$0xE] =	stream.linear.gather [hbm4b:s24+s3], $0x40, $0x38;
	[tilespmem:$0x1A400] =	vst v63  }
0x42: {  	s9 =	rddreg [dreg:$0xe];
	s12 =	simm.s32 $0x240  }
0x43: {  	[tilespmem:s12], [sflag:$0xE] =	stream.linear.gather [hbm4b:s9+s3], $0x40, $0x38;
	[tilespmem:$0x1A400] =	vst v63  }
0x44: {  	s13 =	rddreg [dreg:$0xf];
	s12 =	simm.s32 $0x280  }
0x45: {  	[tilespmem:s12], [sflag:$0xE] =	stream.linear.gather [hbm4b:s13+s3], $0x40, $0x38;
	[tilespmem:$0x1A400] =	vst v63  }
0x46: {  	s24 =	rddreg [dreg:$0x10];
	s9 =	simm.s32 $0x2C0  }
0x47: {  	[tilespmem:s9], [sflag:$0xE] =	stream.linear.gather [hbm4b:s24+s3], $0x40, $0x38;
	[tilespmem:$0x1A400] =	vst v63  }
0x48: {  	s13 =	rddreg [dreg:$0x11];
	s9 =	simm.s32 $0x300  }
0x49: {  	[tilespmem:s9], [sflag:$0xE] =	stream.linear.gather [hbm4b:s13+s3], $0x40, $0x38;
	[tilespmem:$0x1A400] =	vst v63  }
0x4a: {  	s24 =	rddreg [dreg:$0x12];
	s13 =	simm.s32 $0x340  }
0x4b: {  	[tilespmem:s13], [sflag:$0xE] =	stream.linear.gather [hbm4b:s24+s3], $0x40, $0x38;
	[tilespmem:$0x1A400] =	vst v63  }
0x4c: {  	s13 =	simm.s32 $0x380;
	s24 =	rddreg [dreg:$0x13]  }
0x4d: {  	[tilespmem:s13], [sflag:$0xE] =	stream.linear.gather [hbm4b:s24+s3], $0x40, $0x38;
	[tilespmem:$0x1A400] =	vst v63  }
0x4e: {  	s7 =	rddreg [dreg:$0x14];
	s24 =	simm.s32 $0x3C0  }
0x4f: {  	[tilespmem:s24], [sflag:$0xE] =	stream.linear.gather [hbm4b:s7+s3], $0x40, $0x38;
	[tilespmem:$0x1A400] =	vst v63  }
0x50: {  	_ =	swait.ge [sflag:s17], $0x40  }
0x51: {  	[sflag:s17] =	ssyncset.done $0x0  }
0x52: {  	[sflag:s17] =	ssyncadd.s32 $0xFFFFFFC0  }
0x53: {  	_ =	swait.ge [sflag:s17], $0x40  }
0x54: {  	[sflag:s17] =	ssyncset.done $0x0  }
0x55: {  	[sflag:s17] =	ssyncadd.s32 $0xFFFFFFC0  }
0x56: {  	[tilespmem:s18], [sflag:$0x1] =	stream.indirect.gather [hbm4b:s1+s10], $0x80, s3, s10, $0xb8;
	[tilespmem:$0x1A400] =	vst v63  }
0x57: {  	_ =	swait.ge [sflag:s17], $0x40  }
0x58: {  	[sflag:s17] =	ssyncset.done $0x0  }
0x59: {  	[sflag:s17] =	ssyncadd.s32 $0xFFFFFFC0  }
0x5a: {  	_ =	swait.ge [sflag:s17], $0x40  }
0x5b: {  	[sflag:s17] =	ssyncset.done $0x0  }
0x5c: {  	[sflag:s17] =	ssyncadd.s32 $0xFFFFFFC0  }
0x5d: {  	[tilespmem:s19], [sflag:$0x2] =	stream.indirect.gather [hbm4b:s1+s10], $0x80, s10, s10, $0xb8;
	[tilespmem:$0x1A400] =	vst v63  }
0x5e: {  	_ =	swait.ge [sflag:s17], $0x40  }
0x5f: {  	[sflag:s17] =	ssyncset.done $0x0  }
0x60: {  	[sflag:s17] =	ssyncadd.s32 $0xFFFFFFC0  }
0x61: {  	_ =	swait.ge [sflag:s17], $0x40  }
0x62: {  	[sflag:s17] =	ssyncset.done $0x0  }
0x63: {  	s24 =	simm.s32 $0xA400;
	[sflag:s17] =	ssyncadd.s32 $0xFFFFFFC0  }
0x64: {  	[tilespmem:s24], [sflag:$0x3] =	stream.indirect.gather [hbm4b:s1+s10], $0x80, s11, s10, $0xb8;
	[tilespmem:$0x1A400] =	vst v63  }
0x65: {  	_ =	swait.ge [sflag:s17], $0x40  }
0x66: {  	[sflag:s17] =	ssyncset.done $0x0  }
0x67: {  	[sflag:s17] =	ssyncadd.s32 $0xFFFFFFC0  }
0x68: {  	_ =	swait.ge [sflag:s17], $0x40  }
0x69: {  	[sflag:s17] =	ssyncset.done $0x0  }
0x6a: {  	s11 =	simm.s32 $0xE400;
	[sflag:s17] =	ssyncadd.s32 $0xFFFFFFC0  }
0x6b: {  	[tilespmem:s11], [sflag:$0x4] =	stream.indirect.gather [hbm4b:s1+s10], $0x80, s21, s10, $0xb8;
	[tilespmem:$0x1A400] =	vst v63  }
0x6c: {  	_ =	swait.ge [sflag:s17], $0x40  }
0x6d: {  	[sflag:s17] =	ssyncset.done $0x0  }
0x6e: {  	[sflag:s17] =	ssyncadd.s32 $0xFFFFFFC0  }
0x6f: {  	_ =	swait.ge [sflag:s17], $0x40  }
0x70: {  	[sflag:s17] =	ssyncset.done $0x0  }
0x71: {  	s21 =	simm.s32 $0x12400;
	[sflag:s17] =	ssyncadd.s32 $0xFFFFFFC0  }
0x72: {  	[tilespmem:s21], [sflag:$0x5] =	stream.indirect.gather [hbm4b:s1+s10], $0x80, s8, s10, $0xb8;
	[tilespmem:$0x1A400] =	vst v63  }
0x73: {  	_ =	swait.ge [sflag:s22], $0x4000  }
0x74: {  	[sflag:s22] =	ssyncset.done $0x0  }
0x75: {  	[sflag:s22] =	ssyncadd.s32 $0xFFFFC000  }
0x76: {  	_ =	swait.ge [sflag:s23], $0x2000  }
0x77: {  	[sflag:s23] =	ssyncset.done $0x0  }
0x78: {  	s11 =	simm.s32 $0x0;
	[sflag:s23] =	ssyncadd.s32 $0xFFFFE000  }
0x79: {  	v0 =	vld [tilespmem:s11+$0x4F0]  }
0x7a: {  	v1 =	vld [tilespmem:s11+$0x400]  }
0x7b: {  	v2 =	vld [tilespmem:s11+$0x410]  }
0x7c: {  	v3 =	vld [tilespmem:s11+$0x420]  }
0x7d: {  	v4 =	vld [tilespmem:s11+$0x430]  }
0x7e: {  	v5 =	vld [tilespmem:s11+$0x440]  }
0x7f: {  	v6 =	vld [tilespmem:s11+$0x450]  }
0x80: {  	v7 =	vld [tilespmem:s11+$0x460]  }
0x81: {  	v8 =	vld [tilespmem:s11+$0x470]  }
0x82: {  	v9 =	vld [tilespmem:s11+$0x480]  }
0x83: {  	v10 =	vld [tilespmem:s11+$0x490]  }
0x84: {  	v11 =	vld [tilespmem:s11+$0x4A0]  }
0x85: {  	v12 =	vld [tilespmem:s11+$0x4B0]  }
0x86: {  	v13 =	vld [tilespmem:s11+$0x4C0]  }
0x87: {  	v14 =	vld [tilespmem:s11+$0x4D0]  }
0x88: {  	v15 =	vld [tilespmem:s11+$0x4E0]  }
0x89: {  	[tilespmem:s11+$0x44F0] =	vst.add.f32.msk $0xffff, v0  }
0x8a: {  	[tilespmem:s11+$0x2400] =	vst.add.f32.msk $0xffff, v1  }
0x8b: {  	[tilespmem:s11+$0x4400] =	vst.add.f32.msk $0xffff, v1  }
0x8c: {  	[tilespmem:s11+$0x2410] =	vst.add.f32.msk $0xffff, v2  }
0x8d: {  	[tilespmem:s11+$0x4410] =	vst.add.f32.msk $0xffff, v2  }
0x8e: {  	[tilespmem:s11+$0x2420] =	vst.add.f32.msk $0xffff, v3  }
0x8f: {  	[tilespmem:s11+$0x4420] =	vst.add.f32.msk $0xffff, v3  }
0x90: {  	[tilespmem:s11+$0x2430] =	vst.add.f32.msk $0xffff, v4  }
0x91: {  	[tilespmem:s11+$0x4430] =	vst.add.f32.msk $0xffff, v4  }
0x92: {  	[tilespmem:s11+$0x2440] =	vst.add.f32.msk $0xffff, v5  }
0x93: {  	[tilespmem:s11+$0x4440] =	vst.add.f32.msk $0xffff, v5  }
0x94: {  	[tilespmem:s11+$0x2450] =	vst.add.f32.msk $0xffff, v6  }
0x95: {  	[tilespmem:s11+$0x4450] =	vst.add.f32.msk $0xffff, v6  }
0x96: {  	[tilespmem:s11+$0x2460] =	vst.add.f32.msk $0xffff, v7  }
0x97: {  	[tilespmem:s11+$0x4460] =	vst.add.f32.msk $0xffff, v7  }
0x98: {  	[tilespmem:s11+$0x2470] =	vst.add.f32.msk $0xffff, v8  }
0x99: {  	[tilespmem:s11+$0x4470] =	vst.add.f32.msk $0xffff, v8  }
0x9a: {  	[tilespmem:s11+$0x2480] =	vst.add.f32.msk $0xffff, v9  }
0x9b: {  	[tilespmem:s11+$0x4480] =	vst.add.f32.msk $0xffff, v9  }
0x9c: {  	[tilespmem:s11+$0x2490] =	vst.add.f32.msk $0xffff, v10  }
0x9d: {  	[tilespmem:s11+$0x4490] =	vst.add.f32.msk $0xffff, v10  }
0x9e: {  	[tilespmem:s11+$0x24A0] =	vst.add.f32.msk $0xffff, v11  }
0x9f: {  	[tilespmem:s11+$0x44A0] =	vst.add.f32.msk $0xffff, v11  }
0xa0: {  	[tilespmem:s11+$0x24B0] =	vst.add.f32.msk $0xffff, v12  }
0xa1: {  	[tilespmem:s11+$0x44B0] =	vst.add.f32.msk $0xffff, v12  }
0xa2: {  	[tilespmem:s11+$0x24C0] =	vst.add.f32.msk $0xffff, v13  }
0xa3: {  	[tilespmem:s11+$0x44C0] =	vst.add.f32.msk $0xffff, v13  }
0xa4: {  	[tilespmem:s11+$0x24D0] =	vst.add.f32.msk $0xffff, v14  }
0xa5: {  	[tilespmem:s11+$0x44D0] =	vst.add.f32.msk $0xffff, v14  }
0xa6: {  	[tilespmem:s11+$0x24E0] =	vst.add.f32.msk $0xffff, v15  }
0xa7: {  	s7 =	simm.s32 $0x0;
	s21 =	simm.s32 $0x400;
	[tilespmem:s11+$0x44E0] =	vst.add.f32.msk $0xffff, v15  }
.LBB2_2:
0xa8: {  	s7 =	sadd.s32 $0x2, s7;
	[tilespmem:s11+$0x24F0] =	vst.add.f32.msk $0xffff, v0;
	s11 =	sshra.s32 s21, $0x2  }
0xa9: {  	v0 =	vld [tilespmem:s11+$0x4F0];
	p0 =	slt.u32 s7, $0x3E  }
0xaa: {  	v1 =	vld [tilespmem:s11+$0x400]  }
0xab: {  	v2 =	vld [tilespmem:s11+$0x410]  }
0xac: {  	v3 =	vld [tilespmem:s11+$0x420]  }
0xad: {  	v4 =	vld [tilespmem:s11+$0x430]  }
0xae: {  	[tilespmem:s11+$0x44F0] =	vst.add.f32.msk $0xffff, v0  }
0xaf: {  	v5 =	vld [tilespmem:s11+$0x440]  }
0xb0: {  	v6 =	vld [tilespmem:s11+$0x450]  }
0xb1: {  	v7 =	vld [tilespmem:s11+$0x460]  }
0xb2: {  	v8 =	vld [tilespmem:s11+$0x470]  }
0xb3: {  	v9 =	vld [tilespmem:s11+$0x480]  }
0xb4: {  	v10 =	vld [tilespmem:s11+$0x490]  }
0xb5: {  	v11 =	vld [tilespmem:s11+$0x4A0]  }
0xb6: {  	v12 =	vld [tilespmem:s11+$0x4B0]  }
0xb7: {  	v13 =	vld [tilespmem:s11+$0x4C0]  }
0xb8: {  	v14 =	vld [tilespmem:s11+$0x4D0]  }
0xb9: {  	v15 =	vld [tilespmem:s11+$0x4E0]  }
0xba: {  	[tilespmem:s11+$0x2400] =	vst.add.f32.msk $0xffff, v1  }
0xbb: {  	[tilespmem:s11+$0x4400] =	vst.add.f32.msk $0xffff, v1  }
0xbc: {  	[tilespmem:s11+$0x2410] =	vst.add.f32.msk $0xffff, v2  }
0xbd: {  	[tilespmem:s11+$0x4410] =	vst.add.f32.msk $0xffff, v2  }
0xbe: {  	[tilespmem:s11+$0x2420] =	vst.add.f32.msk $0xffff, v3  }
0xbf: {  	[tilespmem:s11+$0x4420] =	vst.add.f32.msk $0xffff, v3  }
0xc0: {  	[tilespmem:s11+$0x2430] =	vst.add.f32.msk $0xffff, v4  }
0xc1: {  	[tilespmem:s11+$0x4430] =	vst.add.f32.msk $0xffff, v4  }
0xc2: {  	[tilespmem:s11+$0x2440] =	vst.add.f32.msk $0xffff, v5  }
0xc3: {  	[tilespmem:s11+$0x4440] =	vst.add.f32.msk $0xffff, v5  }
0xc4: {  	[tilespmem:s11+$0x2450] =	vst.add.f32.msk $0xffff, v6  }
0xc5: {  	[tilespmem:s11+$0x4450] =	vst.add.f32.msk $0xffff, v6  }
0xc6: {  	[tilespmem:s11+$0x2460] =	vst.add.f32.msk $0xffff, v7  }
0xc7: {  	[tilespmem:s11+$0x4460] =	vst.add.f32.msk $0xffff, v7  }
0xc8: {  	[tilespmem:s11+$0x2470] =	vst.add.f32.msk $0xffff, v8  }
0xc9: {  	[tilespmem:s11+$0x4470] =	vst.add.f32.msk $0xffff, v8  }
0xca: {  	[tilespmem:s11+$0x2480] =	vst.add.f32.msk $0xffff, v9  }
0xcb: {  	[tilespmem:s11+$0x4480] =	vst.add.f32.msk $0xffff, v9  }
0xcc: {  	[tilespmem:s11+$0x2490] =	vst.add.f32.msk $0xffff, v10  }
0xcd: {  	[tilespmem:s11+$0x4490] =	vst.add.f32.msk $0xffff, v10  }
0xce: {  	[tilespmem:s11+$0x24A0] =	vst.add.f32.msk $0xffff, v11  }
0xcf: {  	[tilespmem:s11+$0x44A0] =	vst.add.f32.msk $0xffff, v11  }
0xd0: {  	[tilespmem:s11+$0x24B0] =	vst.add.f32.msk $0xffff, v12  }
0xd1: {  	[tilespmem:s11+$0x44B0] =	vst.add.f32.msk $0xffff, v12  }
0xd2: {  	[tilespmem:s11+$0x24C0] =	vst.add.f32.msk $0xffff, v13  }
.Ltmp0:
0xd3: {  	[tilespmem:s11+$0x44C0] =	vst.add.f32.msk $0xffff, v13;
	(pc) =	sbr.rel @p0 .LBB2_2-.Ltmp0, $4  }
0xd4: {  	[tilespmem:s11+$0x24D0] =	vst.add.f32.msk $0xffff, v14  }
0xd5: {  	[tilespmem:s11+$0x44D0] =	vst.add.f32.msk $0xffff, v14  }
0xd6: {  	[tilespmem:s11+$0x24E0] =	vst.add.f32.msk $0xffff, v15  }
0xd7: {  	s21 =	sadd.s32 $0x400, s21;
	[tilespmem:s11+$0x44E0] =	vst.add.f32.msk $0xffff, v15  }
0xd8: {  	[tilespmem:s11+$0x24F0] =	vst.add.f32.msk $0xffff, v0;
	s7 =	simm.s32 $0x0  }
0xd9: {  	[hbm4b:s20+s7] =	stream.linear.scatter [tilespmem:s18], [sflag:$0x7], $0x2000, $0x38;
	[tilespmem:$0x1A400] =	vst v63  }
0xda: {  	s21 =	rddreg [dreg:$0x15];
	s8 =	simm.s32 $0x4400  }
0xdb: {  	[hbm4b:s21+s7] =	stream.linear.scatter [tilespmem:s8], [sflag:$0x7], $0x2000, $0x38;
	[tilespmem:$0x1A400] =	vst v63  }
0xdc: {  	_ =	swait.ge [sflag:s17], $0x40  }
0xdd: {  	[sflag:s17] =	ssyncset.done $0x0  }
0xde: {  	[sflag:s17] =	ssyncadd.s32 $0xFFFFFFC0  }
0xdf: {  	_ =	swait.ge [sflag:s17], $0x40  }
0xe0: {  	[sflag:s17] =	ssyncset.done $0x0  }
0xe1: {  	s21 =	simm.s32 $0x16400;
	[sflag:s17] =	ssyncadd.s32 $0xFFFFFFC0  }
0xe2: {  	[tilespmem:s21], [sflag:$0x6] =	stream.indirect.gather [hbm4b:s1+s10], $0x80, s12, s10, $0xb8;
	[tilespmem:$0x1A400] =	vst v63  }
0xe3: {  	_ =	swait.ge [sflag:s25], $0x4000  }
0xe4: {  	[sflag:s25] =	ssyncset.done $0x0  }
0xe5: {  	s11 =	simm.s32 $0x0;
	[sflag:s25] =	ssyncadd.s32 $0xFFFFC000  }
0xe6: {  	v0 =	vld [tilespmem:s11+$0x4F0]  }
0xe7: {  	v1 =	vld [tilespmem:s11+$0x400]  }
0xe8: {  	v2 =	vld [tilespmem:s11+$0x410]  }
0xe9: {  	v3 =	vld [tilespmem:s11+$0x420]  }
0xea: {  	v4 =	vld [tilespmem:s11+$0x430]  }
0xeb: {  	v5 =	vld [tilespmem:s11+$0x440]  }
0xec: {  	v6 =	vld [tilespmem:s11+$0x450]  }
0xed: {  	v7 =	vld [tilespmem:s11+$0x460]  }
0xee: {  	v8 =	vld [tilespmem:s11+$0x470]  }
0xef: {  	v9 =	vld [tilespmem:s11+$0x480]  }
0xf0: {  	v10 =	vld [tilespmem:s11+$0x490]  }
0xf1: {  	v11 =	vld [tilespmem:s11+$0x4A0]  }
0xf2: {  	v12 =	vld [tilespmem:s11+$0x4B0]  }
0xf3: {  	v13 =	vld [tilespmem:s11+$0x4C0]  }
0xf4: {  	v14 =	vld [tilespmem:s11+$0x4D0]  }
0xf5: {  	v15 =	vld [tilespmem:s11+$0x4E0]  }
0xf6: {  	[tilespmem:s11+$0x84F0] =	vst.add.f32.msk $0xffff, v0  }
0xf7: {  	[tilespmem:s11+$0x6400] =	vst.add.f32.msk $0xffff, v1  }
0xf8: {  	[tilespmem:s11+$0x8400] =	vst.add.f32.msk $0xffff, v1  }
0xf9: {  	[tilespmem:s11+$0x6410] =	vst.add.f32.msk $0xffff, v2  }
0xfa: {  	[tilespmem:s11+$0x8410] =	vst.add.f32.msk $0xffff, v2  }
0xfb: {  	[tilespmem:s11+$0x6420] =	vst.add.f32.msk $0xffff, v3  }
0xfc: {  	[tilespmem:s11+$0x8420] =	vst.add.f32.msk $0xffff, v3  }
0xfd: {  	[tilespmem:s11+$0x6430] =	vst.add.f32.msk $0xffff, v4  }
0xfe: {  	[tilespmem:s11+$0x8430] =	vst.add.f32.msk $0xffff, v4  }
0xff: {  	[tilespmem:s11+$0x6440] =	vst.add.f32.msk $0xffff, v5  }
0x100: {  	[tilespmem:s11+$0x8440] =	vst.add.f32.msk $0xffff, v5  }
0x101: {  	[tilespmem:s11+$0x6450] =	vst.add.f32.msk $0xffff, v6  }
0x102: {  	[tilespmem:s11+$0x8450] =	vst.add.f32.msk $0xffff, v6  }
0x103: {  	[tilespmem:s11+$0x6460] =	vst.add.f32.msk $0xffff, v7  }
0x104: {  	[tilespmem:s11+$0x8460] =	vst.add.f32.msk $0xffff, v7  }
0x105: {  	[tilespmem:s11+$0x6470] =	vst.add.f32.msk $0xffff, v8  }
0x106: {  	[tilespmem:s11+$0x8470] =	vst.add.f32.msk $0xffff, v8  }
0x107: {  	[tilespmem:s11+$0x6480] =	vst.add.f32.msk $0xffff, v9  }
0x108: {  	[tilespmem:s11+$0x8480] =	vst.add.f32.msk $0xffff, v9  }
0x109: {  	[tilespmem:s11+$0x6490] =	vst.add.f32.msk $0xffff, v10  }
0x10a: {  	[tilespmem:s11+$0x8490] =	vst.add.f32.msk $0xffff, v10  }
0x10b: {  	[tilespmem:s11+$0x64A0] =	vst.add.f32.msk $0xffff, v11  }
0x10c: {  	[tilespmem:s11+$0x84A0] =	vst.add.f32.msk $0xffff, v11  }
0x10d: {  	[tilespmem:s11+$0x64B0] =	vst.add.f32.msk $0xffff, v12  }
0x10e: {  	[tilespmem:s11+$0x84B0] =	vst.add.f32.msk $0xffff, v12  }
0x10f: {  	[tilespmem:s11+$0x64C0] =	vst.add.f32.msk $0xffff, v13  }
0x110: {  	[tilespmem:s11+$0x84C0] =	vst.add.f32.msk $0xffff, v13  }
0x111: {  	[tilespmem:s11+$0x64D0] =	vst.add.f32.msk $0xffff, v14  }
0x112: {  	[tilespmem:s11+$0x84D0] =	vst.add.f32.msk $0xffff, v14  }
0x113: {  	[tilespmem:s11+$0x64E0] =	vst.add.f32.msk $0xffff, v15  }
0x114: {  	s7 =	simm.s32 $0x0;
	s12 =	simm.s32 $0x16400;
	s21 =	simm.s32 $0x400;
	[tilespmem:s11+$0x84E0] =	vst.add.f32.msk $0xffff, v15  }
.LBB2_4:
0x115: {  	s7 =	sadd.s32 $0x2, s7;
	[tilespmem:s11+$0x64F0] =	vst.add.f32.msk $0xffff, v0;
	s11 =	sshra.s32 s21, $0x2  }
0x116: {  	v0 =	vld [tilespmem:s11+$0x4F0];
	p0 =	slt.u32 s7, $0x3E  }
0x117: {  	v1 =	vld [tilespmem:s11+$0x400]  }
0x118: {  	v2 =	vld [tilespmem:s11+$0x410]  }
0x119: {  	v3 =	vld [tilespmem:s11+$0x420]  }
0x11a: {  	v4 =	vld [tilespmem:s11+$0x430]  }
0x11b: {  	[tilespmem:s11+$0x84F0] =	vst.add.f32.msk $0xffff, v0  }
0x11c: {  	v5 =	vld [tilespmem:s11+$0x440]  }
0x11d: {  	v6 =	vld [tilespmem:s11+$0x450]  }
0x11e: {  	v7 =	vld [tilespmem:s11+$0x460]  }
0x11f: {  	v8 =	vld [tilespmem:s11+$0x470]  }
0x120: {  	v9 =	vld [tilespmem:s11+$0x480]  }
0x121: {  	v10 =	vld [tilespmem:s11+$0x490]  }
0x122: {  	v11 =	vld [tilespmem:s11+$0x4A0]  }
0x123: {  	v12 =	vld [tilespmem:s11+$0x4B0]  }
0x124: {  	v13 =	vld [tilespmem:s11+$0x4C0]  }
0x125: {  	v14 =	vld [tilespmem:s11+$0x4D0]  }
0x126: {  	v15 =	vld [tilespmem:s11+$0x4E0]  }
0x127: {  	[tilespmem:s11+$0x6400] =	vst.add.f32.msk $0xffff, v1  }
0x128: {  	[tilespmem:s11+$0x8400] =	vst.add.f32.msk $0xffff, v1  }
0x129: {  	[tilespmem:s11+$0x6410] =	vst.add.f32.msk $0xffff, v2  }
0x12a: {  	[tilespmem:s11+$0x8410] =	vst.add.f32.msk $0xffff, v2  }
0x12b: {  	[tilespmem:s11+$0x6420] =	vst.add.f32.msk $0xffff, v3  }
0x12c: {  	[tilespmem:s11+$0x8420] =	vst.add.f32.msk $0xffff, v3  }
0x12d: {  	[tilespmem:s11+$0x6430] =	vst.add.f32.msk $0xffff, v4  }
0x12e: {  	[tilespmem:s11+$0x8430] =	vst.add.f32.msk $0xffff, v4  }
0x12f: {  	[tilespmem:s11+$0x6440] =	vst.add.f32.msk $0xffff, v5  }
0x130: {  	[tilespmem:s11+$0x8440] =	vst.add.f32.msk $0xffff, v5  }
0x131: {  	[tilespmem:s11+$0x6450] =	vst.add.f32.msk $0xffff, v6  }
0x132: {  	[tilespmem:s11+$0x8450] =	vst.add.f32.msk $0xffff, v6  }
0x133: {  	[tilespmem:s11+$0x6460] =	vst.add.f32.msk $0xffff, v7  }
0x134: {  	[tilespmem:s11+$0x8460] =	vst.add.f32.msk $0xffff, v7  }
0x135: {  	[tilespmem:s11+$0x6470] =	vst.add.f32.msk $0xffff, v8  }
0x136: {  	[tilespmem:s11+$0x8470] =	vst.add.f32.msk $0xffff, v8  }
0x137: {  	[tilespmem:s11+$0x6480] =	vst.add.f32.msk $0xffff, v9  }
0x138: {  	[tilespmem:s11+$0x8480] =	vst.add.f32.msk $0xffff, v9  }
0x139: {  	[tilespmem:s11+$0x6490] =	vst.add.f32.msk $0xffff, v10  }
0x13a: {  	[tilespmem:s11+$0x8490] =	vst.add.f32.msk $0xffff, v10  }
0x13b: {  	[tilespmem:s11+$0x64A0] =	vst.add.f32.msk $0xffff, v11  }
0x13c: {  	[tilespmem:s11+$0x84A0] =	vst.add.f32.msk $0xffff, v11  }
0x13d: {  	[tilespmem:s11+$0x64B0] =	vst.add.f32.msk $0xffff, v12  }
0x13e: {  	[tilespmem:s11+$0x84B0] =	vst.add.f32.msk $0xffff, v12  }
0x13f: {  	[tilespmem:s11+$0x64C0] =	vst.add.f32.msk $0xffff, v13  }
.Ltmp1:
0x140: {  	[tilespmem:s11+$0x84C0] =	vst.add.f32.msk $0xffff, v13;
	(pc) =	sbr.rel @p0 .LBB2_4-.Ltmp1, $4  }
0x141: {  	[tilespmem:s11+$0x64D0] =	vst.add.f32.msk $0xffff, v14  }
0x142: {  	[tilespmem:s11+$0x84D0] =	vst.add.f32.msk $0xffff, v14  }
0x143: {  	[tilespmem:s11+$0x64E0] =	vst.add.f32.msk $0xffff, v15  }
0x144: {  	s21 =	sadd.s32 $0x400, s21;
	[tilespmem:s11+$0x84E0] =	vst.add.f32.msk $0xffff, v15  }
0x145: {  	[tilespmem:s11+$0x64F0] =	vst.add.f32.msk $0xffff, v0;
	s7 =	simm.s32 $0x0;
	s8 =	rddreg [dreg:$0x16]  }
0x146: {  	[hbm4b:s8+s7] =	stream.linear.scatter [tilespmem:s19], [sflag:$0x8], $0x2000, $0x38;
	[tilespmem:$0x1A400] =	vst v63  }
0x147: {  	s21 =	rddreg [dreg:$0x17]  }
0x148: {  	[hbm4b:s21+s7] =	stream.linear.scatter [tilespmem:s14], [sflag:$0x8], $0x2000, $0x38;
	[tilespmem:$0x1A400] =	vst v63  }
0x149: {  	_ =	swait.ge [sflag:s26], $0x2000  }
0x14a: {  	[sflag:s26] =	ssyncset.done $0x0  }
0x14b: {  	[sflag:s26] =	ssyncadd.s32 $0xFFFFE000  }
0x14c: {  	_ =	swait.ge [sflag:s26], $0x2000  }
0x14d: {  	[sflag:s26] =	ssyncset.done $0x0  }
0x14e: {  	[sflag:s26] =	ssyncadd.s32 $0xFFFFE000  }
0x14f: {  	_ =	swait.ge [sflag:s17], $0x40  }
0x150: {  	[sflag:s17] =	ssyncset.done $0x0  }
0x151: {  	[sflag:s17] =	ssyncadd.s32 $0xFFFFFFC0  }
0x152: {  	_ =	swait.ge [sflag:s17], $0x40  }
0x153: {  	[sflag:s17] =	ssyncset.done $0x0  }
0x154: {  	[sflag:s17] =	ssyncadd.s32 $0xFFFFFFC0  }
0x155: {  	[tilespmem:s18], [sflag:$0x1] =	stream.indirect.gather [hbm4b:s1+s10], $0x80, s9, s10, $0xb8;
	[tilespmem:$0x1A400] =	vst v63  }
0x156: {  	_ =	swait.ge [sflag:s28], $0x4000  }
0x157: {  	[sflag:s28] =	ssyncset.done $0x0  }
0x158: {  	s11 =	simm.s32 $0x0;
	[sflag:s28] =	ssyncadd.s32 $0xFFFFC000  }
0x159: {  	v0 =	vld [tilespmem:s11+$0x4F0]  }
0x15a: {  	v1 =	vld [tilespmem:s11+$0x400]  }
0x15b: {  	v2 =	vld [tilespmem:s11+$0x410]  }
0x15c: {  	v3 =	vld [tilespmem:s11+$0x420]  }
0x15d: {  	v4 =	vld [tilespmem:s11+$0x430]  }
0x15e: {  	v5 =	vld [tilespmem:s11+$0x440]  }
0x15f: {  	v6 =	vld [tilespmem:s11+$0x450]  }
0x160: {  	v7 =	vld [tilespmem:s11+$0x460]  }
0x161: {  	v8 =	vld [tilespmem:s11+$0x470]  }
0x162: {  	v9 =	vld [tilespmem:s11+$0x480]  }
0x163: {  	v10 =	vld [tilespmem:s11+$0x490]  }
0x164: {  	v11 =	vld [tilespmem:s11+$0x4A0]  }
0x165: {  	v12 =	vld [tilespmem:s11+$0x4B0]  }
0x166: {  	v13 =	vld [tilespmem:s11+$0x4C0]  }
0x167: {  	v14 =	vld [tilespmem:s11+$0x4D0]  }
0x168: {  	v15 =	vld [tilespmem:s11+$0x4E0]  }
0x169: {  	[tilespmem:s11+$0xC4F0] =	vst.add.f32.msk $0xffff, v0  }
0x16a: {  	[tilespmem:s11+$0xA400] =	vst.add.f32.msk $0xffff, v1  }
0x16b: {  	[tilespmem:s11+$0xC400] =	vst.add.f32.msk $0xffff, v1  }
0x16c: {  	[tilespmem:s11+$0xA410] =	vst.add.f32.msk $0xffff, v2  }
0x16d: {  	[tilespmem:s11+$0xC410] =	vst.add.f32.msk $0xffff, v2  }
0x16e: {  	[tilespmem:s11+$0xA420] =	vst.add.f32.msk $0xffff, v3  }
0x16f: {  	[tilespmem:s11+$0xC420] =	vst.add.f32.msk $0xffff, v3  }
0x170: {  	[tilespmem:s11+$0xA430] =	vst.add.f32.msk $0xffff, v4  }
0x171: {  	[tilespmem:s11+$0xC430] =	vst.add.f32.msk $0xffff, v4  }
0x172: {  	[tilespmem:s11+$0xA440] =	vst.add.f32.msk $0xffff, v5  }
0x173: {  	[tilespmem:s11+$0xC440] =	vst.add.f32.msk $0xffff, v5  }
0x174: {  	[tilespmem:s11+$0xA450] =	vst.add.f32.msk $0xffff, v6  }
0x175: {  	[tilespmem:s11+$0xC450] =	vst.add.f32.msk $0xffff, v6  }
0x176: {  	[tilespmem:s11+$0xA460] =	vst.add.f32.msk $0xffff, v7  }
0x177: {  	[tilespmem:s11+$0xC460] =	vst.add.f32.msk $0xffff, v7  }
0x178: {  	[tilespmem:s11+$0xA470] =	vst.add.f32.msk $0xffff, v8  }
0x179: {  	[tilespmem:s11+$0xC470] =	vst.add.f32.msk $0xffff, v8  }
0x17a: {  	[tilespmem:s11+$0xA480] =	vst.add.f32.msk $0xffff, v9  }
0x17b: {  	[tilespmem:s11+$0xC480] =	vst.add.f32.msk $0xffff, v9  }
0x17c: {  	[tilespmem:s11+$0xA490] =	vst.add.f32.msk $0xffff, v10  }
0x17d: {  	[tilespmem:s11+$0xC490] =	vst.add.f32.msk $0xffff, v10  }
0x17e: {  	[tilespmem:s11+$0xA4A0] =	vst.add.f32.msk $0xffff, v11  }
0x17f: {  	[tilespmem:s11+$0xC4A0] =	vst.add.f32.msk $0xffff, v11  }
0x180: {  	[tilespmem:s11+$0xA4B0] =	vst.add.f32.msk $0xffff, v12  }
0x181: {  	[tilespmem:s11+$0xC4B0] =	vst.add.f32.msk $0xffff, v12  }
0x182: {  	[tilespmem:s11+$0xA4C0] =	vst.add.f32.msk $0xffff, v13  }
0x183: {  	[tilespmem:s11+$0xC4C0] =	vst.add.f32.msk $0xffff, v13  }
0x184: {  	[tilespmem:s11+$0xA4D0] =	vst.add.f32.msk $0xffff, v14  }
0x185: {  	[tilespmem:s11+$0xC4D0] =	vst.add.f32.msk $0xffff, v14  }
0x186: {  	[tilespmem:s11+$0xA4E0] =	vst.add.f32.msk $0xffff, v15  }
0x187: {  	s7 =	simm.s32 $0x0;
	s21 =	simm.s32 $0x400;
	[tilespmem:s11+$0xC4E0] =	vst.add.f32.msk $0xffff, v15  }
.LBB2_6:
0x188: {  	s7 =	sadd.s32 $0x2, s7;
	[tilespmem:s11+$0xA4F0] =	vst.add.f32.msk $0xffff, v0;
	s11 =	sshra.s32 s21, $0x2  }
0x189: {  	v0 =	vld [tilespmem:s11+$0x4F0];
	p0 =	slt.u32 s7, $0x3E  }
0x18a: {  	v1 =	vld [tilespmem:s11+$0x400]  }
0x18b: {  	v2 =	vld [tilespmem:s11+$0x410]  }
0x18c: {  	v3 =	vld [tilespmem:s11+$0x420]  }
0x18d: {  	v4 =	vld [tilespmem:s11+$0x430]  }
0x18e: {  	[tilespmem:s11+$0xC4F0] =	vst.add.f32.msk $0xffff, v0  }
0x18f: {  	v5 =	vld [tilespmem:s11+$0x440]  }
0x190: {  	v6 =	vld [tilespmem:s11+$0x450]  }
0x191: {  	v7 =	vld [tilespmem:s11+$0x460]  }
0x192: {  	v8 =	vld [tilespmem:s11+$0x470]  }
0x193: {  	v9 =	vld [tilespmem:s11+$0x480]  }
0x194: {  	v10 =	vld [tilespmem:s11+$0x490]  }
0x195: {  	v11 =	vld [tilespmem:s11+$0x4A0]  }
0x196: {  	v12 =	vld [tilespmem:s11+$0x4B0]  }
0x197: {  	v13 =	vld [tilespmem:s11+$0x4C0]  }
0x198: {  	v14 =	vld [tilespmem:s11+$0x4D0]  }
0x199: {  	v15 =	vld [tilespmem:s11+$0x4E0]  }
0x19a: {  	[tilespmem:s11+$0xA400] =	vst.add.f32.msk $0xffff, v1  }
0x19b: {  	[tilespmem:s11+$0xC400] =	vst.add.f32.msk $0xffff, v1  }
0x19c: {  	[tilespmem:s11+$0xA410] =	vst.add.f32.msk $0xffff, v2  }
0x19d: {  	[tilespmem:s11+$0xC410] =	vst.add.f32.msk $0xffff, v2  }
0x19e: {  	[tilespmem:s11+$0xA420] =	vst.add.f32.msk $0xffff, v3  }
0x19f: {  	[tilespmem:s11+$0xC420] =	vst.add.f32.msk $0xffff, v3  }
0x1a0: {  	[tilespmem:s11+$0xA430] =	vst.add.f32.msk $0xffff, v4  }
0x1a1: {  	[tilespmem:s11+$0xC430] =	vst.add.f32.msk $0xffff, v4  }
0x1a2: {  	[tilespmem:s11+$0xA440] =	vst.add.f32.msk $0xffff, v5  }
0x1a3: {  	[tilespmem:s11+$0xC440] =	vst.add.f32.msk $0xffff, v5  }
0x1a4: {  	[tilespmem:s11+$0xA450] =	vst.add.f32.msk $0xffff, v6  }
0x1a5: {  	[tilespmem:s11+$0xC450] =	vst.add.f32.msk $0xffff, v6  }
0x1a6: {  	[tilespmem:s11+$0xA460] =	vst.add.f32.msk $0xffff, v7  }
0x1a7: {  	[tilespmem:s11+$0xC460] =	vst.add.f32.msk $0xffff, v7  }
0x1a8: {  	[tilespmem:s11+$0xA470] =	vst.add.f32.msk $0xffff, v8  }
0x1a9: {  	[tilespmem:s11+$0xC470] =	vst.add.f32.msk $0xffff, v8  }
0x1aa: {  	[tilespmem:s11+$0xA480] =	vst.add.f32.msk $0xffff, v9  }
0x1ab: {  	[tilespmem:s11+$0xC480] =	vst.add.f32.msk $0xffff, v9  }
0x1ac: {  	[tilespmem:s11+$0xA490] =	vst.add.f32.msk $0xffff, v10  }
0x1ad: {  	[tilespmem:s11+$0xC490] =	vst.add.f32.msk $0xffff, v10  }
0x1ae: {  	[tilespmem:s11+$0xA4A0] =	vst.add.f32.msk $0xffff, v11  }
0x1af: {  	[tilespmem:s11+$0xC4A0] =	vst.add.f32.msk $0xffff, v11  }
0x1b0: {  	[tilespmem:s11+$0xA4B0] =	vst.add.f32.msk $0xffff, v12  }
0x1b1: {  	[tilespmem:s11+$0xC4B0] =	vst.add.f32.msk $0xffff, v12  }
0x1b2: {  	[tilespmem:s11+$0xA4C0] =	vst.add.f32.msk $0xffff, v13  }
.Ltmp2:
0x1b3: {  	[tilespmem:s11+$0xC4C0] =	vst.add.f32.msk $0xffff, v13;
	(pc) =	sbr.rel @p0 .LBB2_6-.Ltmp2, $4  }
0x1b4: {  	[tilespmem:s11+$0xA4D0] =	vst.add.f32.msk $0xffff, v14  }
0x1b5: {  	[tilespmem:s11+$0xC4D0] =	vst.add.f32.msk $0xffff, v14  }
0x1b6: {  	[tilespmem:s11+$0xA4E0] =	vst.add.f32.msk $0xffff, v15  }
0x1b7: {  	s21 =	sadd.s32 $0x400, s21;
	[tilespmem:s11+$0xC4E0] =	vst.add.f32.msk $0xffff, v15  }
0x1b8: {  	[tilespmem:s11+$0xA4F0] =	vst.add.f32.msk $0xffff, v0;
	s7 =	simm.s32 $0x0;
	s21 =	rddreg [dreg:$0x19]  }
0x1b9: {  	[hbm4b:s21+s7] =	stream.linear.scatter [tilespmem:s24], [sflag:$0x9], $0x2000, $0x38;
	[tilespmem:$0x1A400] =	vst v63  }
0x1ba: {  	s8 =	simm.s32 $0xC400;
	s24 =	rddreg [dreg:$0x1a]  }
0x1bb: {  	[hbm4b:s24+s7] =	stream.linear.scatter [tilespmem:s8], [sflag:$0x9], $0x2000, $0x38;
	[tilespmem:$0x1A400] =	vst v63  }
0x1bc: {  	_ =	swait.ge [sflag:s15], $0x2000  }
0x1bd: {  	[sflag:s15] =	ssyncset.done $0x0  }
0x1be: {  	[sflag:s15] =	ssyncadd.s32 $0xFFFFE000  }
0x1bf: {  	_ =	swait.ge [sflag:s15], $0x2000  }
0x1c0: {  	[sflag:s15] =	ssyncset.done $0x0  }
0x1c1: {  	[sflag:s15] =	ssyncadd.s32 $0xFFFFE000  }
0x1c2: {  	_ =	swait.ge [sflag:s17], $0x40  }
0x1c3: {  	[sflag:s17] =	ssyncset.done $0x0  }
0x1c4: {  	[sflag:s17] =	ssyncadd.s32 $0xFFFFFFC0  }
0x1c5: {  	_ =	swait.ge [sflag:s17], $0x40  }
0x1c6: {  	[sflag:s17] =	ssyncset.done $0x0  }
0x1c7: {  	[sflag:s17] =	ssyncadd.s32 $0xFFFFFFC0  }
0x1c8: {  	[tilespmem:s19], [sflag:$0x2] =	stream.indirect.gather [hbm4b:s1+s10], $0x80, s13, s10, $0xb8;
	[tilespmem:$0x1A400] =	vst v63  }
0x1c9: {  	_ =	swait.ge [sflag:s29], $0x4000  }
0x1ca: {  	[sflag:s29] =	ssyncset.done $0x0  }
0x1cb: {  	s11 =	simm.s32 $0x0;
	[sflag:s29] =	ssyncadd.s32 $0xFFFFC000  }
0x1cc: {  	v0 =	vld [tilespmem:s11+$0x4F0]  }
0x1cd: {  	v1 =	vld [tilespmem:s11+$0x400]  }
0x1ce: {  	v2 =	vld [tilespmem:s11+$0x410]  }
0x1cf: {  	v3 =	vld [tilespmem:s11+$0x420]  }
0x1d0: {  	v4 =	vld [tilespmem:s11+$0x430]  }
0x1d1: {  	v5 =	vld [tilespmem:s11+$0x440]  }
0x1d2: {  	v6 =	vld [tilespmem:s11+$0x450]  }
0x1d3: {  	v7 =	vld [tilespmem:s11+$0x460]  }
0x1d4: {  	v8 =	vld [tilespmem:s11+$0x470]  }
0x1d5: {  	v9 =	vld [tilespmem:s11+$0x480]  }
0x1d6: {  	v10 =	vld [tilespmem:s11+$0x490]  }
0x1d7: {  	v11 =	vld [tilespmem:s11+$0x4A0]  }
0x1d8: {  	v12 =	vld [tilespmem:s11+$0x4B0]  }
0x1d9: {  	v13 =	vld [tilespmem:s11+$0x4C0]  }
0x1da: {  	v14 =	vld [tilespmem:s11+$0x4D0]  }
0x1db: {  	v15 =	vld [tilespmem:s11+$0x4E0]  }
0x1dc: {  	[tilespmem:s11+$0x104F0] =	vst.add.f32.msk $0xffff, v0  }
0x1dd: {  	[tilespmem:s11+$0xE400] =	vst.add.f32.msk $0xffff, v1  }
0x1de: {  	[tilespmem:s11+$0x10400] =	vst.add.f32.msk $0xffff, v1  }
0x1df: {  	[tilespmem:s11+$0xE410] =	vst.add.f32.msk $0xffff, v2  }
0x1e0: {  	[tilespmem:s11+$0x10410] =	vst.add.f32.msk $0xffff, v2  }
0x1e1: {  	[tilespmem:s11+$0xE420] =	vst.add.f32.msk $0xffff, v3  }
0x1e2: {  	[tilespmem:s11+$0x10420] =	vst.add.f32.msk $0xffff, v3  }
0x1e3: {  	[tilespmem:s11+$0xE430] =	vst.add.f32.msk $0xffff, v4  }
0x1e4: {  	[tilespmem:s11+$0x10430] =	vst.add.f32.msk $0xffff, v4  }
0x1e5: {  	[tilespmem:s11+$0xE440] =	vst.add.f32.msk $0xffff, v5  }
0x1e6: {  	[tilespmem:s11+$0x10440] =	vst.add.f32.msk $0xffff, v5  }
0x1e7: {  	[tilespmem:s11+$0xE450] =	vst.add.f32.msk $0xffff, v6  }
0x1e8: {  	[tilespmem:s11+$0x10450] =	vst.add.f32.msk $0xffff, v6  }
0x1e9: {  	[tilespmem:s11+$0xE460] =	vst.add.f32.msk $0xffff, v7  }
0x1ea: {  	[tilespmem:s11+$0x10460] =	vst.add.f32.msk $0xffff, v7  }
0x1eb: {  	[tilespmem:s11+$0xE470] =	vst.add.f32.msk $0xffff, v8  }
0x1ec: {  	[tilespmem:s11+$0x10470] =	vst.add.f32.msk $0xffff, v8  }
0x1ed: {  	[tilespmem:s11+$0xE480] =	vst.add.f32.msk $0xffff, v9  }
0x1ee: {  	[tilespmem:s11+$0x10480] =	vst.add.f32.msk $0xffff, v9  }
0x1ef: {  	[tilespmem:s11+$0xE490] =	vst.add.f32.msk $0xffff, v10  }
0x1f0: {  	[tilespmem:s11+$0x10490] =	vst.add.f32.msk $0xffff, v10  }
0x1f1: {  	[tilespmem:s11+$0xE4A0] =	vst.add.f32.msk $0xffff, v11  }
0x1f2: {  	[tilespmem:s11+$0x104A0] =	vst.add.f32.msk $0xffff, v11  }
0x1f3: {  	[tilespmem:s11+$0xE4B0] =	vst.add.f32.msk $0xffff, v12  }
0x1f4: {  	[tilespmem:s11+$0x104B0] =	vst.add.f32.msk $0xffff, v12  }
0x1f5: {  	[tilespmem:s11+$0xE4C0] =	vst.add.f32.msk $0xffff, v13  }
0x1f6: {  	[tilespmem:s11+$0x104C0] =	vst.add.f32.msk $0xffff, v13  }
0x1f7: {  	[tilespmem:s11+$0xE4D0] =	vst.add.f32.msk $0xffff, v14  }
0x1f8: {  	[tilespmem:s11+$0x104D0] =	vst.add.f32.msk $0xffff, v14  }
0x1f9: {  	[tilespmem:s11+$0xE4E0] =	vst.add.f32.msk $0xffff, v15  }
0x1fa: {  	s21 =	simm.s32 $0x400;
	s7 =	simm.s32 $0x0;
	[tilespmem:s11+$0x104E0] =	vst.add.f32.msk $0xffff, v15  }
.LBB2_8:
0x1fb: {  	s7 =	sadd.s32 $0x2, s7;
	[tilespmem:s11+$0xE4F0] =	vst.add.f32.msk $0xffff, v0;
	s11 =	sshra.s32 s21, $0x2  }
0x1fc: {  	v0 =	vld [tilespmem:s11+$0x4F0];
	p0 =	slt.u32 s7, $0x3E  }
0x1fd: {  	v1 =	vld [tilespmem:s11+$0x400]  }
0x1fe: {  	v2 =	vld [tilespmem:s11+$0x410]  }
0x1ff: {  	v3 =	vld [tilespmem:s11+$0x420]  }
0x200: {  	v4 =	vld [tilespmem:s11+$0x430]  }
0x201: {  	[tilespmem:s11+$0x104F0] =	vst.add.f32.msk $0xffff, v0  }
0x202: {  	v5 =	vld [tilespmem:s11+$0x440]  }
0x203: {  	v6 =	vld [tilespmem:s11+$0x450]  }
0x204: {  	v7 =	vld [tilespmem:s11+$0x460]  }
0x205: {  	v8 =	vld [tilespmem:s11+$0x470]  }
0x206: {  	v9 =	vld [tilespmem:s11+$0x480]  }
0x207: {  	v10 =	vld [tilespmem:s11+$0x490]  }
0x208: {  	v11 =	vld [tilespmem:s11+$0x4A0]  }
0x209: {  	v12 =	vld [tilespmem:s11+$0x4B0]  }
0x20a: {  	v13 =	vld [tilespmem:s11+$0x4C0]  }
0x20b: {  	v14 =	vld [tilespmem:s11+$0x4D0]  }
0x20c: {  	v15 =	vld [tilespmem:s11+$0x4E0]  }
0x20d: {  	[tilespmem:s11+$0xE400] =	vst.add.f32.msk $0xffff, v1  }
0x20e: {  	[tilespmem:s11+$0x10400] =	vst.add.f32.msk $0xffff, v1  }
0x20f: {  	[tilespmem:s11+$0xE410] =	vst.add.f32.msk $0xffff, v2  }
0x210: {  	[tilespmem:s11+$0x10410] =	vst.add.f32.msk $0xffff, v2  }
0x211: {  	[tilespmem:s11+$0xE420] =	vst.add.f32.msk $0xffff, v3  }
0x212: {  	[tilespmem:s11+$0x10420] =	vst.add.f32.msk $0xffff, v3  }
0x213: {  	[tilespmem:s11+$0xE430] =	vst.add.f32.msk $0xffff, v4  }
0x214: {  	[tilespmem:s11+$0x10430] =	vst.add.f32.msk $0xffff, v4  }
0x215: {  	[tilespmem:s11+$0xE440] =	vst.add.f32.msk $0xffff, v5  }
0x216: {  	[tilespmem:s11+$0x10440] =	vst.add.f32.msk $0xffff, v5  }
0x217: {  	[tilespmem:s11+$0xE450] =	vst.add.f32.msk $0xffff, v6  }
0x218: {  	[tilespmem:s11+$0x10450] =	vst.add.f32.msk $0xffff, v6  }
0x219: {  	[tilespmem:s11+$0xE460] =	vst.add.f32.msk $0xffff, v7  }
0x21a: {  	[tilespmem:s11+$0x10460] =	vst.add.f32.msk $0xffff, v7  }
0x21b: {  	[tilespmem:s11+$0xE470] =	vst.add.f32.msk $0xffff, v8  }
0x21c: {  	[tilespmem:s11+$0x10470] =	vst.add.f32.msk $0xffff, v8  }
0x21d: {  	[tilespmem:s11+$0xE480] =	vst.add.f32.msk $0xffff, v9  }
0x21e: {  	[tilespmem:s11+$0x10480] =	vst.add.f32.msk $0xffff, v9  }
0x21f: {  	[tilespmem:s11+$0xE490] =	vst.add.f32.msk $0xffff, v10  }
0x220: {  	[tilespmem:s11+$0x10490] =	vst.add.f32.msk $0xffff, v10  }
0x221: {  	[tilespmem:s11+$0xE4A0] =	vst.add.f32.msk $0xffff, v11  }
0x222: {  	[tilespmem:s11+$0x104A0] =	vst.add.f32.msk $0xffff, v11  }
0x223: {  	[tilespmem:s11+$0xE4B0] =	vst.add.f32.msk $0xffff, v12  }
0x224: {  	[tilespmem:s11+$0x104B0] =	vst.add.f32.msk $0xffff, v12  }
0x225: {  	[tilespmem:s11+$0xE4C0] =	vst.add.f32.msk $0xffff, v13  }
.Ltmp3:
0x226: {  	[tilespmem:s11+$0x104C0] =	vst.add.f32.msk $0xffff, v13;
	(pc) =	sbr.rel @p0 .LBB2_8-.Ltmp3, $4  }
0x227: {  	[tilespmem:s11+$0xE4D0] =	vst.add.f32.msk $0xffff, v14  }
0x228: {  	[tilespmem:s11+$0x104D0] =	vst.add.f32.msk $0xffff, v14  }
0x229: {  	[tilespmem:s11+$0xE4E0] =	vst.add.f32.msk $0xffff, v15  }
0x22a: {  	s21 =	sadd.s32 $0x400, s21;
	[tilespmem:s11+$0x104E0] =	vst.add.f32.msk $0xffff, v15  }
0x22b: {  	[tilespmem:s11+$0xE4F0] =	vst.add.f32.msk $0xffff, v0;
	s7 =	simm.s32 $0x0;
	s13 =	rddreg [dreg:$0x1b];
	s8 =	simm.s32 $0xE400  }
0x22c: {  	[hbm4b:s13+s7] =	stream.linear.scatter [tilespmem:s8], [sflag:$0xA], $0x2000, $0x38;
	[tilespmem:$0x1A400] =	vst v63  }
0x22d: {  	s21 =	rddreg [dreg:$0x1c];
	s24 =	simm.s32 $0x10400  }
0x22e: {  	[hbm4b:s21+s7] =	stream.linear.scatter [tilespmem:s24], [sflag:$0xA], $0x2000, $0x38;
	[tilespmem:$0x1A400] =	vst v63  }
0x22f: {  	_ =	swait.ge [sflag:s30], $0x4000  }
0x230: {  	[sflag:s30] =	ssyncset.done $0x0  }
0x231: {  	s11 =	simm.s32 $0x0;
	[sflag:s30] =	ssyncadd.s32 $0xFFFFC000  }
0x232: {  	v0 =	vld [tilespmem:s11+$0x4F0]  }
0x233: {  	v1 =	vld [tilespmem:s11+$0x400]  }
0x234: {  	v2 =	vld [tilespmem:s11+$0x410]  }
0x235: {  	v3 =	vld [tilespmem:s11+$0x420]  }
0x236: {  	v4 =	vld [tilespmem:s11+$0x430]  }
0x237: {  	v5 =	vld [tilespmem:s11+$0x440]  }
0x238: {  	v6 =	vld [tilespmem:s11+$0x450]  }
0x239: {  	v7 =	vld [tilespmem:s11+$0x460]  }
0x23a: {  	v8 =	vld [tilespmem:s11+$0x470]  }
0x23b: {  	v9 =	vld [tilespmem:s11+$0x480]  }
0x23c: {  	v10 =	vld [tilespmem:s11+$0x490]  }
0x23d: {  	v11 =	vld [tilespmem:s11+$0x4A0]  }
0x23e: {  	v12 =	vld [tilespmem:s11+$0x4B0]  }
0x23f: {  	v13 =	vld [tilespmem:s11+$0x4C0]  }
0x240: {  	v14 =	vld [tilespmem:s11+$0x4D0]  }
0x241: {  	v15 =	vld [tilespmem:s11+$0x4E0]  }
0x242: {  	[tilespmem:s11+$0x144F0] =	vst.add.f32.msk $0xffff, v0  }
0x243: {  	[tilespmem:s11+$0x12400] =	vst.add.f32.msk $0xffff, v1  }
0x244: {  	[tilespmem:s11+$0x14400] =	vst.add.f32.msk $0xffff, v1  }
0x245: {  	[tilespmem:s11+$0x12410] =	vst.add.f32.msk $0xffff, v2  }
0x246: {  	[tilespmem:s11+$0x14410] =	vst.add.f32.msk $0xffff, v2  }
0x247: {  	[tilespmem:s11+$0x12420] =	vst.add.f32.msk $0xffff, v3  }
0x248: {  	[tilespmem:s11+$0x14420] =	vst.add.f32.msk $0xffff, v3  }
0x249: {  	[tilespmem:s11+$0x12430] =	vst.add.f32.msk $0xffff, v4  }
0x24a: {  	[tilespmem:s11+$0x14430] =	vst.add.f32.msk $0xffff, v4  }
0x24b: {  	[tilespmem:s11+$0x12440] =	vst.add.f32.msk $0xffff, v5  }
0x24c: {  	[tilespmem:s11+$0x14440] =	vst.add.f32.msk $0xffff, v5  }
0x24d: {  	[tilespmem:s11+$0x12450] =	vst.add.f32.msk $0xffff, v6  }
0x24e: {  	[tilespmem:s11+$0x14450] =	vst.add.f32.msk $0xffff, v6  }
0x24f: {  	[tilespmem:s11+$0x12460] =	vst.add.f32.msk $0xffff, v7  }
0x250: {  	[tilespmem:s11+$0x14460] =	vst.add.f32.msk $0xffff, v7  }
0x251: {  	[tilespmem:s11+$0x12470] =	vst.add.f32.msk $0xffff, v8  }
0x252: {  	[tilespmem:s11+$0x14470] =	vst.add.f32.msk $0xffff, v8  }
0x253: {  	[tilespmem:s11+$0x12480] =	vst.add.f32.msk $0xffff, v9  }
0x254: {  	[tilespmem:s11+$0x14480] =	vst.add.f32.msk $0xffff, v9  }
0x255: {  	[tilespmem:s11+$0x12490] =	vst.add.f32.msk $0xffff, v10  }
0x256: {  	[tilespmem:s11+$0x14490] =	vst.add.f32.msk $0xffff, v10  }
0x257: {  	[tilespmem:s11+$0x124A0] =	vst.add.f32.msk $0xffff, v11  }
0x258: {  	[tilespmem:s11+$0x144A0] =	vst.add.f32.msk $0xffff, v11  }
0x259: {  	[tilespmem:s11+$0x124B0] =	vst.add.f32.msk $0xffff, v12  }
0x25a: {  	[tilespmem:s11+$0x144B0] =	vst.add.f32.msk $0xffff, v12  }
0x25b: {  	[tilespmem:s11+$0x124C0] =	vst.add.f32.msk $0xffff, v13  }
0x25c: {  	[tilespmem:s11+$0x144C0] =	vst.add.f32.msk $0xffff, v13  }
0x25d: {  	[tilespmem:s11+$0x124D0] =	vst.add.f32.msk $0xffff, v14  }
0x25e: {  	[tilespmem:s11+$0x144D0] =	vst.add.f32.msk $0xffff, v14  }
0x25f: {  	[tilespmem:s11+$0x124E0] =	vst.add.f32.msk $0xffff, v15  }
0x260: {  	s7 =	simm.s32 $0x0;
	s21 =	simm.s32 $0x400;
	[tilespmem:s11+$0x144E0] =	vst.add.f32.msk $0xffff, v15  }
.LBB2_10:
0x261: {  	s7 =	sadd.s32 $0x2, s7;
	[tilespmem:s11+$0x124F0] =	vst.add.f32.msk $0xffff, v0;
	s11 =	sshra.s32 s21, $0x2  }
0x262: {  	v0 =	vld [tilespmem:s11+$0x4F0];
	p0 =	slt.u32 s7, $0x3E  }
0x263: {  	v1 =	vld [tilespmem:s11+$0x400]  }
0x264: {  	v2 =	vld [tilespmem:s11+$0x410]  }
0x265: {  	v3 =	vld [tilespmem:s11+$0x420]  }
0x266: {  	v4 =	vld [tilespmem:s11+$0x430]  }
0x267: {  	[tilespmem:s11+$0x144F0] =	vst.add.f32.msk $0xffff, v0  }
0x268: {  	v5 =	vld [tilespmem:s11+$0x440]  }
0x269: {  	v6 =	vld [tilespmem:s11+$0x450]  }
0x26a: {  	v7 =	vld [tilespmem:s11+$0x460]  }
0x26b: {  	v8 =	vld [tilespmem:s11+$0x470]  }
0x26c: {  	v9 =	vld [tilespmem:s11+$0x480]  }
0x26d: {  	v10 =	vld [tilespmem:s11+$0x490]  }
0x26e: {  	v11 =	vld [tilespmem:s11+$0x4A0]  }
0x26f: {  	v12 =	vld [tilespmem:s11+$0x4B0]  }
0x270: {  	v13 =	vld [tilespmem:s11+$0x4C0]  }
0x271: {  	v14 =	vld [tilespmem:s11+$0x4D0]  }
0x272: {  	v15 =	vld [tilespmem:s11+$0x4E0]  }
0x273: {  	[tilespmem:s11+$0x12400] =	vst.add.f32.msk $0xffff, v1  }
0x274: {  	[tilespmem:s11+$0x14400] =	vst.add.f32.msk $0xffff, v1  }
0x275: {  	[tilespmem:s11+$0x12410] =	vst.add.f32.msk $0xffff, v2  }
0x276: {  	[tilespmem:s11+$0x14410] =	vst.add.f32.msk $0xffff, v2  }
0x277: {  	[tilespmem:s11+$0x12420] =	vst.add.f32.msk $0xffff, v3  }
0x278: {  	[tilespmem:s11+$0x14420] =	vst.add.f32.msk $0xffff, v3  }
0x279: {  	[tilespmem:s11+$0x12430] =	vst.add.f32.msk $0xffff, v4  }
0x27a: {  	[tilespmem:s11+$0x14430] =	vst.add.f32.msk $0xffff, v4  }
0x27b: {  	[tilespmem:s11+$0x12440] =	vst.add.f32.msk $0xffff, v5  }
0x27c: {  	[tilespmem:s11+$0x14440] =	vst.add.f32.msk $0xffff, v5  }
0x27d: {  	[tilespmem:s11+$0x12450] =	vst.add.f32.msk $0xffff, v6  }
0x27e: {  	[tilespmem:s11+$0x14450] =	vst.add.f32.msk $0xffff, v6  }
0x27f: {  	[tilespmem:s11+$0x12460] =	vst.add.f32.msk $0xffff, v7  }
0x280: {  	[tilespmem:s11+$0x14460] =	vst.add.f32.msk $0xffff, v7  }
0x281: {  	[tilespmem:s11+$0x12470] =	vst.add.f32.msk $0xffff, v8  }
0x282: {  	[tilespmem:s11+$0x14470] =	vst.add.f32.msk $0xffff, v8  }
0x283: {  	[tilespmem:s11+$0x12480] =	vst.add.f32.msk $0xffff, v9  }
0x284: {  	[tilespmem:s11+$0x14480] =	vst.add.f32.msk $0xffff, v9  }
0x285: {  	[tilespmem:s11+$0x12490] =	vst.add.f32.msk $0xffff, v10  }
0x286: {  	[tilespmem:s11+$0x14490] =	vst.add.f32.msk $0xffff, v10  }
0x287: {  	[tilespmem:s11+$0x124A0] =	vst.add.f32.msk $0xffff, v11  }
0x288: {  	[tilespmem:s11+$0x144A0] =	vst.add.f32.msk $0xffff, v11  }
0x289: {  	[tilespmem:s11+$0x124B0] =	vst.add.f32.msk $0xffff, v12  }
0x28a: {  	[tilespmem:s11+$0x144B0] =	vst.add.f32.msk $0xffff, v12  }
0x28b: {  	[tilespmem:s11+$0x124C0] =	vst.add.f32.msk $0xffff, v13  }
.Ltmp4:
0x28c: {  	[tilespmem:s11+$0x144C0] =	vst.add.f32.msk $0xffff, v13;
	(pc) =	sbr.rel @p0 .LBB2_10-.Ltmp4, $4  }
0x28d: {  	[tilespmem:s11+$0x124D0] =	vst.add.f32.msk $0xffff, v14  }
0x28e: {  	[tilespmem:s11+$0x144D0] =	vst.add.f32.msk $0xffff, v14  }
0x28f: {  	[tilespmem:s11+$0x124E0] =	vst.add.f32.msk $0xffff, v15  }
0x290: {  	s21 =	sadd.s32 $0x400, s21;
	[tilespmem:s11+$0x144E0] =	vst.add.f32.msk $0xffff, v15  }
0x291: {  	[tilespmem:s11+$0x124F0] =	vst.add.f32.msk $0xffff, v0;
	s7 =	simm.s32 $0x0;
	s13 =	rddreg [dreg:$0x1d];
	s8 =	simm.s32 $0x12400  }
0x292: {  	[hbm4b:s13+s7] =	stream.linear.scatter [tilespmem:s8], [sflag:$0xB], $0x2000, $0x38;
	[tilespmem:$0x1A400] =	vst v63  }
0x293: {  	s21 =	rddreg [dreg:$0x1e];
	s24 =	simm.s32 $0x14400  }
0x294: {  	[hbm4b:s21+s7] =	stream.linear.scatter [tilespmem:s24], [sflag:$0xB], $0x2000, $0x38;
	[tilespmem:$0x1A400] =	vst v63  }
0x295: {  	_ =	swait.ge [sflag:s16], $0x4000  }
0x296: {  	[sflag:s16] =	ssyncset.done $0x0  }
0x297: {  	s11 =	simm.s32 $0x0;
	[sflag:s16] =	ssyncadd.s32 $0xFFFFC000  }
0x298: {  	v0 =	vld [tilespmem:s11+$0x4F0]  }
0x299: {  	v1 =	vld [tilespmem:s11+$0x400]  }
0x29a: {  	v2 =	vld [tilespmem:s11+$0x410]  }
0x29b: {  	v3 =	vld [tilespmem:s11+$0x420]  }
0x29c: {  	v4 =	vld [tilespmem:s11+$0x430]  }
0x29d: {  	v5 =	vld [tilespmem:s11+$0x440]  }
0x29e: {  	v6 =	vld [tilespmem:s11+$0x450]  }
0x29f: {  	v7 =	vld [tilespmem:s11+$0x460]  }
0x2a0: {  	v8 =	vld [tilespmem:s11+$0x470]  }
0x2a1: {  	v9 =	vld [tilespmem:s11+$0x480]  }
0x2a2: {  	v10 =	vld [tilespmem:s11+$0x490]  }
0x2a3: {  	v11 =	vld [tilespmem:s11+$0x4A0]  }
0x2a4: {  	v12 =	vld [tilespmem:s11+$0x4B0]  }
0x2a5: {  	v13 =	vld [tilespmem:s11+$0x4C0]  }
0x2a6: {  	v14 =	vld [tilespmem:s11+$0x4D0]  }
0x2a7: {  	v15 =	vld [tilespmem:s11+$0x4E0]  }
0x2a8: {  	[tilespmem:s11+$0x184F0] =	vst.add.f32.msk $0xffff, v0  }
0x2a9: {  	[tilespmem:s11+$0x16400] =	vst.add.f32.msk $0xffff, v1  }
0x2aa: {  	[tilespmem:s11+$0x18400] =	vst.add.f32.msk $0xffff, v1  }
0x2ab: {  	[tilespmem:s11+$0x16410] =	vst.add.f32.msk $0xffff, v2  }
0x2ac: {  	[tilespmem:s11+$0x18410] =	vst.add.f32.msk $0xffff, v2  }
0x2ad: {  	[tilespmem:s11+$0x16420] =	vst.add.f32.msk $0xffff, v3  }
0x2ae: {  	[tilespmem:s11+$0x18420] =	vst.add.f32.msk $0xffff, v3  }
0x2af: {  	[tilespmem:s11+$0x16430] =	vst.add.f32.msk $0xffff, v4  }
0x2b0: {  	[tilespmem:s11+$0x18430] =	vst.add.f32.msk $0xffff, v4  }
0x2b1: {  	[tilespmem:s11+$0x16440] =	vst.add.f32.msk $0xffff, v5  }
0x2b2: {  	[tilespmem:s11+$0x18440] =	vst.add.f32.msk $0xffff, v5  }
0x2b3: {  	[tilespmem:s11+$0x16450] =	vst.add.f32.msk $0xffff, v6  }
0x2b4: {  	[tilespmem:s11+$0x18450] =	vst.add.f32.msk $0xffff, v6  }
0x2b5: {  	[tilespmem:s11+$0x16460] =	vst.add.f32.msk $0xffff, v7  }
0x2b6: {  	[tilespmem:s11+$0x18460] =	vst.add.f32.msk $0xffff, v7  }
0x2b7: {  	[tilespmem:s11+$0x16470] =	vst.add.f32.msk $0xffff, v8  }
0x2b8: {  	[tilespmem:s11+$0x18470] =	vst.add.f32.msk $0xffff, v8  }
0x2b9: {  	[tilespmem:s11+$0x16480] =	vst.add.f32.msk $0xffff, v9  }
0x2ba: {  	[tilespmem:s11+$0x18480] =	vst.add.f32.msk $0xffff, v9  }
0x2bb: {  	[tilespmem:s11+$0x16490] =	vst.add.f32.msk $0xffff, v10  }
0x2bc: {  	[tilespmem:s11+$0x18490] =	vst.add.f32.msk $0xffff, v10  }
0x2bd: {  	[tilespmem:s11+$0x164A0] =	vst.add.f32.msk $0xffff, v11  }
0x2be: {  	[tilespmem:s11+$0x184A0] =	vst.add.f32.msk $0xffff, v11  }
0x2bf: {  	[tilespmem:s11+$0x164B0] =	vst.add.f32.msk $0xffff, v12  }
0x2c0: {  	[tilespmem:s11+$0x184B0] =	vst.add.f32.msk $0xffff, v12  }
0x2c1: {  	[tilespmem:s11+$0x164C0] =	vst.add.f32.msk $0xffff, v13  }
0x2c2: {  	[tilespmem:s11+$0x184C0] =	vst.add.f32.msk $0xffff, v13  }
0x2c3: {  	[tilespmem:s11+$0x164D0] =	vst.add.f32.msk $0xffff, v14  }
0x2c4: {  	[tilespmem:s11+$0x184D0] =	vst.add.f32.msk $0xffff, v14  }
0x2c5: {  	[tilespmem:s11+$0x164E0] =	vst.add.f32.msk $0xffff, v15  }
0x2c6: {  	s7 =	simm.s32 $0x0;
	s21 =	simm.s32 $0x400;
	[tilespmem:s11+$0x184E0] =	vst.add.f32.msk $0xffff, v15  }
.LBB2_12:
0x2c7: {  	s7 =	sadd.s32 $0x2, s7;
	[tilespmem:s11+$0x164F0] =	vst.add.f32.msk $0xffff, v0;
	s11 =	sshra.s32 s21, $0x2  }
0x2c8: {  	v0 =	vld [tilespmem:s11+$0x4F0];
	p0 =	slt.u32 s7, $0x3E  }
0x2c9: {  	v1 =	vld [tilespmem:s11+$0x400]  }
0x2ca: {  	v2 =	vld [tilespmem:s11+$0x410]  }
0x2cb: {  	v3 =	vld [tilespmem:s11+$0x420]  }
0x2cc: {  	v4 =	vld [tilespmem:s11+$0x430]  }
0x2cd: {  	[tilespmem:s11+$0x184F0] =	vst.add.f32.msk $0xffff, v0  }
0x2ce: {  	v5 =	vld [tilespmem:s11+$0x440]  }
0x2cf: {  	v6 =	vld [tilespmem:s11+$0x450]  }
0x2d0: {  	v7 =	vld [tilespmem:s11+$0x460]  }
0x2d1: {  	v8 =	vld [tilespmem:s11+$0x470]  }
0x2d2: {  	v9 =	vld [tilespmem:s11+$0x480]  }
0x2d3: {  	v10 =	vld [tilespmem:s11+$0x490]  }
0x2d4: {  	v11 =	vld [tilespmem:s11+$0x4A0]  }
0x2d5: {  	v12 =	vld [tilespmem:s11+$0x4B0]  }
0x2d6: {  	v13 =	vld [tilespmem:s11+$0x4C0]  }
0x2d7: {  	v14 =	vld [tilespmem:s11+$0x4D0]  }
0x2d8: {  	v15 =	vld [tilespmem:s11+$0x4E0]  }
0x2d9: {  	[tilespmem:s11+$0x16400] =	vst.add.f32.msk $0xffff, v1  }
0x2da: {  	[tilespmem:s11+$0x18400] =	vst.add.f32.msk $0xffff, v1  }
0x2db: {  	[tilespmem:s11+$0x16410] =	vst.add.f32.msk $0xffff, v2  }
0x2dc: {  	[tilespmem:s11+$0x18410] =	vst.add.f32.msk $0xffff, v2  }
0x2dd: {  	[tilespmem:s11+$0x16420] =	vst.add.f32.msk $0xffff, v3  }
0x2de: {  	[tilespmem:s11+$0x18420] =	vst.add.f32.msk $0xffff, v3  }
0x2df: {  	[tilespmem:s11+$0x16430] =	vst.add.f32.msk $0xffff, v4  }
0x2e0: {  	[tilespmem:s11+$0x18430] =	vst.add.f32.msk $0xffff, v4  }
0x2e1: {  	[tilespmem:s11+$0x16440] =	vst.add.f32.msk $0xffff, v5  }
0x2e2: {  	[tilespmem:s11+$0x18440] =	vst.add.f32.msk $0xffff, v5  }
0x2e3: {  	[tilespmem:s11+$0x16450] =	vst.add.f32.msk $0xffff, v6  }
0x2e4: {  	[tilespmem:s11+$0x18450] =	vst.add.f32.msk $0xffff, v6  }
0x2e5: {  	[tilespmem:s11+$0x16460] =	vst.add.f32.msk $0xffff, v7  }
0x2e6: {  	[tilespmem:s11+$0x18460] =	vst.add.f32.msk $0xffff, v7  }
0x2e7: {  	[tilespmem:s11+$0x16470] =	vst.add.f32.msk $0xffff, v8  }
0x2e8: {  	[tilespmem:s11+$0x18470] =	vst.add.f32.msk $0xffff, v8  }
0x2e9: {  	[tilespmem:s11+$0x16480] =	vst.add.f32.msk $0xffff, v9  }
0x2ea: {  	[tilespmem:s11+$0x18480] =	vst.add.f32.msk $0xffff, v9  }
0x2eb: {  	[tilespmem:s11+$0x16490] =	vst.add.f32.msk $0xffff, v10  }
0x2ec: {  	[tilespmem:s11+$0x18490] =	vst.add.f32.msk $0xffff, v10  }
0x2ed: {  	[tilespmem:s11+$0x164A0] =	vst.add.f32.msk $0xffff, v11  }
0x2ee: {  	[tilespmem:s11+$0x184A0] =	vst.add.f32.msk $0xffff, v11  }
0x2ef: {  	[tilespmem:s11+$0x164B0] =	vst.add.f32.msk $0xffff, v12  }
0x2f0: {  	[tilespmem:s11+$0x184B0] =	vst.add.f32.msk $0xffff, v12  }
0x2f1: {  	[tilespmem:s11+$0x164C0] =	vst.add.f32.msk $0xffff, v13  }
.Ltmp5:
0x2f2: {  	[tilespmem:s11+$0x184C0] =	vst.add.f32.msk $0xffff, v13;
	(pc) =	sbr.rel @p0 .LBB2_12-.Ltmp5, $4  }
0x2f3: {  	[tilespmem:s11+$0x164D0] =	vst.add.f32.msk $0xffff, v14  }
0x2f4: {  	[tilespmem:s11+$0x184D0] =	vst.add.f32.msk $0xffff, v14  }
0x2f5: {  	[tilespmem:s11+$0x164E0] =	vst.add.f32.msk $0xffff, v15  }
0x2f6: {  	s21 =	sadd.s32 $0x400, s21;
	[tilespmem:s11+$0x184E0] =	vst.add.f32.msk $0xffff, v15  }
0x2f7: {  	s21 =	rddreg [dreg:$0x1f]  }
0x2f8: {  	[tilespmem:s11+$0x164F0] =	vst.add.f32.msk $0xffff, v0;
	s7 =	simm.s32 $0x0;
	s24 =	sld [smem:$0x7F9]  }
0x2f9: {  	[hbm4b:s21+s7] =	stream.linear.scatter [tilespmem:s12], [sflag:$0xC], $0x2000, $0x38;
	[tilespmem:$0x1A400] =	vst v63  }
0x2fa: {  	s8 =	simm.s32 $0x18400  }
0x2fb: {  	[hbm4b:s24+s7] =	stream.linear.scatter [tilespmem:s8], [sflag:$0xC], $0x2000, $0x38;
	[tilespmem:$0x1A400] =	vst v63  }
0x2fc: {  	_ =	swait.ge [sflag:s22], $0x4000  }
0x2fd: {  	[sflag:s22] =	ssyncset.done $0x0  }
0x2fe: {  	s11 =	simm.s32 $0x0;
	[sflag:s22] =	ssyncadd.s32 $0xFFFFC000  }
0x2ff: {  	v0 =	vld [tilespmem:s11+$0x4F0]  }
0x300: {  	v1 =	vld [tilespmem:s11+$0x400]  }
0x301: {  	v2 =	vld [tilespmem:s11+$0x410]  }
0x302: {  	v3 =	vld [tilespmem:s11+$0x420]  }
0x303: {  	v4 =	vld [tilespmem:s11+$0x430]  }
0x304: {  	v5 =	vld [tilespmem:s11+$0x440]  }
0x305: {  	v6 =	vld [tilespmem:s11+$0x450]  }
0x306: {  	v7 =	vld [tilespmem:s11+$0x460]  }
0x307: {  	v8 =	vld [tilespmem:s11+$0x470]  }
0x308: {  	v9 =	vld [tilespmem:s11+$0x480]  }
0x309: {  	v10 =	vld [tilespmem:s11+$0x490]  }
0x30a: {  	v11 =	vld [tilespmem:s11+$0x4A0]  }
0x30b: {  	v12 =	vld [tilespmem:s11+$0x4B0]  }
0x30c: {  	v13 =	vld [tilespmem:s11+$0x4C0]  }
0x30d: {  	v14 =	vld [tilespmem:s11+$0x4D0]  }
0x30e: {  	v15 =	vld [tilespmem:s11+$0x4E0]  }
0x30f: {  	[tilespmem:s11+$0x44F0] =	vst.add.f32.msk $0xffff, v0  }
0x310: {  	[tilespmem:s11+$0x2400] =	vst.add.f32.msk $0xffff, v1  }
0x311: {  	[tilespmem:s11+$0x4400] =	vst.add.f32.msk $0xffff, v1  }
0x312: {  	[tilespmem:s11+$0x2410] =	vst.add.f32.msk $0xffff, v2  }
0x313: {  	[tilespmem:s11+$0x4410] =	vst.add.f32.msk $0xffff, v2  }
0x314: {  	[tilespmem:s11+$0x2420] =	vst.add.f32.msk $0xffff, v3  }
0x315: {  	[tilespmem:s11+$0x4420] =	vst.add.f32.msk $0xffff, v3  }
0x316: {  	[tilespmem:s11+$0x2430] =	vst.add.f32.msk $0xffff, v4  }
0x317: {  	[tilespmem:s11+$0x4430] =	vst.add.f32.msk $0xffff, v4  }
0x318: {  	[tilespmem:s11+$0x2440] =	vst.add.f32.msk $0xffff, v5  }
0x319: {  	[tilespmem:s11+$0x4440] =	vst.add.f32.msk $0xffff, v5  }
0x31a: {  	[tilespmem:s11+$0x2450] =	vst.add.f32.msk $0xffff, v6  }
0x31b: {  	[tilespmem:s11+$0x4450] =	vst.add.f32.msk $0xffff, v6  }
0x31c: {  	[tilespmem:s11+$0x2460] =	vst.add.f32.msk $0xffff, v7  }
0x31d: {  	[tilespmem:s11+$0x4460] =	vst.add.f32.msk $0xffff, v7  }
0x31e: {  	[tilespmem:s11+$0x2470] =	vst.add.f32.msk $0xffff, v8  }
0x31f: {  	[tilespmem:s11+$0x4470] =	vst.add.f32.msk $0xffff, v8  }
0x320: {  	[tilespmem:s11+$0x2480] =	vst.add.f32.msk $0xffff, v9  }
0x321: {  	[tilespmem:s11+$0x4480] =	vst.add.f32.msk $0xffff, v9  }
0x322: {  	[tilespmem:s11+$0x2490] =	vst.add.f32.msk $0xffff, v10  }
0x323: {  	[tilespmem:s11+$0x4490] =	vst.add.f32.msk $0xffff, v10  }
0x324: {  	[tilespmem:s11+$0x24A0] =	vst.add.f32.msk $0xffff, v11  }
0x325: {  	[tilespmem:s11+$0x44A0] =	vst.add.f32.msk $0xffff, v11  }
0x326: {  	[tilespmem:s11+$0x24B0] =	vst.add.f32.msk $0xffff, v12  }
0x327: {  	[tilespmem:s11+$0x44B0] =	vst.add.f32.msk $0xffff, v12  }
0x328: {  	[tilespmem:s11+$0x24C0] =	vst.add.f32.msk $0xffff, v13  }
0x329: {  	[tilespmem:s11+$0x44C0] =	vst.add.f32.msk $0xffff, v13  }
0x32a: {  	[tilespmem:s11+$0x24D0] =	vst.add.f32.msk $0xffff, v14  }
0x32b: {  	[tilespmem:s11+$0x44D0] =	vst.add.f32.msk $0xffff, v14  }
0x32c: {  	[tilespmem:s11+$0x24E0] =	vst.add.f32.msk $0xffff, v15  }
0x32d: {  	s21 =	simm.s32 $0x400;
	s7 =	simm.s32 $0x0;
	[tilespmem:s11+$0x44E0] =	vst.add.f32.msk $0xffff, v15  }
.LBB2_14:
0x32e: {  	s7 =	sadd.s32 $0x2, s7;
	[tilespmem:s11+$0x24F0] =	vst.add.f32.msk $0xffff, v0;
	s11 =	sshra.s32 s21, $0x2  }
0x32f: {  	v0 =	vld [tilespmem:s11+$0x4F0];
	p0 =	slt.u32 s7, $0x3E  }
0x330: {  	v1 =	vld [tilespmem:s11+$0x400]  }
0x331: {  	v2 =	vld [tilespmem:s11+$0x410]  }
0x332: {  	v3 =	vld [tilespmem:s11+$0x420]  }
0x333: {  	v4 =	vld [tilespmem:s11+$0x430]  }
0x334: {  	[tilespmem:s11+$0x44F0] =	vst.add.f32.msk $0xffff, v0  }
0x335: {  	v5 =	vld [tilespmem:s11+$0x440]  }
0x336: {  	v6 =	vld [tilespmem:s11+$0x450]  }
0x337: {  	v7 =	vld [tilespmem:s11+$0x460]  }
0x338: {  	v8 =	vld [tilespmem:s11+$0x470]  }
0x339: {  	v9 =	vld [tilespmem:s11+$0x480]  }
0x33a: {  	v10 =	vld [tilespmem:s11+$0x490]  }
0x33b: {  	v11 =	vld [tilespmem:s11+$0x4A0]  }
0x33c: {  	v12 =	vld [tilespmem:s11+$0x4B0]  }
0x33d: {  	v13 =	vld [tilespmem:s11+$0x4C0]  }
0x33e: {  	v14 =	vld [tilespmem:s11+$0x4D0]  }
0x33f: {  	v15 =	vld [tilespmem:s11+$0x4E0]  }
0x340: {  	[tilespmem:s11+$0x2400] =	vst.add.f32.msk $0xffff, v1  }
0x341: {  	[tilespmem:s11+$0x4400] =	vst.add.f32.msk $0xffff, v1  }
0x342: {  	[tilespmem:s11+$0x2410] =	vst.add.f32.msk $0xffff, v2  }
0x343: {  	[tilespmem:s11+$0x4410] =	vst.add.f32.msk $0xffff, v2  }
0x344: {  	[tilespmem:s11+$0x2420] =	vst.add.f32.msk $0xffff, v3  }
0x345: {  	[tilespmem:s11+$0x4420] =	vst.add.f32.msk $0xffff, v3  }
0x346: {  	[tilespmem:s11+$0x2430] =	vst.add.f32.msk $0xffff, v4  }
0x347: {  	[tilespmem:s11+$0x4430] =	vst.add.f32.msk $0xffff, v4  }
0x348: {  	[tilespmem:s11+$0x2440] =	vst.add.f32.msk $0xffff, v5  }
0x349: {  	[tilespmem:s11+$0x4440] =	vst.add.f32.msk $0xffff, v5  }
0x34a: {  	[tilespmem:s11+$0x2450] =	vst.add.f32.msk $0xffff, v6  }
0x34b: {  	[tilespmem:s11+$0x4450] =	vst.add.f32.msk $0xffff, v6  }
0x34c: {  	[tilespmem:s11+$0x2460] =	vst.add.f32.msk $0xffff, v7  }
0x34d: {  	[tilespmem:s11+$0x4460] =	vst.add.f32.msk $0xffff, v7  }
0x34e: {  	[tilespmem:s11+$0x2470] =	vst.add.f32.msk $0xffff, v8  }
0x34f: {  	[tilespmem:s11+$0x4470] =	vst.add.f32.msk $0xffff, v8  }
0x350: {  	[tilespmem:s11+$0x2480] =	vst.add.f32.msk $0xffff, v9  }
0x351: {  	[tilespmem:s11+$0x4480] =	vst.add.f32.msk $0xffff, v9  }
0x352: {  	[tilespmem:s11+$0x2490] =	vst.add.f32.msk $0xffff, v10  }
0x353: {  	[tilespmem:s11+$0x4490] =	vst.add.f32.msk $0xffff, v10  }
0x354: {  	[tilespmem:s11+$0x24A0] =	vst.add.f32.msk $0xffff, v11  }
0x355: {  	[tilespmem:s11+$0x44A0] =	vst.add.f32.msk $0xffff, v11  }
0x356: {  	[tilespmem:s11+$0x24B0] =	vst.add.f32.msk $0xffff, v12  }
0x357: {  	[tilespmem:s11+$0x44B0] =	vst.add.f32.msk $0xffff, v12  }
0x358: {  	[tilespmem:s11+$0x24C0] =	vst.add.f32.msk $0xffff, v13  }
.Ltmp6:
0x359: {  	[tilespmem:s11+$0x44C0] =	vst.add.f32.msk $0xffff, v13;
	(pc) =	sbr.rel @p0 .LBB2_14-.Ltmp6, $4  }
0x35a: {  	[tilespmem:s11+$0x24D0] =	vst.add.f32.msk $0xffff, v14  }
0x35b: {  	[tilespmem:s11+$0x44D0] =	vst.add.f32.msk $0xffff, v14  }
0x35c: {  	[tilespmem:s11+$0x24E0] =	vst.add.f32.msk $0xffff, v15  }
0x35d: {  	s21 =	sadd.s32 $0x400, s21;
	[tilespmem:s11+$0x44E0] =	vst.add.f32.msk $0xffff, v15  }
0x35e: {  	s21 =	sld [smem:$0x7FA];
	_ =	sdelay $0x1  }
0x35f: {  	[tilespmem:s11+$0x24F0] =	vst.add.f32.msk $0xffff, v0;
	s7 =	simm.s32 $0x0;
	s24 =	sld [smem:$0x7FB]  }
0x360: {  	[hbm4b:s21+s7] =	stream.linear.scatter [tilespmem:s18], [sflag:$0x7], $0x2000, $0x38;
	[tilespmem:$0x1A400] =	vst v63  }
0x361: {  	s8 =	simm.s32 $0x4400  }
0x362: {  	[hbm4b:s24+s7] =	stream.linear.scatter [tilespmem:s8], [sflag:$0x7], $0x2000, $0x38;
	[tilespmem:$0x1A400] =	vst v63  }
0x363: {  	_ =	swait.ge [sflag:s25], $0x4000  }
0x364: {  	[sflag:s25] =	ssyncset.done $0x0  }
0x365: {  	s11 =	simm.s32 $0x0;
	[sflag:s25] =	ssyncadd.s32 $0xFFFFC000  }
0x366: {  	v0 =	vld [tilespmem:s11+$0x4F0]  }
0x367: {  	v1 =	vld [tilespmem:s11+$0x400]  }
0x368: {  	v2 =	vld [tilespmem:s11+$0x410]  }
0x369: {  	v3 =	vld [tilespmem:s11+$0x420]  }
0x36a: {  	v4 =	vld [tilespmem:s11+$0x430]  }
0x36b: {  	v5 =	vld [tilespmem:s11+$0x440]  }
0x36c: {  	v6 =	vld [tilespmem:s11+$0x450]  }
0x36d: {  	v7 =	vld [tilespmem:s11+$0x460]  }
0x36e: {  	v8 =	vld [tilespmem:s11+$0x470]  }
0x36f: {  	v9 =	vld [tilespmem:s11+$0x480]  }
0x370: {  	v10 =	vld [tilespmem:s11+$0x490]  }
0x371: {  	v11 =	vld [tilespmem:s11+$0x4A0]  }
0x372: {  	v12 =	vld [tilespmem:s11+$0x4B0]  }
0x373: {  	v13 =	vld [tilespmem:s11+$0x4C0]  }
0x374: {  	v14 =	vld [tilespmem:s11+$0x4D0]  }
0x375: {  	v15 =	vld [tilespmem:s11+$0x4E0]  }
0x376: {  	[tilespmem:s11+$0x84F0] =	vst.add.f32.msk $0xffff, v0  }
0x377: {  	[tilespmem:s11+$0x6400] =	vst.add.f32.msk $0xffff, v1  }
0x378: {  	[tilespmem:s11+$0x8400] =	vst.add.f32.msk $0xffff, v1  }
0x379: {  	[tilespmem:s11+$0x6410] =	vst.add.f32.msk $0xffff, v2  }
0x37a: {  	[tilespmem:s11+$0x8410] =	vst.add.f32.msk $0xffff, v2  }
0x37b: {  	[tilespmem:s11+$0x6420] =	vst.add.f32.msk $0xffff, v3  }
0x37c: {  	[tilespmem:s11+$0x8420] =	vst.add.f32.msk $0xffff, v3  }
0x37d: {  	[tilespmem:s11+$0x6430] =	vst.add.f32.msk $0xffff, v4  }
0x37e: {  	[tilespmem:s11+$0x8430] =	vst.add.f32.msk $0xffff, v4  }
0x37f: {  	[tilespmem:s11+$0x6440] =	vst.add.f32.msk $0xffff, v5  }
0x380: {  	[tilespmem:s11+$0x8440] =	vst.add.f32.msk $0xffff, v5  }
0x381: {  	[tilespmem:s11+$0x6450] =	vst.add.f32.msk $0xffff, v6  }
0x382: {  	[tilespmem:s11+$0x8450] =	vst.add.f32.msk $0xffff, v6  }
0x383: {  	[tilespmem:s11+$0x6460] =	vst.add.f32.msk $0xffff, v7  }
0x384: {  	[tilespmem:s11+$0x8460] =	vst.add.f32.msk $0xffff, v7  }
0x385: {  	[tilespmem:s11+$0x6470] =	vst.add.f32.msk $0xffff, v8  }
0x386: {  	[tilespmem:s11+$0x8470] =	vst.add.f32.msk $0xffff, v8  }
0x387: {  	[tilespmem:s11+$0x6480] =	vst.add.f32.msk $0xffff, v9  }
0x388: {  	[tilespmem:s11+$0x8480] =	vst.add.f32.msk $0xffff, v9  }
0x389: {  	[tilespmem:s11+$0x6490] =	vst.add.f32.msk $0xffff, v10  }
0x38a: {  	[tilespmem:s11+$0x8490] =	vst.add.f32.msk $0xffff, v10  }
0x38b: {  	[tilespmem:s11+$0x64A0] =	vst.add.f32.msk $0xffff, v11  }
0x38c: {  	[tilespmem:s11+$0x84A0] =	vst.add.f32.msk $0xffff, v11  }
0x38d: {  	[tilespmem:s11+$0x64B0] =	vst.add.f32.msk $0xffff, v12  }
0x38e: {  	[tilespmem:s11+$0x84B0] =	vst.add.f32.msk $0xffff, v12  }
0x38f: {  	[tilespmem:s11+$0x64C0] =	vst.add.f32.msk $0xffff, v13  }
0x390: {  	[tilespmem:s11+$0x84C0] =	vst.add.f32.msk $0xffff, v13  }
0x391: {  	[tilespmem:s11+$0x64D0] =	vst.add.f32.msk $0xffff, v14  }
0x392: {  	[tilespmem:s11+$0x84D0] =	vst.add.f32.msk $0xffff, v14  }
0x393: {  	[tilespmem:s11+$0x64E0] =	vst.add.f32.msk $0xffff, v15  }
0x394: {  	s21 =	simm.s32 $0x400;
	s7 =	simm.s32 $0x0;
	[tilespmem:s11+$0x84E0] =	vst.add.f32.msk $0xffff, v15  }
.LBB2_16:
0x395: {  	s7 =	sadd.s32 $0x2, s7;
	[tilespmem:s11+$0x64F0] =	vst.add.f32.msk $0xffff, v0;
	s11 =	sshra.s32 s21, $0x2  }
0x396: {  	v0 =	vld [tilespmem:s11+$0x4F0];
	p0 =	slt.u32 s7, $0x3E  }
0x397: {  	v1 =	vld [tilespmem:s11+$0x400]  }
0x398: {  	v2 =	vld [tilespmem:s11+$0x410]  }
0x399: {  	v3 =	vld [tilespmem:s11+$0x420]  }
0x39a: {  	v4 =	vld [tilespmem:s11+$0x430]  }
0x39b: {  	[tilespmem:s11+$0x84F0] =	vst.add.f32.msk $0xffff, v0  }
0x39c: {  	v5 =	vld [tilespmem:s11+$0x440]  }
0x39d: {  	v6 =	vld [tilespmem:s11+$0x450]  }
0x39e: {  	v7 =	vld [tilespmem:s11+$0x460]  }
0x39f: {  	v8 =	vld [tilespmem:s11+$0x470]  }
0x3a0: {  	v9 =	vld [tilespmem:s11+$0x480]  }
0x3a1: {  	v10 =	vld [tilespmem:s11+$0x490]  }
0x3a2: {  	v11 =	vld [tilespmem:s11+$0x4A0]  }
0x3a3: {  	v12 =	vld [tilespmem:s11+$0x4B0]  }
0x3a4: {  	v13 =	vld [tilespmem:s11+$0x4C0]  }
0x3a5: {  	v14 =	vld [tilespmem:s11+$0x4D0]  }
0x3a6: {  	v15 =	vld [tilespmem:s11+$0x4E0]  }
0x3a7: {  	[tilespmem:s11+$0x6400] =	vst.add.f32.msk $0xffff, v1  }
0x3a8: {  	[tilespmem:s11+$0x8400] =	vst.add.f32.msk $0xffff, v1  }
0x3a9: {  	[tilespmem:s11+$0x6410] =	vst.add.f32.msk $0xffff, v2  }
0x3aa: {  	[tilespmem:s11+$0x8410] =	vst.add.f32.msk $0xffff, v2  }
0x3ab: {  	[tilespmem:s11+$0x6420] =	vst.add.f32.msk $0xffff, v3  }
0x3ac: {  	[tilespmem:s11+$0x8420] =	vst.add.f32.msk $0xffff, v3  }
0x3ad: {  	[tilespmem:s11+$0x6430] =	vst.add.f32.msk $0xffff, v4  }
0x3ae: {  	[tilespmem:s11+$0x8430] =	vst.add.f32.msk $0xffff, v4  }
0x3af: {  	[tilespmem:s11+$0x6440] =	vst.add.f32.msk $0xffff, v5  }
0x3b0: {  	[tilespmem:s11+$0x8440] =	vst.add.f32.msk $0xffff, v5  }
0x3b1: {  	[tilespmem:s11+$0x6450] =	vst.add.f32.msk $0xffff, v6  }
0x3b2: {  	[tilespmem:s11+$0x8450] =	vst.add.f32.msk $0xffff, v6  }
0x3b3: {  	[tilespmem:s11+$0x6460] =	vst.add.f32.msk $0xffff, v7  }
0x3b4: {  	[tilespmem:s11+$0x8460] =	vst.add.f32.msk $0xffff, v7  }
0x3b5: {  	[tilespmem:s11+$0x6470] =	vst.add.f32.msk $0xffff, v8  }
0x3b6: {  	[tilespmem:s11+$0x8470] =	vst.add.f32.msk $0xffff, v8  }
0x3b7: {  	[tilespmem:s11+$0x6480] =	vst.add.f32.msk $0xffff, v9  }
0x3b8: {  	[tilespmem:s11+$0x8480] =	vst.add.f32.msk $0xffff, v9  }
0x3b9: {  	[tilespmem:s11+$0x6490] =	vst.add.f32.msk $0xffff, v10  }
0x3ba: {  	[tilespmem:s11+$0x8490] =	vst.add.f32.msk $0xffff, v10  }
0x3bb: {  	[tilespmem:s11+$0x64A0] =	vst.add.f32.msk $0xffff, v11  }
0x3bc: {  	[tilespmem:s11+$0x84A0] =	vst.add.f32.msk $0xffff, v11  }
0x3bd: {  	[tilespmem:s11+$0x64B0] =	vst.add.f32.msk $0xffff, v12  }
0x3be: {  	[tilespmem:s11+$0x84B0] =	vst.add.f32.msk $0xffff, v12  }
0x3bf: {  	[tilespmem:s11+$0x64C0] =	vst.add.f32.msk $0xffff, v13  }
.Ltmp7:
0x3c0: {  	[tilespmem:s11+$0x84C0] =	vst.add.f32.msk $0xffff, v13;
	(pc) =	sbr.rel @p0 .LBB2_16-.Ltmp7, $4  }
0x3c1: {  	[tilespmem:s11+$0x64D0] =	vst.add.f32.msk $0xffff, v14  }
0x3c2: {  	[tilespmem:s11+$0x84D0] =	vst.add.f32.msk $0xffff, v14  }
0x3c3: {  	[tilespmem:s11+$0x64E0] =	vst.add.f32.msk $0xffff, v15  }
0x3c4: {  	s21 =	sadd.s32 $0x400, s21;
	[tilespmem:s11+$0x84E0] =	vst.add.f32.msk $0xffff, v15  }
0x3c5: {  	s7 =	sld [smem:$0x7FC];
	_ =	sdelay $0x1  }
0x3c6: {  	[tilespmem:s11+$0x64F0] =	vst.add.f32.msk $0xffff, v0;
	s21 =	sld [smem:$0x7FD]  }
0x3c7: {  	[hbm4b:s7+s3] =	stream.linear.scatter [tilespmem:s19], [sflag:$0x8], $0x2000, $0x38;
	[tilespmem:$0x1A400] =	vst v63  }
0x3c8: {  	_ = 	snop  }
0x3c9: {  	[hbm4b:s21+s3] =	stream.linear.scatter [tilespmem:s14], [sflag:$0x8], $0x2000, $0x38;
	[tilespmem:$0x1A400] =	vst v63  }
0x3ca: {  	_ =	swait.ge [sflag:s31], $0x2000  }
0x3cb: {  	[sflag:s31] =	ssyncset.done $0x0  }
0x3cc: {  	[sflag:s31] =	ssyncadd.s32 $0xFFFFE000  }
0x3cd: {  	_ =	swait.ge [sflag:s31], $0x2000  }
0x3ce: {  	[sflag:s31] =	ssyncset.done $0x0  }
0x3cf: {  	[sflag:s31] =	ssyncadd.s32 $0xFFFFE000  }
0x3d0: {  	_ =	swait.ge [sflag:s0], $0x2000  }
0x3d1: {  	[sflag:s0] =	ssyncset.done $0x0  }
0x3d2: {  	[sflag:s0] =	ssyncadd.s32 $0xFFFFE000  }
0x3d3: {  	_ =	swait.ge [sflag:s0], $0x2000  }
0x3d4: {  	[sflag:s0] =	ssyncset.done $0x0  }
0x3d5: {  	[sflag:s0] =	ssyncadd.s32 $0xFFFFE000  }
0x3d6: {  	_ =	swait.ge [sflag:s2], $0x2000  }
0x3d7: {  	[sflag:s2] =	ssyncset.done $0x0  }
0x3d8: {  	[sflag:s2] =	ssyncadd.s32 $0xFFFFE000  }
0x3d9: {  	_ =	swait.ge [sflag:s2], $0x2000  }
0x3da: {  	[sflag:s2] =	ssyncset.done $0x0  }
0x3db: {  	[sflag:s2] =	ssyncadd.s32 $0xFFFFE000  }
0x3dc: {  	_ =	swait.ge [sflag:s5], $0x2000  }
0x3dd: {  	[sflag:s5] =	ssyncset.done $0x0  }
0x3de: {  	[sflag:s5] =	ssyncadd.s32 $0xFFFFE000  }
0x3df: {  	_ =	swait.ge [sflag:s5], $0x2000  }
0x3e0: {  	[sflag:s5] =	ssyncset.done $0x0  }
0x3e1: {  	[sflag:s5] =	ssyncadd.s32 $0xFFFFE000  }
0x3e2: {  	_ =	swait.ge [sflag:s26], $0x2000  }
0x3e3: {  	[sflag:s26] =	ssyncset.done $0x0  }
0x3e4: {  	[sflag:s26] =	ssyncadd.s32 $0xFFFFE000  }
0x3e5: {  	_ =	swait.ge [sflag:s26], $0x2000  }
0x3e6: {  	[sflag:s26] =	ssyncset.done $0x0  }
0x3e7: {  	[sflag:s26] =	ssyncadd.s32 $0xFFFFE000  }
0x3e8: {  	_ =	swait.ge [sflag:s15], $0x2000  }
0x3e9: {  	[sflag:s15] =	ssyncset.done $0x0  }
0x3ea: {  	[sflag:s15] =	ssyncadd.s32 $0xFFFFE000  }
0x3eb: {  	_ =	swait.ge [sflag:s15], $0x2000  }
0x3ec: {  	s6 =	sadd.s32 $0x1, s6;
	s24 =	rddreg [dreg:$0x18]  }
0x3ed: {  	p0 =	sne.s32 s6, s24  }
.Ltmp8:
0x3ee: {  	_ = 	snop;
	(pc) =	sbr.rel @p0 .LBB2_1-.Ltmp8, $3  }
0x3ef: {  	_ =	sdelay $0x1  }
0x3f0: {  	[sflag:s15] =	ssyncset.done $0x0  }
0x3f1: {  	[sflag:s15] =	ssyncadd.s32 $0xFFFFE000  }
0x3f2: {  	_ =	sfence.sel $0x180000  }
0x3f3: {  	[bflag:$0x0] =	sbarrier.arrive $0xFFFF  }
0x3f4: {  	_ =	strace $0x90000047  }
0x3f5: {  	s0 =	stileid.u32;
	[bflag:$0x2] =	sbarrier.arrive $0xFFFF  }
0x3f6: {  	p0 =	sne.s32 s0, $0x0;
	s0 =	rddreg [dreg:$0x4]  }
0x3f7: {  	s0 =	sadd.s32 @!p0 $0x100000, s0  }
0x3f8: {  	[sflag:s0] =	ssyncadd.tile.s32 @!p0 $0x1;
	_ =	shalt  }
.Lfunc_end2:
_tile_overlayer_lowered:
.L_overlay_start_2:
0x3f9: {  	(tag) =	ssettag $0x2  }
0x3fa: {  	s0 =	rddreg [dreg:$0x0];
	s2 =	stileid.u32  }
0x3fb: {  	s1 =	rddreg [dreg:$0x1];
	p0 =	sne.s32 s2, $0x0  }
0x3fc: {  	s3 =	rddreg [dreg:$0x2];
	[bflag:$0x3] =	sbarrier.arrive $0xFFFF;
	s2 =	simm.s32 @!p0 $0x1C0F  }
0x3fd: {  	[timem:s3], [sflag:s2] =	dma.local @!p0 [hbm:s0], s1  }
0x3fe: {  	s0 =	simm.s32 @!p0 $0xF  }
0x3ff: {  	_ =	swait.ge @!p0 [sflag:s0], s1  }
0x400: {  	s1 =	ssub.s32 @!p0 $0x0, s1;
	[sflag:s0] =	ssyncset.done @!p0 $0x0  }
0x401: {  	[sflag:s0] =	ssyncadd.s32 @!p0 s1  }
0x402: {  	[bflag:$0x3] =	sbarrier.arrive $0xFFFF  }
0x403: {  	_ =	shalt  }

</sc_bundles>
